<compile_context>
chip_gen: v7x
topology: tpu7x:2x2x1
jax: 0.10.2.dev20260603
libtpu: 0.0.44.dev20260713+nightly
codegen_flags: <defaults>
</compile_context>

<pallas_src>
import functools

import jax
import jax.numpy as jnp
from jax import lax
from jax.experimental import pallas as pl
from jax.experimental.pallas import tpu as pltpu
from jax.experimental.pallas import tpu_sc as plsc

N = 50000
E = 800000
NPAD = 51200
K = 6400
NCHUNK = NPAD // K
NSC = 2
NTILE = 16
EPT = E // NTILE
S = 2000
NSEG = EPT // S
SENT = S
RPT = K // NTILE
BR = 512
LANES = 16


def _dense(fin, totw):

    def body(x_ref, w_ref, wa_ref, h_ref, aux_ref):
        xb = x_ref[...]
        h_ref[...] = jnp.dot(xb, w_ref[...], preferred_element_type=jnp.float32)
        aux_ref[...] = jnp.dot(xb, wa_ref[...], preferred_element_type=jnp.float32)

    grid = NPAD // BR
    return pl.pallas_call(
        body,
        grid=(grid,),
        in_specs=[
            pl.BlockSpec((BR, fin), lambda i: (i, 0)),
            pl.BlockSpec((fin, totw), lambda i: (0, 0)),
            pl.BlockSpec((fin, 16), lambda i: (0, 0)),
        ],
        out_specs=[
            pl.BlockSpec((BR, totw), lambda i: (i, 0)),
            pl.BlockSpec((BR, 16), lambda i: (i, 0)),
        ],
        out_shape=[
            jax.ShapeDtypeStruct((NPAD, totw), jnp.float32),
            jax.ShapeDtypeStruct((NPAD, 16), jnp.float32),
        ],
    )


@functools.cache
def _sc_layer(h_heads, c_dim):
    hc = h_heads * c_dim
    totw = hc + 16
    nv = c_dim // LANES

    mesh = plsc.VectorSubcoreMesh(core_axis_name="c", subcore_axis_name="s")

    @functools.partial(
        pl.kernel,
        out_type=jax.ShapeDtypeStruct((NPAD, totw), jnp.float32),
        mesh=mesh,
        compiler_params=pltpu.CompilerParams(needs_layout_passes=False,
                                             use_tc_tiling_on_sc=False),
        scratch_types=[
            pltpu.VMEM((S + 16,), jnp.int32),
            pltpu.VMEM((S + 16,), jnp.int32),
            pltpu.VMEM((S + 64,), jnp.int32),
            pltpu.VMEM((16, totw), jnp.float32),
            pltpu.VMEM((16, 16), jnp.float32),
            pltpu.VMEM((16, totw), jnp.float32),
            pltpu.VMEM((hc,), jnp.float32),
            pltpu.VMEM_SHARED((K, totw), jnp.float32),
            pltpu.VMEM_SHARED((K, 16), jnp.float32),
            pltpu.SemaphoreType.DMA,
            pltpu.SemaphoreType.DMA,
            pltpu.SemaphoreType.DMA,
        ],
    )
    def sc_kernel(hfull_hbm, aux_hbm, src_hbm, dst_hbm, bias_hbm, out_hbm,
                  srcbuf, dstbuf, eidbuf, hb0, ab0,
                  fbuf, bbuf, acc_sh, auxsp, sh0, sa0, ss):
        c = lax.axis_index("c")
        s = lax.axis_index("s")
        tile_e0 = s * EPT
        iota16 = lax.iota(jnp.int32, LANES)
        zv = jnp.zeros((LANES,), jnp.float32)
        sentv = jnp.full((LANES,), SENT, jnp.int32)
        rowv = [(iota16 // h_heads) + (LANES // h_heads) * k for k in range(h_heads)]
        colv = iota16 % h_heads

        pltpu.sync_copy(bias_hbm, bbuf)
        def zid(i, _):
            eidbuf[pl.ds(i * 16, 16)] = sentv
            return 0
        lax.fori_loop(0, (S + 64) // 16, zid, 0)

        def chunk_body(ci, _):
            base = (NSC * ci + c) * K

            def zrow(i, _):
                for v in range(totw // LANES):
                    fbuf[i, pl.ds(v * LANES, LANES)] = zv
                return 0
            lax.fori_loop(0, 16, zrow, 0)

            def zcp(z, _):
                pltpu.sync_copy(fbuf, acc_sh.at[pl.ds(s * RPT + z * 16, 16)])
                return 0
            lax.fori_loop(0, RPT // 16, zcp, 0)
            pltpu.sync_copy(aux_hbm.at[pl.ds(base + s * RPT, RPT)],
                            auxsp.at[pl.ds(s * RPT, RPT)])
            plsc.subcore_barrier()

            def seg_body(seg, _):
                e0 = tile_e0 + seg * S
                pltpu.sync_copy(src_hbm.at[pl.ds(e0, S)], srcbuf.at[pl.ds(0, S)])
                pltpu.sync_copy(dst_hbm.at[pl.ds(e0, S)], dstbuf.at[pl.ds(0, S)])
                srcbuf[pl.ds(SENT, 16)] = jnp.zeros((16,), jnp.int32)
                dstbuf[pl.ds(SENT, 16)] = jnp.broadcast_to(base, (16,))

                def cbody(t, off):
                    dvec = dstbuf[pl.ds(t * 16, 16)]
                    m = (dvec >= base) & (dvec < base + K)
                    keys = jnp.where(m, 0, 1).astype(jnp.int32)
                    _, vs = plsc.sort_key_val(keys, t * 16 + iota16)
                    eidbuf[pl.ds(off, 16)] = vs
                    return off + jnp.sum(m.astype(jnp.int32))

                n_act = lax.fori_loop(0, S // 16, cbody, jnp.int32(0))
                nblk = (n_act + 15) // 16

                @pl.when(n_act > 0)
                def _fixup():
                    last = (nblk - 1) * 16
                    v = eidbuf[pl.ds(last, 16)]
                    keep = iota16 < (n_act - last)
                    eidbuf[pl.ds(last, 16)] = jnp.where(keep, v, SENT)

                def sbody(j, _):
                    ids = eidbuf[pl.ds(j * 16, 16)]
                    src16 = plsc.load_gather(srcbuf, [ids])
                    dst16 = plsc.load_gather(dstbuf, [ids])
                    rel16 = dst16 - base

                    @pl.when(j > 0)
                    def _wait_prev_scatter():
                        pltpu.make_async_copy(
                            hb0, acc_sh.at[pl.ds(0, 16)], ss).wait()

                    cph = pltpu.async_copy(hfull_hbm.at[src16], hb0, sh0)
                    cpb = pltpu.async_copy(auxsp.at[rel16], ab0, sa0)
                    cpb.wait()
                    cph.wait()
                    for k in range(h_heads):
                        a_s = plsc.load_gather(hb0, [rowv[k], hc + colv])
                        a_d = plsc.load_gather(ab0, [rowv[k], 8 + colv])
                        e = a_s + a_d
                        e = jnp.where(e > 0, e, 0.2 * e)
                        ev = jnp.exp(e)
                        eidl = plsc.load_gather(eidbuf, [j * 16 + rowv[k]])
                        ev = jnp.where(eidl != SENT, ev, 0.0)
                        plsc.store_scatter(hb0, [rowv[k], hc + colv], ev)

                    def srow(i, _):
                        mv = hb0[i, pl.ds(hc, LANES)]
                        for hh in range(h_heads):
                            m = mv[hh]
                            for v in range(nv):
                                sl = pl.ds(hh * c_dim + v * LANES, LANES)
                                hb0[i, sl] = hb0[i, sl] * m
                        return 0
                    lax.fori_loop(0, 16, srow, 0)
                    pltpu.async_copy(hb0, acc_sh.at[rel16], ss, add=True)
                    return 0

                lax.fori_loop(0, nblk, sbody, 0)

                @pl.when(nblk > 0)
                def _drain_scatter():
                    pltpu.make_async_copy(hb0, acc_sh.at[pl.ds(0, 16)], ss).wait()
                return 0

            lax.fori_loop(0, NSEG, seg_body, 0)
            plsc.subcore_barrier()

            def fbody(t, _):
                r0 = s * RPT + t * 16
                pltpu.sync_copy(acc_sh.at[pl.ds(r0, 16)], fbuf)

                def frow(i, _):
                    dv = fbuf[i, pl.ds(hc, LANES)]
                    for hh in range(h_heads):
                        d = dv[hh] + 1e-16
                        for v in range(nv):
                            sl = pl.ds(hh * c_dim + v * LANES, LANES)
                            x = fbuf[i, sl] / d + bbuf[sl]
                            x = jnp.where(x > 0, x, jnp.exp(x) - 1.0)
                            fbuf[i, sl] = x
                    return 0

                lax.fori_loop(0, 16, frow, 0)
                pltpu.sync_copy(fbuf, out_hbm.at[pl.ds(base + r0, 16)])
                return 0

            lax.fori_loop(0, RPT // 16, fbody, 0)
            plsc.subcore_barrier()
            return 0

        lax.fori_loop(0, NCHUNK // NSC, chunk_body, 0)

    return sc_kernel


def kernel(x, edge_index, W1, a_src1, a_dst1, b1, W2, a_src2, a_dst2, b2,
           W3, a_src3, a_dst3, b3):
    src = edge_index[0].astype(jnp.int32)
    dst = edge_index[1].astype(jnp.int32)

    def fold(W, a_src, a_dst, heads, cd, fin_pad):
        fin = W.shape[0]
        hc = heads * cd
        was = jnp.sum(W.reshape(fin, heads, cd) * a_src[None], axis=-1)
        wad = jnp.sum(W.reshape(fin, heads, cd) * a_dst[None], axis=-1)
        pad_h = jnp.zeros((fin, 4 - heads), jnp.float32) if heads < 4 else None
        def p4(m):
            return m if pad_h is None else jnp.concatenate([m, pad_h], axis=1)
        zero4 = jnp.zeros((fin, 4), jnp.float32)
        waux = jnp.concatenate([p4(was), zero4, p4(wad), zero4], axis=1)
        waug = jnp.concatenate([W, waux], axis=1)
        if fin < fin_pad:
            waug = jnp.concatenate(
                [waug, jnp.zeros((fin_pad - fin, hc + 16), jnp.float32)], axis=0)
            waux = jnp.concatenate(
                [waux, jnp.zeros((fin_pad - fin, 16), jnp.float32)], axis=0)
        return waug, waux

    xp = jnp.concatenate([x, jnp.zeros((NPAD - N, 64), jnp.float32)], axis=0)

    waug1, waux1 = fold(W1, a_src1, a_dst1, 4, 64, 64)
    h1, aux1 = _dense(64, 272)(xp, waug1, waux1)
    o1 = _sc_layer(4, 64)(h1, aux1, src, dst, b1)
    waug2, waux2 = fold(W2, a_src2, a_dst2, 4, 64, 272)
    h2, aux2 = _dense(272, 272)(o1, waug2, waux2)
    o2 = _sc_layer(4, 64)(h2, aux2, src, dst, b2)
    waug3, waux3 = fold(W3, a_src3, a_dst3, 1, 64, 272)
    h3, aux3 = _dense(272, 80)(o2, waug3, waux3)
    o3 = _sc_layer(1, 64)(h3, aux3, src, dst, b3)
    return o3[:N, :64]

# --- scband reference (transcript-rebuilt; emitter-appended) ---
"""Pipeline reference for scband-gat-1022202217424 (READ-ONLY COPY).

The authoritative reference and input builder live on the scoring server;
editing this copy changes nothing except your own understanding.
"""

import jax, jax.numpy as jnp
import numpy as np

N = 50000
E = 800000


def gat_conv(x, edge_index, W, a_src, a_dst, b, heads, out_ch):
    n = x.shape[0]
    src = edge_index[0]
    dst = edge_index[1]
    h = (x @ W).reshape(n, heads, out_ch)
    alpha_src = jnp.sum(h * a_src, axis=-1)  # [N, H]
    alpha_dst = jnp.sum(h * a_dst, axis=-1)  # [N, H]
    e = alpha_src[src] + alpha_dst[dst]      # [E, H]
    e = jax.nn.leaky_relu(e, 0.2)
    m = jax.ops.segment_max(e, dst, num_segments=n)
    m = jnp.where(jnp.isfinite(m), m, 0.0)
    ex = jnp.exp(e - m[dst])
    denom = jax.ops.segment_sum(ex, dst, num_segments=n)
    alpha = ex / (denom[dst] + 1e-16)        # edge-softmax over incoming edges
    msg = h[src] * alpha[..., None]          # [E, H, C]
    out = jax.ops.segment_sum(msg, dst, num_segments=n)
    return out.reshape(n, heads * out_ch) + b


def setup_inputs(seed: int = 0) -> dict:
    key = jax.random.key(seed)
    ks = jax.random.split(key, 16)
    H, C = 4, 64
    x = jax.random.normal(ks[0], (N, 64), dtype=jnp.float32)
    edge_index = jax.random.randint(ks[1], (2, E), 0, N)
    s = 0.1
    W1 = jax.random.normal(ks[2], (64, H * C), dtype=jnp.float32) * s
    a_src1 = jax.random.normal(ks[3], (H, C), dtype=jnp.float32) * s
    a_dst1 = jax.random.normal(ks[4], (H, C), dtype=jnp.float32) * s
    b1 = jnp.zeros((H * C,), dtype=jnp.float32)
    W2 = jax.random.normal(ks[5], (H * C, H * C), dtype=jnp.float32) * s
    a_src2 = jax.random.normal(ks[6], (H, C), dtype=jnp.float32) * s
    a_dst2 = jax.random.normal(ks[7], (H, C), dtype=jnp.float32) * s
    b2 = jnp.zeros((H * C,), dtype=jnp.float32)
    W3 = jax.random.normal(ks[8], (H * C, C), dtype=jnp.float32) * s
    a_src3 = jax.random.normal(ks[9], (1, C), dtype=jnp.float32) * s
    a_dst3 = jax.random.normal(ks[10], (1, C), dtype=jnp.float32) * s
    b3 = jnp.zeros((C,), dtype=jnp.float32)
    return {"x": x, "edge_index": edge_index,
            "W1": W1, "a_src1": a_src1, "a_dst1": a_dst1, "b1": b1,
            "W2": W2, "a_src2": a_src2, "a_dst2": a_dst2, "b2": b2,
            "W3": W3, "a_src3": a_src3, "a_dst3": a_dst3, "b3": b3}


def reference(x, edge_index, W1, a_src1, a_dst1, b1, W2, a_src2, a_dst2, b2, W3, a_src3, a_dst3, b3):
    # GATConv(64 -> 64, heads=4, concat) + ELU
    x = jax.nn.elu(gat_conv(x, edge_index, W1, a_src1, a_dst1, b1, 4, 64))
    # GATConv(256 -> 64, heads=4, concat) + ELU
    x = jax.nn.elu(gat_conv(x, edge_index, W2, a_src2, a_dst2, b2, 4, 64))
    # GATConv(256 -> 64, heads=1) + ELU
    x = jax.nn.elu(gat_conv(x, edge_index, W3, a_src3, a_dst3, b3, 1, 64))
    return x

if __name__ == "__main__":
    import jax
    _d = setup_inputs()
    print(jax.jit(kernel)(*tuple(_d.values())))

</pallas_src>

<mosaic_0001>
#map = affine_map<(d0, d1) -> (0, 0)>
#map1 = affine_map<(d0, d1) -> (0)>
module attributes {stable_mosaic.version = 14 : i64} {
  func.func @sc_kernel(%arg0: i32, %arg1: i32, %arg2: memref<51200x80xf32, #tpu.memory_space<hbm>>, %arg3: memref<51200x16xf32, #tpu.memory_space<hbm>>, %arg4: memref<800000xi32, #tpu.memory_space<hbm>>, %arg5: memref<800000xi32, #tpu.memory_space<hbm>>, %arg6: memref<64xf32, #tpu.memory_space<hbm>>, %arg7: memref<51200x80xf32, #tpu.memory_space<hbm>>, %arg8: memref<2016xi32, #tpu.memory_space<vmem>>, %arg9: memref<2016xi32, #tpu.memory_space<vmem>>, %arg10: memref<2064xi32, #tpu.memory_space<vmem>>, %arg11: memref<16x80xf32, #tpu.memory_space<vmem>>, %arg12: memref<16x16xf32, #tpu.memory_space<vmem>>, %arg13: memref<16x80xf32, #tpu.memory_space<vmem>>, %arg14: memref<64xf32, #tpu.memory_space<vmem>>, %arg15: memref<6400x80xf32, #tpu.memory_space<vmem_shared>>, %arg16: memref<6400x16xf32, #tpu.memory_space<vmem_shared>>, %arg17: memref<!tpu.dma_semaphore, #tpu.memory_space<semaphore_mem>>, %arg18: memref<!tpu.dma_semaphore, #tpu.memory_space<semaphore_mem>>, %arg19: memref<!tpu.dma_semaphore, #tpu.memory_space<semaphore_mem>>) attributes {dimension_semantics = [#tpu.dimension_semantics<core_parallel>, #tpu.dimension_semantics<subcore_parallel>], iteration_bounds = array<i64: 2, 16>, scalar_prefetch = 0 : i64, scratch_operands = 12 : i64, tpu.core_type = #tpu.core_type<sc_vector_subcore>, window_params = [{transform_indices = #map}, {transform_indices = #map}, {transform_indices = #map1}, {transform_indices = #map1}, {transform_indices = #map1}, {transform_indices = #map}]} {
    %mul3A = arith.constant 50000 : i32
    %mul3A_0 = arith.muli %arg1, %mul3A : i32
    %iota3A = tpu.iota {dimensions = array<i32: 0>} : vector<16xi32>
    %broadcast_in_dim3A = arith.constant 0.000000e+00 : f32
    %broadcast_in_dim3A_1 = vector.broadcast %broadcast_in_dim3A : f32 to vector<16xf32>
    %broadcast_in_dim3A_2 = arith.constant 2000 : i32
    %broadcast_in_dim3A_3 = vector.broadcast %broadcast_in_dim3A_2 : i32 to vector<16xi32>
    %jit3A = arith.constant 1 : i32
    %div3A = vector.broadcast %jit3A : i32 to vector<16xi32>
    %div3A_4 = arith.divsi %iota3A, %div3A : vector<16xi32>
    %sign3A = arith.constant 0 : i32
    %sign3A_5 = vector.broadcast %sign3A : i32 to vector<16xi32>
    %sign3A_6 = arith.cmpi sgt, %iota3A, %sign3A_5 : vector<16xi32>
    %sign3A_7 = arith.extui %sign3A_6 : vector<16xi1> to vector<16xi32>
    %sign3A_8 = arith.constant 0 : i32
    %sign3A_9 = vector.broadcast %sign3A_8 : i32 to vector<16xi32>
    %sign3A_10 = arith.cmpi slt, %iota3A, %sign3A_9 : vector<16xi32>
    %sign3A_11 = arith.extui %sign3A_10 : vector<16xi1> to vector<16xi32>
    %sign3A_12 = arith.subi %sign3A_7, %sign3A_11 : vector<16xi32>
    %sign3A_13 = arith.constant 0 : i32
    %sign3A_14 = arith.cmpi sgt, %jit3A, %sign3A_13 : i32
    %sign3A_15 = arith.extui %sign3A_14 : i1 to i32
    %sign3A_16 = arith.constant 0 : i32
    %sign3A_17 = arith.cmpi slt, %jit3A, %sign3A_16 : i32
    %sign3A_18 = arith.extui %sign3A_17 : i1 to i32
    %sign3A_19 = arith.subi %sign3A_15, %sign3A_18 : i32
    %ne3A = vector.broadcast %sign3A_19 : i32 to vector<16xi32>
    %ne3A_20 = arith.cmpi ne, %sign3A_12, %ne3A : vector<16xi32>
    %rem3A = vector.broadcast %jit3A : i32 to vector<16xi32>
    %rem3A_21 = arith.remsi %iota3A, %rem3A : vector<16xi32>
    %ne3A_22 = arith.constant 0 : i32
    %ne3A_23 = vector.broadcast %ne3A_22 : i32 to vector<16xi32>
    %ne3A_24 = arith.cmpi ne, %rem3A_21, %ne3A_23 : vector<16xi32>
    %and3A = arith.andi %ne3A_20, %ne3A_24 : vector<16xi1>
    %sub3A = arith.constant 1 : i32
    %sub3A_25 = vector.broadcast %sub3A : i32 to vector<16xi32>
    %sub3A_26 = arith.subi %div3A_4, %sub3A_25 : vector<16xi32>
    %select_n3A = arith.select %and3A, %sub3A_26, %div3A_4 : vector<16xi1>, vector<16xi32>
    %add3A = arith.constant 0 : i32
    %add3A_27 = vector.broadcast %add3A : i32 to vector<16xi32>
    %add3A_28 = arith.addi %select_n3A, %add3A_27 : vector<16xi32>
    %jit3A_29 = arith.constant 1 : i32
    %eq3A = arith.constant 0 : i32
    %eq3A_30 = arith.cmpi eq, %jit3A_29, %eq3A : i32
    %jit3A_31 = arith.constant 1 : i32
    %select_n3A_32 = arith.select %eq3A_30, %jit3A_31, %jit3A_29 : i32
    %rem3A_33 = vector.broadcast %select_n3A_32 : i32 to vector<16xi32>
    %rem3A_34 = arith.remsi %iota3A, %rem3A_33 : vector<16xi32>
    %ne3A_35 = arith.constant 0 : i32
    %ne3A_36 = vector.broadcast %ne3A_35 : i32 to vector<16xi32>
    %ne3A_37 = arith.cmpi ne, %rem3A_34, %ne3A_36 : vector<16xi32>
    %lt3A = arith.constant 0 : i32
    %lt3A_38 = vector.broadcast %lt3A : i32 to vector<16xi32>
    %lt3A_39 = arith.cmpi slt, %rem3A_34, %lt3A_38 : vector<16xi32>
    %lt3A_40 = arith.constant 0 : i32
    %lt3A_41 = arith.cmpi slt, %select_n3A_32, %lt3A_40 : i32
    %ne3A_42 = vector.broadcast %lt3A_41 : i1 to vector<16xi1>
    %ne3A_43 = vector.broadcast %ne3A_42 : vector<16xi1> to vector<16xi1>
    %ne3A_44 = arith.xori %lt3A_39, %ne3A_43 : vector<16xi1>
    %and3A_45 = arith.andi %ne3A_44, %ne3A_37 : vector<16xi1>
    %add3A_46 = vector.broadcast %select_n3A_32 : i32 to vector<16xi32>
    %add3A_47 = arith.addi %rem3A_34, %add3A_46 : vector<16xi32>
    %select_n3A_48 = arith.select %and3A_45, %add3A_47, %rem3A_34 : vector<16xi1>, vector<16xi32>
    "tpu.region"() ({
      %run_scoped3A = tpu.sem_alloc : memref<!tpu.dma_semaphore, #tpu.memory_space<semaphore_mem>>
      tpu.enqueue_dma source(%arg6 : memref<64xf32, #tpu.memory_space<hbm>>) target(%arg14 : memref<64xf32, #tpu.memory_space<vmem>>) target_semaphore(%run_scoped3A : memref<!tpu.dma_semaphore, #tpu.memory_space<semaphore_mem>>)
      tpu.wait_dma2 semaphore(%run_scoped3A : memref<!tpu.dma_semaphore, #tpu.memory_space<semaphore_mem>>) src(%arg6 : memref<64xf32, #tpu.memory_space<hbm>>) dst(%arg14 : memref<64xf32, #tpu.memory_space<vmem>>)
      tpu.yield
    }) : () -> ()
    %scan3A = arith.constant 0 : i32
    %scan3A_49 = arith.constant 0 : i32
    %scan3A_50 = arith.constant 129 : i32
    %scan3A_51 = arith.addi %scan3A_49, %scan3A_50 : i32
    %scan3A_52 = arith.constant 1 : i32
    %scan3A_53 = scf.for %scan3A_62 = %scan3A_49 to %scan3A_51 step %scan3A_52 iter_args(%scan3A_63 = %scan3A) -> (i32)  : i32 {
      %mul3A_64 = arith.constant 16 : i32
      %mul3A_65 = arith.muli %scan3A_62, %mul3A_64 : i32
      %swap3A = arith.index_cast %mul3A_65 : i32 to index
      %swap3A_66 = tpu.vector_load %arg10[%swap3A] {strides = array<i32>} : memref<2064xi32, #tpu.memory_space<vmem>>, vector<16xi32>,
      tpu.vector_store %arg10[%swap3A], %broadcast_in_dim3A_3 {strides = array<i32>} : memref<2064xi32, #tpu.memory_space<vmem>>, vector<16xi32>,
      %scan3A_67 = arith.constant 0 : i32
      scf.yield %scan3A_67 : i32
    }
    %scan3A_54 = arith.constant 129 : i32
    %scan3A_55 = arith.constant 0 : i32
    %scan3A_56 = arith.constant 0 : i32
    %scan3A_57 = arith.constant 4 : i32
    %scan3A_58 = arith.addi %scan3A_56, %scan3A_57 : i32
    %scan3A_59 = arith.constant 1 : i32
    %scan3A_60 = scf.for %scan3A_62 = %scan3A_56 to %scan3A_58 step %scan3A_59 iter_args(%scan3A_63 = %scan3A_55) -> (i32)  : i32 {
      %mul3A_64 = arith.constant 2 : i32
      %mul3A_65 = arith.muli %mul3A_64, %scan3A_62 : i32
      %add3A_66 = arith.addi %mul3A_65, %arg0 : i32
      %mul3A_67 = arith.constant 6400 : i32
      %mul3A_68 = arith.muli %add3A_66, %mul3A_67 : i32
      %scan3A_69 = arith.constant 0 : i32
      %scan3A_70 = arith.constant 0 : i32
      %scan3A_71 = arith.constant 16 : i32
      %scan3A_72 = arith.addi %scan3A_70, %scan3A_71 : i32
      %scan3A_73 = arith.constant 1 : i32
      %scan3A_74 = scf.for %scan3A_105 = %scan3A_70 to %scan3A_72 step %scan3A_73 iter_args(%scan3A_106 = %scan3A_69) -> (i32)  : i32 {
        %swap3A = arith.index_cast %scan3A_105 : i32 to index
        %swap3A_107 = arith.constant 0 : index
        %swap3A_108 = tpu.vector_load %arg13[%swap3A, %swap3A_107] {strides = array<i32>} : memref<16x80xf32, #tpu.memory_space<vmem>>, vector<16xf32>,
        tpu.vector_store %arg13[%swap3A, %swap3A_107], %broadcast_in_dim3A_1 {strides = array<i32>} : memref<16x80xf32, #tpu.memory_space<vmem>>, vector<16xf32>,
        %swap3A_109 = arith.index_cast %scan3A_105 : i32 to index
        %swap3A_110 = arith.constant 16 : index
        %swap3A_111 = tpu.vector_load %arg13[%swap3A_109, %swap3A_110] {strides = array<i32>} : memref<16x80xf32, #tpu.memory_space<vmem>>, vector<16xf32>,
        tpu.vector_store %arg13[%swap3A_109, %swap3A_110], %broadcast_in_dim3A_1 {strides = array<i32>} : memref<16x80xf32, #tpu.memory_space<vmem>>, vector<16xf32>,
        %swap3A_112 = arith.index_cast %scan3A_105 : i32 to index
        %swap3A_113 = arith.constant 32 : index
        %swap3A_114 = tpu.vector_load %arg13[%swap3A_112, %swap3A_113] {strides = array<i32>} : memref<16x80xf32, #tpu.memory_space<vmem>>, vector<16xf32>,
        tpu.vector_store %arg13[%swap3A_112, %swap3A_113], %broadcast_in_dim3A_1 {strides = array<i32>} : memref<16x80xf32, #tpu.memory_space<vmem>>, vector<16xf32>,
        %swap3A_115 = arith.index_cast %scan3A_105 : i32 to index
        %swap3A_116 = arith.constant 48 : index
        %swap3A_117 = tpu.vector_load %arg13[%swap3A_115, %swap3A_116] {strides = array<i32>} : memref<16x80xf32, #tpu.memory_space<vmem>>, vector<16xf32>,
        tpu.vector_store %arg13[%swap3A_115, %swap3A_116], %broadcast_in_dim3A_1 {strides = array<i32>} : memref<16x80xf32, #tpu.memory_space<vmem>>, vector<16xf32>,
        %swap3A_118 = arith.index_cast %scan3A_105 : i32 to index
        %swap3A_119 = arith.constant 64 : index
        %swap3A_120 = tpu.vector_load %arg13[%swap3A_118, %swap3A_119] {strides = array<i32>} : memref<16x80xf32, #tpu.memory_space<vmem>>, vector<16xf32>,
        tpu.vector_store %arg13[%swap3A_118, %swap3A_119], %broadcast_in_dim3A_1 {strides = array<i32>} : memref<16x80xf32, #tpu.memory_space<vmem>>, vector<16xf32>,
        %scan3A_121 = arith.constant 0 : i32
        scf.yield %scan3A_121 : i32
      }
      %scan3A_75 = arith.constant 16 : i32
      %scan3A_76 = arith.constant 0 : i32
      %scan3A_77 = arith.constant 0 : i32
      %scan3A_78 = arith.constant 25 : i32
      %scan3A_79 = arith.addi %scan3A_77, %scan3A_78 : i32
      %scan3A_80 = arith.constant 1 : i32
      %scan3A_81 = scf.for %scan3A_105 = %scan3A_77 to %scan3A_79 step %scan3A_80 iter_args(%scan3A_106 = %scan3A_76) -> (i32)  : i32 {
        %mul3A_107 = arith.constant 400 : i32
        %mul3A_108 = arith.muli %arg1, %mul3A_107 : i32
        %mul3A_109 = arith.constant 16 : i32
        %mul3A_110 = arith.muli %scan3A_105, %mul3A_109 : i32
        %add3A_111 = arith.addi %mul3A_108, %mul3A_110 : i32
        "tpu.region"() ({
          %run_scoped3A = tpu.sem_alloc : memref<!tpu.dma_semaphore, #tpu.memory_space<semaphore_mem>>
          %dma_start3A = arith.constant 0 : i32
          %dma_start3A_113 = tpu.memref_slice %arg15[%add3A_111, %dma_start3A] : memref<6400x80xf32, #tpu.memory_space<vmem_shared>> -> memref<16x80xf32, #tpu.memory_space<vmem_shared>>
          %dma_start3A_114 = arith.constant 0 : i32
          %dma_start3A_115 = tpu.memref_slice %arg15[%add3A_111, %dma_start3A_114] : memref<6400x80xf32, #tpu.memory_space<vmem_shared>> -> memref<16x80xf32, #tpu.memory_space<vmem_shared>>
          tpu.enqueue_dma source(%arg13 : memref<16x80xf32, #tpu.memory_space<vmem>>) target(%dma_start3A_115 : memref<16x80xf32, #tpu.memory_space<vmem_shared>>) target_semaphore(%run_scoped3A : memref<!tpu.dma_semaphore, #tpu.memory_space<semaphore_mem>>)
          %dma_wait3A = arith.constant 0 : i32
          %dma_wait3A_116 = tpu.memref_slice %arg15[%add3A_111, %dma_wait3A] : memref<6400x80xf32, #tpu.memory_space<vmem_shared>> -> memref<16x80xf32, #tpu.memory_space<vmem_shared>>
          %dma_wait3A_117 = arith.constant 0 : i32
          %dma_wait3A_118 = tpu.memref_slice %arg15[%add3A_111, %dma_wait3A_117] : memref<6400x80xf32, #tpu.memory_space<vmem_shared>> -> memref<16x80xf32, #tpu.memory_space<vmem_shared>>
          tpu.wait_dma2 semaphore(%run_scoped3A : memref<!tpu.dma_semaphore, #tpu.memory_space<semaphore_mem>>) src(%arg13 : memref<16x80xf32, #tpu.memory_space<vmem>>) dst(%dma_wait3A_118 : memref<16x80xf32, #tpu.memory_space<vmem_shared>>)
          tpu.yield
        }) : () -> ()
        %scan3A_112 = arith.constant 0 : i32
        scf.yield %scan3A_112 : i32
      }
      %scan3A_82 = arith.constant 25 : i32
      %mul3A_83 = arith.constant 400 : i32
      %mul3A_84 = arith.muli %arg1, %mul3A_83 : i32
      %add3A_85 = arith.addi %mul3A_68, %mul3A_84 : i32
      %mul3A_86 = arith.constant 400 : i32
      %mul3A_87 = arith.muli %arg1, %mul3A_86 : i32
      "tpu.region"() ({
        %run_scoped3A = tpu.sem_alloc : memref<!tpu.dma_semaphore, #tpu.memory_space<semaphore_mem>>
        %dma_start3A = arith.constant 0 : i32
        %dma_start3A_105 = tpu.memref_slice %arg16[%mul3A_87, %dma_start3A] : memref<6400x16xf32, #tpu.memory_space<vmem_shared>> -> memref<400x16xf32, #tpu.memory_space<vmem_shared>>
        %dma_start3A_106 = arith.constant 0 : i32
        %dma_start3A_107 = tpu.memref_slice %arg3[%add3A_85, %dma_start3A_106] : memref<51200x16xf32, #tpu.memory_space<hbm>> -> memref<400x16xf32, #tpu.memory_space<hbm>>
        tpu.enqueue_dma source(%dma_start3A_107 : memref<400x16xf32, #tpu.memory_space<hbm>>) target(%dma_start3A_105 : memref<400x16xf32, #tpu.memory_space<vmem_shared>>) target_semaphore(%run_scoped3A : memref<!tpu.dma_semaphore, #tpu.memory_space<semaphore_mem>>)
        %dma_wait3A = arith.constant 0 : i32
        %dma_wait3A_108 = tpu.memref_slice %arg16[%mul3A_87, %dma_wait3A] : memref<6400x16xf32, #tpu.memory_space<vmem_shared>> -> memref<400x16xf32, #tpu.memory_space<vmem_shared>>
        %dma_wait3A_109 = arith.constant 0 : i32
        %dma_wait3A_110 = tpu.memref_slice %arg3[%add3A_85, %dma_wait3A_109] : memref<51200x16xf32, #tpu.memory_space<hbm>> -> memref<400x16xf32, #tpu.memory_space<hbm>>
        tpu.wait_dma2 semaphore(%run_scoped3A : memref<!tpu.dma_semaphore, #tpu.memory_space<semaphore_mem>>) src(%dma_wait3A_110 : memref<400x16xf32, #tpu.memory_space<hbm>>) dst(%dma_wait3A_108 : memref<400x16xf32, #tpu.memory_space<vmem_shared>>)
        tpu.yield
      }) : () -> ()
      %barrier3A = arith.constant 0 : index
      tpu.barrier barrier_id(%barrier3A)
      %scan3A_88 = arith.constant 0 : i32
      %scan3A_89 = arith.constant 0 : i32
      %scan3A_90 = arith.constant 25 : i32
      %scan3A_91 = arith.addi %scan3A_89, %scan3A_90 : i32
      %scan3A_92 = arith.constant 1 : i32
      %scan3A_93 = scf.for %scan3A_105 = %scan3A_89 to %scan3A_91 step %scan3A_92 iter_args(%scan3A_106 = %scan3A_88) -> (i32)  : i32 {
        %mul3A_107 = arith.constant 2000 : i32
        %mul3A_108 = arith.muli %scan3A_105, %mul3A_107 : i32
        %add3A_109 = arith.addi %mul3A_0, %mul3A_108 : i32
        "tpu.region"() ({
          %run_scoped3A = tpu.sem_alloc : memref<!tpu.dma_semaphore, #tpu.memory_space<semaphore_mem>>
          %dma_start3A = arith.constant 0 : i32
          %dma_start3A_168 = tpu.memref_slice %arg8[%dma_start3A] : memref<2016xi32, #tpu.memory_space<vmem>> -> memref<2000xi32, #tpu.memory_space<vmem>>
          %dma_start3A_169 = tpu.memref_slice %arg4[%add3A_109] : memref<800000xi32, #tpu.memory_space<hbm>> -> memref<2000xi32, #tpu.memory_space<hbm>>
          %dma_start3A_170 = arith.constant 0 : i32
          %dma_start3A_171 = tpu.memref_slice %arg8[%dma_start3A_170] : memref<2016xi32, #tpu.memory_space<vmem>> -> memref<2000xi32, #tpu.memory_space<vmem>>
          %dma_start3A_172 = tpu.memref_slice %arg4[%add3A_109] : memref<800000xi32, #tpu.memory_space<hbm>> -> memref<2000xi32, #tpu.memory_space<hbm>>
          tpu.enqueue_dma source(%dma_start3A_172 : memref<2000xi32, #tpu.memory_space<hbm>>) target(%dma_start3A_171 : memref<2000xi32, #tpu.memory_space<vmem>>) target_semaphore(%run_scoped3A : memref<!tpu.dma_semaphore, #tpu.memory_space<semaphore_mem>>)
          %dma_wait3A = arith.constant 0 : i32
          %dma_wait3A_173 = tpu.memref_slice %arg8[%dma_wait3A] : memref<2016xi32, #tpu.memory_space<vmem>> -> memref<2000xi32, #tpu.memory_space<vmem>>
          %dma_wait3A_174 = tpu.memref_slice %arg4[%add3A_109] : memref<800000xi32, #tpu.memory_space<hbm>> -> memref<2000xi32, #tpu.memory_space<hbm>>
          %dma_wait3A_175 = arith.constant 0 : i32
          %dma_wait3A_176 = tpu.memref_slice %arg8[%dma_wait3A_175] : memref<2016xi32, #tpu.memory_space<vmem>> -> memref<2000xi32, #tpu.memory_space<vmem>>
          %dma_wait3A_177 = tpu.memref_slice %arg4[%add3A_109] : memref<800000xi32, #tpu.memory_space<hbm>> -> memref<2000xi32, #tpu.memory_space<hbm>>
          tpu.wait_dma2 semaphore(%run_scoped3A : memref<!tpu.dma_semaphore, #tpu.memory_space<semaphore_mem>>) src(%dma_wait3A_177 : memref<2000xi32, #tpu.memory_space<hbm>>) dst(%dma_wait3A_176 : memref<2000xi32, #tpu.memory_space<vmem>>)
          tpu.yield
        }) : () -> ()
        "tpu.region"() ({
          %run_scoped3A = tpu.sem_alloc : memref<!tpu.dma_semaphore, #tpu.memory_space<semaphore_mem>>
          %dma_start3A = arith.constant 0 : i32
          %dma_start3A_168 = tpu.memref_slice %arg9[%dma_start3A] : memref<2016xi32, #tpu.memory_space<vmem>> -> memref<2000xi32, #tpu.memory_space<vmem>>
          %dma_start3A_169 = tpu.memref_slice %arg5[%add3A_109] : memref<800000xi32, #tpu.memory_space<hbm>> -> memref<2000xi32, #tpu.memory_space<hbm>>
          %dma_start3A_170 = arith.constant 0 : i32
          %dma_start3A_171 = tpu.memref_slice %arg9[%dma_start3A_170] : memref<2016xi32, #tpu.memory_space<vmem>> -> memref<2000xi32, #tpu.memory_space<vmem>>
          %dma_start3A_172 = tpu.memref_slice %arg5[%add3A_109] : memref<800000xi32, #tpu.memory_space<hbm>> -> memref<2000xi32, #tpu.memory_space<hbm>>
          tpu.enqueue_dma source(%dma_start3A_172 : memref<2000xi32, #tpu.memory_space<hbm>>) target(%dma_start3A_171 : memref<2000xi32, #tpu.memory_space<vmem>>) target_semaphore(%run_scoped3A : memref<!tpu.dma_semaphore, #tpu.memory_space<semaphore_mem>>)
          %dma_wait3A = arith.constant 0 : i32
          %dma_wait3A_173 = tpu.memref_slice %arg9[%dma_wait3A] : memref<2016xi32, #tpu.memory_space<vmem>> -> memref<2000xi32, #tpu.memory_space<vmem>>
          %dma_wait3A_174 = tpu.memref_slice %arg5[%add3A_109] : memref<800000xi32, #tpu.memory_space<hbm>> -> memref<2000xi32, #tpu.memory_space<hbm>>
          %dma_wait3A_175 = arith.constant 0 : i32
          %dma_wait3A_176 = tpu.memref_slice %arg9[%dma_wait3A_175] : memref<2016xi32, #tpu.memory_space<vmem>> -> memref<2000xi32, #tpu.memory_space<vmem>>
          %dma_wait3A_177 = tpu.memref_slice %arg5[%add3A_109] : memref<800000xi32, #tpu.memory_space<hbm>> -> memref<2000xi32, #tpu.memory_space<hbm>>
          tpu.wait_dma2 semaphore(%run_scoped3A : memref<!tpu.dma_semaphore, #tpu.memory_space<semaphore_mem>>) src(%dma_wait3A_177 : memref<2000xi32, #tpu.memory_space<hbm>>) dst(%dma_wait3A_176 : memref<2000xi32, #tpu.memory_space<vmem>>)
          tpu.yield
        }) : () -> ()
        %broadcast_in_dim3A_110 = arith.constant 0 : i32
        %broadcast_in_dim3A_111 = vector.broadcast %broadcast_in_dim3A_110 : i32 to vector<16xi32>
        %swap3A = arith.constant 2000 : index
        %swap3A_112 = tpu.vector_load %arg8[%swap3A] {strides = array<i32>} : memref<2016xi32, #tpu.memory_space<vmem>>, vector<16xi32>,
        tpu.vector_store %arg8[%swap3A], %broadcast_in_dim3A_111 {strides = array<i32>} : memref<2016xi32, #tpu.memory_space<vmem>>, vector<16xi32>,
        %broadcast_in_dim3A_113 = vector.broadcast %mul3A_68 : i32 to vector<16xi32>
        %swap3A_114 = arith.constant 2000 : index
        %swap3A_115 = tpu.vector_load %arg9[%swap3A_114] {strides = array<i32>} : memref<2016xi32, #tpu.memory_space<vmem>>, vector<16xi32>,
        tpu.vector_store %arg9[%swap3A_114], %broadcast_in_dim3A_113 {strides = array<i32>} : memref<2016xi32, #tpu.memory_space<vmem>>, vector<16xi32>,
        %scan3A_116 = arith.constant 0 : i32
        %scan3A_117 = arith.constant 0 : i32
        %scan3A_118 = arith.constant 125 : i32
        %scan3A_119 = arith.addi %scan3A_117, %scan3A_118 : i32
        %scan3A_120 = arith.constant 1 : i32
        %scan3A_121 = scf.for %scan3A_168 = %scan3A_117 to %scan3A_119 step %scan3A_120 iter_args(%scan3A_169 = %scan3A_116) -> (i32)  : i32 {
          %mul3A_170 = arith.constant 16 : i32
          %mul3A_171 = arith.muli %scan3A_168, %mul3A_170 : i32
          %get3A = arith.index_cast %mul3A_171 : i32 to index
          %get3A_172 = tpu.vector_load %arg9[%get3A] {strides = array<i32>} : memref<2016xi32, #tpu.memory_space<vmem>>, vector<16xi32>,
          %ge3A = vector.broadcast %mul3A_68 : i32 to vector<16xi32>
          %ge3A_173 = arith.cmpi sge, %get3A_172, %ge3A : vector<16xi32>
          %add3A_174 = arith.constant 6400 : i32
          %add3A_175 = arith.addi %mul3A_68, %add3A_174 : i32
          %lt3A_176 = vector.broadcast %add3A_175 : i32 to vector<16xi32>
          %lt3A_177 = arith.cmpi slt, %get3A_172, %lt3A_176 : vector<16xi32>
          %and3A_178 = arith.andi %ge3A_173, %lt3A_177 : vector<16xi1>
          %jit3A_179 = arith.constant 0 : i32
          %jit3A_180 = arith.constant 1 : i32
          %broadcast_in_dim3A_181 = vector.broadcast %jit3A_179 : i32 to vector<16xi32>
          %broadcast_in_dim3A_182 = vector.broadcast %jit3A_180 : i32 to vector<16xi32>
          %select_n3A_183 = arith.select %and3A_178, %broadcast_in_dim3A_181, %broadcast_in_dim3A_182 : vector<16xi1>, vector<16xi32>
          %mul3A_184 = arith.constant 16 : i32
          %mul3A_185 = arith.muli %scan3A_168, %mul3A_184 : i32
          %add3A_186 = vector.broadcast %mul3A_185 : i32 to vector<16xi32>
          %add3A_187 = arith.addi %add3A_186, %iota3A : vector<16xi32>
          %masked_sort3A = arith.constant dense<true> : vector<16xi1>
          %masked_sort3A_188 = arith.constant -2147483648 : i32
          %masked_sort3A_189 = vector.broadcast %masked_sort3A_188 : i32 to vector<16xi32>
          %masked_sort3A_190 = arith.xori %select_n3A_183, %masked_sort3A_189 : vector<16xi32>
          %masked_sort3A_191, %masked_sort3A_192, %masked_sort3A_193 = tpu.sort %masked_sort3A_190, %add3A_187 masked %masked_sort3A : (vector<16xi32>, vector<16xi32>, vector<16xi1>) -> (vector<16xi1>, vector<16xi32>, vector<16xi32>)
          %masked_sort3A_194 = arith.xori %masked_sort3A_192, %masked_sort3A_189 : vector<16xi32>
          %swap3A_195 = arith.index_cast %scan3A_169 : i32 to index
          %swap3A_196 = tpu.vector_load %arg10[%swap3A_195] {strides = array<i32>} : memref<2064xi32, #tpu.memory_space<vmem>>, vector<16xi32>,
          tpu.vector_store %arg10[%swap3A_195], %masked_sort3A_193 {strides = array<i32>} : memref<2064xi32, #tpu.memory_space<vmem>>, vector<16xi32>,
          %convert_element_type3A_197 = arith.extui %and3A_178 : vector<16xi1> to vector<16xi32>
          %reduce_sum3A = arith.constant true
          %reduce_sum3A_198 = vector.broadcast %reduce_sum3A : i1 to vector<16xi1>
          %reduce_sum3A_199 = tpu.scan <sum>, %convert_element_type3A_197 masked %reduce_sum3A_198 : vector<16xi32>, vector<16xi1> -> vector<16xi32>
          %reduce_sum3A_200 = vector.extract %reduce_sum3A_199[15] : i32 from vector<16xi32>
          %add3A_201 = arith.addi %scan3A_169, %reduce_sum3A_200 : i32
          scf.yield %add3A_201 : i32
        }
        %scan3A_122 = arith.constant 125 : i32
        %add3A_123 = arith.constant 15 : i32
        %add3A_124 = arith.addi %scan3A_121, %add3A_123 : i32
        %jit3A_125 = arith.constant 16 : i32
        %div3A_126 = arith.divsi %add3A_124, %jit3A_125 : i32
        %sign3A_127 = arith.constant 0 : i32
        %sign3A_128 = arith.cmpi sgt, %add3A_124, %sign3A_127 : i32
        %sign3A_129 = arith.extui %sign3A_128 : i1 to i32
        %sign3A_130 = arith.constant 0 : i32
        %sign3A_131 = arith.cmpi slt, %add3A_124, %sign3A_130 : i32
        %sign3A_132 = arith.extui %sign3A_131 : i1 to i32
        %sign3A_133 = arith.subi %sign3A_129, %sign3A_132 : i32
        %sign3A_134 = arith.constant 0 : i32
        %sign3A_135 = arith.cmpi sgt, %jit3A_125, %sign3A_134 : i32
        %sign3A_136 = arith.extui %sign3A_135 : i1 to i32
        %sign3A_137 = arith.constant 0 : i32
        %sign3A_138 = arith.cmpi slt, %jit3A_125, %sign3A_137 : i32
        %sign3A_139 = arith.extui %sign3A_138 : i1 to i32
        %sign3A_140 = arith.subi %sign3A_136, %sign3A_139 : i32
        %ne3A_141 = arith.cmpi ne, %sign3A_133, %sign3A_140 : i32
        %rem3A_142 = arith.remsi %add3A_124, %jit3A_125 : i32
        %ne3A_143 = arith.constant 0 : i32
        %ne3A_144 = arith.cmpi ne, %rem3A_142, %ne3A_143 : i32
        %and3A_145 = arith.andi %ne3A_141, %ne3A_144 : i1
        %sub3A_146 = arith.constant 1 : i32
        %sub3A_147 = arith.subi %div3A_126, %sub3A_146 : i32
        %select_n3A_148 = arith.select %and3A_145, %sub3A_147, %div3A_126 : i32
        %gt3A = arith.constant 0 : i32
        %gt3A_149 = arith.cmpi sgt, %scan3A_121, %gt3A : i32
        %convert_element_type3A = arith.extui %gt3A_149 : i1 to i32
        %cond3A = arith.constant 0 : i32
        %cond3A_150 = arith.cmpi ne, %convert_element_type3A, %cond3A : i32
        scf.if %cond3A_150 {
          %sub3A_168 = arith.constant 1 : i32
          %sub3A_169 = arith.subi %select_n3A_148, %sub3A_168 : i32
          %mul3A_170 = arith.constant 16 : i32
          %mul3A_171 = arith.muli %sub3A_169, %mul3A_170 : i32
          %get3A = arith.index_cast %mul3A_171 : i32 to index
          %get3A_172 = tpu.vector_load %arg10[%get3A] {strides = array<i32>} : memref<2064xi32, #tpu.memory_space<vmem>>, vector<16xi32>,
          %sub3A_173 = arith.subi %scan3A_121, %mul3A_171 : i32
          %lt3A_174 = vector.broadcast %sub3A_173 : i32 to vector<16xi32>
          %lt3A_175 = arith.cmpi slt, %iota3A, %lt3A_174 : vector<16xi32>
          %jit3A_176 = arith.constant 2000 : i32
          %broadcast_in_dim3A_177 = vector.broadcast %jit3A_176 : i32 to vector<16xi32>
          %select_n3A_178 = arith.select %lt3A_175, %get3A_172, %broadcast_in_dim3A_177 : vector<16xi1>, vector<16xi32>
          %swap3A_179 = arith.index_cast %mul3A_171 : i32 to index
          %swap3A_180 = tpu.vector_load %arg10[%swap3A_179] {strides = array<i32>} : memref<2064xi32, #tpu.memory_space<vmem>>, vector<16xi32>,
          tpu.vector_store %arg10[%swap3A_179], %select_n3A_178 {strides = array<i32>} : memref<2064xi32, #tpu.memory_space<vmem>>, vector<16xi32>,
        } else {
        }
        %while3A = arith.constant 0 : i32
        %while3A_151 = arith.constant 0 : i32
        %while3A_152 = arith.subi %select_n3A_148, %while3A : i32
        %while3A_153 = arith.addi %while3A, %while3A_152 : i32
        %while3A_154 = arith.constant 1 : i32
        %while3A_155 = arith.divsi %while3A_152, %while3A_154 : i32
        %while3A_156 = arith.muli %while3A_155, %while3A_154 : i32
        %while3A_157 = arith.addi %while3A, %while3A_156 : i32
        %while3A_158 = arith.constant 1 : i32
        %while3A_159 = scf.for %while3A_168 = %while3A to %while3A_157 step %while3A_158 iter_args(%while3A_169 = %while3A_151) -> (i32)  : i32 {
          %mul3A_170 = arith.constant 16 : i32
          %mul3A_171 = arith.muli %while3A_168, %mul3A_170 : i32
          %get3A = arith.index_cast %mul3A_171 : i32 to index
          %get3A_172 = tpu.vector_load %arg10[%get3A] {strides = array<i32>} : memref<2064xi32, #tpu.memory_space<vmem>>, vector<16xi32>,
          %gather3A = tpu.vector_load_idx %arg8[%get3A_172] : memref<2016xi32, #tpu.memory_space<vmem>>[vector<16xi32>], vector<16xi32>,
          %gather3A_173 = tpu.vector_load_idx %arg9[%get3A_172] : memref<2016xi32, #tpu.memory_space<vmem>>[vector<16xi32>], vector<16xi32>,
          %sub3A_174 = vector.broadcast %mul3A_68 : i32 to vector<16xi32>
          %sub3A_175 = arith.subi %gather3A_173, %sub3A_174 : vector<16xi32>
          %gt3A_176 = arith.constant 0 : i32
          %gt3A_177 = arith.cmpi sgt, %while3A_168, %gt3A_176 : i32
          %convert_element_type3A_178 = arith.extui %gt3A_177 : i1 to i32
          %cond3A_179 = arith.constant 0 : i32
          %cond3A_180 = arith.cmpi ne, %convert_element_type3A_178, %cond3A_179 : i32
          scf.if %cond3A_180 {
            %dma_wait3A_232 = arith.constant 0 : i32
            %dma_wait3A_233 = arith.constant 0 : i32
            %dma_wait3A_234 = tpu.memref_slice %arg15[%dma_wait3A_232, %dma_wait3A_233] : memref<6400x80xf32, #tpu.memory_space<vmem_shared>> -> memref<16x80xf32, #tpu.memory_space<vmem_shared>>
            %dma_wait3A_235 = arith.constant 0 : i32
            %dma_wait3A_236 = arith.constant 0 : i32
            %dma_wait3A_237 = tpu.memref_slice %arg15[%dma_wait3A_235, %dma_wait3A_236] : memref<6400x80xf32, #tpu.memory_space<vmem_shared>> -> memref<16x80xf32, #tpu.memory_space<vmem_shared>>
            tpu.wait_dma2 semaphore(%arg19 : memref<!tpu.dma_semaphore, #tpu.memory_space<semaphore_mem>>) src(%arg11 : memref<16x80xf32, #tpu.memory_space<vmem>>) dst(%dma_wait3A_237 : memref<16x80xf32, #tpu.memory_space<vmem_shared>>)
          } else {
          }
          %dma_start3A = arith.constant 0 : i32
          %dma_start3A_181 = arith.constant 0 : i32
          %dma_start3A_182 = tpu.memref_slice %arg2[%dma_start3A, %dma_start3A_181] : memref<51200x80xf32, #tpu.memory_space<hbm>> -> memref<51200x80xf32, #tpu.memory_space<hbm>>
          tpu.enqueue_indirect_dma source(%dma_start3A_182 : memref<51200x80xf32, #tpu.memory_space<hbm>>) target(%arg11 : memref<16x80xf32, #tpu.memory_space<vmem>>) offsets(%gather3A : vector<16xi32>) semaphore(%arg17 : memref<!tpu.dma_semaphore, #tpu.memory_space<semaphore_mem>>)
          %dma_start3A_183 = arith.constant 0 : i32
          %dma_start3A_184 = arith.constant 0 : i32
          %dma_start3A_185 = tpu.memref_slice %arg16[%dma_start3A_183, %dma_start3A_184] : memref<6400x16xf32, #tpu.memory_space<vmem_shared>> -> memref<6400x16xf32, #tpu.memory_space<vmem_shared>>
          tpu.enqueue_indirect_dma source(%dma_start3A_185 : memref<6400x16xf32, #tpu.memory_space<vmem_shared>>) target(%arg12 : memref<16x16xf32, #tpu.memory_space<vmem>>) offsets(%sub3A_175 : vector<16xi32>) semaphore(%arg18 : memref<!tpu.dma_semaphore, #tpu.memory_space<semaphore_mem>>)
          %dma_wait3A = arith.constant 0 : i32
          %dma_wait3A_186 = arith.constant 0 : i32
          %dma_wait3A_187 = tpu.memref_slice %arg16[%dma_wait3A, %dma_wait3A_186] : memref<6400x16xf32, #tpu.memory_space<vmem_shared>> -> memref<6400x16xf32, #tpu.memory_space<vmem_shared>>
          tpu.wait_indirect_dma semaphore(%arg18 : memref<!tpu.dma_semaphore, #tpu.memory_space<semaphore_mem>>) src(%dma_wait3A_187 : memref<6400x16xf32, #tpu.memory_space<vmem_shared>>) dst(%arg12 : memref<16x16xf32, #tpu.memory_space<vmem>>)
          %dma_wait3A_188 = arith.constant 0 : i32
          %dma_wait3A_189 = arith.constant 0 : i32
          %dma_wait3A_190 = tpu.memref_slice %arg2[%dma_wait3A_188, %dma_wait3A_189] : memref<51200x80xf32, #tpu.memory_space<hbm>> -> memref<51200x80xf32, #tpu.memory_space<hbm>>
          tpu.wait_indirect_dma semaphore(%arg17 : memref<!tpu.dma_semaphore, #tpu.memory_space<semaphore_mem>>) src(%dma_wait3A_190 : memref<51200x80xf32, #tpu.memory_space<hbm>>) dst(%arg11 : memref<16x80xf32, #tpu.memory_space<vmem>>)
          %add3A_191 = arith.constant 64 : i32
          %add3A_192 = vector.broadcast %add3A_191 : i32 to vector<16xi32>
          %add3A_193 = arith.addi %add3A_192, %select_n3A_48 : vector<16xi32>
          %gather3A_194 = tpu.vector_load_idx %arg11[%add3A_28, %add3A_193] : memref<16x80xf32, #tpu.memory_space<vmem>>[vector<16xi32>, vector<16xi32>], vector<16xf32>,
          %add3A_195 = arith.constant 8 : i32
          %add3A_196 = vector.broadcast %add3A_195 : i32 to vector<16xi32>
          %add3A_197 = arith.addi %add3A_196, %select_n3A_48 : vector<16xi32>
          %gather3A_198 = tpu.vector_load_idx %arg12[%add3A_28, %add3A_197] : memref<16x16xf32, #tpu.memory_space<vmem>>[vector<16xi32>, vector<16xi32>], vector<16xf32>,
          %add3A_199 = arith.addf %gather3A_194, %gather3A_198 : vector<16xf32>
          %gt3A_200 = arith.constant 0.000000e+00 : f32
          %gt3A_201 = vector.broadcast %gt3A_200 : f32 to vector<16xf32>
          %gt3A_202 = arith.cmpf ogt, %add3A_199, %gt3A_201 : vector<16xf32>
          %mul3A_203 = arith.constant 2.000000e-01 : f32
          %mul3A_204 = vector.broadcast %mul3A_203 : f32 to vector<16xf32>
          %mul3A_205 = arith.mulf %mul3A_204, %add3A_199 : vector<16xf32>
          %select_n3A_206 = arith.select %gt3A_202, %add3A_199, %mul3A_205 : vector<16xi1>, vector<16xf32>
          %exp3A = math.exp %select_n3A_206 : vector<16xf32>
          %mul3A_207 = arith.constant 16 : i32
          %mul3A_208 = arith.muli %while3A_168, %mul3A_207 : i32
          %add3A_209 = vector.broadcast %mul3A_208 : i32 to vector<16xi32>
          %add3A_210 = arith.addi %add3A_209, %add3A_28 : vector<16xi32>
          %gather3A_211 = tpu.vector_load_idx %arg10[%add3A_210] : memref<2064xi32, #tpu.memory_space<vmem>>[vector<16xi32>], vector<16xi32>,
          %ne3A_212 = arith.constant 2000 : i32
          %ne3A_213 = vector.broadcast %ne3A_212 : i32 to vector<16xi32>
          %ne3A_214 = arith.cmpi ne, %gather3A_211, %ne3A_213 : vector<16xi32>
          %jit3A_215 = arith.constant 0.000000e+00 : f32
          %broadcast_in_dim3A_216 = vector.broadcast %jit3A_215 : f32 to vector<16xf32>
          %select_n3A_217 = arith.select %ne3A_214, %exp3A, %broadcast_in_dim3A_216 : vector<16xi1>, vector<16xf32>
          %add3A_218 = arith.constant 64 : i32
          %add3A_219 = vector.broadcast %add3A_218 : i32 to vector<16xi32>
          %add3A_220 = arith.addi %add3A_219, %select_n3A_48 : vector<16xi32>
          tpu.vector_store_idx %arg11[%add3A_28, %add3A_220], %select_n3A_217 : memref<16x80xf32, #tpu.memory_space<vmem>>[vector<16xi32>, vector<16xi32>], vector<16xf32>,
          %scan3A_221 = arith.constant 0 : i32
          %scan3A_222 = arith.constant 0 : i32
          %scan3A_223 = arith.constant 16 : i32
          %scan3A_224 = arith.addi %scan3A_222, %scan3A_223 : i32
          %scan3A_225 = arith.constant 1 : i32
          %scan3A_226 = scf.for %scan3A_232 = %scan3A_222 to %scan3A_224 step %scan3A_225 iter_args(%scan3A_233 = %scan3A_221) -> (i32)  : i32 {
            %get3A_234 = arith.index_cast %scan3A_232 : i32 to index
            %get3A_235 = arith.constant 64 : index
            %get3A_236 = tpu.vector_load %arg11[%get3A_234, %get3A_235] {strides = array<i32>} : memref<16x80xf32, #tpu.memory_space<vmem>>, vector<16xf32>,
            %slice3A = vector.extract_strided_slice %get3A_236 {offsets = [0], sizes = [1], strides = [1]} : vector<16xf32> to vector<1xf32>
            %squeeze3A = vector.extract %slice3A[0] : f32 from vector<1xf32>
            %get3A_237 = arith.index_cast %scan3A_232 : i32 to index
            %get3A_238 = arith.constant 0 : index
            %get3A_239 = tpu.vector_load %arg11[%get3A_237, %get3A_238] {strides = array<i32>} : memref<16x80xf32, #tpu.memory_space<vmem>>, vector<16xf32>,
            %mul3A_240 = vector.broadcast %squeeze3A : f32 to vector<16xf32>
            %mul3A_241 = arith.mulf %get3A_239, %mul3A_240 : vector<16xf32>
            %swap3A_242 = arith.index_cast %scan3A_232 : i32 to index
            %swap3A_243 = arith.constant 0 : index
            %swap3A_244 = tpu.vector_load %arg11[%swap3A_242, %swap3A_243] {strides = array<i32>} : memref<16x80xf32, #tpu.memory_space<vmem>>, vector<16xf32>,
            tpu.vector_store %arg11[%swap3A_242, %swap3A_243], %mul3A_241 {strides = array<i32>} : memref<16x80xf32, #tpu.memory_space<vmem>>, vector<16xf32>,
            %get3A_245 = arith.index_cast %scan3A_232 : i32 to index
            %get3A_246 = arith.constant 16 : index
            %get3A_247 = tpu.vector_load %arg11[%get3A_245, %get3A_246] {strides = array<i32>} : memref<16x80xf32, #tpu.memory_space<vmem>>, vector<16xf32>,
            %mul3A_248 = vector.broadcast %squeeze3A : f32 to vector<16xf32>
            %mul3A_249 = arith.mulf %get3A_247, %mul3A_248 : vector<16xf32>
            %swap3A_250 = arith.index_cast %scan3A_232 : i32 to index
            %swap3A_251 = arith.constant 16 : index
            %swap3A_252 = tpu.vector_load %arg11[%swap3A_250, %swap3A_251] {strides = array<i32>} : memref<16x80xf32, #tpu.memory_space<vmem>>, vector<16xf32>,
            tpu.vector_store %arg11[%swap3A_250, %swap3A_251], %mul3A_249 {strides = array<i32>} : memref<16x80xf32, #tpu.memory_space<vmem>>, vector<16xf32>,
            %get3A_253 = arith.index_cast %scan3A_232 : i32 to index
            %get3A_254 = arith.constant 32 : index
            %get3A_255 = tpu.vector_load %arg11[%get3A_253, %get3A_254] {strides = array<i32>} : memref<16x80xf32, #tpu.memory_space<vmem>>, vector<16xf32>,
            %mul3A_256 = vector.broadcast %squeeze3A : f32 to vector<16xf32>
            %mul3A_257 = arith.mulf %get3A_255, %mul3A_256 : vector<16xf32>
            %swap3A_258 = arith.index_cast %scan3A_232 : i32 to index
            %swap3A_259 = arith.constant 32 : index
            %swap3A_260 = tpu.vector_load %arg11[%swap3A_258, %swap3A_259] {strides = array<i32>} : memref<16x80xf32, #tpu.memory_space<vmem>>, vector<16xf32>,
            tpu.vector_store %arg11[%swap3A_258, %swap3A_259], %mul3A_257 {strides = array<i32>} : memref<16x80xf32, #tpu.memory_space<vmem>>, vector<16xf32>,
            %get3A_261 = arith.index_cast %scan3A_232 : i32 to index
            %get3A_262 = arith.constant 48 : index
            %get3A_263 = tpu.vector_load %arg11[%get3A_261, %get3A_262] {strides = array<i32>} : memref<16x80xf32, #tpu.memory_space<vmem>>, vector<16xf32>,
            %mul3A_264 = vector.broadcast %squeeze3A : f32 to vector<16xf32>
            %mul3A_265 = arith.mulf %get3A_263, %mul3A_264 : vector<16xf32>
            %swap3A_266 = arith.index_cast %scan3A_232 : i32 to index
            %swap3A_267 = arith.constant 48 : index
            %swap3A_268 = tpu.vector_load %arg11[%swap3A_266, %swap3A_267] {strides = array<i32>} : memref<16x80xf32, #tpu.memory_space<vmem>>, vector<16xf32>,
            tpu.vector_store %arg11[%swap3A_266, %swap3A_267], %mul3A_265 {strides = array<i32>} : memref<16x80xf32, #tpu.memory_space<vmem>>, vector<16xf32>,
            %scan3A_269 = arith.constant 0 : i32
            scf.yield %scan3A_269 : i32
          }
          %scan3A_227 = arith.constant 16 : i32
          %dma_start3A_228 = arith.constant 0 : i32
          %dma_start3A_229 = arith.constant 0 : i32
          %dma_start3A_230 = tpu.memref_slice %arg15[%dma_start3A_228, %dma_start3A_229] : memref<6400x80xf32, #tpu.memory_space<vmem_shared>> -> memref<6400x80xf32, #tpu.memory_space<vmem_shared>>
          tpu.enqueue_indirect_dma source(%arg11 : memref<16x80xf32, #tpu.memory_space<vmem>>) target(%dma_start3A_230 : memref<6400x80xf32, #tpu.memory_space<vmem_shared>>) offsets(%sub3A_175 : vector<16xi32>) semaphore(%arg19 : memref<!tpu.dma_semaphore, #tpu.memory_space<semaphore_mem>>) {add = true}
          %while3A_231 = arith.constant 0 : i32
          scf.yield %while3A_231 : i32
        }
        %while3A_160 = arith.constant 1 : i32
        %while3A_161 = scf.for %while3A_168 = %while3A_157 to %while3A_153 step %while3A_160 iter_args(%while3A_169 = %while3A_159) -> (i32)  : i32 {
          %mul3A_170 = arith.constant 16 : i32
          %mul3A_171 = arith.muli %while3A_168, %mul3A_170 : i32
          %get3A = arith.index_cast %mul3A_171 : i32 to index
          %get3A_172 = tpu.vector_load %arg10[%get3A] {strides = array<i32>} : memref<2064xi32, #tpu.memory_space<vmem>>, vector<16xi32>,
          %gather3A = tpu.vector_load_idx %arg8[%get3A_172] : memref<2016xi32, #tpu.memory_space<vmem>>[vector<16xi32>], vector<16xi32>,
          %gather3A_173 = tpu.vector_load_idx %arg9[%get3A_172] : memref<2016xi32, #tpu.memory_space<vmem>>[vector<16xi32>], vector<16xi32>,
          %sub3A_174 = vector.broadcast %mul3A_68 : i32 to vector<16xi32>
          %sub3A_175 = arith.subi %gather3A_173, %sub3A_174 : vector<16xi32>
          %gt3A_176 = arith.constant 0 : i32
          %gt3A_177 = arith.cmpi sgt, %while3A_168, %gt3A_176 : i32
          %convert_element_type3A_178 = arith.extui %gt3A_177 : i1 to i32
          %cond3A_179 = arith.constant 0 : i32
          %cond3A_180 = arith.cmpi ne, %convert_element_type3A_178, %cond3A_179 : i32
          scf.if %cond3A_180 {
            %dma_wait3A_232 = arith.constant 0 : i32
            %dma_wait3A_233 = arith.constant 0 : i32
            %dma_wait3A_234 = tpu.memref_slice %arg15[%dma_wait3A_232, %dma_wait3A_233] : memref<6400x80xf32, #tpu.memory_space<vmem_shared>> -> memref<16x80xf32, #tpu.memory_space<vmem_shared>>
            %dma_wait3A_235 = arith.constant 0 : i32
            %dma_wait3A_236 = arith.constant 0 : i32
            %dma_wait3A_237 = tpu.memref_slice %arg15[%dma_wait3A_235, %dma_wait3A_236] : memref<6400x80xf32, #tpu.memory_space<vmem_shared>> -> memref<16x80xf32, #tpu.memory_space<vmem_shared>>
            tpu.wait_dma2 semaphore(%arg19 : memref<!tpu.dma_semaphore, #tpu.memory_space<semaphore_mem>>) src(%arg11 : memref<16x80xf32, #tpu.memory_space<vmem>>) dst(%dma_wait3A_237 : memref<16x80xf32, #tpu.memory_space<vmem_shared>>)
          } else {
          }
          %dma_start3A = arith.constant 0 : i32
          %dma_start3A_181 = arith.constant 0 : i32
          %dma_start3A_182 = tpu.memref_slice %arg2[%dma_start3A, %dma_start3A_181] : memref<51200x80xf32, #tpu.memory_space<hbm>> -> memref<51200x80xf32, #tpu.memory_space<hbm>>
          tpu.enqueue_indirect_dma source(%dma_start3A_182 : memref<51200x80xf32, #tpu.memory_space<hbm>>) target(%arg11 : memref<16x80xf32, #tpu.memory_space<vmem>>) offsets(%gather3A : vector<16xi32>) semaphore(%arg17 : memref<!tpu.dma_semaphore, #tpu.memory_space<semaphore_mem>>)
          %dma_start3A_183 = arith.constant 0 : i32
          %dma_start3A_184 = arith.constant 0 : i32
          %dma_start3A_185 = tpu.memref_slice %arg16[%dma_start3A_183, %dma_start3A_184] : memref<6400x16xf32, #tpu.memory_space<vmem_shared>> -> memref<6400x16xf32, #tpu.memory_space<vmem_shared>>
          tpu.enqueue_indirect_dma source(%dma_start3A_185 : memref<6400x16xf32, #tpu.memory_space<vmem_shared>>) target(%arg12 : memref<16x16xf32, #tpu.memory_space<vmem>>) offsets(%sub3A_175 : vector<16xi32>) semaphore(%arg18 : memref<!tpu.dma_semaphore, #tpu.memory_space<semaphore_mem>>)
          %dma_wait3A = arith.constant 0 : i32
          %dma_wait3A_186 = arith.constant 0 : i32
          %dma_wait3A_187 = tpu.memref_slice %arg16[%dma_wait3A, %dma_wait3A_186] : memref<6400x16xf32, #tpu.memory_space<vmem_shared>> -> memref<6400x16xf32, #tpu.memory_space<vmem_shared>>
          tpu.wait_indirect_dma semaphore(%arg18 : memref<!tpu.dma_semaphore, #tpu.memory_space<semaphore_mem>>) src(%dma_wait3A_187 : memref<6400x16xf32, #tpu.memory_space<vmem_shared>>) dst(%arg12 : memref<16x16xf32, #tpu.memory_space<vmem>>)
          %dma_wait3A_188 = arith.constant 0 : i32
          %dma_wait3A_189 = arith.constant 0 : i32
          %dma_wait3A_190 = tpu.memref_slice %arg2[%dma_wait3A_188, %dma_wait3A_189] : memref<51200x80xf32, #tpu.memory_space<hbm>> -> memref<51200x80xf32, #tpu.memory_space<hbm>>
          tpu.wait_indirect_dma semaphore(%arg17 : memref<!tpu.dma_semaphore, #tpu.memory_space<semaphore_mem>>) src(%dma_wait3A_190 : memref<51200x80xf32, #tpu.memory_space<hbm>>) dst(%arg11 : memref<16x80xf32, #tpu.memory_space<vmem>>)
          %add3A_191 = arith.constant 64 : i32
          %add3A_192 = vector.broadcast %add3A_191 : i32 to vector<16xi32>
          %add3A_193 = arith.addi %add3A_192, %select_n3A_48 : vector<16xi32>
          %gather3A_194 = tpu.vector_load_idx %arg11[%add3A_28, %add3A_193] : memref<16x80xf32, #tpu.memory_space<vmem>>[vector<16xi32>, vector<16xi32>], vector<16xf32>,
          %add3A_195 = arith.constant 8 : i32
          %add3A_196 = vector.broadcast %add3A_195 : i32 to vector<16xi32>
          %add3A_197 = arith.addi %add3A_196, %select_n3A_48 : vector<16xi32>
          %gather3A_198 = tpu.vector_load_idx %arg12[%add3A_28, %add3A_197] : memref<16x16xf32, #tpu.memory_space<vmem>>[vector<16xi32>, vector<16xi32>], vector<16xf32>,
          %add3A_199 = arith.addf %gather3A_194, %gather3A_198 : vector<16xf32>
          %gt3A_200 = arith.constant 0.000000e+00 : f32
          %gt3A_201 = vector.broadcast %gt3A_200 : f32 to vector<16xf32>
          %gt3A_202 = arith.cmpf ogt, %add3A_199, %gt3A_201 : vector<16xf32>
          %mul3A_203 = arith.constant 2.000000e-01 : f32
          %mul3A_204 = vector.broadcast %mul3A_203 : f32 to vector<16xf32>
          %mul3A_205 = arith.mulf %mul3A_204, %add3A_199 : vector<16xf32>
          %select_n3A_206 = arith.select %gt3A_202, %add3A_199, %mul3A_205 : vector<16xi1>, vector<16xf32>
          %exp3A = math.exp %select_n3A_206 : vector<16xf32>
          %mul3A_207 = arith.constant 16 : i32
          %mul3A_208 = arith.muli %while3A_168, %mul3A_207 : i32
          %add3A_209 = vector.broadcast %mul3A_208 : i32 to vector<16xi32>
          %add3A_210 = arith.addi %add3A_209, %add3A_28 : vector<16xi32>
          %gather3A_211 = tpu.vector_load_idx %arg10[%add3A_210] : memref<2064xi32, #tpu.memory_space<vmem>>[vector<16xi32>], vector<16xi32>,
          %ne3A_212 = arith.constant 2000 : i32
          %ne3A_213 = vector.broadcast %ne3A_212 : i32 to vector<16xi32>
          %ne3A_214 = arith.cmpi ne, %gather3A_211, %ne3A_213 : vector<16xi32>
          %jit3A_215 = arith.constant 0.000000e+00 : f32
          %broadcast_in_dim3A_216 = vector.broadcast %jit3A_215 : f32 to vector<16xf32>
          %select_n3A_217 = arith.select %ne3A_214, %exp3A, %broadcast_in_dim3A_216 : vector<16xi1>, vector<16xf32>
          %add3A_218 = arith.constant 64 : i32
          %add3A_219 = vector.broadcast %add3A_218 : i32 to vector<16xi32>
          %add3A_220 = arith.addi %add3A_219, %select_n3A_48 : vector<16xi32>
          tpu.vector_store_idx %arg11[%add3A_28, %add3A_220], %select_n3A_217 : memref<16x80xf32, #tpu.memory_space<vmem>>[vector<16xi32>, vector<16xi32>], vector<16xf32>,
          %scan3A_221 = arith.constant 0 : i32
          %scan3A_222 = arith.constant 0 : i32
          %scan3A_223 = arith.constant 16 : i32
          %scan3A_224 = arith.addi %scan3A_222, %scan3A_223 : i32
          %scan3A_225 = arith.constant 1 : i32
          %scan3A_226 = scf.for %scan3A_232 = %scan3A_222 to %scan3A_224 step %scan3A_225 iter_args(%scan3A_233 = %scan3A_221) -> (i32)  : i32 {
            %get3A_234 = arith.index_cast %scan3A_232 : i32 to index
            %get3A_235 = arith.constant 64 : index
            %get3A_236 = tpu.vector_load %arg11[%get3A_234, %get3A_235] {strides = array<i32>} : memref<16x80xf32, #tpu.memory_space<vmem>>, vector<16xf32>,
            %slice3A = vector.extract_strided_slice %get3A_236 {offsets = [0], sizes = [1], strides = [1]} : vector<16xf32> to vector<1xf32>
            %squeeze3A = vector.extract %slice3A[0] : f32 from vector<1xf32>
            %get3A_237 = arith.index_cast %scan3A_232 : i32 to index
            %get3A_238 = arith.constant 0 : index
            %get3A_239 = tpu.vector_load %arg11[%get3A_237, %get3A_238] {strides = array<i32>} : memref<16x80xf32, #tpu.memory_space<vmem>>, vector<16xf32>,
            %mul3A_240 = vector.broadcast %squeeze3A : f32 to vector<16xf32>
            %mul3A_241 = arith.mulf %get3A_239, %mul3A_240 : vector<16xf32>
            %swap3A_242 = arith.index_cast %scan3A_232 : i32 to index
            %swap3A_243 = arith.constant 0 : index
            %swap3A_244 = tpu.vector_load %arg11[%swap3A_242, %swap3A_243] {strides = array<i32>} : memref<16x80xf32, #tpu.memory_space<vmem>>, vector<16xf32>,
            tpu.vector_store %arg11[%swap3A_242, %swap3A_243], %mul3A_241 {strides = array<i32>} : memref<16x80xf32, #tpu.memory_space<vmem>>, vector<16xf32>,
            %get3A_245 = arith.index_cast %scan3A_232 : i32 to index
            %get3A_246 = arith.constant 16 : index
            %get3A_247 = tpu.vector_load %arg11[%get3A_245, %get3A_246] {strides = array<i32>} : memref<16x80xf32, #tpu.memory_space<vmem>>, vector<16xf32>,
            %mul3A_248 = vector.broadcast %squeeze3A : f32 to vector<16xf32>
            %mul3A_249 = arith.mulf %get3A_247, %mul3A_248 : vector<16xf32>
            %swap3A_250 = arith.index_cast %scan3A_232 : i32 to index
            %swap3A_251 = arith.constant 16 : index
            %swap3A_252 = tpu.vector_load %arg11[%swap3A_250, %swap3A_251] {strides = array<i32>} : memref<16x80xf32, #tpu.memory_space<vmem>>, vector<16xf32>,
            tpu.vector_store %arg11[%swap3A_250, %swap3A_251], %mul3A_249 {strides = array<i32>} : memref<16x80xf32, #tpu.memory_space<vmem>>, vector<16xf32>,
            %get3A_253 = arith.index_cast %scan3A_232 : i32 to index
            %get3A_254 = arith.constant 32 : index
            %get3A_255 = tpu.vector_load %arg11[%get3A_253, %get3A_254] {strides = array<i32>} : memref<16x80xf32, #tpu.memory_space<vmem>>, vector<16xf32>,
            %mul3A_256 = vector.broadcast %squeeze3A : f32 to vector<16xf32>
            %mul3A_257 = arith.mulf %get3A_255, %mul3A_256 : vector<16xf32>
            %swap3A_258 = arith.index_cast %scan3A_232 : i32 to index
            %swap3A_259 = arith.constant 32 : index
            %swap3A_260 = tpu.vector_load %arg11[%swap3A_258, %swap3A_259] {strides = array<i32>} : memref<16x80xf32, #tpu.memory_space<vmem>>, vector<16xf32>,
            tpu.vector_store %arg11[%swap3A_258, %swap3A_259], %mul3A_257 {strides = array<i32>} : memref<16x80xf32, #tpu.memory_space<vmem>>, vector<16xf32>,
            %get3A_261 = arith.index_cast %scan3A_232 : i32 to index
            %get3A_262 = arith.constant 48 : index
            %get3A_263 = tpu.vector_load %arg11[%get3A_261, %get3A_262] {strides = array<i32>} : memref<16x80xf32, #tpu.memory_space<vmem>>, vector<16xf32>,
            %mul3A_264 = vector.broadcast %squeeze3A : f32 to vector<16xf32>
            %mul3A_265 = arith.mulf %get3A_263, %mul3A_264 : vector<16xf32>
            %swap3A_266 = arith.index_cast %scan3A_232 : i32 to index
            %swap3A_267 = arith.constant 48 : index
            %swap3A_268 = tpu.vector_load %arg11[%swap3A_266, %swap3A_267] {strides = array<i32>} : memref<16x80xf32, #tpu.memory_space<vmem>>, vector<16xf32>,
            tpu.vector_store %arg11[%swap3A_266, %swap3A_267], %mul3A_265 {strides = array<i32>} : memref<16x80xf32, #tpu.memory_space<vmem>>, vector<16xf32>,
            %scan3A_269 = arith.constant 0 : i32
            scf.yield %scan3A_269 : i32
          }
          %scan3A_227 = arith.constant 16 : i32
          %dma_start3A_228 = arith.constant 0 : i32
          %dma_start3A_229 = arith.constant 0 : i32
          %dma_start3A_230 = tpu.memref_slice %arg15[%dma_start3A_228, %dma_start3A_229] : memref<6400x80xf32, #tpu.memory_space<vmem_shared>> -> memref<6400x80xf32, #tpu.memory_space<vmem_shared>>
          tpu.enqueue_indirect_dma source(%arg11 : memref<16x80xf32, #tpu.memory_space<vmem>>) target(%dma_start3A_230 : memref<6400x80xf32, #tpu.memory_space<vmem_shared>>) offsets(%sub3A_175 : vector<16xi32>) semaphore(%arg19 : memref<!tpu.dma_semaphore, #tpu.memory_space<semaphore_mem>>) {add = true}
          %while3A_231 = arith.constant 0 : i32
          scf.yield %while3A_231 : i32
        }
        %gt3A_162 = arith.constant 0 : i32
        %gt3A_163 = arith.cmpi sgt, %select_n3A_148, %gt3A_162 : i32
        %convert_element_type3A_164 = arith.extui %gt3A_163 : i1 to i32
        %cond3A_165 = arith.constant 0 : i32
        %cond3A_166 = arith.cmpi ne, %convert_element_type3A_164, %cond3A_165 : i32
        scf.if %cond3A_166 {
          %dma_wait3A = arith.constant 0 : i32
          %dma_wait3A_168 = arith.constant 0 : i32
          %dma_wait3A_169 = tpu.memref_slice %arg15[%dma_wait3A, %dma_wait3A_168] : memref<6400x80xf32, #tpu.memory_space<vmem_shared>> -> memref<16x80xf32, #tpu.memory_space<vmem_shared>>
          %dma_wait3A_170 = arith.constant 0 : i32
          %dma_wait3A_171 = arith.constant 0 : i32
          %dma_wait3A_172 = tpu.memref_slice %arg15[%dma_wait3A_170, %dma_wait3A_171] : memref<6400x80xf32, #tpu.memory_space<vmem_shared>> -> memref<16x80xf32, #tpu.memory_space<vmem_shared>>
          tpu.wait_dma2 semaphore(%arg19 : memref<!tpu.dma_semaphore, #tpu.memory_space<semaphore_mem>>) src(%arg11 : memref<16x80xf32, #tpu.memory_space<vmem>>) dst(%dma_wait3A_172 : memref<16x80xf32, #tpu.memory_space<vmem_shared>>)
        } else {
        }
        %scan3A_167 = arith.constant 0 : i32
        scf.yield %scan3A_167 : i32
      }
      %scan3A_94 = arith.constant 25 : i32
      %barrier3A_95 = arith.constant 0 : index
      tpu.barrier barrier_id(%barrier3A_95)
      %scan3A_96 = arith.constant 0 : i32
      %scan3A_97 = arith.constant 0 : i32
      %scan3A_98 = arith.constant 25 : i32
      %scan3A_99 = arith.addi %scan3A_97, %scan3A_98 : i32
      %scan3A_100 = arith.constant 1 : i32
      %scan3A_101 = scf.for %scan3A_105 = %scan3A_97 to %scan3A_99 step %scan3A_100 iter_args(%scan3A_106 = %scan3A_96) -> (i32)  : i32 {
        %mul3A_107 = arith.constant 400 : i32
        %mul3A_108 = arith.muli %arg1, %mul3A_107 : i32
        %mul3A_109 = arith.constant 16 : i32
        %mul3A_110 = arith.muli %scan3A_105, %mul3A_109 : i32
        %add3A_111 = arith.addi %mul3A_108, %mul3A_110 : i32
        "tpu.region"() ({
          %run_scoped3A = tpu.sem_alloc : memref<!tpu.dma_semaphore, #tpu.memory_space<semaphore_mem>>
          %dma_start3A = arith.constant 0 : i32
          %dma_start3A_121 = tpu.memref_slice %arg15[%add3A_111, %dma_start3A] : memref<6400x80xf32, #tpu.memory_space<vmem_shared>> -> memref<16x80xf32, #tpu.memory_space<vmem_shared>>
          %dma_start3A_122 = arith.constant 0 : i32
          %dma_start3A_123 = tpu.memref_slice %arg15[%add3A_111, %dma_start3A_122] : memref<6400x80xf32, #tpu.memory_space<vmem_shared>> -> memref<16x80xf32, #tpu.memory_space<vmem_shared>>
          tpu.enqueue_dma source(%dma_start3A_123 : memref<16x80xf32, #tpu.memory_space<vmem_shared>>) target(%arg13 : memref<16x80xf32, #tpu.memory_space<vmem>>) target_semaphore(%run_scoped3A : memref<!tpu.dma_semaphore, #tpu.memory_space<semaphore_mem>>)
          %dma_wait3A = arith.constant 0 : i32
          %dma_wait3A_124 = tpu.memref_slice %arg15[%add3A_111, %dma_wait3A] : memref<6400x80xf32, #tpu.memory_space<vmem_shared>> -> memref<16x80xf32, #tpu.memory_space<vmem_shared>>
          %dma_wait3A_125 = arith.constant 0 : i32
          %dma_wait3A_126 = tpu.memref_slice %arg15[%add3A_111, %dma_wait3A_125] : memref<6400x80xf32, #tpu.memory_space<vmem_shared>> -> memref<16x80xf32, #tpu.memory_space<vmem_shared>>
          tpu.wait_dma2 semaphore(%run_scoped3A : memref<!tpu.dma_semaphore, #tpu.memory_space<semaphore_mem>>) src(%dma_wait3A_126 : memref<16x80xf32, #tpu.memory_space<vmem_shared>>) dst(%arg13 : memref<16x80xf32, #tpu.memory_space<vmem>>)
          tpu.yield
        }) : () -> ()
        %scan3A_112 = arith.constant 0 : i32
        %scan3A_113 = arith.constant 0 : i32
        %scan3A_114 = arith.constant 16 : i32
        %scan3A_115 = arith.addi %scan3A_113, %scan3A_114 : i32
        %scan3A_116 = arith.constant 1 : i32
        %scan3A_117 = scf.for %scan3A_121 = %scan3A_113 to %scan3A_115 step %scan3A_116 iter_args(%scan3A_122 = %scan3A_112) -> (i32)  : i32 {
          %get3A = arith.index_cast %scan3A_121 : i32 to index
          %get3A_123 = arith.constant 64 : index
          %get3A_124 = tpu.vector_load %arg13[%get3A, %get3A_123] {strides = array<i32>} : memref<16x80xf32, #tpu.memory_space<vmem>>, vector<16xf32>,
          %slice3A = vector.extract_strided_slice %get3A_124 {offsets = [0], sizes = [1], strides = [1]} : vector<16xf32> to vector<1xf32>
          %squeeze3A = vector.extract %slice3A[0] : f32 from vector<1xf32>
          %add3A_125 = arith.constant 1.000000e-16 : f32
          %add3A_126 = arith.addf %squeeze3A, %add3A_125 : f32
          %get3A_127 = arith.index_cast %scan3A_121 : i32 to index
          %get3A_128 = arith.constant 0 : index
          %get3A_129 = tpu.vector_load %arg13[%get3A_127, %get3A_128] {strides = array<i32>} : memref<16x80xf32, #tpu.memory_space<vmem>>, vector<16xf32>,
          %div3A_130 = vector.broadcast %add3A_126 : f32 to vector<16xf32>
          %div3A_131 = arith.divf %get3A_129, %div3A_130 : vector<16xf32>
          %get3A_132 = arith.constant 0 : index
          %get3A_133 = tpu.vector_load %arg14[%get3A_132] {strides = array<i32>} : memref<64xf32, #tpu.memory_space<vmem>>, vector<16xf32>,
          %add3A_134 = arith.addf %div3A_131, %get3A_133 : vector<16xf32>
          %gt3A = arith.constant 0.000000e+00 : f32
          %gt3A_135 = vector.broadcast %gt3A : f32 to vector<16xf32>
          %gt3A_136 = arith.cmpf ogt, %add3A_134, %gt3A_135 : vector<16xf32>
          %exp3A = math.exp %add3A_134 : vector<16xf32>
          %sub3A_137 = arith.constant 1.000000e+00 : f32
          %sub3A_138 = vector.broadcast %sub3A_137 : f32 to vector<16xf32>
          %sub3A_139 = arith.subf %exp3A, %sub3A_138 : vector<16xf32>
          %select_n3A_140 = arith.select %gt3A_136, %add3A_134, %sub3A_139 : vector<16xi1>, vector<16xf32>
          %swap3A = arith.index_cast %scan3A_121 : i32 to index
          %swap3A_141 = arith.constant 0 : index
          %swap3A_142 = tpu.vector_load %arg13[%swap3A, %swap3A_141] {strides = array<i32>} : memref<16x80xf32, #tpu.memory_space<vmem>>, vector<16xf32>,
          tpu.vector_store %arg13[%swap3A, %swap3A_141], %select_n3A_140 {strides = array<i32>} : memref<16x80xf32, #tpu.memory_space<vmem>>, vector<16xf32>,
          %get3A_143 = arith.index_cast %scan3A_121 : i32 to index
          %get3A_144 = arith.constant 16 : index
          %get3A_145 = tpu.vector_load %arg13[%get3A_143, %get3A_144] {strides = array<i32>} : memref<16x80xf32, #tpu.memory_space<vmem>>, vector<16xf32>,
          %div3A_146 = vector.broadcast %add3A_126 : f32 to vector<16xf32>
          %div3A_147 = arith.divf %get3A_145, %div3A_146 : vector<16xf32>
          %get3A_148 = arith.constant 16 : index
          %get3A_149 = tpu.vector_load %arg14[%get3A_148] {strides = array<i32>} : memref<64xf32, #tpu.memory_space<vmem>>, vector<16xf32>,
          %add3A_150 = arith.addf %div3A_147, %get3A_149 : vector<16xf32>
          %gt3A_151 = arith.constant 0.000000e+00 : f32
          %gt3A_152 = vector.broadcast %gt3A_151 : f32 to vector<16xf32>
          %gt3A_153 = arith.cmpf ogt, %add3A_150, %gt3A_152 : vector<16xf32>
          %exp3A_154 = math.exp %add3A_150 : vector<16xf32>
          %sub3A_155 = arith.constant 1.000000e+00 : f32
          %sub3A_156 = vector.broadcast %sub3A_155 : f32 to vector<16xf32>
          %sub3A_157 = arith.subf %exp3A_154, %sub3A_156 : vector<16xf32>
          %select_n3A_158 = arith.select %gt3A_153, %add3A_150, %sub3A_157 : vector<16xi1>, vector<16xf32>
          %swap3A_159 = arith.index_cast %scan3A_121 : i32 to index
          %swap3A_160 = arith.constant 16 : index
          %swap3A_161 = tpu.vector_load %arg13[%swap3A_159, %swap3A_160] {strides = array<i32>} : memref<16x80xf32, #tpu.memory_space<vmem>>, vector<16xf32>,
          tpu.vector_store %arg13[%swap3A_159, %swap3A_160], %select_n3A_158 {strides = array<i32>} : memref<16x80xf32, #tpu.memory_space<vmem>>, vector<16xf32>,
          %get3A_162 = arith.index_cast %scan3A_121 : i32 to index
          %get3A_163 = arith.constant 32 : index
          %get3A_164 = tpu.vector_load %arg13[%get3A_162, %get3A_163] {strides = array<i32>} : memref<16x80xf32, #tpu.memory_space<vmem>>, vector<16xf32>,
          %div3A_165 = vector.broadcast %add3A_126 : f32 to vector<16xf32>
          %div3A_166 = arith.divf %get3A_164, %div3A_165 : vector<16xf32>
          %get3A_167 = arith.constant 32 : index
          %get3A_168 = tpu.vector_load %arg14[%get3A_167] {strides = array<i32>} : memref<64xf32, #tpu.memory_space<vmem>>, vector<16xf32>,
          %add3A_169 = arith.addf %div3A_166, %get3A_168 : vector<16xf32>
          %gt3A_170 = arith.constant 0.000000e+00 : f32
          %gt3A_171 = vector.broadcast %gt3A_170 : f32 to vector<16xf32>
          %gt3A_172 = arith.cmpf ogt, %add3A_169, %gt3A_171 : vector<16xf32>
          %exp3A_173 = math.exp %add3A_169 : vector<16xf32>
          %sub3A_174 = arith.constant 1.000000e+00 : f32
          %sub3A_175 = vector.broadcast %sub3A_174 : f32 to vector<16xf32>
          %sub3A_176 = arith.subf %exp3A_173, %sub3A_175 : vector<16xf32>
          %select_n3A_177 = arith.select %gt3A_172, %add3A_169, %sub3A_176 : vector<16xi1>, vector<16xf32>
          %swap3A_178 = arith.index_cast %scan3A_121 : i32 to index
          %swap3A_179 = arith.constant 32 : index
          %swap3A_180 = tpu.vector_load %arg13[%swap3A_178, %swap3A_179] {strides = array<i32>} : memref<16x80xf32, #tpu.memory_space<vmem>>, vector<16xf32>,
          tpu.vector_store %arg13[%swap3A_178, %swap3A_179], %select_n3A_177 {strides = array<i32>} : memref<16x80xf32, #tpu.memory_space<vmem>>, vector<16xf32>,
          %get3A_181 = arith.index_cast %scan3A_121 : i32 to index
          %get3A_182 = arith.constant 48 : index
          %get3A_183 = tpu.vector_load %arg13[%get3A_181, %get3A_182] {strides = array<i32>} : memref<16x80xf32, #tpu.memory_space<vmem>>, vector<16xf32>,
          %div3A_184 = vector.broadcast %add3A_126 : f32 to vector<16xf32>
          %div3A_185 = arith.divf %get3A_183, %div3A_184 : vector<16xf32>
          %get3A_186 = arith.constant 48 : index
          %get3A_187 = tpu.vector_load %arg14[%get3A_186] {strides = array<i32>} : memref<64xf32, #tpu.memory_space<vmem>>, vector<16xf32>,
          %add3A_188 = arith.addf %div3A_185, %get3A_187 : vector<16xf32>
          %gt3A_189 = arith.constant 0.000000e+00 : f32
          %gt3A_190 = vector.broadcast %gt3A_189 : f32 to vector<16xf32>
          %gt3A_191 = arith.cmpf ogt, %add3A_188, %gt3A_190 : vector<16xf32>
          %exp3A_192 = math.exp %add3A_188 : vector<16xf32>
          %sub3A_193 = arith.constant 1.000000e+00 : f32
          %sub3A_194 = vector.broadcast %sub3A_193 : f32 to vector<16xf32>
          %sub3A_195 = arith.subf %exp3A_192, %sub3A_194 : vector<16xf32>
          %select_n3A_196 = arith.select %gt3A_191, %add3A_188, %sub3A_195 : vector<16xi1>, vector<16xf32>
          %swap3A_197 = arith.index_cast %scan3A_121 : i32 to index
          %swap3A_198 = arith.constant 48 : index
          %swap3A_199 = tpu.vector_load %arg13[%swap3A_197, %swap3A_198] {strides = array<i32>} : memref<16x80xf32, #tpu.memory_space<vmem>>, vector<16xf32>,
          tpu.vector_store %arg13[%swap3A_197, %swap3A_198], %select_n3A_196 {strides = array<i32>} : memref<16x80xf32, #tpu.memory_space<vmem>>, vector<16xf32>,
          %scan3A_200 = arith.constant 0 : i32
          scf.yield %scan3A_200 : i32
        }
        %scan3A_118 = arith.constant 16 : i32
        %add3A_119 = arith.addi %mul3A_68, %add3A_111 : i32
        "tpu.region"() ({
          %run_scoped3A = tpu.sem_alloc : memref<!tpu.dma_semaphore, #tpu.memory_space<semaphore_mem>>
          %dma_start3A = arith.constant 0 : i32
          %dma_start3A_121 = tpu.memref_slice %arg7[%add3A_119, %dma_start3A] : memref<51200x80xf32, #tpu.memory_space<hbm>> -> memref<16x80xf32, #tpu.memory_space<hbm>>
          %dma_start3A_122 = arith.constant 0 : i32
          %dma_start3A_123 = tpu.memref_slice %arg7[%add3A_119, %dma_start3A_122] : memref<51200x80xf32, #tpu.memory_space<hbm>> -> memref<16x80xf32, #tpu.memory_space<hbm>>
          tpu.enqueue_dma source(%arg13 : memref<16x80xf32, #tpu.memory_space<vmem>>) target(%dma_start3A_123 : memref<16x80xf32, #tpu.memory_space<hbm>>) target_semaphore(%run_scoped3A : memref<!tpu.dma_semaphore, #tpu.memory_space<semaphore_mem>>)
          %dma_wait3A = arith.constant 0 : i32
          %dma_wait3A_124 = tpu.memref_slice %arg7[%add3A_119, %dma_wait3A] : memref<51200x80xf32, #tpu.memory_space<hbm>> -> memref<16x80xf32, #tpu.memory_space<hbm>>
          %dma_wait3A_125 = arith.constant 0 : i32
          %dma_wait3A_126 = tpu.memref_slice %arg7[%add3A_119, %dma_wait3A_125] : memref<51200x80xf32, #tpu.memory_space<hbm>> -> memref<16x80xf32, #tpu.memory_space<hbm>>
          tpu.wait_dma2 semaphore(%run_scoped3A : memref<!tpu.dma_semaphore, #tpu.memory_space<semaphore_mem>>) src(%arg13 : memref<16x80xf32, #tpu.memory_space<vmem>>) dst(%dma_wait3A_126 : memref<16x80xf32, #tpu.memory_space<hbm>>)
          tpu.yield
        }) : () -> ()
        %scan3A_120 = arith.constant 0 : i32
        scf.yield %scan3A_120 : i32
      }
      %scan3A_102 = arith.constant 25 : i32
      %barrier3A_103 = arith.constant 0 : index
      tpu.barrier barrier_id(%barrier3A_103)
      %scan3A_104 = arith.constant 0 : i32
      scf.yield %scan3A_104 : i32
    }
    %scan3A_61 = arith.constant 4 : i32
    return
  }
}

#map = affine_map<(d0, d1) -> (0, 0)>
#map1 = affine_map<(d0, d1) -> (0)>
module attributes {stable_mosaic.version = 14 : i64} {
  func.func @sc_kernel(%arg0: i32, %arg1: i32, %arg2: memref<51200x272xf32, #tpu.memory_space<hbm>>, %arg3: memref<51200x16xf32, #tpu.memory_space<hbm>>, %arg4: memref<800000xi32, #tpu.memory_space<hbm>>, %arg5: memref<800000xi32, #tpu.memory_space<hbm>>, %arg6: memref<256xf32, #tpu.memory_space<hbm>>, %arg7: memref<51200x272xf32, #tpu.memory_space<hbm>>, %arg8: memref<2016xi32, #tpu.memory_space<vmem>>, %arg9: memref<2016xi32, #tpu.memory_space<vmem>>, %arg10: memref<2064xi32, #tpu.memory_space<vmem>>, %arg11: memref<16x272xf32, #tpu.memory_space<vmem>>, %arg12: memref<16x16xf32, #tpu.memory_space<vmem>>, %arg13: memref<16x272xf32, #tpu.memory_space<vmem>>, %arg14: memref<256xf32, #tpu.memory_space<vmem>>, %arg15: memref<6400x272xf32, #tpu.memory_space<vmem_shared>>, %arg16: memref<6400x16xf32, #tpu.memory_space<vmem_shared>>, %arg17: memref<!tpu.dma_semaphore, #tpu.memory_space<semaphore_mem>>, %arg18: memref<!tpu.dma_semaphore, #tpu.memory_space<semaphore_mem>>, %arg19: memref<!tpu.dma_semaphore, #tpu.memory_space<semaphore_mem>>) attributes {dimension_semantics = [#tpu.dimension_semantics<core_parallel>, #tpu.dimension_semantics<subcore_parallel>], iteration_bounds = array<i64: 2, 16>, scalar_prefetch = 0 : i64, scratch_operands = 12 : i64, tpu.core_type = #tpu.core_type<sc_vector_subcore>, window_params = [{transform_indices = #map}, {transform_indices = #map}, {transform_indices = #map1}, {transform_indices = #map1}, {transform_indices = #map1}, {transform_indices = #map}]} {
    %mul3A = arith.constant 50000 : i32
    %mul3A_0 = arith.muli %arg1, %mul3A : i32
    %iota3A = tpu.iota {dimensions = array<i32: 0>} : vector<16xi32>
    %broadcast_in_dim3A = arith.constant 0.000000e+00 : f32
    %broadcast_in_dim3A_1 = vector.broadcast %broadcast_in_dim3A : f32 to vector<16xf32>
    %broadcast_in_dim3A_2 = arith.constant 2000 : i32
    %broadcast_in_dim3A_3 = vector.broadcast %broadcast_in_dim3A_2 : i32 to vector<16xi32>
    %jit3A = arith.constant 4 : i32
    %div3A = vector.broadcast %jit3A : i32 to vector<16xi32>
    %div3A_4 = arith.divsi %iota3A, %div3A : vector<16xi32>
    %sign3A = arith.constant 0 : i32
    %sign3A_5 = vector.broadcast %sign3A : i32 to vector<16xi32>
    %sign3A_6 = arith.cmpi sgt, %iota3A, %sign3A_5 : vector<16xi32>
    %sign3A_7 = arith.extui %sign3A_6 : vector<16xi1> to vector<16xi32>
    %sign3A_8 = arith.constant 0 : i32
    %sign3A_9 = vector.broadcast %sign3A_8 : i32 to vector<16xi32>
    %sign3A_10 = arith.cmpi slt, %iota3A, %sign3A_9 : vector<16xi32>
    %sign3A_11 = arith.extui %sign3A_10 : vector<16xi1> to vector<16xi32>
    %sign3A_12 = arith.subi %sign3A_7, %sign3A_11 : vector<16xi32>
    %sign3A_13 = arith.constant 0 : i32
    %sign3A_14 = arith.cmpi sgt, %jit3A, %sign3A_13 : i32
    %sign3A_15 = arith.extui %sign3A_14 : i1 to i32
    %sign3A_16 = arith.constant 0 : i32
    %sign3A_17 = arith.cmpi slt, %jit3A, %sign3A_16 : i32
    %sign3A_18 = arith.extui %sign3A_17 : i1 to i32
    %sign3A_19 = arith.subi %sign3A_15, %sign3A_18 : i32
    %ne3A = vector.broadcast %sign3A_19 : i32 to vector<16xi32>
    %ne3A_20 = arith.cmpi ne, %sign3A_12, %ne3A : vector<16xi32>
    %rem3A = vector.broadcast %jit3A : i32 to vector<16xi32>
    %rem3A_21 = arith.remsi %iota3A, %rem3A : vector<16xi32>
    %ne3A_22 = arith.constant 0 : i32
    %ne3A_23 = vector.broadcast %ne3A_22 : i32 to vector<16xi32>
    %ne3A_24 = arith.cmpi ne, %rem3A_21, %ne3A_23 : vector<16xi32>
    %and3A = arith.andi %ne3A_20, %ne3A_24 : vector<16xi1>
    %sub3A = arith.constant 1 : i32
    %sub3A_25 = vector.broadcast %sub3A : i32 to vector<16xi32>
    %sub3A_26 = arith.subi %div3A_4, %sub3A_25 : vector<16xi32>
    %select_n3A = arith.select %and3A, %sub3A_26, %div3A_4 : vector<16xi1>, vector<16xi32>
    %add3A = arith.constant 0 : i32
    %add3A_27 = vector.broadcast %add3A : i32 to vector<16xi32>
    %add3A_28 = arith.addi %select_n3A, %add3A_27 : vector<16xi32>
    %jit3A_29 = arith.constant 4 : i32
    %div3A_30 = vector.broadcast %jit3A_29 : i32 to vector<16xi32>
    %div3A_31 = arith.divsi %iota3A, %div3A_30 : vector<16xi32>
    %sign3A_32 = arith.constant 0 : i32
    %sign3A_33 = vector.broadcast %sign3A_32 : i32 to vector<16xi32>
    %sign3A_34 = arith.cmpi sgt, %iota3A, %sign3A_33 : vector<16xi32>
    %sign3A_35 = arith.extui %sign3A_34 : vector<16xi1> to vector<16xi32>
    %sign3A_36 = arith.constant 0 : i32
    %sign3A_37 = vector.broadcast %sign3A_36 : i32 to vector<16xi32>
    %sign3A_38 = arith.cmpi slt, %iota3A, %sign3A_37 : vector<16xi32>
    %sign3A_39 = arith.extui %sign3A_38 : vector<16xi1> to vector<16xi32>
    %sign3A_40 = arith.subi %sign3A_35, %sign3A_39 : vector<16xi32>
    %sign3A_41 = arith.constant 0 : i32
    %sign3A_42 = arith.cmpi sgt, %jit3A_29, %sign3A_41 : i32
    %sign3A_43 = arith.extui %sign3A_42 : i1 to i32
    %sign3A_44 = arith.constant 0 : i32
    %sign3A_45 = arith.cmpi slt, %jit3A_29, %sign3A_44 : i32
    %sign3A_46 = arith.extui %sign3A_45 : i1 to i32
    %sign3A_47 = arith.subi %sign3A_43, %sign3A_46 : i32
    %ne3A_48 = vector.broadcast %sign3A_47 : i32 to vector<16xi32>
    %ne3A_49 = arith.cmpi ne, %sign3A_40, %ne3A_48 : vector<16xi32>
    %rem3A_50 = vector.broadcast %jit3A_29 : i32 to vector<16xi32>
    %rem3A_51 = arith.remsi %iota3A, %rem3A_50 : vector<16xi32>
    %ne3A_52 = arith.constant 0 : i32
    %ne3A_53 = vector.broadcast %ne3A_52 : i32 to vector<16xi32>
    %ne3A_54 = arith.cmpi ne, %rem3A_51, %ne3A_53 : vector<16xi32>
    %and3A_55 = arith.andi %ne3A_49, %ne3A_54 : vector<16xi1>
    %sub3A_56 = arith.constant 1 : i32
    %sub3A_57 = vector.broadcast %sub3A_56 : i32 to vector<16xi32>
    %sub3A_58 = arith.subi %div3A_31, %sub3A_57 : vector<16xi32>
    %select_n3A_59 = arith.select %and3A_55, %sub3A_58, %div3A_31 : vector<16xi1>, vector<16xi32>
    %add3A_60 = arith.constant 4 : i32
    %add3A_61 = vector.broadcast %add3A_60 : i32 to vector<16xi32>
    %add3A_62 = arith.addi %select_n3A_59, %add3A_61 : vector<16xi32>
    %jit3A_63 = arith.constant 4 : i32
    %div3A_64 = vector.broadcast %jit3A_63 : i32 to vector<16xi32>
    %div3A_65 = arith.divsi %iota3A, %div3A_64 : vector<16xi32>
    %sign3A_66 = arith.constant 0 : i32
    %sign3A_67 = vector.broadcast %sign3A_66 : i32 to vector<16xi32>
    %sign3A_68 = arith.cmpi sgt, %iota3A, %sign3A_67 : vector<16xi32>
    %sign3A_69 = arith.extui %sign3A_68 : vector<16xi1> to vector<16xi32>
    %sign3A_70 = arith.constant 0 : i32
    %sign3A_71 = vector.broadcast %sign3A_70 : i32 to vector<16xi32>
    %sign3A_72 = arith.cmpi slt, %iota3A, %sign3A_71 : vector<16xi32>
    %sign3A_73 = arith.extui %sign3A_72 : vector<16xi1> to vector<16xi32>
    %sign3A_74 = arith.subi %sign3A_69, %sign3A_73 : vector<16xi32>
    %sign3A_75 = arith.constant 0 : i32
    %sign3A_76 = arith.cmpi sgt, %jit3A_63, %sign3A_75 : i32
    %sign3A_77 = arith.extui %sign3A_76 : i1 to i32
    %sign3A_78 = arith.constant 0 : i32
    %sign3A_79 = arith.cmpi slt, %jit3A_63, %sign3A_78 : i32
    %sign3A_80 = arith.extui %sign3A_79 : i1 to i32
    %sign3A_81 = arith.subi %sign3A_77, %sign3A_80 : i32
    %ne3A_82 = vector.broadcast %sign3A_81 : i32 to vector<16xi32>
    %ne3A_83 = arith.cmpi ne, %sign3A_74, %ne3A_82 : vector<16xi32>
    %rem3A_84 = vector.broadcast %jit3A_63 : i32 to vector<16xi32>
    %rem3A_85 = arith.remsi %iota3A, %rem3A_84 : vector<16xi32>
    %ne3A_86 = arith.constant 0 : i32
    %ne3A_87 = vector.broadcast %ne3A_86 : i32 to vector<16xi32>
    %ne3A_88 = arith.cmpi ne, %rem3A_85, %ne3A_87 : vector<16xi32>
    %and3A_89 = arith.andi %ne3A_83, %ne3A_88 : vector<16xi1>
    %sub3A_90 = arith.constant 1 : i32
    %sub3A_91 = vector.broadcast %sub3A_90 : i32 to vector<16xi32>
    %sub3A_92 = arith.subi %div3A_65, %sub3A_91 : vector<16xi32>
    %select_n3A_93 = arith.select %and3A_89, %sub3A_92, %div3A_65 : vector<16xi1>, vector<16xi32>
    %add3A_94 = arith.constant 8 : i32
    %add3A_95 = vector.broadcast %add3A_94 : i32 to vector<16xi32>
    %add3A_96 = arith.addi %select_n3A_93, %add3A_95 : vector<16xi32>
    %jit3A_97 = arith.constant 4 : i32
    %div3A_98 = vector.broadcast %jit3A_97 : i32 to vector<16xi32>
    %div3A_99 = arith.divsi %iota3A, %div3A_98 : vector<16xi32>
    %sign3A_100 = arith.constant 0 : i32
    %sign3A_101 = vector.broadcast %sign3A_100 : i32 to vector<16xi32>
    %sign3A_102 = arith.cmpi sgt, %iota3A, %sign3A_101 : vector<16xi32>
    %sign3A_103 = arith.extui %sign3A_102 : vector<16xi1> to vector<16xi32>
    %sign3A_104 = arith.constant 0 : i32
    %sign3A_105 = vector.broadcast %sign3A_104 : i32 to vector<16xi32>
    %sign3A_106 = arith.cmpi slt, %iota3A, %sign3A_105 : vector<16xi32>
    %sign3A_107 = arith.extui %sign3A_106 : vector<16xi1> to vector<16xi32>
    %sign3A_108 = arith.subi %sign3A_103, %sign3A_107 : vector<16xi32>
    %sign3A_109 = arith.constant 0 : i32
    %sign3A_110 = arith.cmpi sgt, %jit3A_97, %sign3A_109 : i32
    %sign3A_111 = arith.extui %sign3A_110 : i1 to i32
    %sign3A_112 = arith.constant 0 : i32
    %sign3A_113 = arith.cmpi slt, %jit3A_97, %sign3A_112 : i32
    %sign3A_114 = arith.extui %sign3A_113 : i1 to i32
    %sign3A_115 = arith.subi %sign3A_111, %sign3A_114 : i32
    %ne3A_116 = vector.broadcast %sign3A_115 : i32 to vector<16xi32>
    %ne3A_117 = arith.cmpi ne, %sign3A_108, %ne3A_116 : vector<16xi32>
    %rem3A_118 = vector.broadcast %jit3A_97 : i32 to vector<16xi32>
    %rem3A_119 = arith.remsi %iota3A, %rem3A_118 : vector<16xi32>
    %ne3A_120 = arith.constant 0 : i32
    %ne3A_121 = vector.broadcast %ne3A_120 : i32 to vector<16xi32>
    %ne3A_122 = arith.cmpi ne, %rem3A_119, %ne3A_121 : vector<16xi32>
    %and3A_123 = arith.andi %ne3A_117, %ne3A_122 : vector<16xi1>
    %sub3A_124 = arith.constant 1 : i32
    %sub3A_125 = vector.broadcast %sub3A_124 : i32 to vector<16xi32>
    %sub3A_126 = arith.subi %div3A_99, %sub3A_125 : vector<16xi32>
    %select_n3A_127 = arith.select %and3A_123, %sub3A_126, %div3A_99 : vector<16xi1>, vector<16xi32>
    %add3A_128 = arith.constant 12 : i32
    %add3A_129 = vector.broadcast %add3A_128 : i32 to vector<16xi32>
    %add3A_130 = arith.addi %select_n3A_127, %add3A_129 : vector<16xi32>
    %jit3A_131 = arith.constant 4 : i32
    %eq3A = arith.constant 0 : i32
    %eq3A_132 = arith.cmpi eq, %jit3A_131, %eq3A : i32
    %jit3A_133 = arith.constant 1 : i32
    %select_n3A_134 = arith.select %eq3A_132, %jit3A_133, %jit3A_131 : i32
    %rem3A_135 = vector.broadcast %select_n3A_134 : i32 to vector<16xi32>
    %rem3A_136 = arith.remsi %iota3A, %rem3A_135 : vector<16xi32>
    %ne3A_137 = arith.constant 0 : i32
    %ne3A_138 = vector.broadcast %ne3A_137 : i32 to vector<16xi32>
    %ne3A_139 = arith.cmpi ne, %rem3A_136, %ne3A_138 : vector<16xi32>
    %lt3A = arith.constant 0 : i32
    %lt3A_140 = vector.broadcast %lt3A : i32 to vector<16xi32>
    %lt3A_141 = arith.cmpi slt, %rem3A_136, %lt3A_140 : vector<16xi32>
    %lt3A_142 = arith.constant 0 : i32
    %lt3A_143 = arith.cmpi slt, %select_n3A_134, %lt3A_142 : i32
    %ne3A_144 = vector.broadcast %lt3A_143 : i1 to vector<16xi1>
    %ne3A_145 = vector.broadcast %ne3A_144 : vector<16xi1> to vector<16xi1>
    %ne3A_146 = arith.xori %lt3A_141, %ne3A_145 : vector<16xi1>
    %and3A_147 = arith.andi %ne3A_146, %ne3A_139 : vector<16xi1>
    %add3A_148 = vector.broadcast %select_n3A_134 : i32 to vector<16xi32>
    %add3A_149 = arith.addi %rem3A_136, %add3A_148 : vector<16xi32>
    %select_n3A_150 = arith.select %and3A_147, %add3A_149, %rem3A_136 : vector<16xi1>, vector<16xi32>
    "tpu.region"() ({
      %run_scoped3A = tpu.sem_alloc : memref<!tpu.dma_semaphore, #tpu.memory_space<semaphore_mem>>
      tpu.enqueue_dma source(%arg6 : memref<256xf32, #tpu.memory_space<hbm>>) target(%arg14 : memref<256xf32, #tpu.memory_space<vmem>>) target_semaphore(%run_scoped3A : memref<!tpu.dma_semaphore, #tpu.memory_space<semaphore_mem>>)
      tpu.wait_dma2 semaphore(%run_scoped3A : memref<!tpu.dma_semaphore, #tpu.memory_space<semaphore_mem>>) src(%arg6 : memref<256xf32, #tpu.memory_space<hbm>>) dst(%arg14 : memref<256xf32, #tpu.memory_space<vmem>>)
      tpu.yield
    }) : () -> ()
    %scan3A = arith.constant 0 : i32
    %scan3A_151 = arith.constant 0 : i32
    %scan3A_152 = arith.constant 129 : i32
    %scan3A_153 = arith.addi %scan3A_151, %scan3A_152 : i32
    %scan3A_154 = arith.constant 1 : i32
    %scan3A_155 = scf.for %scan3A_164 = %scan3A_151 to %scan3A_153 step %scan3A_154 iter_args(%scan3A_165 = %scan3A) -> (i32)  : i32 {
      %mul3A_166 = arith.constant 16 : i32
      %mul3A_167 = arith.muli %scan3A_164, %mul3A_166 : i32
      %swap3A = arith.index_cast %mul3A_167 : i32 to index
      %swap3A_168 = tpu.vector_load %arg10[%swap3A] {strides = array<i32>} : memref<2064xi32, #tpu.memory_space<vmem>>, vector<16xi32>,
      tpu.vector_store %arg10[%swap3A], %broadcast_in_dim3A_3 {strides = array<i32>} : memref<2064xi32, #tpu.memory_space<vmem>>, vector<16xi32>,
      %scan3A_169 = arith.constant 0 : i32
      scf.yield %scan3A_169 : i32
    }
    %scan3A_156 = arith.constant 129 : i32
    %scan3A_157 = arith.constant 0 : i32
    %scan3A_158 = arith.constant 0 : i32
    %scan3A_159 = arith.constant 4 : i32
    %scan3A_160 = arith.addi %scan3A_158, %scan3A_159 : i32
    %scan3A_161 = arith.constant 1 : i32
    %scan3A_162 = scf.for %scan3A_164 = %scan3A_158 to %scan3A_160 step %scan3A_161 iter_args(%scan3A_165 = %scan3A_157) -> (i32)  : i32 {
      %mul3A_166 = arith.constant 2 : i32
      %mul3A_167 = arith.muli %mul3A_166, %scan3A_164 : i32
      %add3A_168 = arith.addi %mul3A_167, %arg0 : i32
      %mul3A_169 = arith.constant 6400 : i32
      %mul3A_170 = arith.muli %add3A_168, %mul3A_169 : i32
      %scan3A_171 = arith.constant 0 : i32
      %scan3A_172 = arith.constant 0 : i32
      %scan3A_173 = arith.constant 16 : i32
      %scan3A_174 = arith.addi %scan3A_172, %scan3A_173 : i32
      %scan3A_175 = arith.constant 1 : i32
      %scan3A_176 = scf.for %scan3A_207 = %scan3A_172 to %scan3A_174 step %scan3A_175 iter_args(%scan3A_208 = %scan3A_171) -> (i32)  : i32 {
        %swap3A = arith.index_cast %scan3A_207 : i32 to index
        %swap3A_209 = arith.constant 0 : index
        %swap3A_210 = tpu.vector_load %arg13[%swap3A, %swap3A_209] {strides = array<i32>} : memref<16x272xf32, #tpu.memory_space<vmem>>, vector<16xf32>,
        tpu.vector_store %arg13[%swap3A, %swap3A_209], %broadcast_in_dim3A_1 {strides = array<i32>} : memref<16x272xf32, #tpu.memory_space<vmem>>, vector<16xf32>,
        %swap3A_211 = arith.index_cast %scan3A_207 : i32 to index
        %swap3A_212 = arith.constant 16 : index
        %swap3A_213 = tpu.vector_load %arg13[%swap3A_211, %swap3A_212] {strides = array<i32>} : memref<16x272xf32, #tpu.memory_space<vmem>>, vector<16xf32>,
        tpu.vector_store %arg13[%swap3A_211, %swap3A_212], %broadcast_in_dim3A_1 {strides = array<i32>} : memref<16x272xf32, #tpu.memory_space<vmem>>, vector<16xf32>,
        %swap3A_214 = arith.index_cast %scan3A_207 : i32 to index
        %swap3A_215 = arith.constant 32 : index
        %swap3A_216 = tpu.vector_load %arg13[%swap3A_214, %swap3A_215] {strides = array<i32>} : memref<16x272xf32, #tpu.memory_space<vmem>>, vector<16xf32>,
        tpu.vector_store %arg13[%swap3A_214, %swap3A_215], %broadcast_in_dim3A_1 {strides = array<i32>} : memref<16x272xf32, #tpu.memory_space<vmem>>, vector<16xf32>,
        %swap3A_217 = arith.index_cast %scan3A_207 : i32 to index
        %swap3A_218 = arith.constant 48 : index
        %swap3A_219 = tpu.vector_load %arg13[%swap3A_217, %swap3A_218] {strides = array<i32>} : memref<16x272xf32, #tpu.memory_space<vmem>>, vector<16xf32>,
        tpu.vector_store %arg13[%swap3A_217, %swap3A_218], %broadcast_in_dim3A_1 {strides = array<i32>} : memref<16x272xf32, #tpu.memory_space<vmem>>, vector<16xf32>,
        %swap3A_220 = arith.index_cast %scan3A_207 : i32 to index
        %swap3A_221 = arith.constant 64 : index
        %swap3A_222 = tpu.vector_load %arg13[%swap3A_220, %swap3A_221] {strides = array<i32>} : memref<16x272xf32, #tpu.memory_space<vmem>>, vector<16xf32>,
        tpu.vector_store %arg13[%swap3A_220, %swap3A_221], %broadcast_in_dim3A_1 {strides = array<i32>} : memref<16x272xf32, #tpu.memory_space<vmem>>, vector<16xf32>,
        %swap3A_223 = arith.index_cast %scan3A_207 : i32 to index
        %swap3A_224 = arith.constant 80 : index
        %swap3A_225 = tpu.vector_load %arg13[%swap3A_223, %swap3A_224] {strides = array<i32>} : memref<16x272xf32, #tpu.memory_space<vmem>>, vector<16xf32>,
        tpu.vector_store %arg13[%swap3A_223, %swap3A_224], %broadcast_in_dim3A_1 {strides = array<i32>} : memref<16x272xf32, #tpu.memory_space<vmem>>, vector<16xf32>,
        %swap3A_226 = arith.index_cast %scan3A_207 : i32 to index
        %swap3A_227 = arith.constant 96 : index
        %swap3A_228 = tpu.vector_load %arg13[%swap3A_226, %swap3A_227] {strides = array<i32>} : memref<16x272xf32, #tpu.memory_space<vmem>>, vector<16xf32>,
        tpu.vector_store %arg13[%swap3A_226, %swap3A_227], %broadcast_in_dim3A_1 {strides = array<i32>} : memref<16x272xf32, #tpu.memory_space<vmem>>, vector<16xf32>,
        %swap3A_229 = arith.index_cast %scan3A_207 : i32 to index
        %swap3A_230 = arith.constant 112 : index
        %swap3A_231 = tpu.vector_load %arg13[%swap3A_229, %swap3A_230] {strides = array<i32>} : memref<16x272xf32, #tpu.memory_space<vmem>>, vector<16xf32>,
        tpu.vector_store %arg13[%swap3A_229, %swap3A_230], %broadcast_in_dim3A_1 {strides = array<i32>} : memref<16x272xf32, #tpu.memory_space<vmem>>, vector<16xf32>,
        %swap3A_232 = arith.index_cast %scan3A_207 : i32 to index
        %swap3A_233 = arith.constant 128 : index
        %swap3A_234 = tpu.vector_load %arg13[%swap3A_232, %swap3A_233] {strides = array<i32>} : memref<16x272xf32, #tpu.memory_space<vmem>>, vector<16xf32>,
        tpu.vector_store %arg13[%swap3A_232, %swap3A_233], %broadcast_in_dim3A_1 {strides = array<i32>} : memref<16x272xf32, #tpu.memory_space<vmem>>, vector<16xf32>,
        %swap3A_235 = arith.index_cast %scan3A_207 : i32 to index
        %swap3A_236 = arith.constant 144 : index
        %swap3A_237 = tpu.vector_load %arg13[%swap3A_235, %swap3A_236] {strides = array<i32>} : memref<16x272xf32, #tpu.memory_space<vmem>>, vector<16xf32>,
        tpu.vector_store %arg13[%swap3A_235, %swap3A_236], %broadcast_in_dim3A_1 {strides = array<i32>} : memref<16x272xf32, #tpu.memory_space<vmem>>, vector<16xf32>,
        %swap3A_238 = arith.index_cast %scan3A_207 : i32 to index
        %swap3A_239 = arith.constant 160 : index
        %swap3A_240 = tpu.vector_load %arg13[%swap3A_238, %swap3A_239] {strides = array<i32>} : memref<16x272xf32, #tpu.memory_space<vmem>>, vector<16xf32>,
        tpu.vector_store %arg13[%swap3A_238, %swap3A_239], %broadcast_in_dim3A_1 {strides = array<i32>} : memref<16x272xf32, #tpu.memory_space<vmem>>, vector<16xf32>,
        %swap3A_241 = arith.index_cast %scan3A_207 : i32 to index
        %swap3A_242 = arith.constant 176 : index
        %swap3A_243 = tpu.vector_load %arg13[%swap3A_241, %swap3A_242] {strides = array<i32>} : memref<16x272xf32, #tpu.memory_space<vmem>>, vector<16xf32>,
        tpu.vector_store %arg13[%swap3A_241, %swap3A_242], %broadcast_in_dim3A_1 {strides = array<i32>} : memref<16x272xf32, #tpu.memory_space<vmem>>, vector<16xf32>,
        %swap3A_244 = arith.index_cast %scan3A_207 : i32 to index
        %swap3A_245 = arith.constant 192 : index
        %swap3A_246 = tpu.vector_load %arg13[%swap3A_244, %swap3A_245] {strides = array<i32>} : memref<16x272xf32, #tpu.memory_space<vmem>>, vector<16xf32>,
        tpu.vector_store %arg13[%swap3A_244, %swap3A_245], %broadcast_in_dim3A_1 {strides = array<i32>} : memref<16x272xf32, #tpu.memory_space<vmem>>, vector<16xf32>,
        %swap3A_247 = arith.index_cast %scan3A_207 : i32 to index
        %swap3A_248 = arith.constant 208 : index
        %swap3A_249 = tpu.vector_load %arg13[%swap3A_247, %swap3A_248] {strides = array<i32>} : memref<16x272xf32, #tpu.memory_space<vmem>>, vector<16xf32>,
        tpu.vector_store %arg13[%swap3A_247, %swap3A_248], %broadcast_in_dim3A_1 {strides = array<i32>} : memref<16x272xf32, #tpu.memory_space<vmem>>, vector<16xf32>,
        %swap3A_250 = arith.index_cast %scan3A_207 : i32 to index
        %swap3A_251 = arith.constant 224 : index
        %swap3A_252 = tpu.vector_load %arg13[%swap3A_250, %swap3A_251] {strides = array<i32>} : memref<16x272xf32, #tpu.memory_space<vmem>>, vector<16xf32>,
        tpu.vector_store %arg13[%swap3A_250, %swap3A_251], %broadcast_in_dim3A_1 {strides = array<i32>} : memref<16x272xf32, #tpu.memory_space<vmem>>, vector<16xf32>,
        %swap3A_253 = arith.index_cast %scan3A_207 : i32 to index
        %swap3A_254 = arith.constant 240 : index
        %swap3A_255 = tpu.vector_load %arg13[%swap3A_253, %swap3A_254] {strides = array<i32>} : memref<16x272xf32, #tpu.memory_space<vmem>>, vector<16xf32>,
        tpu.vector_store %arg13[%swap3A_253, %swap3A_254], %broadcast_in_dim3A_1 {strides = array<i32>} : memref<16x272xf32, #tpu.memory_space<vmem>>, vector<16xf32>,
        %swap3A_256 = arith.index_cast %scan3A_207 : i32 to index
        %swap3A_257 = arith.constant 256 : index
        %swap3A_258 = tpu.vector_load %arg13[%swap3A_256, %swap3A_257] {strides = array<i32>} : memref<16x272xf32, #tpu.memory_space<vmem>>, vector<16xf32>,
        tpu.vector_store %arg13[%swap3A_256, %swap3A_257], %broadcast_in_dim3A_1 {strides = array<i32>} : memref<16x272xf32, #tpu.memory_space<vmem>>, vector<16xf32>,
        %scan3A_259 = arith.constant 0 : i32
        scf.yield %scan3A_259 : i32
      }
      %scan3A_177 = arith.constant 16 : i32
      %scan3A_178 = arith.constant 0 : i32
      %scan3A_179 = arith.constant 0 : i32
      %scan3A_180 = arith.constant 25 : i32
      %scan3A_181 = arith.addi %scan3A_179, %scan3A_180 : i32
      %scan3A_182 = arith.constant 1 : i32
      %scan3A_183 = scf.for %scan3A_207 = %scan3A_179 to %scan3A_181 step %scan3A_182 iter_args(%scan3A_208 = %scan3A_178) -> (i32)  : i32 {
        %mul3A_209 = arith.constant 400 : i32
        %mul3A_210 = arith.muli %arg1, %mul3A_209 : i32
        %mul3A_211 = arith.constant 16 : i32
        %mul3A_212 = arith.muli %scan3A_207, %mul3A_211 : i32
        %add3A_213 = arith.addi %mul3A_210, %mul3A_212 : i32
        "tpu.region"() ({
          %run_scoped3A = tpu.sem_alloc : memref<!tpu.dma_semaphore, #tpu.memory_space<semaphore_mem>>
          %dma_start3A = arith.constant 0 : i32
          %dma_start3A_215 = tpu.memref_slice %arg15[%add3A_213, %dma_start3A] : memref<6400x272xf32, #tpu.memory_space<vmem_shared>> -> memref<16x272xf32, #tpu.memory_space<vmem_shared>>
          %dma_start3A_216 = arith.constant 0 : i32
          %dma_start3A_217 = tpu.memref_slice %arg15[%add3A_213, %dma_start3A_216] : memref<6400x272xf32, #tpu.memory_space<vmem_shared>> -> memref<16x272xf32, #tpu.memory_space<vmem_shared>>
          tpu.enqueue_dma source(%arg13 : memref<16x272xf32, #tpu.memory_space<vmem>>) target(%dma_start3A_217 : memref<16x272xf32, #tpu.memory_space<vmem_shared>>) target_semaphore(%run_scoped3A : memref<!tpu.dma_semaphore, #tpu.memory_space<semaphore_mem>>)
          %dma_wait3A = arith.constant 0 : i32
          %dma_wait3A_218 = tpu.memref_slice %arg15[%add3A_213, %dma_wait3A] : memref<6400x272xf32, #tpu.memory_space<vmem_shared>> -> memref<16x272xf32, #tpu.memory_space<vmem_shared>>
          %dma_wait3A_219 = arith.constant 0 : i32
          %dma_wait3A_220 = tpu.memref_slice %arg15[%add3A_213, %dma_wait3A_219] : memref<6400x272xf32, #tpu.memory_space<vmem_shared>> -> memref<16x272xf32, #tpu.memory_space<vmem_shared>>
          tpu.wait_dma2 semaphore(%run_scoped3A : memref<!tpu.dma_semaphore, #tpu.memory_space<semaphore_mem>>) src(%arg13 : memref<16x272xf32, #tpu.memory_space<vmem>>) dst(%dma_wait3A_220 : memref<16x272xf32, #tpu.memory_space<vmem_shared>>)
          tpu.yield
        }) : () -> ()
        %scan3A_214 = arith.constant 0 : i32
        scf.yield %scan3A_214 : i32
      }
      %scan3A_184 = arith.constant 25 : i32
      %mul3A_185 = arith.constant 400 : i32
      %mul3A_186 = arith.muli %arg1, %mul3A_185 : i32
      %add3A_187 = arith.addi %mul3A_170, %mul3A_186 : i32
      %mul3A_188 = arith.constant 400 : i32
      %mul3A_189 = arith.muli %arg1, %mul3A_188 : i32
      "tpu.region"() ({
        %run_scoped3A = tpu.sem_alloc : memref<!tpu.dma_semaphore, #tpu.memory_space<semaphore_mem>>
        %dma_start3A = arith.constant 0 : i32
        %dma_start3A_207 = tpu.memref_slice %arg16[%mul3A_189, %dma_start3A] : memref<6400x16xf32, #tpu.memory_space<vmem_shared>> -> memref<400x16xf32, #tpu.memory_space<vmem_shared>>
        %dma_start3A_208 = arith.constant 0 : i32
        %dma_start3A_209 = tpu.memref_slice %arg3[%add3A_187, %dma_start3A_208] : memref<51200x16xf32, #tpu.memory_space<hbm>> -> memref<400x16xf32, #tpu.memory_space<hbm>>
        tpu.enqueue_dma source(%dma_start3A_209 : memref<400x16xf32, #tpu.memory_space<hbm>>) target(%dma_start3A_207 : memref<400x16xf32, #tpu.memory_space<vmem_shared>>) target_semaphore(%run_scoped3A : memref<!tpu.dma_semaphore, #tpu.memory_space<semaphore_mem>>)
        %dma_wait3A = arith.constant 0 : i32
        %dma_wait3A_210 = tpu.memref_slice %arg16[%mul3A_189, %dma_wait3A] : memref<6400x16xf32, #tpu.memory_space<vmem_shared>> -> memref<400x16xf32, #tpu.memory_space<vmem_shared>>
        %dma_wait3A_211 = arith.constant 0 : i32
        %dma_wait3A_212 = tpu.memref_slice %arg3[%add3A_187, %dma_wait3A_211] : memref<51200x16xf32, #tpu.memory_space<hbm>> -> memref<400x16xf32, #tpu.memory_space<hbm>>
        tpu.wait_dma2 semaphore(%run_scoped3A : memref<!tpu.dma_semaphore, #tpu.memory_space<semaphore_mem>>) src(%dma_wait3A_212 : memref<400x16xf32, #tpu.memory_space<hbm>>) dst(%dma_wait3A_210 : memref<400x16xf32, #tpu.memory_space<vmem_shared>>)
        tpu.yield
      }) : () -> ()
      %barrier3A = arith.constant 0 : index
      tpu.barrier barrier_id(%barrier3A)
      %scan3A_190 = arith.constant 0 : i32
      %scan3A_191 = arith.constant 0 : i32
      %scan3A_192 = arith.constant 25 : i32
      %scan3A_193 = arith.addi %scan3A_191, %scan3A_192 : i32
      %scan3A_194 = arith.constant 1 : i32
      %scan3A_195 = scf.for %scan3A_207 = %scan3A_191 to %scan3A_193 step %scan3A_194 iter_args(%scan3A_208 = %scan3A_190) -> (i32)  : i32 {
        %mul3A_209 = arith.constant 2000 : i32
        %mul3A_210 = arith.muli %scan3A_207, %mul3A_209 : i32
        %add3A_211 = arith.addi %mul3A_0, %mul3A_210 : i32
        "tpu.region"() ({
          %run_scoped3A = tpu.sem_alloc : memref<!tpu.dma_semaphore, #tpu.memory_space<semaphore_mem>>
          %dma_start3A = arith.constant 0 : i32
          %dma_start3A_270 = tpu.memref_slice %arg8[%dma_start3A] : memref<2016xi32, #tpu.memory_space<vmem>> -> memref<2000xi32, #tpu.memory_space<vmem>>
          %dma_start3A_271 = tpu.memref_slice %arg4[%add3A_211] : memref<800000xi32, #tpu.memory_space<hbm>> -> memref<2000xi32, #tpu.memory_space<hbm>>
          %dma_start3A_272 = arith.constant 0 : i32
          %dma_start3A_273 = tpu.memref_slice %arg8[%dma_start3A_272] : memref<2016xi32, #tpu.memory_space<vmem>> -> memref<2000xi32, #tpu.memory_space<vmem>>
          %dma_start3A_274 = tpu.memref_slice %arg4[%add3A_211] : memref<800000xi32, #tpu.memory_space<hbm>> -> memref<2000xi32, #tpu.memory_space<hbm>>
          tpu.enqueue_dma source(%dma_start3A_274 : memref<2000xi32, #tpu.memory_space<hbm>>) target(%dma_start3A_273 : memref<2000xi32, #tpu.memory_space<vmem>>) target_semaphore(%run_scoped3A : memref<!tpu.dma_semaphore, #tpu.memory_space<semaphore_mem>>)
          %dma_wait3A = arith.constant 0 : i32
          %dma_wait3A_275 = tpu.memref_slice %arg8[%dma_wait3A] : memref<2016xi32, #tpu.memory_space<vmem>> -> memref<2000xi32, #tpu.memory_space<vmem>>
          %dma_wait3A_276 = tpu.memref_slice %arg4[%add3A_211] : memref<800000xi32, #tpu.memory_space<hbm>> -> memref<2000xi32, #tpu.memory_space<hbm>>
          %dma_wait3A_277 = arith.constant 0 : i32
          %dma_wait3A_278 = tpu.memref_slice %arg8[%dma_wait3A_277] : memref<2016xi32, #tpu.memory_space<vmem>> -> memref<2000xi32, #tpu.memory_space<vmem>>
          %dma_wait3A_279 = tpu.memref_slice %arg4[%add3A_211] : memref<800000xi32, #tpu.memory_space<hbm>> -> memref<2000xi32, #tpu.memory_space<hbm>>
          tpu.wait_dma2 semaphore(%run_scoped3A : memref<!tpu.dma_semaphore, #tpu.memory_space<semaphore_mem>>) src(%dma_wait3A_279 : memref<2000xi32, #tpu.memory_space<hbm>>) dst(%dma_wait3A_278 : memref<2000xi32, #tpu.memory_space<vmem>>)
          tpu.yield
        }) : () -> ()
        "tpu.region"() ({
          %run_scoped3A = tpu.sem_alloc : memref<!tpu.dma_semaphore, #tpu.memory_space<semaphore_mem>>
          %dma_start3A = arith.constant 0 : i32
          %dma_start3A_270 = tpu.memref_slice %arg9[%dma_start3A] : memref<2016xi32, #tpu.memory_space<vmem>> -> memref<2000xi32, #tpu.memory_space<vmem>>
          %dma_start3A_271 = tpu.memref_slice %arg5[%add3A_211] : memref<800000xi32, #tpu.memory_space<hbm>> -> memref<2000xi32, #tpu.memory_space<hbm>>
          %dma_start3A_272 = arith.constant 0 : i32
          %dma_start3A_273 = tpu.memref_slice %arg9[%dma_start3A_272] : memref<2016xi32, #tpu.memory_space<vmem>> -> memref<2000xi32, #tpu.memory_space<vmem>>
          %dma_start3A_274 = tpu.memref_slice %arg5[%add3A_211] : memref<800000xi32, #tpu.memory_space<hbm>> -> memref<2000xi32, #tpu.memory_space<hbm>>
          tpu.enqueue_dma source(%dma_start3A_274 : memref<2000xi32, #tpu.memory_space<hbm>>) target(%dma_start3A_273 : memref<2000xi32, #tpu.memory_space<vmem>>) target_semaphore(%run_scoped3A : memref<!tpu.dma_semaphore, #tpu.memory_space<semaphore_mem>>)
          %dma_wait3A = arith.constant 0 : i32
          %dma_wait3A_275 = tpu.memref_slice %arg9[%dma_wait3A] : memref<2016xi32, #tpu.memory_space<vmem>> -> memref<2000xi32, #tpu.memory_space<vmem>>
          %dma_wait3A_276 = tpu.memref_slice %arg5[%add3A_211] : memref<800000xi32, #tpu.memory_space<hbm>> -> memref<2000xi32, #tpu.memory_space<hbm>>
          %dma_wait3A_277 = arith.constant 0 : i32
          %dma_wait3A_278 = tpu.memref_slice %arg9[%dma_wait3A_277] : memref<2016xi32, #tpu.memory_space<vmem>> -> memref<2000xi32, #tpu.memory_space<vmem>>
          %dma_wait3A_279 = tpu.memref_slice %arg5[%add3A_211] : memref<800000xi32, #tpu.memory_space<hbm>> -> memref<2000xi32, #tpu.memory_space<hbm>>
          tpu.wait_dma2 semaphore(%run_scoped3A : memref<!tpu.dma_semaphore, #tpu.memory_space<semaphore_mem>>) src(%dma_wait3A_279 : memref<2000xi32, #tpu.memory_space<hbm>>) dst(%dma_wait3A_278 : memref<2000xi32, #tpu.memory_space<vmem>>)
          tpu.yield
        }) : () -> ()
        %broadcast_in_dim3A_212 = arith.constant 0 : i32
        %broadcast_in_dim3A_213 = vector.broadcast %broadcast_in_dim3A_212 : i32 to vector<16xi32>
        %swap3A = arith.constant 2000 : index
        %swap3A_214 = tpu.vector_load %arg8[%swap3A] {strides = array<i32>} : memref<2016xi32, #tpu.memory_space<vmem>>, vector<16xi32>,
        tpu.vector_store %arg8[%swap3A], %broadcast_in_dim3A_213 {strides = array<i32>} : memref<2016xi32, #tpu.memory_space<vmem>>, vector<16xi32>,
        %broadcast_in_dim3A_215 = vector.broadcast %mul3A_170 : i32 to vector<16xi32>
        %swap3A_216 = arith.constant 2000 : index
        %swap3A_217 = tpu.vector_load %arg9[%swap3A_216] {strides = array<i32>} : memref<2016xi32, #tpu.memory_space<vmem>>, vector<16xi32>,
        tpu.vector_store %arg9[%swap3A_216], %broadcast_in_dim3A_215 {strides = array<i32>} : memref<2016xi32, #tpu.memory_space<vmem>>, vector<16xi32>,
        %scan3A_218 = arith.constant 0 : i32
        %scan3A_219 = arith.constant 0 : i32
        %scan3A_220 = arith.constant 125 : i32
        %scan3A_221 = arith.addi %scan3A_219, %scan3A_220 : i32
        %scan3A_222 = arith.constant 1 : i32
        %scan3A_223 = scf.for %scan3A_270 = %scan3A_219 to %scan3A_221 step %scan3A_222 iter_args(%scan3A_271 = %scan3A_218) -> (i32)  : i32 {
          %mul3A_272 = arith.constant 16 : i32
          %mul3A_273 = arith.muli %scan3A_270, %mul3A_272 : i32
          %get3A = arith.index_cast %mul3A_273 : i32 to index
          %get3A_274 = tpu.vector_load %arg9[%get3A] {strides = array<i32>} : memref<2016xi32, #tpu.memory_space<vmem>>, vector<16xi32>,
          %ge3A = vector.broadcast %mul3A_170 : i32 to vector<16xi32>
          %ge3A_275 = arith.cmpi sge, %get3A_274, %ge3A : vector<16xi32>
          %add3A_276 = arith.constant 6400 : i32
          %add3A_277 = arith.addi %mul3A_170, %add3A_276 : i32
          %lt3A_278 = vector.broadcast %add3A_277 : i32 to vector<16xi32>
          %lt3A_279 = arith.cmpi slt, %get3A_274, %lt3A_278 : vector<16xi32>
          %and3A_280 = arith.andi %ge3A_275, %lt3A_279 : vector<16xi1>
          %jit3A_281 = arith.constant 0 : i32
          %jit3A_282 = arith.constant 1 : i32
          %broadcast_in_dim3A_283 = vector.broadcast %jit3A_281 : i32 to vector<16xi32>
          %broadcast_in_dim3A_284 = vector.broadcast %jit3A_282 : i32 to vector<16xi32>
          %select_n3A_285 = arith.select %and3A_280, %broadcast_in_dim3A_283, %broadcast_in_dim3A_284 : vector<16xi1>, vector<16xi32>
          %mul3A_286 = arith.constant 16 : i32
          %mul3A_287 = arith.muli %scan3A_270, %mul3A_286 : i32
          %add3A_288 = vector.broadcast %mul3A_287 : i32 to vector<16xi32>
          %add3A_289 = arith.addi %add3A_288, %iota3A : vector<16xi32>
          %masked_sort3A = arith.constant dense<true> : vector<16xi1>
          %masked_sort3A_290 = arith.constant -2147483648 : i32
          %masked_sort3A_291 = vector.broadcast %masked_sort3A_290 : i32 to vector<16xi32>
          %masked_sort3A_292 = arith.xori %select_n3A_285, %masked_sort3A_291 : vector<16xi32>
          %masked_sort3A_293, %masked_sort3A_294, %masked_sort3A_295 = tpu.sort %masked_sort3A_292, %add3A_289 masked %masked_sort3A : (vector<16xi32>, vector<16xi32>, vector<16xi1>) -> (vector<16xi1>, vector<16xi32>, vector<16xi32>)
          %masked_sort3A_296 = arith.xori %masked_sort3A_294, %masked_sort3A_291 : vector<16xi32>
          %swap3A_297 = arith.index_cast %scan3A_271 : i32 to index
          %swap3A_298 = tpu.vector_load %arg10[%swap3A_297] {strides = array<i32>} : memref<2064xi32, #tpu.memory_space<vmem>>, vector<16xi32>,
          tpu.vector_store %arg10[%swap3A_297], %masked_sort3A_295 {strides = array<i32>} : memref<2064xi32, #tpu.memory_space<vmem>>, vector<16xi32>,
          %convert_element_type3A_299 = arith.extui %and3A_280 : vector<16xi1> to vector<16xi32>
          %reduce_sum3A = arith.constant true
          %reduce_sum3A_300 = vector.broadcast %reduce_sum3A : i1 to vector<16xi1>
          %reduce_sum3A_301 = tpu.scan <sum>, %convert_element_type3A_299 masked %reduce_sum3A_300 : vector<16xi32>, vector<16xi1> -> vector<16xi32>
          %reduce_sum3A_302 = vector.extract %reduce_sum3A_301[15] : i32 from vector<16xi32>
          %add3A_303 = arith.addi %scan3A_271, %reduce_sum3A_302 : i32
          scf.yield %add3A_303 : i32
        }
        %scan3A_224 = arith.constant 125 : i32
        %add3A_225 = arith.constant 15 : i32
        %add3A_226 = arith.addi %scan3A_223, %add3A_225 : i32
        %jit3A_227 = arith.constant 16 : i32
        %div3A_228 = arith.divsi %add3A_226, %jit3A_227 : i32
        %sign3A_229 = arith.constant 0 : i32
        %sign3A_230 = arith.cmpi sgt, %add3A_226, %sign3A_229 : i32
        %sign3A_231 = arith.extui %sign3A_230 : i1 to i32
        %sign3A_232 = arith.constant 0 : i32
        %sign3A_233 = arith.cmpi slt, %add3A_226, %sign3A_232 : i32
        %sign3A_234 = arith.extui %sign3A_233 : i1 to i32
        %sign3A_235 = arith.subi %sign3A_231, %sign3A_234 : i32
        %sign3A_236 = arith.constant 0 : i32
        %sign3A_237 = arith.cmpi sgt, %jit3A_227, %sign3A_236 : i32
        %sign3A_238 = arith.extui %sign3A_237 : i1 to i32
        %sign3A_239 = arith.constant 0 : i32
        %sign3A_240 = arith.cmpi slt, %jit3A_227, %sign3A_239 : i32
        %sign3A_241 = arith.extui %sign3A_240 : i1 to i32
        %sign3A_242 = arith.subi %sign3A_238, %sign3A_241 : i32
        %ne3A_243 = arith.cmpi ne, %sign3A_235, %sign3A_242 : i32
        %rem3A_244 = arith.remsi %add3A_226, %jit3A_227 : i32
        %ne3A_245 = arith.constant 0 : i32
        %ne3A_246 = arith.cmpi ne, %rem3A_244, %ne3A_245 : i32
        %and3A_247 = arith.andi %ne3A_243, %ne3A_246 : i1
        %sub3A_248 = arith.constant 1 : i32
        %sub3A_249 = arith.subi %div3A_228, %sub3A_248 : i32
        %select_n3A_250 = arith.select %and3A_247, %sub3A_249, %div3A_228 : i32
        %gt3A = arith.constant 0 : i32
        %gt3A_251 = arith.cmpi sgt, %scan3A_223, %gt3A : i32
        %convert_element_type3A = arith.extui %gt3A_251 : i1 to i32
        %cond3A = arith.constant 0 : i32
        %cond3A_252 = arith.cmpi ne, %convert_element_type3A, %cond3A : i32
        scf.if %cond3A_252 {
          %sub3A_270 = arith.constant 1 : i32
          %sub3A_271 = arith.subi %select_n3A_250, %sub3A_270 : i32
          %mul3A_272 = arith.constant 16 : i32
          %mul3A_273 = arith.muli %sub3A_271, %mul3A_272 : i32
          %get3A = arith.index_cast %mul3A_273 : i32 to index
          %get3A_274 = tpu.vector_load %arg10[%get3A] {strides = array<i32>} : memref<2064xi32, #tpu.memory_space<vmem>>, vector<16xi32>,
          %sub3A_275 = arith.subi %scan3A_223, %mul3A_273 : i32
          %lt3A_276 = vector.broadcast %sub3A_275 : i32 to vector<16xi32>
          %lt3A_277 = arith.cmpi slt, %iota3A, %lt3A_276 : vector<16xi32>
          %jit3A_278 = arith.constant 2000 : i32
          %broadcast_in_dim3A_279 = vector.broadcast %jit3A_278 : i32 to vector<16xi32>
          %select_n3A_280 = arith.select %lt3A_277, %get3A_274, %broadcast_in_dim3A_279 : vector<16xi1>, vector<16xi32>
          %swap3A_281 = arith.index_cast %mul3A_273 : i32 to index
          %swap3A_282 = tpu.vector_load %arg10[%swap3A_281] {strides = array<i32>} : memref<2064xi32, #tpu.memory_space<vmem>>, vector<16xi32>,
          tpu.vector_store %arg10[%swap3A_281], %select_n3A_280 {strides = array<i32>} : memref<2064xi32, #tpu.memory_space<vmem>>, vector<16xi32>,
        } else {
        }
        %while3A = arith.constant 0 : i32
        %while3A_253 = arith.constant 0 : i32
        %while3A_254 = arith.subi %select_n3A_250, %while3A : i32
        %while3A_255 = arith.addi %while3A, %while3A_254 : i32
        %while3A_256 = arith.constant 1 : i32
        %while3A_257 = arith.divsi %while3A_254, %while3A_256 : i32
        %while3A_258 = arith.muli %while3A_257, %while3A_256 : i32
        %while3A_259 = arith.addi %while3A, %while3A_258 : i32
        %while3A_260 = arith.constant 1 : i32
        %while3A_261 = scf.for %while3A_270 = %while3A to %while3A_259 step %while3A_260 iter_args(%while3A_271 = %while3A_253) -> (i32)  : i32 {
          %mul3A_272 = arith.constant 16 : i32
          %mul3A_273 = arith.muli %while3A_270, %mul3A_272 : i32
          %get3A = arith.index_cast %mul3A_273 : i32 to index
          %get3A_274 = tpu.vector_load %arg10[%get3A] {strides = array<i32>} : memref<2064xi32, #tpu.memory_space<vmem>>, vector<16xi32>,
          %gather3A = tpu.vector_load_idx %arg8[%get3A_274] : memref<2016xi32, #tpu.memory_space<vmem>>[vector<16xi32>], vector<16xi32>,
          %gather3A_275 = tpu.vector_load_idx %arg9[%get3A_274] : memref<2016xi32, #tpu.memory_space<vmem>>[vector<16xi32>], vector<16xi32>,
          %sub3A_276 = vector.broadcast %mul3A_170 : i32 to vector<16xi32>
          %sub3A_277 = arith.subi %gather3A_275, %sub3A_276 : vector<16xi32>
          %gt3A_278 = arith.constant 0 : i32
          %gt3A_279 = arith.cmpi sgt, %while3A_270, %gt3A_278 : i32
          %convert_element_type3A_280 = arith.extui %gt3A_279 : i1 to i32
          %cond3A_281 = arith.constant 0 : i32
          %cond3A_282 = arith.cmpi ne, %convert_element_type3A_280, %cond3A_281 : i32
          scf.if %cond3A_282 {
            %dma_wait3A_427 = arith.constant 0 : i32
            %dma_wait3A_428 = arith.constant 0 : i32
            %dma_wait3A_429 = tpu.memref_slice %arg15[%dma_wait3A_427, %dma_wait3A_428] : memref<6400x272xf32, #tpu.memory_space<vmem_shared>> -> memref<16x272xf32, #tpu.memory_space<vmem_shared>>
            %dma_wait3A_430 = arith.constant 0 : i32
            %dma_wait3A_431 = arith.constant 0 : i32
            %dma_wait3A_432 = tpu.memref_slice %arg15[%dma_wait3A_430, %dma_wait3A_431] : memref<6400x272xf32, #tpu.memory_space<vmem_shared>> -> memref<16x272xf32, #tpu.memory_space<vmem_shared>>
            tpu.wait_dma2 semaphore(%arg19 : memref<!tpu.dma_semaphore, #tpu.memory_space<semaphore_mem>>) src(%arg11 : memref<16x272xf32, #tpu.memory_space<vmem>>) dst(%dma_wait3A_432 : memref<16x272xf32, #tpu.memory_space<vmem_shared>>)
          } else {
          }
          %dma_start3A = arith.constant 0 : i32
          %dma_start3A_283 = arith.constant 0 : i32
          %dma_start3A_284 = tpu.memref_slice %arg2[%dma_start3A, %dma_start3A_283] : memref<51200x272xf32, #tpu.memory_space<hbm>> -> memref<51200x272xf32, #tpu.memory_space<hbm>>
          tpu.enqueue_indirect_dma source(%dma_start3A_284 : memref<51200x272xf32, #tpu.memory_space<hbm>>) target(%arg11 : memref<16x272xf32, #tpu.memory_space<vmem>>) offsets(%gather3A : vector<16xi32>) semaphore(%arg17 : memref<!tpu.dma_semaphore, #tpu.memory_space<semaphore_mem>>)
          %dma_start3A_285 = arith.constant 0 : i32
          %dma_start3A_286 = arith.constant 0 : i32
          %dma_start3A_287 = tpu.memref_slice %arg16[%dma_start3A_285, %dma_start3A_286] : memref<6400x16xf32, #tpu.memory_space<vmem_shared>> -> memref<6400x16xf32, #tpu.memory_space<vmem_shared>>
          tpu.enqueue_indirect_dma source(%dma_start3A_287 : memref<6400x16xf32, #tpu.memory_space<vmem_shared>>) target(%arg12 : memref<16x16xf32, #tpu.memory_space<vmem>>) offsets(%sub3A_277 : vector<16xi32>) semaphore(%arg18 : memref<!tpu.dma_semaphore, #tpu.memory_space<semaphore_mem>>)
          %dma_wait3A = arith.constant 0 : i32
          %dma_wait3A_288 = arith.constant 0 : i32
          %dma_wait3A_289 = tpu.memref_slice %arg16[%dma_wait3A, %dma_wait3A_288] : memref<6400x16xf32, #tpu.memory_space<vmem_shared>> -> memref<6400x16xf32, #tpu.memory_space<vmem_shared>>
          tpu.wait_indirect_dma semaphore(%arg18 : memref<!tpu.dma_semaphore, #tpu.memory_space<semaphore_mem>>) src(%dma_wait3A_289 : memref<6400x16xf32, #tpu.memory_space<vmem_shared>>) dst(%arg12 : memref<16x16xf32, #tpu.memory_space<vmem>>)
          %dma_wait3A_290 = arith.constant 0 : i32
          %dma_wait3A_291 = arith.constant 0 : i32
          %dma_wait3A_292 = tpu.memref_slice %arg2[%dma_wait3A_290, %dma_wait3A_291] : memref<51200x272xf32, #tpu.memory_space<hbm>> -> memref<51200x272xf32, #tpu.memory_space<hbm>>
          tpu.wait_indirect_dma semaphore(%arg17 : memref<!tpu.dma_semaphore, #tpu.memory_space<semaphore_mem>>) src(%dma_wait3A_292 : memref<51200x272xf32, #tpu.memory_space<hbm>>) dst(%arg11 : memref<16x272xf32, #tpu.memory_space<vmem>>)
          %add3A_293 = arith.constant 256 : i32
          %add3A_294 = vector.broadcast %add3A_293 : i32 to vector<16xi32>
          %add3A_295 = arith.addi %add3A_294, %select_n3A_150 : vector<16xi32>
          %gather3A_296 = tpu.vector_load_idx %arg11[%add3A_28, %add3A_295] : memref<16x272xf32, #tpu.memory_space<vmem>>[vector<16xi32>, vector<16xi32>], vector<16xf32>,
          %add3A_297 = arith.constant 8 : i32
          %add3A_298 = vector.broadcast %add3A_297 : i32 to vector<16xi32>
          %add3A_299 = arith.addi %add3A_298, %select_n3A_150 : vector<16xi32>
          %gather3A_300 = tpu.vector_load_idx %arg12[%add3A_28, %add3A_299] : memref<16x16xf32, #tpu.memory_space<vmem>>[vector<16xi32>, vector<16xi32>], vector<16xf32>,
          %add3A_301 = arith.addf %gather3A_296, %gather3A_300 : vector<16xf32>
          %gt3A_302 = arith.constant 0.000000e+00 : f32
          %gt3A_303 = vector.broadcast %gt3A_302 : f32 to vector<16xf32>
          %gt3A_304 = arith.cmpf ogt, %add3A_301, %gt3A_303 : vector<16xf32>
          %mul3A_305 = arith.constant 2.000000e-01 : f32
          %mul3A_306 = vector.broadcast %mul3A_305 : f32 to vector<16xf32>
          %mul3A_307 = arith.mulf %mul3A_306, %add3A_301 : vector<16xf32>
          %select_n3A_308 = arith.select %gt3A_304, %add3A_301, %mul3A_307 : vector<16xi1>, vector<16xf32>
          %exp3A = math.exp %select_n3A_308 : vector<16xf32>
          %mul3A_309 = arith.constant 16 : i32
          %mul3A_310 = arith.muli %while3A_270, %mul3A_309 : i32
          %add3A_311 = vector.broadcast %mul3A_310 : i32 to vector<16xi32>
          %add3A_312 = arith.addi %add3A_311, %add3A_28 : vector<16xi32>
          %gather3A_313 = tpu.vector_load_idx %arg10[%add3A_312] : memref<2064xi32, #tpu.memory_space<vmem>>[vector<16xi32>], vector<16xi32>,
          %ne3A_314 = arith.constant 2000 : i32
          %ne3A_315 = vector.broadcast %ne3A_314 : i32 to vector<16xi32>
          %ne3A_316 = arith.cmpi ne, %gather3A_313, %ne3A_315 : vector<16xi32>
          %jit3A_317 = arith.constant 0.000000e+00 : f32
          %broadcast_in_dim3A_318 = vector.broadcast %jit3A_317 : f32 to vector<16xf32>
          %select_n3A_319 = arith.select %ne3A_316, %exp3A, %broadcast_in_dim3A_318 : vector<16xi1>, vector<16xf32>
          %add3A_320 = arith.constant 256 : i32
          %add3A_321 = vector.broadcast %add3A_320 : i32 to vector<16xi32>
          %add3A_322 = arith.addi %add3A_321, %select_n3A_150 : vector<16xi32>
          tpu.vector_store_idx %arg11[%add3A_28, %add3A_322], %select_n3A_319 : memref<16x272xf32, #tpu.memory_space<vmem>>[vector<16xi32>, vector<16xi32>], vector<16xf32>,
          %add3A_323 = arith.constant 256 : i32
          %add3A_324 = vector.broadcast %add3A_323 : i32 to vector<16xi32>
          %add3A_325 = arith.addi %add3A_324, %select_n3A_150 : vector<16xi32>
          %gather3A_326 = tpu.vector_load_idx %arg11[%add3A_62, %add3A_325] : memref<16x272xf32, #tpu.memory_space<vmem>>[vector<16xi32>, vector<16xi32>], vector<16xf32>,
          %add3A_327 = arith.constant 8 : i32
          %add3A_328 = vector.broadcast %add3A_327 : i32 to vector<16xi32>
          %add3A_329 = arith.addi %add3A_328, %select_n3A_150 : vector<16xi32>
          %gather3A_330 = tpu.vector_load_idx %arg12[%add3A_62, %add3A_329] : memref<16x16xf32, #tpu.memory_space<vmem>>[vector<16xi32>, vector<16xi32>], vector<16xf32>,
          %add3A_331 = arith.addf %gather3A_326, %gather3A_330 : vector<16xf32>
          %gt3A_332 = arith.constant 0.000000e+00 : f32
          %gt3A_333 = vector.broadcast %gt3A_332 : f32 to vector<16xf32>
          %gt3A_334 = arith.cmpf ogt, %add3A_331, %gt3A_333 : vector<16xf32>
          %mul3A_335 = arith.constant 2.000000e-01 : f32
          %mul3A_336 = vector.broadcast %mul3A_335 : f32 to vector<16xf32>
          %mul3A_337 = arith.mulf %mul3A_336, %add3A_331 : vector<16xf32>
          %select_n3A_338 = arith.select %gt3A_334, %add3A_331, %mul3A_337 : vector<16xi1>, vector<16xf32>
          %exp3A_339 = math.exp %select_n3A_338 : vector<16xf32>
          %mul3A_340 = arith.constant 16 : i32
          %mul3A_341 = arith.muli %while3A_270, %mul3A_340 : i32
          %add3A_342 = vector.broadcast %mul3A_341 : i32 to vector<16xi32>
          %add3A_343 = arith.addi %add3A_342, %add3A_62 : vector<16xi32>
          %gather3A_344 = tpu.vector_load_idx %arg10[%add3A_343] : memref<2064xi32, #tpu.memory_space<vmem>>[vector<16xi32>], vector<16xi32>,
          %ne3A_345 = arith.constant 2000 : i32
          %ne3A_346 = vector.broadcast %ne3A_345 : i32 to vector<16xi32>
          %ne3A_347 = arith.cmpi ne, %gather3A_344, %ne3A_346 : vector<16xi32>
          %jit3A_348 = arith.constant 0.000000e+00 : f32
          %broadcast_in_dim3A_349 = vector.broadcast %jit3A_348 : f32 to vector<16xf32>
          %select_n3A_350 = arith.select %ne3A_347, %exp3A_339, %broadcast_in_dim3A_349 : vector<16xi1>, vector<16xf32>
          %add3A_351 = arith.constant 256 : i32
          %add3A_352 = vector.broadcast %add3A_351 : i32 to vector<16xi32>
          %add3A_353 = arith.addi %add3A_352, %select_n3A_150 : vector<16xi32>
          tpu.vector_store_idx %arg11[%add3A_62, %add3A_353], %select_n3A_350 : memref<16x272xf32, #tpu.memory_space<vmem>>[vector<16xi32>, vector<16xi32>], vector<16xf32>,
          %add3A_354 = arith.constant 256 : i32
          %add3A_355 = vector.broadcast %add3A_354 : i32 to vector<16xi32>
          %add3A_356 = arith.addi %add3A_355, %select_n3A_150 : vector<16xi32>
          %gather3A_357 = tpu.vector_load_idx %arg11[%add3A_96, %add3A_356] : memref<16x272xf32, #tpu.memory_space<vmem>>[vector<16xi32>, vector<16xi32>], vector<16xf32>,
          %add3A_358 = arith.constant 8 : i32
          %add3A_359 = vector.broadcast %add3A_358 : i32 to vector<16xi32>
          %add3A_360 = arith.addi %add3A_359, %select_n3A_150 : vector<16xi32>
          %gather3A_361 = tpu.vector_load_idx %arg12[%add3A_96, %add3A_360] : memref<16x16xf32, #tpu.memory_space<vmem>>[vector<16xi32>, vector<16xi32>], vector<16xf32>,
          %add3A_362 = arith.addf %gather3A_357, %gather3A_361 : vector<16xf32>
          %gt3A_363 = arith.constant 0.000000e+00 : f32
          %gt3A_364 = vector.broadcast %gt3A_363 : f32 to vector<16xf32>
          %gt3A_365 = arith.cmpf ogt, %add3A_362, %gt3A_364 : vector<16xf32>
          %mul3A_366 = arith.constant 2.000000e-01 : f32
          %mul3A_367 = vector.broadcast %mul3A_366 : f32 to vector<16xf32>
          %mul3A_368 = arith.mulf %mul3A_367, %add3A_362 : vector<16xf32>
          %select_n3A_369 = arith.select %gt3A_365, %add3A_362, %mul3A_368 : vector<16xi1>, vector<16xf32>
          %exp3A_370 = math.exp %select_n3A_369 : vector<16xf32>
          %mul3A_371 = arith.constant 16 : i32
          %mul3A_372 = arith.muli %while3A_270, %mul3A_371 : i32
          %add3A_373 = vector.broadcast %mul3A_372 : i32 to vector<16xi32>
          %add3A_374 = arith.addi %add3A_373, %add3A_96 : vector<16xi32>
          %gather3A_375 = tpu.vector_load_idx %arg10[%add3A_374] : memref<2064xi32, #tpu.memory_space<vmem>>[vector<16xi32>], vector<16xi32>,
          %ne3A_376 = arith.constant 2000 : i32
          %ne3A_377 = vector.broadcast %ne3A_376 : i32 to vector<16xi32>
          %ne3A_378 = arith.cmpi ne, %gather3A_375, %ne3A_377 : vector<16xi32>
          %jit3A_379 = arith.constant 0.000000e+00 : f32
          %broadcast_in_dim3A_380 = vector.broadcast %jit3A_379 : f32 to vector<16xf32>
          %select_n3A_381 = arith.select %ne3A_378, %exp3A_370, %broadcast_in_dim3A_380 : vector<16xi1>, vector<16xf32>
          %add3A_382 = arith.constant 256 : i32
          %add3A_383 = vector.broadcast %add3A_382 : i32 to vector<16xi32>
          %add3A_384 = arith.addi %add3A_383, %select_n3A_150 : vector<16xi32>
          tpu.vector_store_idx %arg11[%add3A_96, %add3A_384], %select_n3A_381 : memref<16x272xf32, #tpu.memory_space<vmem>>[vector<16xi32>, vector<16xi32>], vector<16xf32>,
          %add3A_385 = arith.constant 256 : i32
          %add3A_386 = vector.broadcast %add3A_385 : i32 to vector<16xi32>
          %add3A_387 = arith.addi %add3A_386, %select_n3A_150 : vector<16xi32>
          %gather3A_388 = tpu.vector_load_idx %arg11[%add3A_130, %add3A_387] : memref<16x272xf32, #tpu.memory_space<vmem>>[vector<16xi32>, vector<16xi32>], vector<16xf32>,
          %add3A_389 = arith.constant 8 : i32
          %add3A_390 = vector.broadcast %add3A_389 : i32 to vector<16xi32>
          %add3A_391 = arith.addi %add3A_390, %select_n3A_150 : vector<16xi32>
          %gather3A_392 = tpu.vector_load_idx %arg12[%add3A_130, %add3A_391] : memref<16x16xf32, #tpu.memory_space<vmem>>[vector<16xi32>, vector<16xi32>], vector<16xf32>,
          %add3A_393 = arith.addf %gather3A_388, %gather3A_392 : vector<16xf32>
          %gt3A_394 = arith.constant 0.000000e+00 : f32
          %gt3A_395 = vector.broadcast %gt3A_394 : f32 to vector<16xf32>
          %gt3A_396 = arith.cmpf ogt, %add3A_393, %gt3A_395 : vector<16xf32>
          %mul3A_397 = arith.constant 2.000000e-01 : f32
          %mul3A_398 = vector.broadcast %mul3A_397 : f32 to vector<16xf32>
          %mul3A_399 = arith.mulf %mul3A_398, %add3A_393 : vector<16xf32>
          %select_n3A_400 = arith.select %gt3A_396, %add3A_393, %mul3A_399 : vector<16xi1>, vector<16xf32>
          %exp3A_401 = math.exp %select_n3A_400 : vector<16xf32>
          %mul3A_402 = arith.constant 16 : i32
          %mul3A_403 = arith.muli %while3A_270, %mul3A_402 : i32
          %add3A_404 = vector.broadcast %mul3A_403 : i32 to vector<16xi32>
          %add3A_405 = arith.addi %add3A_404, %add3A_130 : vector<16xi32>
          %gather3A_406 = tpu.vector_load_idx %arg10[%add3A_405] : memref<2064xi32, #tpu.memory_space<vmem>>[vector<16xi32>], vector<16xi32>,
          %ne3A_407 = arith.constant 2000 : i32
          %ne3A_408 = vector.broadcast %ne3A_407 : i32 to vector<16xi32>
          %ne3A_409 = arith.cmpi ne, %gather3A_406, %ne3A_408 : vector<16xi32>
          %jit3A_410 = arith.constant 0.000000e+00 : f32
          %broadcast_in_dim3A_411 = vector.broadcast %jit3A_410 : f32 to vector<16xf32>
          %select_n3A_412 = arith.select %ne3A_409, %exp3A_401, %broadcast_in_dim3A_411 : vector<16xi1>, vector<16xf32>
          %add3A_413 = arith.constant 256 : i32
          %add3A_414 = vector.broadcast %add3A_413 : i32 to vector<16xi32>
          %add3A_415 = arith.addi %add3A_414, %select_n3A_150 : vector<16xi32>
          tpu.vector_store_idx %arg11[%add3A_130, %add3A_415], %select_n3A_412 : memref<16x272xf32, #tpu.memory_space<vmem>>[vector<16xi32>, vector<16xi32>], vector<16xf32>,
          %scan3A_416 = arith.constant 0 : i32
          %scan3A_417 = arith.constant 0 : i32
          %scan3A_418 = arith.constant 16 : i32
          %scan3A_419 = arith.addi %scan3A_417, %scan3A_418 : i32
          %scan3A_420 = arith.constant 1 : i32
          %scan3A_421 = scf.for %scan3A_427 = %scan3A_417 to %scan3A_419 step %scan3A_420 iter_args(%scan3A_428 = %scan3A_416) -> (i32)  : i32 {
            %get3A_429 = arith.index_cast %scan3A_427 : i32 to index
            %get3A_430 = arith.constant 256 : index
            %get3A_431 = tpu.vector_load %arg11[%get3A_429, %get3A_430] {strides = array<i32>} : memref<16x272xf32, #tpu.memory_space<vmem>>, vector<16xf32>,
            %slice3A = vector.extract_strided_slice %get3A_431 {offsets = [0], sizes = [1], strides = [1]} : vector<16xf32> to vector<1xf32>
            %squeeze3A = vector.extract %slice3A[0] : f32 from vector<1xf32>
            %get3A_432 = arith.index_cast %scan3A_427 : i32 to index
            %get3A_433 = arith.constant 0 : index
            %get3A_434 = tpu.vector_load %arg11[%get3A_432, %get3A_433] {strides = array<i32>} : memref<16x272xf32, #tpu.memory_space<vmem>>, vector<16xf32>,
            %mul3A_435 = vector.broadcast %squeeze3A : f32 to vector<16xf32>
            %mul3A_436 = arith.mulf %get3A_434, %mul3A_435 : vector<16xf32>
            %swap3A_437 = arith.index_cast %scan3A_427 : i32 to index
            %swap3A_438 = arith.constant 0 : index
            %swap3A_439 = tpu.vector_load %arg11[%swap3A_437, %swap3A_438] {strides = array<i32>} : memref<16x272xf32, #tpu.memory_space<vmem>>, vector<16xf32>,
            tpu.vector_store %arg11[%swap3A_437, %swap3A_438], %mul3A_436 {strides = array<i32>} : memref<16x272xf32, #tpu.memory_space<vmem>>, vector<16xf32>,
            %get3A_440 = arith.index_cast %scan3A_427 : i32 to index
            %get3A_441 = arith.constant 16 : index
            %get3A_442 = tpu.vector_load %arg11[%get3A_440, %get3A_441] {strides = array<i32>} : memref<16x272xf32, #tpu.memory_space<vmem>>, vector<16xf32>,
            %mul3A_443 = vector.broadcast %squeeze3A : f32 to vector<16xf32>
            %mul3A_444 = arith.mulf %get3A_442, %mul3A_443 : vector<16xf32>
            %swap3A_445 = arith.index_cast %scan3A_427 : i32 to index
            %swap3A_446 = arith.constant 16 : index
            %swap3A_447 = tpu.vector_load %arg11[%swap3A_445, %swap3A_446] {strides = array<i32>} : memref<16x272xf32, #tpu.memory_space<vmem>>, vector<16xf32>,
            tpu.vector_store %arg11[%swap3A_445, %swap3A_446], %mul3A_444 {strides = array<i32>} : memref<16x272xf32, #tpu.memory_space<vmem>>, vector<16xf32>,
            %get3A_448 = arith.index_cast %scan3A_427 : i32 to index
            %get3A_449 = arith.constant 32 : index
            %get3A_450 = tpu.vector_load %arg11[%get3A_448, %get3A_449] {strides = array<i32>} : memref<16x272xf32, #tpu.memory_space<vmem>>, vector<16xf32>,
            %mul3A_451 = vector.broadcast %squeeze3A : f32 to vector<16xf32>
            %mul3A_452 = arith.mulf %get3A_450, %mul3A_451 : vector<16xf32>
            %swap3A_453 = arith.index_cast %scan3A_427 : i32 to index
            %swap3A_454 = arith.constant 32 : index
            %swap3A_455 = tpu.vector_load %arg11[%swap3A_453, %swap3A_454] {strides = array<i32>} : memref<16x272xf32, #tpu.memory_space<vmem>>, vector<16xf32>,
            tpu.vector_store %arg11[%swap3A_453, %swap3A_454], %mul3A_452 {strides = array<i32>} : memref<16x272xf32, #tpu.memory_space<vmem>>, vector<16xf32>,
            %get3A_456 = arith.index_cast %scan3A_427 : i32 to index
            %get3A_457 = arith.constant 48 : index
            %get3A_458 = tpu.vector_load %arg11[%get3A_456, %get3A_457] {strides = array<i32>} : memref<16x272xf32, #tpu.memory_space<vmem>>, vector<16xf32>,
            %mul3A_459 = vector.broadcast %squeeze3A : f32 to vector<16xf32>
            %mul3A_460 = arith.mulf %get3A_458, %mul3A_459 : vector<16xf32>
            %swap3A_461 = arith.index_cast %scan3A_427 : i32 to index
            %swap3A_462 = arith.constant 48 : index
            %swap3A_463 = tpu.vector_load %arg11[%swap3A_461, %swap3A_462] {strides = array<i32>} : memref<16x272xf32, #tpu.memory_space<vmem>>, vector<16xf32>,
            tpu.vector_store %arg11[%swap3A_461, %swap3A_462], %mul3A_460 {strides = array<i32>} : memref<16x272xf32, #tpu.memory_space<vmem>>, vector<16xf32>,
            %slice3A_464 = vector.extract_strided_slice %get3A_431 {offsets = [1], sizes = [1], strides = [1]} : vector<16xf32> to vector<1xf32>
            %squeeze3A_465 = vector.extract %slice3A_464[0] : f32 from vector<1xf32>
            %get3A_466 = arith.index_cast %scan3A_427 : i32 to index
            %get3A_467 = arith.constant 64 : index
            %get3A_468 = tpu.vector_load %arg11[%get3A_466, %get3A_467] {strides = array<i32>} : memref<16x272xf32, #tpu.memory_space<vmem>>, vector<16xf32>,
            %mul3A_469 = vector.broadcast %squeeze3A_465 : f32 to vector<16xf32>
            %mul3A_470 = arith.mulf %get3A_468, %mul3A_469 : vector<16xf32>
            %swap3A_471 = arith.index_cast %scan3A_427 : i32 to index
            %swap3A_472 = arith.constant 64 : index
            %swap3A_473 = tpu.vector_load %arg11[%swap3A_471, %swap3A_472] {strides = array<i32>} : memref<16x272xf32, #tpu.memory_space<vmem>>, vector<16xf32>,
            tpu.vector_store %arg11[%swap3A_471, %swap3A_472], %mul3A_470 {strides = array<i32>} : memref<16x272xf32, #tpu.memory_space<vmem>>, vector<16xf32>,
            %get3A_474 = arith.index_cast %scan3A_427 : i32 to index
            %get3A_475 = arith.constant 80 : index
            %get3A_476 = tpu.vector_load %arg11[%get3A_474, %get3A_475] {strides = array<i32>} : memref<16x272xf32, #tpu.memory_space<vmem>>, vector<16xf32>,
            %mul3A_477 = vector.broadcast %squeeze3A_465 : f32 to vector<16xf32>
            %mul3A_478 = arith.mulf %get3A_476, %mul3A_477 : vector<16xf32>
            %swap3A_479 = arith.index_cast %scan3A_427 : i32 to index
            %swap3A_480 = arith.constant 80 : index
            %swap3A_481 = tpu.vector_load %arg11[%swap3A_479, %swap3A_480] {strides = array<i32>} : memref<16x272xf32, #tpu.memory_space<vmem>>, vector<16xf32>,
            tpu.vector_store %arg11[%swap3A_479, %swap3A_480], %mul3A_478 {strides = array<i32>} : memref<16x272xf32, #tpu.memory_space<vmem>>, vector<16xf32>,
            %get3A_482 = arith.index_cast %scan3A_427 : i32 to index
            %get3A_483 = arith.constant 96 : index
            %get3A_484 = tpu.vector_load %arg11[%get3A_482, %get3A_483] {strides = array<i32>} : memref<16x272xf32, #tpu.memory_space<vmem>>, vector<16xf32>,
            %mul3A_485 = vector.broadcast %squeeze3A_465 : f32 to vector<16xf32>
            %mul3A_486 = arith.mulf %get3A_484, %mul3A_485 : vector<16xf32>
            %swap3A_487 = arith.index_cast %scan3A_427 : i32 to index
            %swap3A_488 = arith.constant 96 : index
            %swap3A_489 = tpu.vector_load %arg11[%swap3A_487, %swap3A_488] {strides = array<i32>} : memref<16x272xf32, #tpu.memory_space<vmem>>, vector<16xf32>,
            tpu.vector_store %arg11[%swap3A_487, %swap3A_488], %mul3A_486 {strides = array<i32>} : memref<16x272xf32, #tpu.memory_space<vmem>>, vector<16xf32>,
            %get3A_490 = arith.index_cast %scan3A_427 : i32 to index
            %get3A_491 = arith.constant 112 : index
            %get3A_492 = tpu.vector_load %arg11[%get3A_490, %get3A_491] {strides = array<i32>} : memref<16x272xf32, #tpu.memory_space<vmem>>, vector<16xf32>,
            %mul3A_493 = vector.broadcast %squeeze3A_465 : f32 to vector<16xf32>
            %mul3A_494 = arith.mulf %get3A_492, %mul3A_493 : vector<16xf32>
            %swap3A_495 = arith.index_cast %scan3A_427 : i32 to index
            %swap3A_496 = arith.constant 112 : index
            %swap3A_497 = tpu.vector_load %arg11[%swap3A_495, %swap3A_496] {strides = array<i32>} : memref<16x272xf32, #tpu.memory_space<vmem>>, vector<16xf32>,
            tpu.vector_store %arg11[%swap3A_495, %swap3A_496], %mul3A_494 {strides = array<i32>} : memref<16x272xf32, #tpu.memory_space<vmem>>, vector<16xf32>,
            %slice3A_498 = vector.extract_strided_slice %get3A_431 {offsets = [2], sizes = [1], strides = [1]} : vector<16xf32> to vector<1xf32>
            %squeeze3A_499 = vector.extract %slice3A_498[0] : f32 from vector<1xf32>
            %get3A_500 = arith.index_cast %scan3A_427 : i32 to index
            %get3A_501 = arith.constant 128 : index
            %get3A_502 = tpu.vector_load %arg11[%get3A_500, %get3A_501] {strides = array<i32>} : memref<16x272xf32, #tpu.memory_space<vmem>>, vector<16xf32>,
            %mul3A_503 = vector.broadcast %squeeze3A_499 : f32 to vector<16xf32>
            %mul3A_504 = arith.mulf %get3A_502, %mul3A_503 : vector<16xf32>
            %swap3A_505 = arith.index_cast %scan3A_427 : i32 to index
            %swap3A_506 = arith.constant 128 : index
            %swap3A_507 = tpu.vector_load %arg11[%swap3A_505, %swap3A_506] {strides = array<i32>} : memref<16x272xf32, #tpu.memory_space<vmem>>, vector<16xf32>,
            tpu.vector_store %arg11[%swap3A_505, %swap3A_506], %mul3A_504 {strides = array<i32>} : memref<16x272xf32, #tpu.memory_space<vmem>>, vector<16xf32>,
            %get3A_508 = arith.index_cast %scan3A_427 : i32 to index
            %get3A_509 = arith.constant 144 : index
            %get3A_510 = tpu.vector_load %arg11[%get3A_508, %get3A_509] {strides = array<i32>} : memref<16x272xf32, #tpu.memory_space<vmem>>, vector<16xf32>,
            %mul3A_511 = vector.broadcast %squeeze3A_499 : f32 to vector<16xf32>
            %mul3A_512 = arith.mulf %get3A_510, %mul3A_511 : vector<16xf32>
            %swap3A_513 = arith.index_cast %scan3A_427 : i32 to index
            %swap3A_514 = arith.constant 144 : index
            %swap3A_515 = tpu.vector_load %arg11[%swap3A_513, %swap3A_514] {strides = array<i32>} : memref<16x272xf32, #tpu.memory_space<vmem>>, vector<16xf32>,
            tpu.vector_store %arg11[%swap3A_513, %swap3A_514], %mul3A_512 {strides = array<i32>} : memref<16x272xf32, #tpu.memory_space<vmem>>, vector<16xf32>,
            %get3A_516 = arith.index_cast %scan3A_427 : i32 to index
            %get3A_517 = arith.constant 160 : index
            %get3A_518 = tpu.vector_load %arg11[%get3A_516, %get3A_517] {strides = array<i32>} : memref<16x272xf32, #tpu.memory_space<vmem>>, vector<16xf32>,
            %mul3A_519 = vector.broadcast %squeeze3A_499 : f32 to vector<16xf32>
            %mul3A_520 = arith.mulf %get3A_518, %mul3A_519 : vector<16xf32>
            %swap3A_521 = arith.index_cast %scan3A_427 : i32 to index
            %swap3A_522 = arith.constant 160 : index
            %swap3A_523 = tpu.vector_load %arg11[%swap3A_521, %swap3A_522] {strides = array<i32>} : memref<16x272xf32, #tpu.memory_space<vmem>>, vector<16xf32>,
            tpu.vector_store %arg11[%swap3A_521, %swap3A_522], %mul3A_520 {strides = array<i32>} : memref<16x272xf32, #tpu.memory_space<vmem>>, vector<16xf32>,
            %get3A_524 = arith.index_cast %scan3A_427 : i32 to index
            %get3A_525 = arith.constant 176 : index
            %get3A_526 = tpu.vector_load %arg11[%get3A_524, %get3A_525] {strides = array<i32>} : memref<16x272xf32, #tpu.memory_space<vmem>>, vector<16xf32>,
            %mul3A_527 = vector.broadcast %squeeze3A_499 : f32 to vector<16xf32>
            %mul3A_528 = arith.mulf %get3A_526, %mul3A_527 : vector<16xf32>
            %swap3A_529 = arith.index_cast %scan3A_427 : i32 to index
            %swap3A_530 = arith.constant 176 : index
            %swap3A_531 = tpu.vector_load %arg11[%swap3A_529, %swap3A_530] {strides = array<i32>} : memref<16x272xf32, #tpu.memory_space<vmem>>, vector<16xf32>,
            tpu.vector_store %arg11[%swap3A_529, %swap3A_530], %mul3A_528 {strides = array<i32>} : memref<16x272xf32, #tpu.memory_space<vmem>>, vector<16xf32>,
            %slice3A_532 = vector.extract_strided_slice %get3A_431 {offsets = [3], sizes = [1], strides = [1]} : vector<16xf32> to vector<1xf32>
            %squeeze3A_533 = vector.extract %slice3A_532[0] : f32 from vector<1xf32>
            %get3A_534 = arith.index_cast %scan3A_427 : i32 to index
            %get3A_535 = arith.constant 192 : index
            %get3A_536 = tpu.vector_load %arg11[%get3A_534, %get3A_535] {strides = array<i32>} : memref<16x272xf32, #tpu.memory_space<vmem>>, vector<16xf32>,
            %mul3A_537 = vector.broadcast %squeeze3A_533 : f32 to vector<16xf32>
            %mul3A_538 = arith.mulf %get3A_536, %mul3A_537 : vector<16xf32>
            %swap3A_539 = arith.index_cast %scan3A_427 : i32 to index
            %swap3A_540 = arith.constant 192 : index
            %swap3A_541 = tpu.vector_load %arg11[%swap3A_539, %swap3A_540] {strides = array<i32>} : memref<16x272xf32, #tpu.memory_space<vmem>>, vector<16xf32>,
            tpu.vector_store %arg11[%swap3A_539, %swap3A_540], %mul3A_538 {strides = array<i32>} : memref<16x272xf32, #tpu.memory_space<vmem>>, vector<16xf32>,
            %get3A_542 = arith.index_cast %scan3A_427 : i32 to index
            %get3A_543 = arith.constant 208 : index
            %get3A_544 = tpu.vector_load %arg11[%get3A_542, %get3A_543] {strides = array<i32>} : memref<16x272xf32, #tpu.memory_space<vmem>>, vector<16xf32>,
            %mul3A_545 = vector.broadcast %squeeze3A_533 : f32 to vector<16xf32>
            %mul3A_546 = arith.mulf %get3A_544, %mul3A_545 : vector<16xf32>
            %swap3A_547 = arith.index_cast %scan3A_427 : i32 to index
            %swap3A_548 = arith.constant 208 : index
            %swap3A_549 = tpu.vector_load %arg11[%swap3A_547, %swap3A_548] {strides = array<i32>} : memref<16x272xf32, #tpu.memory_space<vmem>>, vector<16xf32>,
            tpu.vector_store %arg11[%swap3A_547, %swap3A_548], %mul3A_546 {strides = array<i32>} : memref<16x272xf32, #tpu.memory_space<vmem>>, vector<16xf32>,
            %get3A_550 = arith.index_cast %scan3A_427 : i32 to index
            %get3A_551 = arith.constant 224 : index
            %get3A_552 = tpu.vector_load %arg11[%get3A_550, %get3A_551] {strides = array<i32>} : memref<16x272xf32, #tpu.memory_space<vmem>>, vector<16xf32>,
            %mul3A_553 = vector.broadcast %squeeze3A_533 : f32 to vector<16xf32>
            %mul3A_554 = arith.mulf %get3A_552, %mul3A_553 : vector<16xf32>
            %swap3A_555 = arith.index_cast %scan3A_427 : i32 to index
            %swap3A_556 = arith.constant 224 : index
            %swap3A_557 = tpu.vector_load %arg11[%swap3A_555, %swap3A_556] {strides = array<i32>} : memref<16x272xf32, #tpu.memory_space<vmem>>, vector<16xf32>,
            tpu.vector_store %arg11[%swap3A_555, %swap3A_556], %mul3A_554 {strides = array<i32>} : memref<16x272xf32, #tpu.memory_space<vmem>>, vector<16xf32>,
            %get3A_558 = arith.index_cast %scan3A_427 : i32 to index
            %get3A_559 = arith.constant 240 : index
            %get3A_560 = tpu.vector_load %arg11[%get3A_558, %get3A_559] {strides = array<i32>} : memref<16x272xf32, #tpu.memory_space<vmem>>, vector<16xf32>,
            %mul3A_561 = vector.broadcast %squeeze3A_533 : f32 to vector<16xf32>
            %mul3A_562 = arith.mulf %get3A_560, %mul3A_561 : vector<16xf32>
            %swap3A_563 = arith.index_cast %scan3A_427 : i32 to index
            %swap3A_564 = arith.constant 240 : index
            %swap3A_565 = tpu.vector_load %arg11[%swap3A_563, %swap3A_564] {strides = array<i32>} : memref<16x272xf32, #tpu.memory_space<vmem>>, vector<16xf32>,
            tpu.vector_store %arg11[%swap3A_563, %swap3A_564], %mul3A_562 {strides = array<i32>} : memref<16x272xf32, #tpu.memory_space<vmem>>, vector<16xf32>,
            %scan3A_566 = arith.constant 0 : i32
            scf.yield %scan3A_566 : i32
          }
          %scan3A_422 = arith.constant 16 : i32
          %dma_start3A_423 = arith.constant 0 : i32
          %dma_start3A_424 = arith.constant 0 : i32
          %dma_start3A_425 = tpu.memref_slice %arg15[%dma_start3A_423, %dma_start3A_424] : memref<6400x272xf32, #tpu.memory_space<vmem_shared>> -> memref<6400x272xf32, #tpu.memory_space<vmem_shared>>
          tpu.enqueue_indirect_dma source(%arg11 : memref<16x272xf32, #tpu.memory_space<vmem>>) target(%dma_start3A_425 : memref<6400x272xf32, #tpu.memory_space<vmem_shared>>) offsets(%sub3A_277 : vector<16xi32>) semaphore(%arg19 : memref<!tpu.dma_semaphore, #tpu.memory_space<semaphore_mem>>) {add = true}
          %while3A_426 = arith.constant 0 : i32
          scf.yield %while3A_426 : i32
        }
        %while3A_262 = arith.constant 1 : i32
        %while3A_263 = scf.for %while3A_270 = %while3A_259 to %while3A_255 step %while3A_262 iter_args(%while3A_271 = %while3A_261) -> (i32)  : i32 {
          %mul3A_272 = arith.constant 16 : i32
          %mul3A_273 = arith.muli %while3A_270, %mul3A_272 : i32
          %get3A = arith.index_cast %mul3A_273 : i32 to index
          %get3A_274 = tpu.vector_load %arg10[%get3A] {strides = array<i32>} : memref<2064xi32, #tpu.memory_space<vmem>>, vector<16xi32>,
          %gather3A = tpu.vector_load_idx %arg8[%get3A_274] : memref<2016xi32, #tpu.memory_space<vmem>>[vector<16xi32>], vector<16xi32>,
          %gather3A_275 = tpu.vector_load_idx %arg9[%get3A_274] : memref<2016xi32, #tpu.memory_space<vmem>>[vector<16xi32>], vector<16xi32>,
          %sub3A_276 = vector.broadcast %mul3A_170 : i32 to vector<16xi32>
          %sub3A_277 = arith.subi %gather3A_275, %sub3A_276 : vector<16xi32>
          %gt3A_278 = arith.constant 0 : i32
          %gt3A_279 = arith.cmpi sgt, %while3A_270, %gt3A_278 : i32
          %convert_element_type3A_280 = arith.extui %gt3A_279 : i1 to i32
          %cond3A_281 = arith.constant 0 : i32
          %cond3A_282 = arith.cmpi ne, %convert_element_type3A_280, %cond3A_281 : i32
          scf.if %cond3A_282 {
            %dma_wait3A_427 = arith.constant 0 : i32
            %dma_wait3A_428 = arith.constant 0 : i32
            %dma_wait3A_429 = tpu.memref_slice %arg15[%dma_wait3A_427, %dma_wait3A_428] : memref<6400x272xf32, #tpu.memory_space<vmem_shared>> -> memref<16x272xf32, #tpu.memory_space<vmem_shared>>
            %dma_wait3A_430 = arith.constant 0 : i32
            %dma_wait3A_431 = arith.constant 0 : i32
            %dma_wait3A_432 = tpu.memref_slice %arg15[%dma_wait3A_430, %dma_wait3A_431] : memref<6400x272xf32, #tpu.memory_space<vmem_shared>> -> memref<16x272xf32, #tpu.memory_space<vmem_shared>>
            tpu.wait_dma2 semaphore(%arg19 : memref<!tpu.dma_semaphore, #tpu.memory_space<semaphore_mem>>) src(%arg11 : memref<16x272xf32, #tpu.memory_space<vmem>>) dst(%dma_wait3A_432 : memref<16x272xf32, #tpu.memory_space<vmem_shared>>)
          } else {
          }
          %dma_start3A = arith.constant 0 : i32
          %dma_start3A_283 = arith.constant 0 : i32
          %dma_start3A_284 = tpu.memref_slice %arg2[%dma_start3A, %dma_start3A_283] : memref<51200x272xf32, #tpu.memory_space<hbm>> -> memref<51200x272xf32, #tpu.memory_space<hbm>>
          tpu.enqueue_indirect_dma source(%dma_start3A_284 : memref<51200x272xf32, #tpu.memory_space<hbm>>) target(%arg11 : memref<16x272xf32, #tpu.memory_space<vmem>>) offsets(%gather3A : vector<16xi32>) semaphore(%arg17 : memref<!tpu.dma_semaphore, #tpu.memory_space<semaphore_mem>>)
          %dma_start3A_285 = arith.constant 0 : i32
          %dma_start3A_286 = arith.constant 0 : i32
          %dma_start3A_287 = tpu.memref_slice %arg16[%dma_start3A_285, %dma_start3A_286] : memref<6400x16xf32, #tpu.memory_space<vmem_shared>> -> memref<6400x16xf32, #tpu.memory_space<vmem_shared>>
          tpu.enqueue_indirect_dma source(%dma_start3A_287 : memref<6400x16xf32, #tpu.memory_space<vmem_shared>>) target(%arg12 : memref<16x16xf32, #tpu.memory_space<vmem>>) offsets(%sub3A_277 : vector<16xi32>) semaphore(%arg18 : memref<!tpu.dma_semaphore, #tpu.memory_space<semaphore_mem>>)
          %dma_wait3A = arith.constant 0 : i32
          %dma_wait3A_288 = arith.constant 0 : i32
          %dma_wait3A_289 = tpu.memref_slice %arg16[%dma_wait3A, %dma_wait3A_288] : memref<6400x16xf32, #tpu.memory_space<vmem_shared>> -> memref<6400x16xf32, #tpu.memory_space<vmem_shared>>
          tpu.wait_indirect_dma semaphore(%arg18 : memref<!tpu.dma_semaphore, #tpu.memory_space<semaphore_mem>>) src(%dma_wait3A_289 : memref<6400x16xf32, #tpu.memory_space<vmem_shared>>) dst(%arg12 : memref<16x16xf32, #tpu.memory_space<vmem>>)
          %dma_wait3A_290 = arith.constant 0 : i32
          %dma_wait3A_291 = arith.constant 0 : i32
          %dma_wait3A_292 = tpu.memref_slice %arg2[%dma_wait3A_290, %dma_wait3A_291] : memref<51200x272xf32, #tpu.memory_space<hbm>> -> memref<51200x272xf32, #tpu.memory_space<hbm>>
          tpu.wait_indirect_dma semaphore(%arg17 : memref<!tpu.dma_semaphore, #tpu.memory_space<semaphore_mem>>) src(%dma_wait3A_292 : memref<51200x272xf32, #tpu.memory_space<hbm>>) dst(%arg11 : memref<16x272xf32, #tpu.memory_space<vmem>>)
          %add3A_293 = arith.constant 256 : i32
          %add3A_294 = vector.broadcast %add3A_293 : i32 to vector<16xi32>
          %add3A_295 = arith.addi %add3A_294, %select_n3A_150 : vector<16xi32>
          %gather3A_296 = tpu.vector_load_idx %arg11[%add3A_28, %add3A_295] : memref<16x272xf32, #tpu.memory_space<vmem>>[vector<16xi32>, vector<16xi32>], vector<16xf32>,
          %add3A_297 = arith.constant 8 : i32
          %add3A_298 = vector.broadcast %add3A_297 : i32 to vector<16xi32>
          %add3A_299 = arith.addi %add3A_298, %select_n3A_150 : vector<16xi32>
          %gather3A_300 = tpu.vector_load_idx %arg12[%add3A_28, %add3A_299] : memref<16x16xf32, #tpu.memory_space<vmem>>[vector<16xi32>, vector<16xi32>], vector<16xf32>,
          %add3A_301 = arith.addf %gather3A_296, %gather3A_300 : vector<16xf32>
          %gt3A_302 = arith.constant 0.000000e+00 : f32
          %gt3A_303 = vector.broadcast %gt3A_302 : f32 to vector<16xf32>
          %gt3A_304 = arith.cmpf ogt, %add3A_301, %gt3A_303 : vector<16xf32>
          %mul3A_305 = arith.constant 2.000000e-01 : f32
          %mul3A_306 = vector.broadcast %mul3A_305 : f32 to vector<16xf32>
          %mul3A_307 = arith.mulf %mul3A_306, %add3A_301 : vector<16xf32>
          %select_n3A_308 = arith.select %gt3A_304, %add3A_301, %mul3A_307 : vector<16xi1>, vector<16xf32>
          %exp3A = math.exp %select_n3A_308 : vector<16xf32>
          %mul3A_309 = arith.constant 16 : i32
          %mul3A_310 = arith.muli %while3A_270, %mul3A_309 : i32
          %add3A_311 = vector.broadcast %mul3A_310 : i32 to vector<16xi32>
          %add3A_312 = arith.addi %add3A_311, %add3A_28 : vector<16xi32>
          %gather3A_313 = tpu.vector_load_idx %arg10[%add3A_312] : memref<2064xi32, #tpu.memory_space<vmem>>[vector<16xi32>], vector<16xi32>,
          %ne3A_314 = arith.constant 2000 : i32
          %ne3A_315 = vector.broadcast %ne3A_314 : i32 to vector<16xi32>
          %ne3A_316 = arith.cmpi ne, %gather3A_313, %ne3A_315 : vector<16xi32>
          %jit3A_317 = arith.constant 0.000000e+00 : f32
          %broadcast_in_dim3A_318 = vector.broadcast %jit3A_317 : f32 to vector<16xf32>
          %select_n3A_319 = arith.select %ne3A_316, %exp3A, %broadcast_in_dim3A_318 : vector<16xi1>, vector<16xf32>
          %add3A_320 = arith.constant 256 : i32
          %add3A_321 = vector.broadcast %add3A_320 : i32 to vector<16xi32>
          %add3A_322 = arith.addi %add3A_321, %select_n3A_150 : vector<16xi32>
          tpu.vector_store_idx %arg11[%add3A_28, %add3A_322], %select_n3A_319 : memref<16x272xf32, #tpu.memory_space<vmem>>[vector<16xi32>, vector<16xi32>], vector<16xf32>,
          %add3A_323 = arith.constant 256 : i32
          %add3A_324 = vector.broadcast %add3A_323 : i32 to vector<16xi32>
          %add3A_325 = arith.addi %add3A_324, %select_n3A_150 : vector<16xi32>
          %gather3A_326 = tpu.vector_load_idx %arg11[%add3A_62, %add3A_325] : memref<16x272xf32, #tpu.memory_space<vmem>>[vector<16xi32>, vector<16xi32>], vector<16xf32>,
          %add3A_327 = arith.constant 8 : i32
          %add3A_328 = vector.broadcast %add3A_327 : i32 to vector<16xi32>
          %add3A_329 = arith.addi %add3A_328, %select_n3A_150 : vector<16xi32>
          %gather3A_330 = tpu.vector_load_idx %arg12[%add3A_62, %add3A_329] : memref<16x16xf32, #tpu.memory_space<vmem>>[vector<16xi32>, vector<16xi32>], vector<16xf32>,
          %add3A_331 = arith.addf %gather3A_326, %gather3A_330 : vector<16xf32>
          %gt3A_332 = arith.constant 0.000000e+00 : f32
          %gt3A_333 = vector.broadcast %gt3A_332 : f32 to vector<16xf32>
          %gt3A_334 = arith.cmpf ogt, %add3A_331, %gt3A_333 : vector<16xf32>
          %mul3A_335 = arith.constant 2.000000e-01 : f32
          %mul3A_336 = vector.broadcast %mul3A_335 : f32 to vector<16xf32>
          %mul3A_337 = arith.mulf %mul3A_336, %add3A_331 : vector<16xf32>
          %select_n3A_338 = arith.select %gt3A_334, %add3A_331, %mul3A_337 : vector<16xi1>, vector<16xf32>
          %exp3A_339 = math.exp %select_n3A_338 : vector<16xf32>
          %mul3A_340 = arith.constant 16 : i32
          %mul3A_341 = arith.muli %while3A_270, %mul3A_340 : i32
          %add3A_342 = vector.broadcast %mul3A_341 : i32 to vector<16xi32>
          %add3A_343 = arith.addi %add3A_342, %add3A_62 : vector<16xi32>
          %gather3A_344 = tpu.vector_load_idx %arg10[%add3A_343] : memref<2064xi32, #tpu.memory_space<vmem>>[vector<16xi32>], vector<16xi32>,
          %ne3A_345 = arith.constant 2000 : i32
          %ne3A_346 = vector.broadcast %ne3A_345 : i32 to vector<16xi32>
          %ne3A_347 = arith.cmpi ne, %gather3A_344, %ne3A_346 : vector<16xi32>
          %jit3A_348 = arith.constant 0.000000e+00 : f32
          %broadcast_in_dim3A_349 = vector.broadcast %jit3A_348 : f32 to vector<16xf32>
          %select_n3A_350 = arith.select %ne3A_347, %exp3A_339, %broadcast_in_dim3A_349 : vector<16xi1>, vector<16xf32>
          %add3A_351 = arith.constant 256 : i32
          %add3A_352 = vector.broadcast %add3A_351 : i32 to vector<16xi32>
          %add3A_353 = arith.addi %add3A_352, %select_n3A_150 : vector<16xi32>
          tpu.vector_store_idx %arg11[%add3A_62, %add3A_353], %select_n3A_350 : memref<16x272xf32, #tpu.memory_space<vmem>>[vector<16xi32>, vector<16xi32>], vector<16xf32>,
          %add3A_354 = arith.constant 256 : i32
          %add3A_355 = vector.broadcast %add3A_354 : i32 to vector<16xi32>
          %add3A_356 = arith.addi %add3A_355, %select_n3A_150 : vector<16xi32>
          %gather3A_357 = tpu.vector_load_idx %arg11[%add3A_96, %add3A_356] : memref<16x272xf32, #tpu.memory_space<vmem>>[vector<16xi32>, vector<16xi32>], vector<16xf32>,
          %add3A_358 = arith.constant 8 : i32
          %add3A_359 = vector.broadcast %add3A_358 : i32 to vector<16xi32>
          %add3A_360 = arith.addi %add3A_359, %select_n3A_150 : vector<16xi32>
          %gather3A_361 = tpu.vector_load_idx %arg12[%add3A_96, %add3A_360] : memref<16x16xf32, #tpu.memory_space<vmem>>[vector<16xi32>, vector<16xi32>], vector<16xf32>,
          %add3A_362 = arith.addf %gather3A_357, %gather3A_361 : vector<16xf32>
          %gt3A_363 = arith.constant 0.000000e+00 : f32
          %gt3A_364 = vector.broadcast %gt3A_363 : f32 to vector<16xf32>
          %gt3A_365 = arith.cmpf ogt, %add3A_362, %gt3A_364 : vector<16xf32>
          %mul3A_366 = arith.constant 2.000000e-01 : f32
          %mul3A_367 = vector.broadcast %mul3A_366 : f32 to vector<16xf32>
          %mul3A_368 = arith.mulf %mul3A_367, %add3A_362 : vector<16xf32>
          %select_n3A_369 = arith.select %gt3A_365, %add3A_362, %mul3A_368 : vector<16xi1>, vector<16xf32>
          %exp3A_370 = math.exp %select_n3A_369 : vector<16xf32>
          %mul3A_371 = arith.constant 16 : i32
          %mul3A_372 = arith.muli %while3A_270, %mul3A_371 : i32
          %add3A_373 = vector.broadcast %mul3A_372 : i32 to vector<16xi32>
          %add3A_374 = arith.addi %add3A_373, %add3A_96 : vector<16xi32>
          %gather3A_375 = tpu.vector_load_idx %arg10[%add3A_374] : memref<2064xi32, #tpu.memory_space<vmem>>[vector<16xi32>], vector<16xi32>,
          %ne3A_376 = arith.constant 2000 : i32
          %ne3A_377 = vector.broadcast %ne3A_376 : i32 to vector<16xi32>
          %ne3A_378 = arith.cmpi ne, %gather3A_375, %ne3A_377 : vector<16xi32>
          %jit3A_379 = arith.constant 0.000000e+00 : f32
          %broadcast_in_dim3A_380 = vector.broadcast %jit3A_379 : f32 to vector<16xf32>
          %select_n3A_381 = arith.select %ne3A_378, %exp3A_370, %broadcast_in_dim3A_380 : vector<16xi1>, vector<16xf32>
          %add3A_382 = arith.constant 256 : i32
          %add3A_383 = vector.broadcast %add3A_382 : i32 to vector<16xi32>
          %add3A_384 = arith.addi %add3A_383, %select_n3A_150 : vector<16xi32>
          tpu.vector_store_idx %arg11[%add3A_96, %add3A_384], %select_n3A_381 : memref<16x272xf32, #tpu.memory_space<vmem>>[vector<16xi32>, vector<16xi32>], vector<16xf32>,
          %add3A_385 = arith.constant 256 : i32
          %add3A_386 = vector.broadcast %add3A_385 : i32 to vector<16xi32>
          %add3A_387 = arith.addi %add3A_386, %select_n3A_150 : vector<16xi32>
          %gather3A_388 = tpu.vector_load_idx %arg11[%add3A_130, %add3A_387] : memref<16x272xf32, #tpu.memory_space<vmem>>[vector<16xi32>, vector<16xi32>], vector<16xf32>,
          %add3A_389 = arith.constant 8 : i32
          %add3A_390 = vector.broadcast %add3A_389 : i32 to vector<16xi32>
          %add3A_391 = arith.addi %add3A_390, %select_n3A_150 : vector<16xi32>
          %gather3A_392 = tpu.vector_load_idx %arg12[%add3A_130, %add3A_391] : memref<16x16xf32, #tpu.memory_space<vmem>>[vector<16xi32>, vector<16xi32>], vector<16xf32>,
          %add3A_393 = arith.addf %gather3A_388, %gather3A_392 : vector<16xf32>
          %gt3A_394 = arith.constant 0.000000e+00 : f32
          %gt3A_395 = vector.broadcast %gt3A_394 : f32 to vector<16xf32>
          %gt3A_396 = arith.cmpf ogt, %add3A_393, %gt3A_395 : vector<16xf32>
          %mul3A_397 = arith.constant 2.000000e-01 : f32
          %mul3A_398 = vector.broadcast %mul3A_397 : f32 to vector<16xf32>
          %mul3A_399 = arith.mulf %mul3A_398, %add3A_393 : vector<16xf32>
          %select_n3A_400 = arith.select %gt3A_396, %add3A_393, %mul3A_399 : vector<16xi1>, vector<16xf32>
          %exp3A_401 = math.exp %select_n3A_400 : vector<16xf32>
          %mul3A_402 = arith.constant 16 : i32
          %mul3A_403 = arith.muli %while3A_270, %mul3A_402 : i32
          %add3A_404 = vector.broadcast %mul3A_403 : i32 to vector<16xi32>
          %add3A_405 = arith.addi %add3A_404, %add3A_130 : vector<16xi32>
          %gather3A_406 = tpu.vector_load_idx %arg10[%add3A_405] : memref<2064xi32, #tpu.memory_space<vmem>>[vector<16xi32>], vector<16xi32>,
          %ne3A_407 = arith.constant 2000 : i32
          %ne3A_408 = vector.broadcast %ne3A_407 : i32 to vector<16xi32>
          %ne3A_409 = arith.cmpi ne, %gather3A_406, %ne3A_408 : vector<16xi32>
          %jit3A_410 = arith.constant 0.000000e+00 : f32
          %broadcast_in_dim3A_411 = vector.broadcast %jit3A_410 : f32 to vector<16xf32>
          %select_n3A_412 = arith.select %ne3A_409, %exp3A_401, %broadcast_in_dim3A_411 : vector<16xi1>, vector<16xf32>
          %add3A_413 = arith.constant 256 : i32
          %add3A_414 = vector.broadcast %add3A_413 : i32 to vector<16xi32>
          %add3A_415 = arith.addi %add3A_414, %select_n3A_150 : vector<16xi32>
          tpu.vector_store_idx %arg11[%add3A_130, %add3A_415], %select_n3A_412 : memref<16x272xf32, #tpu.memory_space<vmem>>[vector<16xi32>, vector<16xi32>], vector<16xf32>,
          %scan3A_416 = arith.constant 0 : i32
          %scan3A_417 = arith.constant 0 : i32
          %scan3A_418 = arith.constant 16 : i32
          %scan3A_419 = arith.addi %scan3A_417, %scan3A_418 : i32
          %scan3A_420 = arith.constant 1 : i32
          %scan3A_421 = scf.for %scan3A_427 = %scan3A_417 to %scan3A_419 step %scan3A_420 iter_args(%scan3A_428 = %scan3A_416) -> (i32)  : i32 {
            %get3A_429 = arith.index_cast %scan3A_427 : i32 to index
            %get3A_430 = arith.constant 256 : index
            %get3A_431 = tpu.vector_load %arg11[%get3A_429, %get3A_430] {strides = array<i32>} : memref<16x272xf32, #tpu.memory_space<vmem>>, vector<16xf32>,
            %slice3A = vector.extract_strided_slice %get3A_431 {offsets = [0], sizes = [1], strides = [1]} : vector<16xf32> to vector<1xf32>
            %squeeze3A = vector.extract %slice3A[0] : f32 from vector<1xf32>
            %get3A_432 = arith.index_cast %scan3A_427 : i32 to index
            %get3A_433 = arith.constant 0 : index
            %get3A_434 = tpu.vector_load %arg11[%get3A_432, %get3A_433] {strides = array<i32>} : memref<16x272xf32, #tpu.memory_space<vmem>>, vector<16xf32>,
            %mul3A_435 = vector.broadcast %squeeze3A : f32 to vector<16xf32>
            %mul3A_436 = arith.mulf %get3A_434, %mul3A_435 : vector<16xf32>
            %swap3A_437 = arith.index_cast %scan3A_427 : i32 to index
            %swap3A_438 = arith.constant 0 : index
            %swap3A_439 = tpu.vector_load %arg11[%swap3A_437, %swap3A_438] {strides = array<i32>} : memref<16x272xf32, #tpu.memory_space<vmem>>, vector<16xf32>,
            tpu.vector_store %arg11[%swap3A_437, %swap3A_438], %mul3A_436 {strides = array<i32>} : memref<16x272xf32, #tpu.memory_space<vmem>>, vector<16xf32>,
            %get3A_440 = arith.index_cast %scan3A_427 : i32 to index
            %get3A_441 = arith.constant 16 : index
            %get3A_442 = tpu.vector_load %arg11[%get3A_440, %get3A_441] {strides = array<i32>} : memref<16x272xf32, #tpu.memory_space<vmem>>, vector<16xf32>,
            %mul3A_443 = vector.broadcast %squeeze3A : f32 to vector<16xf32>
            %mul3A_444 = arith.mulf %get3A_442, %mul3A_443 : vector<16xf32>
            %swap3A_445 = arith.index_cast %scan3A_427 : i32 to index
            %swap3A_446 = arith.constant 16 : index
            %swap3A_447 = tpu.vector_load %arg11[%swap3A_445, %swap3A_446] {strides = array<i32>} : memref<16x272xf32, #tpu.memory_space<vmem>>, vector<16xf32>,
            tpu.vector_store %arg11[%swap3A_445, %swap3A_446], %mul3A_444 {strides = array<i32>} : memref<16x272xf32, #tpu.memory_space<vmem>>, vector<16xf32>,
            %get3A_448 = arith.index_cast %scan3A_427 : i32 to index
            %get3A_449 = arith.constant 32 : index
            %get3A_450 = tpu.vector_load %arg11[%get3A_448, %get3A_449] {strides = array<i32>} : memref<16x272xf32, #tpu.memory_space<vmem>>, vector<16xf32>,
            %mul3A_451 = vector.broadcast %squeeze3A : f32 to vector<16xf32>
            %mul3A_452 = arith.mulf %get3A_450, %mul3A_451 : vector<16xf32>
            %swap3A_453 = arith.index_cast %scan3A_427 : i32 to index
            %swap3A_454 = arith.constant 32 : index
            %swap3A_455 = tpu.vector_load %arg11[%swap3A_453, %swap3A_454] {strides = array<i32>} : memref<16x272xf32, #tpu.memory_space<vmem>>, vector<16xf32>,
            tpu.vector_store %arg11[%swap3A_453, %swap3A_454], %mul3A_452 {strides = array<i32>} : memref<16x272xf32, #tpu.memory_space<vmem>>, vector<16xf32>,
            %get3A_456 = arith.index_cast %scan3A_427 : i32 to index
            %get3A_457 = arith.constant 48 : index
            %get3A_458 = tpu.vector_load %arg11[%get3A_456, %get3A_457] {strides = array<i32>} : memref<16x272xf32, #tpu.memory_space<vmem>>, vector<16xf32>,
            %mul3A_459 = vector.broadcast %squeeze3A : f32 to vector<16xf32>
            %mul3A_460 = arith.mulf %get3A_458, %mul3A_459 : vector<16xf32>
            %swap3A_461 = arith.index_cast %scan3A_427 : i32 to index
            %swap3A_462 = arith.constant 48 : index
            %swap3A_463 = tpu.vector_load %arg11[%swap3A_461, %swap3A_462] {strides = array<i32>} : memref<16x272xf32, #tpu.memory_space<vmem>>, vector<16xf32>,
            tpu.vector_store %arg11[%swap3A_461, %swap3A_462], %mul3A_460 {strides = array<i32>} : memref<16x272xf32, #tpu.memory_space<vmem>>, vector<16xf32>,
            %slice3A_464 = vector.extract_strided_slice %get3A_431 {offsets = [1], sizes = [1], strides = [1]} : vector<16xf32> to vector<1xf32>
            %squeeze3A_465 = vector.extract %slice3A_464[0] : f32 from vector<1xf32>
            %get3A_466 = arith.index_cast %scan3A_427 : i32 to index
            %get3A_467 = arith.constant 64 : index
            %get3A_468 = tpu.vector_load %arg11[%get3A_466, %get3A_467] {strides = array<i32>} : memref<16x272xf32, #tpu.memory_space<vmem>>, vector<16xf32>,
            %mul3A_469 = vector.broadcast %squeeze3A_465 : f32 to vector<16xf32>
            %mul3A_470 = arith.mulf %get3A_468, %mul3A_469 : vector<16xf32>
            %swap3A_471 = arith.index_cast %scan3A_427 : i32 to index
            %swap3A_472 = arith.constant 64 : index
            %swap3A_473 = tpu.vector_load %arg11[%swap3A_471, %swap3A_472] {strides = array<i32>} : memref<16x272xf32, #tpu.memory_space<vmem>>, vector<16xf32>,
            tpu.vector_store %arg11[%swap3A_471, %swap3A_472], %mul3A_470 {strides = array<i32>} : memref<16x272xf32, #tpu.memory_space<vmem>>, vector<16xf32>,
            %get3A_474 = arith.index_cast %scan3A_427 : i32 to index
            %get3A_475 = arith.constant 80 : index
            %get3A_476 = tpu.vector_load %arg11[%get3A_474, %get3A_475] {strides = array<i32>} : memref<16x272xf32, #tpu.memory_space<vmem>>, vector<16xf32>,
            %mul3A_477 = vector.broadcast %squeeze3A_465 : f32 to vector<16xf32>
            %mul3A_478 = arith.mulf %get3A_476, %mul3A_477 : vector<16xf32>
            %swap3A_479 = arith.index_cast %scan3A_427 : i32 to index
            %swap3A_480 = arith.constant 80 : index
            %swap3A_481 = tpu.vector_load %arg11[%swap3A_479, %swap3A_480] {strides = array<i32>} : memref<16x272xf32, #tpu.memory_space<vmem>>, vector<16xf32>,
            tpu.vector_store %arg11[%swap3A_479, %swap3A_480], %mul3A_478 {strides = array<i32>} : memref<16x272xf32, #tpu.memory_space<vmem>>, vector<16xf32>,
            %get3A_482 = arith.index_cast %scan3A_427 : i32 to index
            %get3A_483 = arith.constant 96 : index
            %get3A_484 = tpu.vector_load %arg11[%get3A_482, %get3A_483] {strides = array<i32>} : memref<16x272xf32, #tpu.memory_space<vmem>>, vector<16xf32>,
            %mul3A_485 = vector.broadcast %squeeze3A_465 : f32 to vector<16xf32>
            %mul3A_486 = arith.mulf %get3A_484, %mul3A_485 : vector<16xf32>
            %swap3A_487 = arith.index_cast %scan3A_427 : i32 to index
            %swap3A_488 = arith.constant 96 : index
            %swap3A_489 = tpu.vector_load %arg11[%swap3A_487, %swap3A_488] {strides = array<i32>} : memref<16x272xf32, #tpu.memory_space<vmem>>, vector<16xf32>,
            tpu.vector_store %arg11[%swap3A_487, %swap3A_488], %mul3A_486 {strides = array<i32>} : memref<16x272xf32, #tpu.memory_space<vmem>>, vector<16xf32>,
            %get3A_490 = arith.index_cast %scan3A_427 : i32 to index
            %get3A_491 = arith.constant 112 : index
            %get3A_492 = tpu.vector_load %arg11[%get3A_490, %get3A_491] {strides = array<i32>} : memref<16x272xf32, #tpu.memory_space<vmem>>, vector<16xf32>,
            %mul3A_493 = vector.broadcast %squeeze3A_465 : f32 to vector<16xf32>
            %mul3A_494 = arith.mulf %get3A_492, %mul3A_493 : vector<16xf32>
            %swap3A_495 = arith.index_cast %scan3A_427 : i32 to index
            %swap3A_496 = arith.constant 112 : index
            %swap3A_497 = tpu.vector_load %arg11[%swap3A_495, %swap3A_496] {strides = array<i32>} : memref<16x272xf32, #tpu.memory_space<vmem>>, vector<16xf32>,
            tpu.vector_store %arg11[%swap3A_495, %swap3A_496], %mul3A_494 {strides = array<i32>} : memref<16x272xf32, #tpu.memory_space<vmem>>, vector<16xf32>,
            %slice3A_498 = vector.extract_strided_slice %get3A_431 {offsets = [2], sizes = [1], strides = [1]} : vector<16xf32> to vector<1xf32>
            %squeeze3A_499 = vector.extract %slice3A_498[0] : f32 from vector<1xf32>
            %get3A_500 = arith.index_cast %scan3A_427 : i32 to index
            %get3A_501 = arith.constant 128 : index
            %get3A_502 = tpu.vector_load %arg11[%get3A_500, %get3A_501] {strides = array<i32>} : memref<16x272xf32, #tpu.memory_space<vmem>>, vector<16xf32>,
            %mul3A_503 = vector.broadcast %squeeze3A_499 : f32 to vector<16xf32>
            %mul3A_504 = arith.mulf %get3A_502, %mul3A_503 : vector<16xf32>
            %swap3A_505 = arith.index_cast %scan3A_427 : i32 to index
            %swap3A_506 = arith.constant 128 : index
            %swap3A_507 = tpu.vector_load %arg11[%swap3A_505, %swap3A_506] {strides = array<i32>} : memref<16x272xf32, #tpu.memory_space<vmem>>, vector<16xf32>,
            tpu.vector_store %arg11[%swap3A_505, %swap3A_506], %mul3A_504 {strides = array<i32>} : memref<16x272xf32, #tpu.memory_space<vmem>>, vector<16xf32>,
            %get3A_508 = arith.index_cast %scan3A_427 : i32 to index
            %get3A_509 = arith.constant 144 : index
            %get3A_510 = tpu.vector_load %arg11[%get3A_508, %get3A_509] {strides = array<i32>} : memref<16x272xf32, #tpu.memory_space<vmem>>, vector<16xf32>,
            %mul3A_511 = vector.broadcast %squeeze3A_499 : f32 to vector<16xf32>
            %mul3A_512 = arith.mulf %get3A_510, %mul3A_511 : vector<16xf32>
            %swap3A_513 = arith.index_cast %scan3A_427 : i32 to index
            %swap3A_514 = arith.constant 144 : index
            %swap3A_515 = tpu.vector_load %arg11[%swap3A_513, %swap3A_514] {strides = array<i32>} : memref<16x272xf32, #tpu.memory_space<vmem>>, vector<16xf32>,
            tpu.vector_store %arg11[%swap3A_513, %swap3A_514], %mul3A_512 {strides = array<i32>} : memref<16x272xf32, #tpu.memory_space<vmem>>, vector<16xf32>,
            %get3A_516 = arith.index_cast %scan3A_427 : i32 to index
            %get3A_517 = arith.constant 160 : index
            %get3A_518 = tpu.vector_load %arg11[%get3A_516, %get3A_517] {strides = array<i32>} : memref<16x272xf32, #tpu.memory_space<vmem>>, vector<16xf32>,
            %mul3A_519 = vector.broadcast %squeeze3A_499 : f32 to vector<16xf32>
            %mul3A_520 = arith.mulf %get3A_518, %mul3A_519 : vector<16xf32>
            %swap3A_521 = arith.index_cast %scan3A_427 : i32 to index
            %swap3A_522 = arith.constant 160 : index
            %swap3A_523 = tpu.vector_load %arg11[%swap3A_521, %swap3A_522] {strides = array<i32>} : memref<16x272xf32, #tpu.memory_space<vmem>>, vector<16xf32>,
            tpu.vector_store %arg11[%swap3A_521, %swap3A_522], %mul3A_520 {strides = array<i32>} : memref<16x272xf32, #tpu.memory_space<vmem>>, vector<16xf32>,
            %get3A_524 = arith.index_cast %scan3A_427 : i32 to index
            %get3A_525 = arith.constant 176 : index
            %get3A_526 = tpu.vector_load %arg11[%get3A_524, %get3A_525] {strides = array<i32>} : memref<16x272xf32, #tpu.memory_space<vmem>>, vector<16xf32>,
            %mul3A_527 = vector.broadcast %squeeze3A_499 : f32 to vector<16xf32>
            %mul3A_528 = arith.mulf %get3A_526, %mul3A_527 : vector<16xf32>
            %swap3A_529 = arith.index_cast %scan3A_427 : i32 to index
            %swap3A_530 = arith.constant 176 : index
            %swap3A_531 = tpu.vector_load %arg11[%swap3A_529, %swap3A_530] {strides = array<i32>} : memref<16x272xf32, #tpu.memory_space<vmem>>, vector<16xf32>,
            tpu.vector_store %arg11[%swap3A_529, %swap3A_530], %mul3A_528 {strides = array<i32>} : memref<16x272xf32, #tpu.memory_space<vmem>>, vector<16xf32>,
            %slice3A_532 = vector.extract_strided_slice %get3A_431 {offsets = [3], sizes = [1], strides = [1]} : vector<16xf32> to vector<1xf32>
            %squeeze3A_533 = vector.extract %slice3A_532[0] : f32 from vector<1xf32>
            %get3A_534 = arith.index_cast %scan3A_427 : i32 to index
            %get3A_535 = arith.constant 192 : index
            %get3A_536 = tpu.vector_load %arg11[%get3A_534, %get3A_535] {strides = array<i32>} : memref<16x272xf32, #tpu.memory_space<vmem>>, vector<16xf32>,
            %mul3A_537 = vector.broadcast %squeeze3A_533 : f32 to vector<16xf32>
            %mul3A_538 = arith.mulf %get3A_536, %mul3A_537 : vector<16xf32>
            %swap3A_539 = arith.index_cast %scan3A_427 : i32 to index
            %swap3A_540 = arith.constant 192 : index
            %swap3A_541 = tpu.vector_load %arg11[%swap3A_539, %swap3A_540] {strides = array<i32>} : memref<16x272xf32, #tpu.memory_space<vmem>>, vector<16xf32>,
            tpu.vector_store %arg11[%swap3A_539, %swap3A_540], %mul3A_538 {strides = array<i32>} : memref<16x272xf32, #tpu.memory_space<vmem>>, vector<16xf32>,
            %get3A_542 = arith.index_cast %scan3A_427 : i32 to index
            %get3A_543 = arith.constant 208 : index
            %get3A_544 = tpu.vector_load %arg11[%get3A_542, %get3A_543] {strides = array<i32>} : memref<16x272xf32, #tpu.memory_space<vmem>>, vector<16xf32>,
            %mul3A_545 = vector.broadcast %squeeze3A_533 : f32 to vector<16xf32>
            %mul3A_546 = arith.mulf %get3A_544, %mul3A_545 : vector<16xf32>
            %swap3A_547 = arith.index_cast %scan3A_427 : i32 to index
            %swap3A_548 = arith.constant 208 : index
            %swap3A_549 = tpu.vector_load %arg11[%swap3A_547, %swap3A_548] {strides = array<i32>} : memref<16x272xf32, #tpu.memory_space<vmem>>, vector<16xf32>,
            tpu.vector_store %arg11[%swap3A_547, %swap3A_548], %mul3A_546 {strides = array<i32>} : memref<16x272xf32, #tpu.memory_space<vmem>>, vector<16xf32>,
            %get3A_550 = arith.index_cast %scan3A_427 : i32 to index
            %get3A_551 = arith.constant 224 : index
            %get3A_552 = tpu.vector_load %arg11[%get3A_550, %get3A_551] {strides = array<i32>} : memref<16x272xf32, #tpu.memory_space<vmem>>, vector<16xf32>,
            %mul3A_553 = vector.broadcast %squeeze3A_533 : f32 to vector<16xf32>
            %mul3A_554 = arith.mulf %get3A_552, %mul3A_553 : vector<16xf32>
            %swap3A_555 = arith.index_cast %scan3A_427 : i32 to index
            %swap3A_556 = arith.constant 224 : index
            %swap3A_557 = tpu.vector_load %arg11[%swap3A_555, %swap3A_556] {strides = array<i32>} : memref<16x272xf32, #tpu.memory_space<vmem>>, vector<16xf32>,
            tpu.vector_store %arg11[%swap3A_555, %swap3A_556], %mul3A_554 {strides = array<i32>} : memref<16x272xf32, #tpu.memory_space<vmem>>, vector<16xf32>,
            %get3A_558 = arith.index_cast %scan3A_427 : i32 to index
            %get3A_559 = arith.constant 240 : index
            %get3A_560 = tpu.vector_load %arg11[%get3A_558, %get3A_559] {strides = array<i32>} : memref<16x272xf32, #tpu.memory_space<vmem>>, vector<16xf32>,
            %mul3A_561 = vector.broadcast %squeeze3A_533 : f32 to vector<16xf32>
            %mul3A_562 = arith.mulf %get3A_560, %mul3A_561 : vector<16xf32>
            %swap3A_563 = arith.index_cast %scan3A_427 : i32 to index
            %swap3A_564 = arith.constant 240 : index
            %swap3A_565 = tpu.vector_load %arg11[%swap3A_563, %swap3A_564] {strides = array<i32>} : memref<16x272xf32, #tpu.memory_space<vmem>>, vector<16xf32>,
            tpu.vector_store %arg11[%swap3A_563, %swap3A_564], %mul3A_562 {strides = array<i32>} : memref<16x272xf32, #tpu.memory_space<vmem>>, vector<16xf32>,
            %scan3A_566 = arith.constant 0 : i32
            scf.yield %scan3A_566 : i32
          }
          %scan3A_422 = arith.constant 16 : i32
          %dma_start3A_423 = arith.constant 0 : i32
          %dma_start3A_424 = arith.constant 0 : i32
          %dma_start3A_425 = tpu.memref_slice %arg15[%dma_start3A_423, %dma_start3A_424] : memref<6400x272xf32, #tpu.memory_space<vmem_shared>> -> memref<6400x272xf32, #tpu.memory_space<vmem_shared>>
          tpu.enqueue_indirect_dma source(%arg11 : memref<16x272xf32, #tpu.memory_space<vmem>>) target(%dma_start3A_425 : memref<6400x272xf32, #tpu.memory_space<vmem_shared>>) offsets(%sub3A_277 : vector<16xi32>) semaphore(%arg19 : memref<!tpu.dma_semaphore, #tpu.memory_space<semaphore_mem>>) {add = true}
          %while3A_426 = arith.constant 0 : i32
          scf.yield %while3A_426 : i32
        }
        %gt3A_264 = arith.constant 0 : i32
        %gt3A_265 = arith.cmpi sgt, %select_n3A_250, %gt3A_264 : i32
        %convert_element_type3A_266 = arith.extui %gt3A_265 : i1 to i32
        %cond3A_267 = arith.constant 0 : i32
        %cond3A_268 = arith.cmpi ne, %convert_element_type3A_266, %cond3A_267 : i32
        scf.if %cond3A_268 {
          %dma_wait3A = arith.constant 0 : i32
          %dma_wait3A_270 = arith.constant 0 : i32
          %dma_wait3A_271 = tpu.memref_slice %arg15[%dma_wait3A, %dma_wait3A_270] : memref<6400x272xf32, #tpu.memory_space<vmem_shared>> -> memref<16x272xf32, #tpu.memory_space<vmem_shared>>
          %dma_wait3A_272 = arith.constant 0 : i32
          %dma_wait3A_273 = arith.constant 0 : i32
          %dma_wait3A_274 = tpu.memref_slice %arg15[%dma_wait3A_272, %dma_wait3A_273] : memref<6400x272xf32, #tpu.memory_space<vmem_shared>> -> memref<16x272xf32, #tpu.memory_space<vmem_shared>>
          tpu.wait_dma2 semaphore(%arg19 : memref<!tpu.dma_semaphore, #tpu.memory_space<semaphore_mem>>) src(%arg11 : memref<16x272xf32, #tpu.memory_space<vmem>>) dst(%dma_wait3A_274 : memref<16x272xf32, #tpu.memory_space<vmem_shared>>)
        } else {
        }
        %scan3A_269 = arith.constant 0 : i32
        scf.yield %scan3A_269 : i32
      }
      %scan3A_196 = arith.constant 25 : i32
      %barrier3A_197 = arith.constant 0 : index
      tpu.barrier barrier_id(%barrier3A_197)
      %scan3A_198 = arith.constant 0 : i32
      %scan3A_199 = arith.constant 0 : i32
      %scan3A_200 = arith.constant 25 : i32
      %scan3A_201 = arith.addi %scan3A_199, %scan3A_200 : i32
      %scan3A_202 = arith.constant 1 : i32
      %scan3A_203 = scf.for %scan3A_207 = %scan3A_199 to %scan3A_201 step %scan3A_202 iter_args(%scan3A_208 = %scan3A_198) -> (i32)  : i32 {
        %mul3A_209 = arith.constant 400 : i32
        %mul3A_210 = arith.muli %arg1, %mul3A_209 : i32
        %mul3A_211 = arith.constant 16 : i32
        %mul3A_212 = arith.muli %scan3A_207, %mul3A_211 : i32
        %add3A_213 = arith.addi %mul3A_210, %mul3A_212 : i32
        "tpu.region"() ({
          %run_scoped3A = tpu.sem_alloc : memref<!tpu.dma_semaphore, #tpu.memory_space<semaphore_mem>>
          %dma_start3A = arith.constant 0 : i32
          %dma_start3A_223 = tpu.memref_slice %arg15[%add3A_213, %dma_start3A] : memref<6400x272xf32, #tpu.memory_space<vmem_shared>> -> memref<16x272xf32, #tpu.memory_space<vmem_shared>>
          %dma_start3A_224 = arith.constant 0 : i32
          %dma_start3A_225 = tpu.memref_slice %arg15[%add3A_213, %dma_start3A_224] : memref<6400x272xf32, #tpu.memory_space<vmem_shared>> -> memref<16x272xf32, #tpu.memory_space<vmem_shared>>
          tpu.enqueue_dma source(%dma_start3A_225 : memref<16x272xf32, #tpu.memory_space<vmem_shared>>) target(%arg13 : memref<16x272xf32, #tpu.memory_space<vmem>>) target_semaphore(%run_scoped3A : memref<!tpu.dma_semaphore, #tpu.memory_space<semaphore_mem>>)
          %dma_wait3A = arith.constant 0 : i32
          %dma_wait3A_226 = tpu.memref_slice %arg15[%add3A_213, %dma_wait3A] : memref<6400x272xf32, #tpu.memory_space<vmem_shared>> -> memref<16x272xf32, #tpu.memory_space<vmem_shared>>
          %dma_wait3A_227 = arith.constant 0 : i32
          %dma_wait3A_228 = tpu.memref_slice %arg15[%add3A_213, %dma_wait3A_227] : memref<6400x272xf32, #tpu.memory_space<vmem_shared>> -> memref<16x272xf32, #tpu.memory_space<vmem_shared>>
          tpu.wait_dma2 semaphore(%run_scoped3A : memref<!tpu.dma_semaphore, #tpu.memory_space<semaphore_mem>>) src(%dma_wait3A_228 : memref<16x272xf32, #tpu.memory_space<vmem_shared>>) dst(%arg13 : memref<16x272xf32, #tpu.memory_space<vmem>>)
          tpu.yield
        }) : () -> ()
        %scan3A_214 = arith.constant 0 : i32
        %scan3A_215 = arith.constant 0 : i32
        %scan3A_216 = arith.constant 16 : i32
        %scan3A_217 = arith.addi %scan3A_215, %scan3A_216 : i32
        %scan3A_218 = arith.constant 1 : i32
        %scan3A_219 = scf.for %scan3A_223 = %scan3A_215 to %scan3A_217 step %scan3A_218 iter_args(%scan3A_224 = %scan3A_214) -> (i32)  : i32 {
          %get3A = arith.index_cast %scan3A_223 : i32 to index
          %get3A_225 = arith.constant 256 : index
          %get3A_226 = tpu.vector_load %arg13[%get3A, %get3A_225] {strides = array<i32>} : memref<16x272xf32, #tpu.memory_space<vmem>>, vector<16xf32>,
          %slice3A = vector.extract_strided_slice %get3A_226 {offsets = [0], sizes = [1], strides = [1]} : vector<16xf32> to vector<1xf32>
          %squeeze3A = vector.extract %slice3A[0] : f32 from vector<1xf32>
          %add3A_227 = arith.constant 1.000000e-16 : f32
          %add3A_228 = arith.addf %squeeze3A, %add3A_227 : f32
          %get3A_229 = arith.index_cast %scan3A_223 : i32 to index
          %get3A_230 = arith.constant 0 : index
          %get3A_231 = tpu.vector_load %arg13[%get3A_229, %get3A_230] {strides = array<i32>} : memref<16x272xf32, #tpu.memory_space<vmem>>, vector<16xf32>,
          %div3A_232 = vector.broadcast %add3A_228 : f32 to vector<16xf32>
          %div3A_233 = arith.divf %get3A_231, %div3A_232 : vector<16xf32>
          %get3A_234 = arith.constant 0 : index
          %get3A_235 = tpu.vector_load %arg14[%get3A_234] {strides = array<i32>} : memref<256xf32, #tpu.memory_space<vmem>>, vector<16xf32>,
          %add3A_236 = arith.addf %div3A_233, %get3A_235 : vector<16xf32>
          %gt3A = arith.constant 0.000000e+00 : f32
          %gt3A_237 = vector.broadcast %gt3A : f32 to vector<16xf32>
          %gt3A_238 = arith.cmpf ogt, %add3A_236, %gt3A_237 : vector<16xf32>
          %exp3A = math.exp %add3A_236 : vector<16xf32>
          %sub3A_239 = arith.constant 1.000000e+00 : f32
          %sub3A_240 = vector.broadcast %sub3A_239 : f32 to vector<16xf32>
          %sub3A_241 = arith.subf %exp3A, %sub3A_240 : vector<16xf32>
          %select_n3A_242 = arith.select %gt3A_238, %add3A_236, %sub3A_241 : vector<16xi1>, vector<16xf32>
          %swap3A = arith.index_cast %scan3A_223 : i32 to index
          %swap3A_243 = arith.constant 0 : index
          %swap3A_244 = tpu.vector_load %arg13[%swap3A, %swap3A_243] {strides = array<i32>} : memref<16x272xf32, #tpu.memory_space<vmem>>, vector<16xf32>,
          tpu.vector_store %arg13[%swap3A, %swap3A_243], %select_n3A_242 {strides = array<i32>} : memref<16x272xf32, #tpu.memory_space<vmem>>, vector<16xf32>,
          %get3A_245 = arith.index_cast %scan3A_223 : i32 to index
          %get3A_246 = arith.constant 16 : index
          %get3A_247 = tpu.vector_load %arg13[%get3A_245, %get3A_246] {strides = array<i32>} : memref<16x272xf32, #tpu.memory_space<vmem>>, vector<16xf32>,
          %div3A_248 = vector.broadcast %add3A_228 : f32 to vector<16xf32>
          %div3A_249 = arith.divf %get3A_247, %div3A_248 : vector<16xf32>
          %get3A_250 = arith.constant 16 : index
          %get3A_251 = tpu.vector_load %arg14[%get3A_250] {strides = array<i32>} : memref<256xf32, #tpu.memory_space<vmem>>, vector<16xf32>,
          %add3A_252 = arith.addf %div3A_249, %get3A_251 : vector<16xf32>
          %gt3A_253 = arith.constant 0.000000e+00 : f32
          %gt3A_254 = vector.broadcast %gt3A_253 : f32 to vector<16xf32>
          %gt3A_255 = arith.cmpf ogt, %add3A_252, %gt3A_254 : vector<16xf32>
          %exp3A_256 = math.exp %add3A_252 : vector<16xf32>
          %sub3A_257 = arith.constant 1.000000e+00 : f32
          %sub3A_258 = vector.broadcast %sub3A_257 : f32 to vector<16xf32>
          %sub3A_259 = arith.subf %exp3A_256, %sub3A_258 : vector<16xf32>
          %select_n3A_260 = arith.select %gt3A_255, %add3A_252, %sub3A_259 : vector<16xi1>, vector<16xf32>
          %swap3A_261 = arith.index_cast %scan3A_223 : i32 to index
          %swap3A_262 = arith.constant 16 : index
          %swap3A_263 = tpu.vector_load %arg13[%swap3A_261, %swap3A_262] {strides = array<i32>} : memref<16x272xf32, #tpu.memory_space<vmem>>, vector<16xf32>,
          tpu.vector_store %arg13[%swap3A_261, %swap3A_262], %select_n3A_260 {strides = array<i32>} : memref<16x272xf32, #tpu.memory_space<vmem>>, vector<16xf32>,
          %get3A_264 = arith.index_cast %scan3A_223 : i32 to index
          %get3A_265 = arith.constant 32 : index
          %get3A_266 = tpu.vector_load %arg13[%get3A_264, %get3A_265] {strides = array<i32>} : memref<16x272xf32, #tpu.memory_space<vmem>>, vector<16xf32>,
          %div3A_267 = vector.broadcast %add3A_228 : f32 to vector<16xf32>
          %div3A_268 = arith.divf %get3A_266, %div3A_267 : vector<16xf32>
          %get3A_269 = arith.constant 32 : index
          %get3A_270 = tpu.vector_load %arg14[%get3A_269] {strides = array<i32>} : memref<256xf32, #tpu.memory_space<vmem>>, vector<16xf32>,
          %add3A_271 = arith.addf %div3A_268, %get3A_270 : vector<16xf32>
          %gt3A_272 = arith.constant 0.000000e+00 : f32
          %gt3A_273 = vector.broadcast %gt3A_272 : f32 to vector<16xf32>
          %gt3A_274 = arith.cmpf ogt, %add3A_271, %gt3A_273 : vector<16xf32>
          %exp3A_275 = math.exp %add3A_271 : vector<16xf32>
          %sub3A_276 = arith.constant 1.000000e+00 : f32
          %sub3A_277 = vector.broadcast %sub3A_276 : f32 to vector<16xf32>
          %sub3A_278 = arith.subf %exp3A_275, %sub3A_277 : vector<16xf32>
          %select_n3A_279 = arith.select %gt3A_274, %add3A_271, %sub3A_278 : vector<16xi1>, vector<16xf32>
          %swap3A_280 = arith.index_cast %scan3A_223 : i32 to index
          %swap3A_281 = arith.constant 32 : index
          %swap3A_282 = tpu.vector_load %arg13[%swap3A_280, %swap3A_281] {strides = array<i32>} : memref<16x272xf32, #tpu.memory_space<vmem>>, vector<16xf32>,
          tpu.vector_store %arg13[%swap3A_280, %swap3A_281], %select_n3A_279 {strides = array<i32>} : memref<16x272xf32, #tpu.memory_space<vmem>>, vector<16xf32>,
          %get3A_283 = arith.index_cast %scan3A_223 : i32 to index
          %get3A_284 = arith.constant 48 : index
          %get3A_285 = tpu.vector_load %arg13[%get3A_283, %get3A_284] {strides = array<i32>} : memref<16x272xf32, #tpu.memory_space<vmem>>, vector<16xf32>,
          %div3A_286 = vector.broadcast %add3A_228 : f32 to vector<16xf32>
          %div3A_287 = arith.divf %get3A_285, %div3A_286 : vector<16xf32>
          %get3A_288 = arith.constant 48 : index
          %get3A_289 = tpu.vector_load %arg14[%get3A_288] {strides = array<i32>} : memref<256xf32, #tpu.memory_space<vmem>>, vector<16xf32>,
          %add3A_290 = arith.addf %div3A_287, %get3A_289 : vector<16xf32>
          %gt3A_291 = arith.constant 0.000000e+00 : f32
          %gt3A_292 = vector.broadcast %gt3A_291 : f32 to vector<16xf32>
          %gt3A_293 = arith.cmpf ogt, %add3A_290, %gt3A_292 : vector<16xf32>
          %exp3A_294 = math.exp %add3A_290 : vector<16xf32>
          %sub3A_295 = arith.constant 1.000000e+00 : f32
          %sub3A_296 = vector.broadcast %sub3A_295 : f32 to vector<16xf32>
          %sub3A_297 = arith.subf %exp3A_294, %sub3A_296 : vector<16xf32>
          %select_n3A_298 = arith.select %gt3A_293, %add3A_290, %sub3A_297 : vector<16xi1>, vector<16xf32>
          %swap3A_299 = arith.index_cast %scan3A_223 : i32 to index
          %swap3A_300 = arith.constant 48 : index
          %swap3A_301 = tpu.vector_load %arg13[%swap3A_299, %swap3A_300] {strides = array<i32>} : memref<16x272xf32, #tpu.memory_space<vmem>>, vector<16xf32>,
          tpu.vector_store %arg13[%swap3A_299, %swap3A_300], %select_n3A_298 {strides = array<i32>} : memref<16x272xf32, #tpu.memory_space<vmem>>, vector<16xf32>,
          %slice3A_302 = vector.extract_strided_slice %get3A_226 {offsets = [1], sizes = [1], strides = [1]} : vector<16xf32> to vector<1xf32>
          %squeeze3A_303 = vector.extract %slice3A_302[0] : f32 from vector<1xf32>
          %add3A_304 = arith.constant 1.000000e-16 : f32
          %add3A_305 = arith.addf %squeeze3A_303, %add3A_304 : f32
          %get3A_306 = arith.index_cast %scan3A_223 : i32 to index
          %get3A_307 = arith.constant 64 : index
          %get3A_308 = tpu.vector_load %arg13[%get3A_306, %get3A_307] {strides = array<i32>} : memref<16x272xf32, #tpu.memory_space<vmem>>, vector<16xf32>,
          %div3A_309 = vector.broadcast %add3A_305 : f32 to vector<16xf32>
          %div3A_310 = arith.divf %get3A_308, %div3A_309 : vector<16xf32>
          %get3A_311 = arith.constant 64 : index
          %get3A_312 = tpu.vector_load %arg14[%get3A_311] {strides = array<i32>} : memref<256xf32, #tpu.memory_space<vmem>>, vector<16xf32>,
          %add3A_313 = arith.addf %div3A_310, %get3A_312 : vector<16xf32>
          %gt3A_314 = arith.constant 0.000000e+00 : f32
          %gt3A_315 = vector.broadcast %gt3A_314 : f32 to vector<16xf32>
          %gt3A_316 = arith.cmpf ogt, %add3A_313, %gt3A_315 : vector<16xf32>
          %exp3A_317 = math.exp %add3A_313 : vector<16xf32>
          %sub3A_318 = arith.constant 1.000000e+00 : f32
          %sub3A_319 = vector.broadcast %sub3A_318 : f32 to vector<16xf32>
          %sub3A_320 = arith.subf %exp3A_317, %sub3A_319 : vector<16xf32>
          %select_n3A_321 = arith.select %gt3A_316, %add3A_313, %sub3A_320 : vector<16xi1>, vector<16xf32>
          %swap3A_322 = arith.index_cast %scan3A_223 : i32 to index
          %swap3A_323 = arith.constant 64 : index
          %swap3A_324 = tpu.vector_load %arg13[%swap3A_322, %swap3A_323] {strides = array<i32>} : memref<16x272xf32, #tpu.memory_space<vmem>>, vector<16xf32>,
          tpu.vector_store %arg13[%swap3A_322, %swap3A_323], %select_n3A_321 {strides = array<i32>} : memref<16x272xf32, #tpu.memory_space<vmem>>, vector<16xf32>,
          %get3A_325 = arith.index_cast %scan3A_223 : i32 to index
          %get3A_326 = arith.constant 80 : index
          %get3A_327 = tpu.vector_load %arg13[%get3A_325, %get3A_326] {strides = array<i32>} : memref<16x272xf32, #tpu.memory_space<vmem>>, vector<16xf32>,
          %div3A_328 = vector.broadcast %add3A_305 : f32 to vector<16xf32>
          %div3A_329 = arith.divf %get3A_327, %div3A_328 : vector<16xf32>
          %get3A_330 = arith.constant 80 : index
          %get3A_331 = tpu.vector_load %arg14[%get3A_330] {strides = array<i32>} : memref<256xf32, #tpu.memory_space<vmem>>, vector<16xf32>,
          %add3A_332 = arith.addf %div3A_329, %get3A_331 : vector<16xf32>
          %gt3A_333 = arith.constant 0.000000e+00 : f32
          %gt3A_334 = vector.broadcast %gt3A_333 : f32 to vector<16xf32>
          %gt3A_335 = arith.cmpf ogt, %add3A_332, %gt3A_334 : vector<16xf32>
          %exp3A_336 = math.exp %add3A_332 : vector<16xf32>
          %sub3A_337 = arith.constant 1.000000e+00 : f32
          %sub3A_338 = vector.broadcast %sub3A_337 : f32 to vector<16xf32>
          %sub3A_339 = arith.subf %exp3A_336, %sub3A_338 : vector<16xf32>
          %select_n3A_340 = arith.select %gt3A_335, %add3A_332, %sub3A_339 : vector<16xi1>, vector<16xf32>
          %swap3A_341 = arith.index_cast %scan3A_223 : i32 to index
          %swap3A_342 = arith.constant 80 : index
          %swap3A_343 = tpu.vector_load %arg13[%swap3A_341, %swap3A_342] {strides = array<i32>} : memref<16x272xf32, #tpu.memory_space<vmem>>, vector<16xf32>,
          tpu.vector_store %arg13[%swap3A_341, %swap3A_342], %select_n3A_340 {strides = array<i32>} : memref<16x272xf32, #tpu.memory_space<vmem>>, vector<16xf32>,
          %get3A_344 = arith.index_cast %scan3A_223 : i32 to index
          %get3A_345 = arith.constant 96 : index
          %get3A_346 = tpu.vector_load %arg13[%get3A_344, %get3A_345] {strides = array<i32>} : memref<16x272xf32, #tpu.memory_space<vmem>>, vector<16xf32>,
          %div3A_347 = vector.broadcast %add3A_305 : f32 to vector<16xf32>
          %div3A_348 = arith.divf %get3A_346, %div3A_347 : vector<16xf32>
          %get3A_349 = arith.constant 96 : index
          %get3A_350 = tpu.vector_load %arg14[%get3A_349] {strides = array<i32>} : memref<256xf32, #tpu.memory_space<vmem>>, vector<16xf32>,
          %add3A_351 = arith.addf %div3A_348, %get3A_350 : vector<16xf32>
          %gt3A_352 = arith.constant 0.000000e+00 : f32
          %gt3A_353 = vector.broadcast %gt3A_352 : f32 to vector<16xf32>
          %gt3A_354 = arith.cmpf ogt, %add3A_351, %gt3A_353 : vector<16xf32>
          %exp3A_355 = math.exp %add3A_351 : vector<16xf32>
          %sub3A_356 = arith.constant 1.000000e+00 : f32
          %sub3A_357 = vector.broadcast %sub3A_356 : f32 to vector<16xf32>
          %sub3A_358 = arith.subf %exp3A_355, %sub3A_357 : vector<16xf32>
          %select_n3A_359 = arith.select %gt3A_354, %add3A_351, %sub3A_358 : vector<16xi1>, vector<16xf32>
          %swap3A_360 = arith.index_cast %scan3A_223 : i32 to index
          %swap3A_361 = arith.constant 96 : index
          %swap3A_362 = tpu.vector_load %arg13[%swap3A_360, %swap3A_361] {strides = array<i32>} : memref<16x272xf32, #tpu.memory_space<vmem>>, vector<16xf32>,
          tpu.vector_store %arg13[%swap3A_360, %swap3A_361], %select_n3A_359 {strides = array<i32>} : memref<16x272xf32, #tpu.memory_space<vmem>>, vector<16xf32>,
          %get3A_363 = arith.index_cast %scan3A_223 : i32 to index
          %get3A_364 = arith.constant 112 : index
          %get3A_365 = tpu.vector_load %arg13[%get3A_363, %get3A_364] {strides = array<i32>} : memref<16x272xf32, #tpu.memory_space<vmem>>, vector<16xf32>,
          %div3A_366 = vector.broadcast %add3A_305 : f32 to vector<16xf32>
          %div3A_367 = arith.divf %get3A_365, %div3A_366 : vector<16xf32>
          %get3A_368 = arith.constant 112 : index
          %get3A_369 = tpu.vector_load %arg14[%get3A_368] {strides = array<i32>} : memref<256xf32, #tpu.memory_space<vmem>>, vector<16xf32>,
          %add3A_370 = arith.addf %div3A_367, %get3A_369 : vector<16xf32>
          %gt3A_371 = arith.constant 0.000000e+00 : f32
          %gt3A_372 = vector.broadcast %gt3A_371 : f32 to vector<16xf32>
          %gt3A_373 = arith.cmpf ogt, %add3A_370, %gt3A_372 : vector<16xf32>
          %exp3A_374 = math.exp %add3A_370 : vector<16xf32>
          %sub3A_375 = arith.constant 1.000000e+00 : f32
          %sub3A_376 = vector.broadcast %sub3A_375 : f32 to vector<16xf32>
          %sub3A_377 = arith.subf %exp3A_374, %sub3A_376 : vector<16xf32>
          %select_n3A_378 = arith.select %gt3A_373, %add3A_370, %sub3A_377 : vector<16xi1>, vector<16xf32>
          %swap3A_379 = arith.index_cast %scan3A_223 : i32 to index
          %swap3A_380 = arith.constant 112 : index
          %swap3A_381 = tpu.vector_load %arg13[%swap3A_379, %swap3A_380] {strides = array<i32>} : memref<16x272xf32, #tpu.memory_space<vmem>>, vector<16xf32>,
          tpu.vector_store %arg13[%swap3A_379, %swap3A_380], %select_n3A_378 {strides = array<i32>} : memref<16x272xf32, #tpu.memory_space<vmem>>, vector<16xf32>,
          %slice3A_382 = vector.extract_strided_slice %get3A_226 {offsets = [2], sizes = [1], strides = [1]} : vector<16xf32> to vector<1xf32>
          %squeeze3A_383 = vector.extract %slice3A_382[0] : f32 from vector<1xf32>
          %add3A_384 = arith.constant 1.000000e-16 : f32
          %add3A_385 = arith.addf %squeeze3A_383, %add3A_384 : f32
          %get3A_386 = arith.index_cast %scan3A_223 : i32 to index
          %get3A_387 = arith.constant 128 : index
          %get3A_388 = tpu.vector_load %arg13[%get3A_386, %get3A_387] {strides = array<i32>} : memref<16x272xf32, #tpu.memory_space<vmem>>, vector<16xf32>,
          %div3A_389 = vector.broadcast %add3A_385 : f32 to vector<16xf32>
          %div3A_390 = arith.divf %get3A_388, %div3A_389 : vector<16xf32>
          %get3A_391 = arith.constant 128 : index
          %get3A_392 = tpu.vector_load %arg14[%get3A_391] {strides = array<i32>} : memref<256xf32, #tpu.memory_space<vmem>>, vector<16xf32>,
          %add3A_393 = arith.addf %div3A_390, %get3A_392 : vector<16xf32>
          %gt3A_394 = arith.constant 0.000000e+00 : f32
          %gt3A_395 = vector.broadcast %gt3A_394 : f32 to vector<16xf32>
          %gt3A_396 = arith.cmpf ogt, %add3A_393, %gt3A_395 : vector<16xf32>
          %exp3A_397 = math.exp %add3A_393 : vector<16xf32>
          %sub3A_398 = arith.constant 1.000000e+00 : f32
          %sub3A_399 = vector.broadcast %sub3A_398 : f32 to vector<16xf32>
          %sub3A_400 = arith.subf %exp3A_397, %sub3A_399 : vector<16xf32>
          %select_n3A_401 = arith.select %gt3A_396, %add3A_393, %sub3A_400 : vector<16xi1>, vector<16xf32>
          %swap3A_402 = arith.index_cast %scan3A_223 : i32 to index
          %swap3A_403 = arith.constant 128 : index
          %swap3A_404 = tpu.vector_load %arg13[%swap3A_402, %swap3A_403] {strides = array<i32>} : memref<16x272xf32, #tpu.memory_space<vmem>>, vector<16xf32>,
          tpu.vector_store %arg13[%swap3A_402, %swap3A_403], %select_n3A_401 {strides = array<i32>} : memref<16x272xf32, #tpu.memory_space<vmem>>, vector<16xf32>,
          %get3A_405 = arith.index_cast %scan3A_223 : i32 to index
          %get3A_406 = arith.constant 144 : index
          %get3A_407 = tpu.vector_load %arg13[%get3A_405, %get3A_406] {strides = array<i32>} : memref<16x272xf32, #tpu.memory_space<vmem>>, vector<16xf32>,
          %div3A_408 = vector.broadcast %add3A_385 : f32 to vector<16xf32>
          %div3A_409 = arith.divf %get3A_407, %div3A_408 : vector<16xf32>
          %get3A_410 = arith.constant 144 : index
          %get3A_411 = tpu.vector_load %arg14[%get3A_410] {strides = array<i32>} : memref<256xf32, #tpu.memory_space<vmem>>, vector<16xf32>,
          %add3A_412 = arith.addf %div3A_409, %get3A_411 : vector<16xf32>
          %gt3A_413 = arith.constant 0.000000e+00 : f32
          %gt3A_414 = vector.broadcast %gt3A_413 : f32 to vector<16xf32>
          %gt3A_415 = arith.cmpf ogt, %add3A_412, %gt3A_414 : vector<16xf32>
          %exp3A_416 = math.exp %add3A_412 : vector<16xf32>
          %sub3A_417 = arith.constant 1.000000e+00 : f32
          %sub3A_418 = vector.broadcast %sub3A_417 : f32 to vector<16xf32>
          %sub3A_419 = arith.subf %exp3A_416, %sub3A_418 : vector<16xf32>
          %select_n3A_420 = arith.select %gt3A_415, %add3A_412, %sub3A_419 : vector<16xi1>, vector<16xf32>
          %swap3A_421 = arith.index_cast %scan3A_223 : i32 to index
          %swap3A_422 = arith.constant 144 : index
          %swap3A_423 = tpu.vector_load %arg13[%swap3A_421, %swap3A_422] {strides = array<i32>} : memref<16x272xf32, #tpu.memory_space<vmem>>, vector<16xf32>,
          tpu.vector_store %arg13[%swap3A_421, %swap3A_422], %select_n3A_420 {strides = array<i32>} : memref<16x272xf32, #tpu.memory_space<vmem>>, vector<16xf32>,
          %get3A_424 = arith.index_cast %scan3A_223 : i32 to index
          %get3A_425 = arith.constant 160 : index
          %get3A_426 = tpu.vector_load %arg13[%get3A_424, %get3A_425] {strides = array<i32>} : memref<16x272xf32, #tpu.memory_space<vmem>>, vector<16xf32>,
          %div3A_427 = vector.broadcast %add3A_385 : f32 to vector<16xf32>
          %div3A_428 = arith.divf %get3A_426, %div3A_427 : vector<16xf32>
          %get3A_429 = arith.constant 160 : index
          %get3A_430 = tpu.vector_load %arg14[%get3A_429] {strides = array<i32>} : memref<256xf32, #tpu.memory_space<vmem>>, vector<16xf32>,
          %add3A_431 = arith.addf %div3A_428, %get3A_430 : vector<16xf32>
          %gt3A_432 = arith.constant 0.000000e+00 : f32
          %gt3A_433 = vector.broadcast %gt3A_432 : f32 to vector<16xf32>
          %gt3A_434 = arith.cmpf ogt, %add3A_431, %gt3A_433 : vector<16xf32>
          %exp3A_435 = math.exp %add3A_431 : vector<16xf32>
          %sub3A_436 = arith.constant 1.000000e+00 : f32
          %sub3A_437 = vector.broadcast %sub3A_436 : f32 to vector<16xf32>
          %sub3A_438 = arith.subf %exp3A_435, %sub3A_437 : vector<16xf32>
          %select_n3A_439 = arith.select %gt3A_434, %add3A_431, %sub3A_438 : vector<16xi1>, vector<16xf32>
          %swap3A_440 = arith.index_cast %scan3A_223 : i32 to index
          %swap3A_441 = arith.constant 160 : index
          %swap3A_442 = tpu.vector_load %arg13[%swap3A_440, %swap3A_441] {strides = array<i32>} : memref<16x272xf32, #tpu.memory_space<vmem>>, vector<16xf32>,
          tpu.vector_store %arg13[%swap3A_440, %swap3A_441], %select_n3A_439 {strides = array<i32>} : memref<16x272xf32, #tpu.memory_space<vmem>>, vector<16xf32>,
          %get3A_443 = arith.index_cast %scan3A_223 : i32 to index
          %get3A_444 = arith.constant 176 : index
          %get3A_445 = tpu.vector_load %arg13[%get3A_443, %get3A_444] {strides = array<i32>} : memref<16x272xf32, #tpu.memory_space<vmem>>, vector<16xf32>,
          %div3A_446 = vector.broadcast %add3A_385 : f32 to vector<16xf32>
          %div3A_447 = arith.divf %get3A_445, %div3A_446 : vector<16xf32>
          %get3A_448 = arith.constant 176 : index
          %get3A_449 = tpu.vector_load %arg14[%get3A_448] {strides = array<i32>} : memref<256xf32, #tpu.memory_space<vmem>>, vector<16xf32>,
          %add3A_450 = arith.addf %div3A_447, %get3A_449 : vector<16xf32>
          %gt3A_451 = arith.constant 0.000000e+00 : f32
          %gt3A_452 = vector.broadcast %gt3A_451 : f32 to vector<16xf32>
          %gt3A_453 = arith.cmpf ogt, %add3A_450, %gt3A_452 : vector<16xf32>
          %exp3A_454 = math.exp %add3A_450 : vector<16xf32>
          %sub3A_455 = arith.constant 1.000000e+00 : f32
          %sub3A_456 = vector.broadcast %sub3A_455 : f32 to vector<16xf32>
          %sub3A_457 = arith.subf %exp3A_454, %sub3A_456 : vector<16xf32>
          %select_n3A_458 = arith.select %gt3A_453, %add3A_450, %sub3A_457 : vector<16xi1>, vector<16xf32>
          %swap3A_459 = arith.index_cast %scan3A_223 : i32 to index
          %swap3A_460 = arith.constant 176 : index
          %swap3A_461 = tpu.vector_load %arg13[%swap3A_459, %swap3A_460] {strides = array<i32>} : memref<16x272xf32, #tpu.memory_space<vmem>>, vector<16xf32>,
          tpu.vector_store %arg13[%swap3A_459, %swap3A_460], %select_n3A_458 {strides = array<i32>} : memref<16x272xf32, #tpu.memory_space<vmem>>, vector<16xf32>,
          %slice3A_462 = vector.extract_strided_slice %get3A_226 {offsets = [3], sizes = [1], strides = [1]} : vector<16xf32> to vector<1xf32>
          %squeeze3A_463 = vector.extract %slice3A_462[0] : f32 from vector<1xf32>
          %add3A_464 = arith.constant 1.000000e-16 : f32
          %add3A_465 = arith.addf %squeeze3A_463, %add3A_464 : f32
          %get3A_466 = arith.index_cast %scan3A_223 : i32 to index
          %get3A_467 = arith.constant 192 : index
          %get3A_468 = tpu.vector_load %arg13[%get3A_466, %get3A_467] {strides = array<i32>} : memref<16x272xf32, #tpu.memory_space<vmem>>, vector<16xf32>,
          %div3A_469 = vector.broadcast %add3A_465 : f32 to vector<16xf32>
          %div3A_470 = arith.divf %get3A_468, %div3A_469 : vector<16xf32>
          %get3A_471 = arith.constant 192 : index
          %get3A_472 = tpu.vector_load %arg14[%get3A_471] {strides = array<i32>} : memref<256xf32, #tpu.memory_space<vmem>>, vector<16xf32>,
          %add3A_473 = arith.addf %div3A_470, %get3A_472 : vector<16xf32>
          %gt3A_474 = arith.constant 0.000000e+00 : f32
          %gt3A_475 = vector.broadcast %gt3A_474 : f32 to vector<16xf32>
          %gt3A_476 = arith.cmpf ogt, %add3A_473, %gt3A_475 : vector<16xf32>
          %exp3A_477 = math.exp %add3A_473 : vector<16xf32>
          %sub3A_478 = arith.constant 1.000000e+00 : f32
          %sub3A_479 = vector.broadcast %sub3A_478 : f32 to vector<16xf32>
          %sub3A_480 = arith.subf %exp3A_477, %sub3A_479 : vector<16xf32>
          %select_n3A_481 = arith.select %gt3A_476, %add3A_473, %sub3A_480 : vector<16xi1>, vector<16xf32>
          %swap3A_482 = arith.index_cast %scan3A_223 : i32 to index
          %swap3A_483 = arith.constant 192 : index
          %swap3A_484 = tpu.vector_load %arg13[%swap3A_482, %swap3A_483] {strides = array<i32>} : memref<16x272xf32, #tpu.memory_space<vmem>>, vector<16xf32>,
          tpu.vector_store %arg13[%swap3A_482, %swap3A_483], %select_n3A_481 {strides = array<i32>} : memref<16x272xf32, #tpu.memory_space<vmem>>, vector<16xf32>,
          %get3A_485 = arith.index_cast %scan3A_223 : i32 to index
          %get3A_486 = arith.constant 208 : index
          %get3A_487 = tpu.vector_load %arg13[%get3A_485, %get3A_486] {strides = array<i32>} : memref<16x272xf32, #tpu.memory_space<vmem>>, vector<16xf32>,
          %div3A_488 = vector.broadcast %add3A_465 : f32 to vector<16xf32>
          %div3A_489 = arith.divf %get3A_487, %div3A_488 : vector<16xf32>
          %get3A_490 = arith.constant 208 : index
          %get3A_491 = tpu.vector_load %arg14[%get3A_490] {strides = array<i32>} : memref<256xf32, #tpu.memory_space<vmem>>, vector<16xf32>,
          %add3A_492 = arith.addf %div3A_489, %get3A_491 : vector<16xf32>
          %gt3A_493 = arith.constant 0.000000e+00 : f32
          %gt3A_494 = vector.broadcast %gt3A_493 : f32 to vector<16xf32>
          %gt3A_495 = arith.cmpf ogt, %add3A_492, %gt3A_494 : vector<16xf32>
          %exp3A_496 = math.exp %add3A_492 : vector<16xf32>
          %sub3A_497 = arith.constant 1.000000e+00 : f32
          %sub3A_498 = vector.broadcast %sub3A_497 : f32 to vector<16xf32>
          %sub3A_499 = arith.subf %exp3A_496, %sub3A_498 : vector<16xf32>
          %select_n3A_500 = arith.select %gt3A_495, %add3A_492, %sub3A_499 : vector<16xi1>, vector<16xf32>
          %swap3A_501 = arith.index_cast %scan3A_223 : i32 to index
          %swap3A_502 = arith.constant 208 : index
          %swap3A_503 = tpu.vector_load %arg13[%swap3A_501, %swap3A_502] {strides = array<i32>} : memref<16x272xf32, #tpu.memory_space<vmem>>, vector<16xf32>,
          tpu.vector_store %arg13[%swap3A_501, %swap3A_502], %select_n3A_500 {strides = array<i32>} : memref<16x272xf32, #tpu.memory_space<vmem>>, vector<16xf32>,
          %get3A_504 = arith.index_cast %scan3A_223 : i32 to index
          %get3A_505 = arith.constant 224 : index
          %get3A_506 = tpu.vector_load %arg13[%get3A_504, %get3A_505] {strides = array<i32>} : memref<16x272xf32, #tpu.memory_space<vmem>>, vector<16xf32>,
          %div3A_507 = vector.broadcast %add3A_465 : f32 to vector<16xf32>
          %div3A_508 = arith.divf %get3A_506, %div3A_507 : vector<16xf32>
          %get3A_509 = arith.constant 224 : index
          %get3A_510 = tpu.vector_load %arg14[%get3A_509] {strides = array<i32>} : memref<256xf32, #tpu.memory_space<vmem>>, vector<16xf32>,
          %add3A_511 = arith.addf %div3A_508, %get3A_510 : vector<16xf32>
          %gt3A_512 = arith.constant 0.000000e+00 : f32
          %gt3A_513 = vector.broadcast %gt3A_512 : f32 to vector<16xf32>
          %gt3A_514 = arith.cmpf ogt, %add3A_511, %gt3A_513 : vector<16xf32>
          %exp3A_515 = math.exp %add3A_511 : vector<16xf32>
          %sub3A_516 = arith.constant 1.000000e+00 : f32
          %sub3A_517 = vector.broadcast %sub3A_516 : f32 to vector<16xf32>
          %sub3A_518 = arith.subf %exp3A_515, %sub3A_517 : vector<16xf32>
          %select_n3A_519 = arith.select %gt3A_514, %add3A_511, %sub3A_518 : vector<16xi1>, vector<16xf32>
          %swap3A_520 = arith.index_cast %scan3A_223 : i32 to index
          %swap3A_521 = arith.constant 224 : index
          %swap3A_522 = tpu.vector_load %arg13[%swap3A_520, %swap3A_521] {strides = array<i32>} : memref<16x272xf32, #tpu.memory_space<vmem>>, vector<16xf32>,
          tpu.vector_store %arg13[%swap3A_520, %swap3A_521], %select_n3A_519 {strides = array<i32>} : memref<16x272xf32, #tpu.memory_space<vmem>>, vector<16xf32>,
          %get3A_523 = arith.index_cast %scan3A_223 : i32 to index
          %get3A_524 = arith.constant 240 : index
          %get3A_525 = tpu.vector_load %arg13[%get3A_523, %get3A_524] {strides = array<i32>} : memref<16x272xf32, #tpu.memory_space<vmem>>, vector<16xf32>,
          %div3A_526 = vector.broadcast %add3A_465 : f32 to vector<16xf32>
          %div3A_527 = arith.divf %get3A_525, %div3A_526 : vector<16xf32>
          %get3A_528 = arith.constant 240 : index
          %get3A_529 = tpu.vector_load %arg14[%get3A_528] {strides = array<i32>} : memref<256xf32, #tpu.memory_space<vmem>>, vector<16xf32>,
          %add3A_530 = arith.addf %div3A_527, %get3A_529 : vector<16xf32>
          %gt3A_531 = arith.constant 0.000000e+00 : f32
          %gt3A_532 = vector.broadcast %gt3A_531 : f32 to vector<16xf32>
          %gt3A_533 = arith.cmpf ogt, %add3A_530, %gt3A_532 : vector<16xf32>
          %exp3A_534 = math.exp %add3A_530 : vector<16xf32>
          %sub3A_535 = arith.constant 1.000000e+00 : f32
          %sub3A_536 = vector.broadcast %sub3A_535 : f32 to vector<16xf32>
          %sub3A_537 = arith.subf %exp3A_534, %sub3A_536 : vector<16xf32>
          %select_n3A_538 = arith.select %gt3A_533, %add3A_530, %sub3A_537 : vector<16xi1>, vector<16xf32>
          %swap3A_539 = arith.index_cast %scan3A_223 : i32 to index
          %swap3A_540 = arith.constant 240 : index
          %swap3A_541 = tpu.vector_load %arg13[%swap3A_539, %swap3A_540] {strides = array<i32>} : memref<16x272xf32, #tpu.memory_space<vmem>>, vector<16xf32>,
          tpu.vector_store %arg13[%swap3A_539, %swap3A_540], %select_n3A_538 {strides = array<i32>} : memref<16x272xf32, #tpu.memory_space<vmem>>, vector<16xf32>,
          %scan3A_542 = arith.constant 0 : i32
          scf.yield %scan3A_542 : i32
        }
        %scan3A_220 = arith.constant 16 : i32
        %add3A_221 = arith.addi %mul3A_170, %add3A_213 : i32
        "tpu.region"() ({
          %run_scoped3A = tpu.sem_alloc : memref<!tpu.dma_semaphore, #tpu.memory_space<semaphore_mem>>
          %dma_start3A = arith.constant 0 : i32
          %dma_start3A_223 = tpu.memref_slice %arg7[%add3A_221, %dma_start3A] : memref<51200x272xf32, #tpu.memory_space<hbm>> -> memref<16x272xf32, #tpu.memory_space<hbm>>
          %dma_start3A_224 = arith.constant 0 : i32
          %dma_start3A_225 = tpu.memref_slice %arg7[%add3A_221, %dma_start3A_224] : memref<51200x272xf32, #tpu.memory_space<hbm>> -> memref<16x272xf32, #tpu.memory_space<hbm>>
          tpu.enqueue_dma source(%arg13 : memref<16x272xf32, #tpu.memory_space<vmem>>) target(%dma_start3A_225 : memref<16x272xf32, #tpu.memory_space<hbm>>) target_semaphore(%run_scoped3A : memref<!tpu.dma_semaphore, #tpu.memory_space<semaphore_mem>>)
          %dma_wait3A = arith.constant 0 : i32
          %dma_wait3A_226 = tpu.memref_slice %arg7[%add3A_221, %dma_wait3A] : memref<51200x272xf32, #tpu.memory_space<hbm>> -> memref<16x272xf32, #tpu.memory_space<hbm>>
          %dma_wait3A_227 = arith.constant 0 : i32
          %dma_wait3A_228 = tpu.memref_slice %arg7[%add3A_221, %dma_wait3A_227] : memref<51200x272xf32, #tpu.memory_space<hbm>> -> memref<16x272xf32, #tpu.memory_space<hbm>>
          tpu.wait_dma2 semaphore(%run_scoped3A : memref<!tpu.dma_semaphore, #tpu.memory_space<semaphore_mem>>) src(%arg13 : memref<16x272xf32, #tpu.memory_space<vmem>>) dst(%dma_wait3A_228 : memref<16x272xf32, #tpu.memory_space<hbm>>)
          tpu.yield
        }) : () -> ()
        %scan3A_222 = arith.constant 0 : i32
        scf.yield %scan3A_222 : i32
      }
      %scan3A_204 = arith.constant 25 : i32
      %barrier3A_205 = arith.constant 0 : index
      tpu.barrier barrier_id(%barrier3A_205)
      %scan3A_206 = arith.constant 0 : i32
      scf.yield %scan3A_206 : i32
    }
    %scan3A_163 = arith.constant 4 : i32
    return
  }
}

#map = affine_map<(d0, d1) -> (0, 0)>
#map1 = affine_map<(d0, d1) -> (0)>
module attributes {stable_mosaic.version = 14 : i64} {
  func.func @sc_kernel(%arg0: i32, %arg1: i32, %arg2: memref<51200x272xf32, #tpu.memory_space<hbm>>, %arg3: memref<51200x16xf32, #tpu.memory_space<hbm>>, %arg4: memref<800000xi32, #tpu.memory_space<hbm>>, %arg5: memref<800000xi32, #tpu.memory_space<hbm>>, %arg6: memref<256xf32, #tpu.memory_space<hbm>>, %arg7: memref<51200x272xf32, #tpu.memory_space<hbm>>, %arg8: memref<2016xi32, #tpu.memory_space<vmem>>, %arg9: memref<2016xi32, #tpu.memory_space<vmem>>, %arg10: memref<2064xi32, #tpu.memory_space<vmem>>, %arg11: memref<16x272xf32, #tpu.memory_space<vmem>>, %arg12: memref<16x16xf32, #tpu.memory_space<vmem>>, %arg13: memref<16x272xf32, #tpu.memory_space<vmem>>, %arg14: memref<256xf32, #tpu.memory_space<vmem>>, %arg15: memref<6400x272xf32, #tpu.memory_space<vmem_shared>>, %arg16: memref<6400x16xf32, #tpu.memory_space<vmem_shared>>, %arg17: memref<!tpu.dma_semaphore, #tpu.memory_space<semaphore_mem>>, %arg18: memref<!tpu.dma_semaphore, #tpu.memory_space<semaphore_mem>>, %arg19: memref<!tpu.dma_semaphore, #tpu.memory_space<semaphore_mem>>) attributes {dimension_semantics = [#tpu.dimension_semantics<core_parallel>, #tpu.dimension_semantics<subcore_parallel>], iteration_bounds = array<i64: 2, 16>, scalar_prefetch = 0 : i64, scratch_operands = 12 : i64, tpu.core_type = #tpu.core_type<sc_vector_subcore>, window_params = [{transform_indices = #map}, {transform_indices = #map}, {transform_indices = #map1}, {transform_indices = #map1}, {transform_indices = #map1}, {transform_indices = #map}]} {
    %mul3A = arith.constant 50000 : i32
    %mul3A_0 = arith.muli %arg1, %mul3A : i32
    %iota3A = tpu.iota {dimensions = array<i32: 0>} : vector<16xi32>
    %broadcast_in_dim3A = arith.constant 0.000000e+00 : f32
    %broadcast_in_dim3A_1 = vector.broadcast %broadcast_in_dim3A : f32 to vector<16xf32>
    %broadcast_in_dim3A_2 = arith.constant 2000 : i32
    %broadcast_in_dim3A_3 = vector.broadcast %broadcast_in_dim3A_2 : i32 to vector<16xi32>
    %jit3A = arith.constant 4 : i32
    %div3A = vector.broadcast %jit3A : i32 to vector<16xi32>
    %div3A_4 = arith.divsi %iota3A, %div3A : vector<16xi32>
    %sign3A = arith.constant 0 : i32
    %sign3A_5 = vector.broadcast %sign3A : i32 to vector<16xi32>
    %sign3A_6 = arith.cmpi sgt, %iota3A, %sign3A_5 : vector<16xi32>
    %sign3A_7 = arith.extui %sign3A_6 : vector<16xi1> to vector<16xi32>
    %sign3A_8 = arith.constant 0 : i32
    %sign3A_9 = vector.broadcast %sign3A_8 : i32 to vector<16xi32>
    %sign3A_10 = arith.cmpi slt, %iota3A, %sign3A_9 : vector<16xi32>
    %sign3A_11 = arith.extui %sign3A_10 : vector<16xi1> to vector<16xi32>
    %sign3A_12 = arith.subi %sign3A_7, %sign3A_11 : vector<16xi32>
    %sign3A_13 = arith.constant 0 : i32
    %sign3A_14 = arith.cmpi sgt, %jit3A, %sign3A_13 : i32
    %sign3A_15 = arith.extui %sign3A_14 : i1 to i32
    %sign3A_16 = arith.constant 0 : i32
    %sign3A_17 = arith.cmpi slt, %jit3A, %sign3A_16 : i32
    %sign3A_18 = arith.extui %sign3A_17 : i1 to i32
    %sign3A_19 = arith.subi %sign3A_15, %sign3A_18 : i32
    %ne3A = vector.broadcast %sign3A_19 : i32 to vector<16xi32>
    %ne3A_20 = arith.cmpi ne, %sign3A_12, %ne3A : vector<16xi32>
    %rem3A = vector.broadcast %jit3A : i32 to vector<16xi32>
    %rem3A_21 = arith.remsi %iota3A, %rem3A : vector<16xi32>
    %ne3A_22 = arith.constant 0 : i32
    %ne3A_23 = vector.broadcast %ne3A_22 : i32 to vector<16xi32>
    %ne3A_24 = arith.cmpi ne, %rem3A_21, %ne3A_23 : vector<16xi32>
    %and3A = arith.andi %ne3A_20, %ne3A_24 : vector<16xi1>
    %sub3A = arith.constant 1 : i32
    %sub3A_25 = vector.broadcast %sub3A : i32 to vector<16xi32>
    %sub3A_26 = arith.subi %div3A_4, %sub3A_25 : vector<16xi32>
    %select_n3A = arith.select %and3A, %sub3A_26, %div3A_4 : vector<16xi1>, vector<16xi32>
    %add3A = arith.constant 0 : i32
    %add3A_27 = vector.broadcast %add3A : i32 to vector<16xi32>
    %add3A_28 = arith.addi %select_n3A, %add3A_27 : vector<16xi32>
    %jit3A_29 = arith.constant 4 : i32
    %div3A_30 = vector.broadcast %jit3A_29 : i32 to vector<16xi32>
    %div3A_31 = arith.divsi %iota3A, %div3A_30 : vector<16xi32>
    %sign3A_32 = arith.constant 0 : i32
    %sign3A_33 = vector.broadcast %sign3A_32 : i32 to vector<16xi32>
    %sign3A_34 = arith.cmpi sgt, %iota3A, %sign3A_33 : vector<16xi32>
    %sign3A_35 = arith.extui %sign3A_34 : vector<16xi1> to vector<16xi32>
    %sign3A_36 = arith.constant 0 : i32
    %sign3A_37 = vector.broadcast %sign3A_36 : i32 to vector<16xi32>
    %sign3A_38 = arith.cmpi slt, %iota3A, %sign3A_37 : vector<16xi32>
    %sign3A_39 = arith.extui %sign3A_38 : vector<16xi1> to vector<16xi32>
    %sign3A_40 = arith.subi %sign3A_35, %sign3A_39 : vector<16xi32>
    %sign3A_41 = arith.constant 0 : i32
    %sign3A_42 = arith.cmpi sgt, %jit3A_29, %sign3A_41 : i32
    %sign3A_43 = arith.extui %sign3A_42 : i1 to i32
    %sign3A_44 = arith.constant 0 : i32
    %sign3A_45 = arith.cmpi slt, %jit3A_29, %sign3A_44 : i32
    %sign3A_46 = arith.extui %sign3A_45 : i1 to i32
    %sign3A_47 = arith.subi %sign3A_43, %sign3A_46 : i32
    %ne3A_48 = vector.broadcast %sign3A_47 : i32 to vector<16xi32>
    %ne3A_49 = arith.cmpi ne, %sign3A_40, %ne3A_48 : vector<16xi32>
    %rem3A_50 = vector.broadcast %jit3A_29 : i32 to vector<16xi32>
    %rem3A_51 = arith.remsi %iota3A, %rem3A_50 : vector<16xi32>
    %ne3A_52 = arith.constant 0 : i32
    %ne3A_53 = vector.broadcast %ne3A_52 : i32 to vector<16xi32>
    %ne3A_54 = arith.cmpi ne, %rem3A_51, %ne3A_53 : vector<16xi32>
    %and3A_55 = arith.andi %ne3A_49, %ne3A_54 : vector<16xi1>
    %sub3A_56 = arith.constant 1 : i32
    %sub3A_57 = vector.broadcast %sub3A_56 : i32 to vector<16xi32>
    %sub3A_58 = arith.subi %div3A_31, %sub3A_57 : vector<16xi32>
    %select_n3A_59 = arith.select %and3A_55, %sub3A_58, %div3A_31 : vector<16xi1>, vector<16xi32>
    %add3A_60 = arith.constant 4 : i32
    %add3A_61 = vector.broadcast %add3A_60 : i32 to vector<16xi32>
    %add3A_62 = arith.addi %select_n3A_59, %add3A_61 : vector<16xi32>
    %jit3A_63 = arith.constant 4 : i32
    %div3A_64 = vector.broadcast %jit3A_63 : i32 to vector<16xi32>
    %div3A_65 = arith.divsi %iota3A, %div3A_64 : vector<16xi32>
    %sign3A_66 = arith.constant 0 : i32
    %sign3A_67 = vector.broadcast %sign3A_66 : i32 to vector<16xi32>
    %sign3A_68 = arith.cmpi sgt, %iota3A, %sign3A_67 : vector<16xi32>
    %sign3A_69 = arith.extui %sign3A_68 : vector<16xi1> to vector<16xi32>
    %sign3A_70 = arith.constant 0 : i32
    %sign3A_71 = vector.broadcast %sign3A_70 : i32 to vector<16xi32>
    %sign3A_72 = arith.cmpi slt, %iota3A, %sign3A_71 : vector<16xi32>
    %sign3A_73 = arith.extui %sign3A_72 : vector<16xi1> to vector<16xi32>
    %sign3A_74 = arith.subi %sign3A_69, %sign3A_73 : vector<16xi32>
    %sign3A_75 = arith.constant 0 : i32
    %sign3A_76 = arith.cmpi sgt, %jit3A_63, %sign3A_75 : i32
    %sign3A_77 = arith.extui %sign3A_76 : i1 to i32
    %sign3A_78 = arith.constant 0 : i32
    %sign3A_79 = arith.cmpi slt, %jit3A_63, %sign3A_78 : i32
    %sign3A_80 = arith.extui %sign3A_79 : i1 to i32
    %sign3A_81 = arith.subi %sign3A_77, %sign3A_80 : i32
    %ne3A_82 = vector.broadcast %sign3A_81 : i32 to vector<16xi32>
    %ne3A_83 = arith.cmpi ne, %sign3A_74, %ne3A_82 : vector<16xi32>
    %rem3A_84 = vector.broadcast %jit3A_63 : i32 to vector<16xi32>
    %rem3A_85 = arith.remsi %iota3A, %rem3A_84 : vector<16xi32>
    %ne3A_86 = arith.constant 0 : i32
    %ne3A_87 = vector.broadcast %ne3A_86 : i32 to vector<16xi32>
    %ne3A_88 = arith.cmpi ne, %rem3A_85, %ne3A_87 : vector<16xi32>
    %and3A_89 = arith.andi %ne3A_83, %ne3A_88 : vector<16xi1>
    %sub3A_90 = arith.constant 1 : i32
    %sub3A_91 = vector.broadcast %sub3A_90 : i32 to vector<16xi32>
    %sub3A_92 = arith.subi %div3A_65, %sub3A_91 : vector<16xi32>
    %select_n3A_93 = arith.select %and3A_89, %sub3A_92, %div3A_65 : vector<16xi1>, vector<16xi32>
    %add3A_94 = arith.constant 8 : i32
    %add3A_95 = vector.broadcast %add3A_94 : i32 to vector<16xi32>
    %add3A_96 = arith.addi %select_n3A_93, %add3A_95 : vector<16xi32>
    %jit3A_97 = arith.constant 4 : i32
    %div3A_98 = vector.broadcast %jit3A_97 : i32 to vector<16xi32>
    %div3A_99 = arith.divsi %iota3A, %div3A_98 : vector<16xi32>
    %sign3A_100 = arith.constant 0 : i32
    %sign3A_101 = vector.broadcast %sign3A_100 : i32 to vector<16xi32>
    %sign3A_102 = arith.cmpi sgt, %iota3A, %sign3A_101 : vector<16xi32>
    %sign3A_103 = arith.extui %sign3A_102 : vector<16xi1> to vector<16xi32>
    %sign3A_104 = arith.constant 0 : i32
    %sign3A_105 = vector.broadcast %sign3A_104 : i32 to vector<16xi32>
    %sign3A_106 = arith.cmpi slt, %iota3A, %sign3A_105 : vector<16xi32>
    %sign3A_107 = arith.extui %sign3A_106 : vector<16xi1> to vector<16xi32>
    %sign3A_108 = arith.subi %sign3A_103, %sign3A_107 : vector<16xi32>
    %sign3A_109 = arith.constant 0 : i32
    %sign3A_110 = arith.cmpi sgt, %jit3A_97, %sign3A_109 : i32
    %sign3A_111 = arith.extui %sign3A_110 : i1 to i32
    %sign3A_112 = arith.constant 0 : i32
    %sign3A_113 = arith.cmpi slt, %jit3A_97, %sign3A_112 : i32
    %sign3A_114 = arith.extui %sign3A_113 : i1 to i32
    %sign3A_115 = arith.subi %sign3A_111, %sign3A_114 : i32
    %ne3A_116 = vector.broadcast %sign3A_115 : i32 to vector<16xi32>
    %ne3A_117 = arith.cmpi ne, %sign3A_108, %ne3A_116 : vector<16xi32>
    %rem3A_118 = vector.broadcast %jit3A_97 : i32 to vector<16xi32>
    %rem3A_119 = arith.remsi %iota3A, %rem3A_118 : vector<16xi32>
    %ne3A_120 = arith.constant 0 : i32
    %ne3A_121 = vector.broadcast %ne3A_120 : i32 to vector<16xi32>
    %ne3A_122 = arith.cmpi ne, %rem3A_119, %ne3A_121 : vector<16xi32>
    %and3A_123 = arith.andi %ne3A_117, %ne3A_122 : vector<16xi1>
    %sub3A_124 = arith.constant 1 : i32
    %sub3A_125 = vector.broadcast %sub3A_124 : i32 to vector<16xi32>
    %sub3A_126 = arith.subi %div3A_99, %sub3A_125 : vector<16xi32>
    %select_n3A_127 = arith.select %and3A_123, %sub3A_126, %div3A_99 : vector<16xi1>, vector<16xi32>
    %add3A_128 = arith.constant 12 : i32
    %add3A_129 = vector.broadcast %add3A_128 : i32 to vector<16xi32>
    %add3A_130 = arith.addi %select_n3A_127, %add3A_129 : vector<16xi32>
    %jit3A_131 = arith.constant 4 : i32
    %eq3A = arith.constant 0 : i32
    %eq3A_132 = arith.cmpi eq, %jit3A_131, %eq3A : i32
    %jit3A_133 = arith.constant 1 : i32
    %select_n3A_134 = arith.select %eq3A_132, %jit3A_133, %jit3A_131 : i32
    %rem3A_135 = vector.broadcast %select_n3A_134 : i32 to vector<16xi32>
    %rem3A_136 = arith.remsi %iota3A, %rem3A_135 : vector<16xi32>
    %ne3A_137 = arith.constant 0 : i32
    %ne3A_138 = vector.broadcast %ne3A_137 : i32 to vector<16xi32>
    %ne3A_139 = arith.cmpi ne, %rem3A_136, %ne3A_138 : vector<16xi32>
    %lt3A = arith.constant 0 : i32
    %lt3A_140 = vector.broadcast %lt3A : i32 to vector<16xi32>
    %lt3A_141 = arith.cmpi slt, %rem3A_136, %lt3A_140 : vector<16xi32>
    %lt3A_142 = arith.constant 0 : i32
    %lt3A_143 = arith.cmpi slt, %select_n3A_134, %lt3A_142 : i32
    %ne3A_144 = vector.broadcast %lt3A_143 : i1 to vector<16xi1>
    %ne3A_145 = vector.broadcast %ne3A_144 : vector<16xi1> to vector<16xi1>
    %ne3A_146 = arith.xori %lt3A_141, %ne3A_145 : vector<16xi1>
    %and3A_147 = arith.andi %ne3A_146, %ne3A_139 : vector<16xi1>
    %add3A_148 = vector.broadcast %select_n3A_134 : i32 to vector<16xi32>
    %add3A_149 = arith.addi %rem3A_136, %add3A_148 : vector<16xi32>
    %select_n3A_150 = arith.select %and3A_147, %add3A_149, %rem3A_136 : vector<16xi1>, vector<16xi32>
    "tpu.region"() ({
      %run_scoped3A = tpu.sem_alloc : memref<!tpu.dma_semaphore, #tpu.memory_space<semaphore_mem>>
      tpu.enqueue_dma source(%arg6 : memref<256xf32, #tpu.memory_space<hbm>>) target(%arg14 : memref<256xf32, #tpu.memory_space<vmem>>) target_semaphore(%run_scoped3A : memref<!tpu.dma_semaphore, #tpu.memory_space<semaphore_mem>>)
      tpu.wait_dma2 semaphore(%run_scoped3A : memref<!tpu.dma_semaphore, #tpu.memory_space<semaphore_mem>>) src(%arg6 : memref<256xf32, #tpu.memory_space<hbm>>) dst(%arg14 : memref<256xf32, #tpu.memory_space<vmem>>)
      tpu.yield
    }) : () -> ()
    %scan3A = arith.constant 0 : i32
    %scan3A_151 = arith.constant 0 : i32
    %scan3A_152 = arith.constant 129 : i32
    %scan3A_153 = arith.addi %scan3A_151, %scan3A_152 : i32
    %scan3A_154 = arith.constant 1 : i32
    %scan3A_155 = scf.for %scan3A_164 = %scan3A_151 to %scan3A_153 step %scan3A_154 iter_args(%scan3A_165 = %scan3A) -> (i32)  : i32 {
      %mul3A_166 = arith.constant 16 : i32
      %mul3A_167 = arith.muli %scan3A_164, %mul3A_166 : i32
      %swap3A = arith.index_cast %mul3A_167 : i32 to index
      %swap3A_168 = tpu.vector_load %arg10[%swap3A] {strides = array<i32>} : memref<2064xi32, #tpu.memory_space<vmem>>, vector<16xi32>,
      tpu.vector_store %arg10[%swap3A], %broadcast_in_dim3A_3 {strides = array<i32>} : memref<2064xi32, #tpu.memory_space<vmem>>, vector<16xi32>,
      %scan3A_169 = arith.constant 0 : i32
      scf.yield %scan3A_169 : i32
    }
    %scan3A_156 = arith.constant 129 : i32
    %scan3A_157 = arith.constant 0 : i32
    %scan3A_158 = arith.constant 0 : i32
    %scan3A_159 = arith.constant 4 : i32
    %scan3A_160 = arith.addi %scan3A_158, %scan3A_159 : i32
    %scan3A_161 = arith.constant 1 : i32
    %scan3A_162 = scf.for %scan3A_164 = %scan3A_158 to %scan3A_160 step %scan3A_161 iter_args(%scan3A_165 = %scan3A_157) -> (i32)  : i32 {
      %mul3A_166 = arith.constant 2 : i32
      %mul3A_167 = arith.muli %mul3A_166, %scan3A_164 : i32
      %add3A_168 = arith.addi %mul3A_167, %arg0 : i32
      %mul3A_169 = arith.constant 6400 : i32
      %mul3A_170 = arith.muli %add3A_168, %mul3A_169 : i32
      %scan3A_171 = arith.constant 0 : i32
      %scan3A_172 = arith.constant 0 : i32
      %scan3A_173 = arith.constant 16 : i32
      %scan3A_174 = arith.addi %scan3A_172, %scan3A_173 : i32
      %scan3A_175 = arith.constant 1 : i32
      %scan3A_176 = scf.for %scan3A_207 = %scan3A_172 to %scan3A_174 step %scan3A_175 iter_args(%scan3A_208 = %scan3A_171) -> (i32)  : i32 {
        %swap3A = arith.index_cast %scan3A_207 : i32 to index
        %swap3A_209 = arith.constant 0 : index
        %swap3A_210 = tpu.vector_load %arg13[%swap3A, %swap3A_209] {strides = array<i32>} : memref<16x272xf32, #tpu.memory_space<vmem>>, vector<16xf32>,
        tpu.vector_store %arg13[%swap3A, %swap3A_209], %broadcast_in_dim3A_1 {strides = array<i32>} : memref<16x272xf32, #tpu.memory_space<vmem>>, vector<16xf32>,
        %swap3A_211 = arith.index_cast %scan3A_207 : i32 to index
        %swap3A_212 = arith.constant 16 : index
        %swap3A_213 = tpu.vector_load %arg13[%swap3A_211, %swap3A_212] {strides = array<i32>} : memref<16x272xf32, #tpu.memory_space<vmem>>, vector<16xf32>,
        tpu.vector_store %arg13[%swap3A_211, %swap3A_212], %broadcast_in_dim3A_1 {strides = array<i32>} : memref<16x272xf32, #tpu.memory_space<vmem>>, vector<16xf32>,
        %swap3A_214 = arith.index_cast %scan3A_207 : i32 to index
        %swap3A_215 = arith.constant 32 : index
        %swap3A_216 = tpu.vector_load %arg13[%swap3A_214, %swap3A_215] {strides = array<i32>} : memref<16x272xf32, #tpu.memory_space<vmem>>, vector<16xf32>,
        tpu.vector_store %arg13[%swap3A_214, %swap3A_215], %broadcast_in_dim3A_1 {strides = array<i32>} : memref<16x272xf32, #tpu.memory_space<vmem>>, vector<16xf32>,
        %swap3A_217 = arith.index_cast %scan3A_207 : i32 to index
        %swap3A_218 = arith.constant 48 : index
        %swap3A_219 = tpu.vector_load %arg13[%swap3A_217, %swap3A_218] {strides = array<i32>} : memref<16x272xf32, #tpu.memory_space<vmem>>, vector<16xf32>,
        tpu.vector_store %arg13[%swap3A_217, %swap3A_218], %broadcast_in_dim3A_1 {strides = array<i32>} : memref<16x272xf32, #tpu.memory_space<vmem>>, vector<16xf32>,
        %swap3A_220 = arith.index_cast %scan3A_207 : i32 to index
        %swap3A_221 = arith.constant 64 : index
        %swap3A_222 = tpu.vector_load %arg13[%swap3A_220, %swap3A_221] {strides = array<i32>} : memref<16x272xf32, #tpu.memory_space<vmem>>, vector<16xf32>,
        tpu.vector_store %arg13[%swap3A_220, %swap3A_221], %broadcast_in_dim3A_1 {strides = array<i32>} : memref<16x272xf32, #tpu.memory_space<vmem>>, vector<16xf32>,
        %swap3A_223 = arith.index_cast %scan3A_207 : i32 to index
        %swap3A_224 = arith.constant 80 : index
        %swap3A_225 = tpu.vector_load %arg13[%swap3A_223, %swap3A_224] {strides = array<i32>} : memref<16x272xf32, #tpu.memory_space<vmem>>, vector<16xf32>,
        tpu.vector_store %arg13[%swap3A_223, %swap3A_224], %broadcast_in_dim3A_1 {strides = array<i32>} : memref<16x272xf32, #tpu.memory_space<vmem>>, vector<16xf32>,
        %swap3A_226 = arith.index_cast %scan3A_207 : i32 to index
        %swap3A_227 = arith.constant 96 : index
        %swap3A_228 = tpu.vector_load %arg13[%swap3A_226, %swap3A_227] {strides = array<i32>} : memref<16x272xf32, #tpu.memory_space<vmem>>, vector<16xf32>,
        tpu.vector_store %arg13[%swap3A_226, %swap3A_227], %broadcast_in_dim3A_1 {strides = array<i32>} : memref<16x272xf32, #tpu.memory_space<vmem>>, vector<16xf32>,
        %swap3A_229 = arith.index_cast %scan3A_207 : i32 to index
        %swap3A_230 = arith.constant 112 : index
        %swap3A_231 = tpu.vector_load %arg13[%swap3A_229, %swap3A_230] {strides = array<i32>} : memref<16x272xf32, #tpu.memory_space<vmem>>, vector<16xf32>,
        tpu.vector_store %arg13[%swap3A_229, %swap3A_230], %broadcast_in_dim3A_1 {strides = array<i32>} : memref<16x272xf32, #tpu.memory_space<vmem>>, vector<16xf32>,
        %swap3A_232 = arith.index_cast %scan3A_207 : i32 to index
        %swap3A_233 = arith.constant 128 : index
        %swap3A_234 = tpu.vector_load %arg13[%swap3A_232, %swap3A_233] {strides = array<i32>} : memref<16x272xf32, #tpu.memory_space<vmem>>, vector<16xf32>,
        tpu.vector_store %arg13[%swap3A_232, %swap3A_233], %broadcast_in_dim3A_1 {strides = array<i32>} : memref<16x272xf32, #tpu.memory_space<vmem>>, vector<16xf32>,
        %swap3A_235 = arith.index_cast %scan3A_207 : i32 to index
        %swap3A_236 = arith.constant 144 : index
        %swap3A_237 = tpu.vector_load %arg13[%swap3A_235, %swap3A_236] {strides = array<i32>} : memref<16x272xf32, #tpu.memory_space<vmem>>, vector<16xf32>,
        tpu.vector_store %arg13[%swap3A_235, %swap3A_236], %broadcast_in_dim3A_1 {strides = array<i32>} : memref<16x272xf32, #tpu.memory_space<vmem>>, vector<16xf32>,
        %swap3A_238 = arith.index_cast %scan3A_207 : i32 to index
        %swap3A_239 = arith.constant 160 : index
        %swap3A_240 = tpu.vector_load %arg13[%swap3A_238, %swap3A_239] {strides = array<i32>} : memref<16x272xf32, #tpu.memory_space<vmem>>, vector<16xf32>,
        tpu.vector_store %arg13[%swap3A_238, %swap3A_239], %broadcast_in_dim3A_1 {strides = array<i32>} : memref<16x272xf32, #tpu.memory_space<vmem>>, vector<16xf32>,
        %swap3A_241 = arith.index_cast %scan3A_207 : i32 to index
        %swap3A_242 = arith.constant 176 : index
        %swap3A_243 = tpu.vector_load %arg13[%swap3A_241, %swap3A_242] {strides = array<i32>} : memref<16x272xf32, #tpu.memory_space<vmem>>, vector<16xf32>,
        tpu.vector_store %arg13[%swap3A_241, %swap3A_242], %broadcast_in_dim3A_1 {strides = array<i32>} : memref<16x272xf32, #tpu.memory_space<vmem>>, vector<16xf32>,
        %swap3A_244 = arith.index_cast %scan3A_207 : i32 to index
        %swap3A_245 = arith.constant 192 : index
        %swap3A_246 = tpu.vector_load %arg13[%swap3A_244, %swap3A_245] {strides = array<i32>} : memref<16x272xf32, #tpu.memory_space<vmem>>, vector<16xf32>,
        tpu.vector_store %arg13[%swap3A_244, %swap3A_245], %broadcast_in_dim3A_1 {strides = array<i32>} : memref<16x272xf32, #tpu.memory_space<vmem>>, vector<16xf32>,
        %swap3A_247 = arith.index_cast %scan3A_207 : i32 to index
        %swap3A_248 = arith.constant 208 : index
        %swap3A_249 = tpu.vector_load %arg13[%swap3A_247, %swap3A_248] {strides = array<i32>} : memref<16x272xf32, #tpu.memory_space<vmem>>, vector<16xf32>,
        tpu.vector_store %arg13[%swap3A_247, %swap3A_248], %broadcast_in_dim3A_1 {strides = array<i32>} : memref<16x272xf32, #tpu.memory_space<vmem>>, vector<16xf32>,
        %swap3A_250 = arith.index_cast %scan3A_207 : i32 to index
        %swap3A_251 = arith.constant 224 : index
        %swap3A_252 = tpu.vector_load %arg13[%swap3A_250, %swap3A_251] {strides = array<i32>} : memref<16x272xf32, #tpu.memory_space<vmem>>, vector<16xf32>,
        tpu.vector_store %arg13[%swap3A_250, %swap3A_251], %broadcast_in_dim3A_1 {strides = array<i32>} : memref<16x272xf32, #tpu.memory_space<vmem>>, vector<16xf32>,
        %swap3A_253 = arith.index_cast %scan3A_207 : i32 to index
        %swap3A_254 = arith.constant 240 : index
        %swap3A_255 = tpu.vector_load %arg13[%swap3A_253, %swap3A_254] {strides = array<i32>} : memref<16x272xf32, #tpu.memory_space<vmem>>, vector<16xf32>,
        tpu.vector_store %arg13[%swap3A_253, %swap3A_254], %broadcast_in_dim3A_1 {strides = array<i32>} : memref<16x272xf32, #tpu.memory_space<vmem>>, vector<16xf32>,
        %swap3A_256 = arith.index_cast %scan3A_207 : i32 to index
        %swap3A_257 = arith.constant 256 : index
        %swap3A_258 = tpu.vector_load %arg13[%swap3A_256, %swap3A_257] {strides = array<i32>} : memref<16x272xf32, #tpu.memory_space<vmem>>, vector<16xf32>,
        tpu.vector_store %arg13[%swap3A_256, %swap3A_257], %broadcast_in_dim3A_1 {strides = array<i32>} : memref<16x272xf32, #tpu.memory_space<vmem>>, vector<16xf32>,
        %scan3A_259 = arith.constant 0 : i32
        scf.yield %scan3A_259 : i32
      }
      %scan3A_177 = arith.constant 16 : i32
      %scan3A_178 = arith.constant 0 : i32
      %scan3A_179 = arith.constant 0 : i32
      %scan3A_180 = arith.constant 25 : i32
      %scan3A_181 = arith.addi %scan3A_179, %scan3A_180 : i32
      %scan3A_182 = arith.constant 1 : i32
      %scan3A_183 = scf.for %scan3A_207 = %scan3A_179 to %scan3A_181 step %scan3A_182 iter_args(%scan3A_208 = %scan3A_178) -> (i32)  : i32 {
        %mul3A_209 = arith.constant 400 : i32
        %mul3A_210 = arith.muli %arg1, %mul3A_209 : i32
        %mul3A_211 = arith.constant 16 : i32
        %mul3A_212 = arith.muli %scan3A_207, %mul3A_211 : i32
        %add3A_213 = arith.addi %mul3A_210, %mul3A_212 : i32
        "tpu.region"() ({
          %run_scoped3A = tpu.sem_alloc : memref<!tpu.dma_semaphore, #tpu.memory_space<semaphore_mem>>
          %dma_start3A = arith.constant 0 : i32
          %dma_start3A_215 = tpu.memref_slice %arg15[%add3A_213, %dma_start3A] : memref<6400x272xf32, #tpu.memory_space<vmem_shared>> -> memref<16x272xf32, #tpu.memory_space<vmem_shared>>
          %dma_start3A_216 = arith.constant 0 : i32
          %dma_start3A_217 = tpu.memref_slice %arg15[%add3A_213, %dma_start3A_216] : memref<6400x272xf32, #tpu.memory_space<vmem_shared>> -> memref<16x272xf32, #tpu.memory_space<vmem_shared>>
          tpu.enqueue_dma source(%arg13 : memref<16x272xf32, #tpu.memory_space<vmem>>) target(%dma_start3A_217 : memref<16x272xf32, #tpu.memory_space<vmem_shared>>) target_semaphore(%run_scoped3A : memref<!tpu.dma_semaphore, #tpu.memory_space<semaphore_mem>>)
          %dma_wait3A = arith.constant 0 : i32
          %dma_wait3A_218 = tpu.memref_slice %arg15[%add3A_213, %dma_wait3A] : memref<6400x272xf32, #tpu.memory_space<vmem_shared>> -> memref<16x272xf32, #tpu.memory_space<vmem_shared>>
          %dma_wait3A_219 = arith.constant 0 : i32
          %dma_wait3A_220 = tpu.memref_slice %arg15[%add3A_213, %dma_wait3A_219] : memref<6400x272xf32, #tpu.memory_space<vmem_shared>> -> memref<16x272xf32, #tpu.memory_space<vmem_shared>>
          tpu.wait_dma2 semaphore(%run_scoped3A : memref<!tpu.dma_semaphore, #tpu.memory_space<semaphore_mem>>) src(%arg13 : memref<16x272xf32, #tpu.memory_space<vmem>>) dst(%dma_wait3A_220 : memref<16x272xf32, #tpu.memory_space<vmem_shared>>)
          tpu.yield
        }) : () -> ()
        %scan3A_214 = arith.constant 0 : i32
        scf.yield %scan3A_214 : i32
      }
      %scan3A_184 = arith.constant 25 : i32
      %mul3A_185 = arith.constant 400 : i32
      %mul3A_186 = arith.muli %arg1, %mul3A_185 : i32
      %add3A_187 = arith.addi %mul3A_170, %mul3A_186 : i32
      %mul3A_188 = arith.constant 400 : i32
      %mul3A_189 = arith.muli %arg1, %mul3A_188 : i32
      "tpu.region"() ({
        %run_scoped3A = tpu.sem_alloc : memref<!tpu.dma_semaphore, #tpu.memory_space<semaphore_mem>>
        %dma_start3A = arith.constant 0 : i32
        %dma_start3A_207 = tpu.memref_slice %arg16[%mul3A_189, %dma_start3A] : memref<6400x16xf32, #tpu.memory_space<vmem_shared>> -> memref<400x16xf32, #tpu.memory_space<vmem_shared>>
        %dma_start3A_208 = arith.constant 0 : i32
        %dma_start3A_209 = tpu.memref_slice %arg3[%add3A_187, %dma_start3A_208] : memref<51200x16xf32, #tpu.memory_space<hbm>> -> memref<400x16xf32, #tpu.memory_space<hbm>>
        tpu.enqueue_dma source(%dma_start3A_209 : memref<400x16xf32, #tpu.memory_space<hbm>>) target(%dma_start3A_207 : memref<400x16xf32, #tpu.memory_space<vmem_shared>>) target_semaphore(%run_scoped3A : memref<!tpu.dma_semaphore, #tpu.memory_space<semaphore_mem>>)
        %dma_wait3A = arith.constant 0 : i32
        %dma_wait3A_210 = tpu.memref_slice %arg16[%mul3A_189, %dma_wait3A] : memref<6400x16xf32, #tpu.memory_space<vmem_shared>> -> memref<400x16xf32, #tpu.memory_space<vmem_shared>>
        %dma_wait3A_211 = arith.constant 0 : i32
        %dma_wait3A_212 = tpu.memref_slice %arg3[%add3A_187, %dma_wait3A_211] : memref<51200x16xf32, #tpu.memory_space<hbm>> -> memref<400x16xf32, #tpu.memory_space<hbm>>
        tpu.wait_dma2 semaphore(%run_scoped3A : memref<!tpu.dma_semaphore, #tpu.memory_space<semaphore_mem>>) src(%dma_wait3A_212 : memref<400x16xf32, #tpu.memory_space<hbm>>) dst(%dma_wait3A_210 : memref<400x16xf32, #tpu.memory_space<vmem_shared>>)
        tpu.yield
      }) : () -> ()
      %barrier3A = arith.constant 0 : index
      tpu.barrier barrier_id(%barrier3A)
      %scan3A_190 = arith.constant 0 : i32
      %scan3A_191 = arith.constant 0 : i32
      %scan3A_192 = arith.constant 25 : i32
      %scan3A_193 = arith.addi %scan3A_191, %scan3A_192 : i32
      %scan3A_194 = arith.constant 1 : i32
      %scan3A_195 = scf.for %scan3A_207 = %scan3A_191 to %scan3A_193 step %scan3A_194 iter_args(%scan3A_208 = %scan3A_190) -> (i32)  : i32 {
        %mul3A_209 = arith.constant 2000 : i32
        %mul3A_210 = arith.muli %scan3A_207, %mul3A_209 : i32
        %add3A_211 = arith.addi %mul3A_0, %mul3A_210 : i32
        "tpu.region"() ({
          %run_scoped3A = tpu.sem_alloc : memref<!tpu.dma_semaphore, #tpu.memory_space<semaphore_mem>>
          %dma_start3A = arith.constant 0 : i32
          %dma_start3A_270 = tpu.memref_slice %arg8[%dma_start3A] : memref<2016xi32, #tpu.memory_space<vmem>> -> memref<2000xi32, #tpu.memory_space<vmem>>
          %dma_start3A_271 = tpu.memref_slice %arg4[%add3A_211] : memref<800000xi32, #tpu.memory_space<hbm>> -> memref<2000xi32, #tpu.memory_space<hbm>>
          %dma_start3A_272 = arith.constant 0 : i32
          %dma_start3A_273 = tpu.memref_slice %arg8[%dma_start3A_272] : memref<2016xi32, #tpu.memory_space<vmem>> -> memref<2000xi32, #tpu.memory_space<vmem>>
          %dma_start3A_274 = tpu.memref_slice %arg4[%add3A_211] : memref<800000xi32, #tpu.memory_space<hbm>> -> memref<2000xi32, #tpu.memory_space<hbm>>
          tpu.enqueue_dma source(%dma_start3A_274 : memref<2000xi32, #tpu.memory_space<hbm>>) target(%dma_start3A_273 : memref<2000xi32, #tpu.memory_space<vmem>>) target_semaphore(%run_scoped3A : memref<!tpu.dma_semaphore, #tpu.memory_space<semaphore_mem>>)
          %dma_wait3A = arith.constant 0 : i32
          %dma_wait3A_275 = tpu.memref_slice %arg8[%dma_wait3A] : memref<2016xi32, #tpu.memory_space<vmem>> -> memref<2000xi32, #tpu.memory_space<vmem>>
          %dma_wait3A_276 = tpu.memref_slice %arg4[%add3A_211] : memref<800000xi32, #tpu.memory_space<hbm>> -> memref<2000xi32, #tpu.memory_space<hbm>>
          %dma_wait3A_277 = arith.constant 0 : i32
          %dma_wait3A_278 = tpu.memref_slice %arg8[%dma_wait3A_277] : memref<2016xi32, #tpu.memory_space<vmem>> -> memref<2000xi32, #tpu.memory_space<vmem>>
          %dma_wait3A_279 = tpu.memref_slice %arg4[%add3A_211] : memref<800000xi32, #tpu.memory_space<hbm>> -> memref<2000xi32, #tpu.memory_space<hbm>>
          tpu.wait_dma2 semaphore(%run_scoped3A : memref<!tpu.dma_semaphore, #tpu.memory_space<semaphore_mem>>) src(%dma_wait3A_279 : memref<2000xi32, #tpu.memory_space<hbm>>) dst(%dma_wait3A_278 : memref<2000xi32, #tpu.memory_space<vmem>>)
          tpu.yield
        }) : () -> ()
        "tpu.region"() ({
          %run_scoped3A = tpu.sem_alloc : memref<!tpu.dma_semaphore, #tpu.memory_space<semaphore_mem>>
          %dma_start3A = arith.constant 0 : i32
          %dma_start3A_270 = tpu.memref_slice %arg9[%dma_start3A] : memref<2016xi32, #tpu.memory_space<vmem>> -> memref<2000xi32, #tpu.memory_space<vmem>>
          %dma_start3A_271 = tpu.memref_slice %arg5[%add3A_211] : memref<800000xi32, #tpu.memory_space<hbm>> -> memref<2000xi32, #tpu.memory_space<hbm>>
          %dma_start3A_272 = arith.constant 0 : i32
          %dma_start3A_273 = tpu.memref_slice %arg9[%dma_start3A_272] : memref<2016xi32, #tpu.memory_space<vmem>> -> memref<2000xi32, #tpu.memory_space<vmem>>
          %dma_start3A_274 = tpu.memref_slice %arg5[%add3A_211] : memref<800000xi32, #tpu.memory_space<hbm>> -> memref<2000xi32, #tpu.memory_space<hbm>>
          tpu.enqueue_dma source(%dma_start3A_274 : memref<2000xi32, #tpu.memory_space<hbm>>) target(%dma_start3A_273 : memref<2000xi32, #tpu.memory_space<vmem>>) target_semaphore(%run_scoped3A : memref<!tpu.dma_semaphore, #tpu.memory_space<semaphore_mem>>)
          %dma_wait3A = arith.constant 0 : i32
          %dma_wait3A_275 = tpu.memref_slice %arg9[%dma_wait3A] : memref<2016xi32, #tpu.memory_space<vmem>> -> memref<2000xi32, #tpu.memory_space<vmem>>
          %dma_wait3A_276 = tpu.memref_slice %arg5[%add3A_211] : memref<800000xi32, #tpu.memory_space<hbm>> -> memref<2000xi32, #tpu.memory_space<hbm>>
          %dma_wait3A_277 = arith.constant 0 : i32
          %dma_wait3A_278 = tpu.memref_slice %arg9[%dma_wait3A_277] : memref<2016xi32, #tpu.memory_space<vmem>> -> memref<2000xi32, #tpu.memory_space<vmem>>
          %dma_wait3A_279 = tpu.memref_slice %arg5[%add3A_211] : memref<800000xi32, #tpu.memory_space<hbm>> -> memref<2000xi32, #tpu.memory_space<hbm>>
          tpu.wait_dma2 semaphore(%run_scoped3A : memref<!tpu.dma_semaphore, #tpu.memory_space<semaphore_mem>>) src(%dma_wait3A_279 : memref<2000xi32, #tpu.memory_space<hbm>>) dst(%dma_wait3A_278 : memref<2000xi32, #tpu.memory_space<vmem>>)
          tpu.yield
        }) : () -> ()
        %broadcast_in_dim3A_212 = arith.constant 0 : i32
        %broadcast_in_dim3A_213 = vector.broadcast %broadcast_in_dim3A_212 : i32 to vector<16xi32>
        %swap3A = arith.constant 2000 : index
        %swap3A_214 = tpu.vector_load %arg8[%swap3A] {strides = array<i32>} : memref<2016xi32, #tpu.memory_space<vmem>>, vector<16xi32>,
        tpu.vector_store %arg8[%swap3A], %broadcast_in_dim3A_213 {strides = array<i32>} : memref<2016xi32, #tpu.memory_space<vmem>>, vector<16xi32>,
        %broadcast_in_dim3A_215 = vector.broadcast %mul3A_170 : i32 to vector<16xi32>
        %swap3A_216 = arith.constant 2000 : index
        %swap3A_217 = tpu.vector_load %arg9[%swap3A_216] {strides = array<i32>} : memref<2016xi32, #tpu.memory_space<vmem>>, vector<16xi32>,
        tpu.vector_store %arg9[%swap3A_216], %broadcast_in_dim3A_215 {strides = array<i32>} : memref<2016xi32, #tpu.memory_space<vmem>>, vector<16xi32>,
        %scan3A_218 = arith.constant 0 : i32
        %scan3A_219 = arith.constant 0 : i32
        %scan3A_220 = arith.constant 125 : i32
        %scan3A_221 = arith.addi %scan3A_219, %scan3A_220 : i32
        %scan3A_222 = arith.constant 1 : i32
        %scan3A_223 = scf.for %scan3A_270 = %scan3A_219 to %scan3A_221 step %scan3A_222 iter_args(%scan3A_271 = %scan3A_218) -> (i32)  : i32 {
          %mul3A_272 = arith.constant 16 : i32
          %mul3A_273 = arith.muli %scan3A_270, %mul3A_272 : i32
          %get3A = arith.index_cast %mul3A_273 : i32 to index
          %get3A_274 = tpu.vector_load %arg9[%get3A] {strides = array<i32>} : memref<2016xi32, #tpu.memory_space<vmem>>, vector<16xi32>,
          %ge3A = vector.broadcast %mul3A_170 : i32 to vector<16xi32>
          %ge3A_275 = arith.cmpi sge, %get3A_274, %ge3A : vector<16xi32>
          %add3A_276 = arith.constant 6400 : i32
          %add3A_277 = arith.addi %mul3A_170, %add3A_276 : i32
          %lt3A_278 = vector.broadcast %add3A_277 : i32 to vector<16xi32>
          %lt3A_279 = arith.cmpi slt, %get3A_274, %lt3A_278 : vector<16xi32>
          %and3A_280 = arith.andi %ge3A_275, %lt3A_279 : vector<16xi1>
          %jit3A_281 = arith.constant 0 : i32
          %jit3A_282 = arith.constant 1 : i32
          %broadcast_in_dim3A_283 = vector.broadcast %jit3A_281 : i32 to vector<16xi32>
          %broadcast_in_dim3A_284 = vector.broadcast %jit3A_282 : i32 to vector<16xi32>
          %select_n3A_285 = arith.select %and3A_280, %broadcast_in_dim3A_283, %broadcast_in_dim3A_284 : vector<16xi1>, vector<16xi32>
          %mul3A_286 = arith.constant 16 : i32
          %mul3A_287 = arith.muli %scan3A_270, %mul3A_286 : i32
          %add3A_288 = vector.broadcast %mul3A_287 : i32 to vector<16xi32>
          %add3A_289 = arith.addi %add3A_288, %iota3A : vector<16xi32>
          %masked_sort3A = arith.constant dense<true> : vector<16xi1>
          %masked_sort3A_290 = arith.constant -2147483648 : i32
          %masked_sort3A_291 = vector.broadcast %masked_sort3A_290 : i32 to vector<16xi32>
          %masked_sort3A_292 = arith.xori %select_n3A_285, %masked_sort3A_291 : vector<16xi32>
          %masked_sort3A_293, %masked_sort3A_294, %masked_sort3A_295 = tpu.sort %masked_sort3A_292, %add3A_289 masked %masked_sort3A : (vector<16xi32>, vector<16xi32>, vector<16xi1>) -> (vector<16xi1>, vector<16xi32>, vector<16xi32>)
          %masked_sort3A_296 = arith.xori %masked_sort3A_294, %masked_sort3A_291 : vector<16xi32>
          %swap3A_297 = arith.index_cast %scan3A_271 : i32 to index
          %swap3A_298 = tpu.vector_load %arg10[%swap3A_297] {strides = array<i32>} : memref<2064xi32, #tpu.memory_space<vmem>>, vector<16xi32>,
          tpu.vector_store %arg10[%swap3A_297], %masked_sort3A_295 {strides = array<i32>} : memref<2064xi32, #tpu.memory_space<vmem>>, vector<16xi32>,
          %convert_element_type3A_299 = arith.extui %and3A_280 : vector<16xi1> to vector<16xi32>
          %reduce_sum3A = arith.constant true
          %reduce_sum3A_300 = vector.broadcast %reduce_sum3A : i1 to vector<16xi1>
          %reduce_sum3A_301 = tpu.scan <sum>, %convert_element_type3A_299 masked %reduce_sum3A_300 : vector<16xi32>, vector<16xi1> -> vector<16xi32>
          %reduce_sum3A_302 = vector.extract %reduce_sum3A_301[15] : i32 from vector<16xi32>
          %add3A_303 = arith.addi %scan3A_271, %reduce_sum3A_302 : i32
          scf.yield %add3A_303 : i32
        }
        %scan3A_224 = arith.constant 125 : i32
        %add3A_225 = arith.constant 15 : i32
        %add3A_226 = arith.addi %scan3A_223, %add3A_225 : i32
        %jit3A_227 = arith.constant 16 : i32
        %div3A_228 = arith.divsi %add3A_226, %jit3A_227 : i32
        %sign3A_229 = arith.constant 0 : i32
        %sign3A_230 = arith.cmpi sgt, %add3A_226, %sign3A_229 : i32
        %sign3A_231 = arith.extui %sign3A_230 : i1 to i32
        %sign3A_232 = arith.constant 0 : i32
        %sign3A_233 = arith.cmpi slt, %add3A_226, %sign3A_232 : i32
        %sign3A_234 = arith.extui %sign3A_233 : i1 to i32
        %sign3A_235 = arith.subi %sign3A_231, %sign3A_234 : i32
        %sign3A_236 = arith.constant 0 : i32
        %sign3A_237 = arith.cmpi sgt, %jit3A_227, %sign3A_236 : i32
        %sign3A_238 = arith.extui %sign3A_237 : i1 to i32
        %sign3A_239 = arith.constant 0 : i32
        %sign3A_240 = arith.cmpi slt, %jit3A_227, %sign3A_239 : i32
        %sign3A_241 = arith.extui %sign3A_240 : i1 to i32
        %sign3A_242 = arith.subi %sign3A_238, %sign3A_241 : i32
        %ne3A_243 = arith.cmpi ne, %sign3A_235, %sign3A_242 : i32
        %rem3A_244 = arith.remsi %add3A_226, %jit3A_227 : i32
        %ne3A_245 = arith.constant 0 : i32
        %ne3A_246 = arith.cmpi ne, %rem3A_244, %ne3A_245 : i32
        %and3A_247 = arith.andi %ne3A_243, %ne3A_246 : i1
        %sub3A_248 = arith.constant 1 : i32
        %sub3A_249 = arith.subi %div3A_228, %sub3A_248 : i32
        %select_n3A_250 = arith.select %and3A_247, %sub3A_249, %div3A_228 : i32
        %gt3A = arith.constant 0 : i32
        %gt3A_251 = arith.cmpi sgt, %scan3A_223, %gt3A : i32
        %convert_element_type3A = arith.extui %gt3A_251 : i1 to i32
        %cond3A = arith.constant 0 : i32
        %cond3A_252 = arith.cmpi ne, %convert_element_type3A, %cond3A : i32
        scf.if %cond3A_252 {
          %sub3A_270 = arith.constant 1 : i32
          %sub3A_271 = arith.subi %select_n3A_250, %sub3A_270 : i32
          %mul3A_272 = arith.constant 16 : i32
          %mul3A_273 = arith.muli %sub3A_271, %mul3A_272 : i32
          %get3A = arith.index_cast %mul3A_273 : i32 to index
          %get3A_274 = tpu.vector_load %arg10[%get3A] {strides = array<i32>} : memref<2064xi32, #tpu.memory_space<vmem>>, vector<16xi32>,
          %sub3A_275 = arith.subi %scan3A_223, %mul3A_273 : i32
          %lt3A_276 = vector.broadcast %sub3A_275 : i32 to vector<16xi32>
          %lt3A_277 = arith.cmpi slt, %iota3A, %lt3A_276 : vector<16xi32>
          %jit3A_278 = arith.constant 2000 : i32
          %broadcast_in_dim3A_279 = vector.broadcast %jit3A_278 : i32 to vector<16xi32>
          %select_n3A_280 = arith.select %lt3A_277, %get3A_274, %broadcast_in_dim3A_279 : vector<16xi1>, vector<16xi32>
          %swap3A_281 = arith.index_cast %mul3A_273 : i32 to index
          %swap3A_282 = tpu.vector_load %arg10[%swap3A_281] {strides = array<i32>} : memref<2064xi32, #tpu.memory_space<vmem>>, vector<16xi32>,
          tpu.vector_store %arg10[%swap3A_281], %select_n3A_280 {strides = array<i32>} : memref<2064xi32, #tpu.memory_space<vmem>>, vector<16xi32>,
        } else {
        }
        %while3A = arith.constant 0 : i32
        %while3A_253 = arith.constant 0 : i32
        %while3A_254 = arith.subi %select_n3A_250, %while3A : i32
        %while3A_255 = arith.addi %while3A, %while3A_254 : i32
        %while3A_256 = arith.constant 1 : i32
        %while3A_257 = arith.divsi %while3A_254, %while3A_256 : i32
        %while3A_258 = arith.muli %while3A_257, %while3A_256 : i32
        %while3A_259 = arith.addi %while3A, %while3A_258 : i32
        %while3A_260 = arith.constant 1 : i32
        %while3A_261 = scf.for %while3A_270 = %while3A to %while3A_259 step %while3A_260 iter_args(%while3A_271 = %while3A_253) -> (i32)  : i32 {
          %mul3A_272 = arith.constant 16 : i32
          %mul3A_273 = arith.muli %while3A_270, %mul3A_272 : i32
          %get3A = arith.index_cast %mul3A_273 : i32 to index
          %get3A_274 = tpu.vector_load %arg10[%get3A] {strides = array<i32>} : memref<2064xi32, #tpu.memory_space<vmem>>, vector<16xi32>,
          %gather3A = tpu.vector_load_idx %arg8[%get3A_274] : memref<2016xi32, #tpu.memory_space<vmem>>[vector<16xi32>], vector<16xi32>,
          %gather3A_275 = tpu.vector_load_idx %arg9[%get3A_274] : memref<2016xi32, #tpu.memory_space<vmem>>[vector<16xi32>], vector<16xi32>,
          %sub3A_276 = vector.broadcast %mul3A_170 : i32 to vector<16xi32>
          %sub3A_277 = arith.subi %gather3A_275, %sub3A_276 : vector<16xi32>
          %gt3A_278 = arith.constant 0 : i32
          %gt3A_279 = arith.cmpi sgt, %while3A_270, %gt3A_278 : i32
          %convert_element_type3A_280 = arith.extui %gt3A_279 : i1 to i32
          %cond3A_281 = arith.constant 0 : i32
          %cond3A_282 = arith.cmpi ne, %convert_element_type3A_280, %cond3A_281 : i32
          scf.if %cond3A_282 {
            %dma_wait3A_427 = arith.constant 0 : i32
            %dma_wait3A_428 = arith.constant 0 : i32
            %dma_wait3A_429 = tpu.memref_slice %arg15[%dma_wait3A_427, %dma_wait3A_428] : memref<6400x272xf32, #tpu.memory_space<vmem_shared>> -> memref<16x272xf32, #tpu.memory_space<vmem_shared>>
            %dma_wait3A_430 = arith.constant 0 : i32
            %dma_wait3A_431 = arith.constant 0 : i32
            %dma_wait3A_432 = tpu.memref_slice %arg15[%dma_wait3A_430, %dma_wait3A_431] : memref<6400x272xf32, #tpu.memory_space<vmem_shared>> -> memref<16x272xf32, #tpu.memory_space<vmem_shared>>
            tpu.wait_dma2 semaphore(%arg19 : memref<!tpu.dma_semaphore, #tpu.memory_space<semaphore_mem>>) src(%arg11 : memref<16x272xf32, #tpu.memory_space<vmem>>) dst(%dma_wait3A_432 : memref<16x272xf32, #tpu.memory_space<vmem_shared>>)
          } else {
          }
          %dma_start3A = arith.constant 0 : i32
          %dma_start3A_283 = arith.constant 0 : i32
          %dma_start3A_284 = tpu.memref_slice %arg2[%dma_start3A, %dma_start3A_283] : memref<51200x272xf32, #tpu.memory_space<hbm>> -> memref<51200x272xf32, #tpu.memory_space<hbm>>
          tpu.enqueue_indirect_dma source(%dma_start3A_284 : memref<51200x272xf32, #tpu.memory_space<hbm>>) target(%arg11 : memref<16x272xf32, #tpu.memory_space<vmem>>) offsets(%gather3A : vector<16xi32>) semaphore(%arg17 : memref<!tpu.dma_semaphore, #tpu.memory_space<semaphore_mem>>)
          %dma_start3A_285 = arith.constant 0 : i32
          %dma_start3A_286 = arith.constant 0 : i32
          %dma_start3A_287 = tpu.memref_slice %arg16[%dma_start3A_285, %dma_start3A_286] : memref<6400x16xf32, #tpu.memory_space<vmem_shared>> -> memref<6400x16xf32, #tpu.memory_space<vmem_shared>>
          tpu.enqueue_indirect_dma source(%dma_start3A_287 : memref<6400x16xf32, #tpu.memory_space<vmem_shared>>) target(%arg12 : memref<16x16xf32, #tpu.memory_space<vmem>>) offsets(%sub3A_277 : vector<16xi32>) semaphore(%arg18 : memref<!tpu.dma_semaphore, #tpu.memory_space<semaphore_mem>>)
          %dma_wait3A = arith.constant 0 : i32
          %dma_wait3A_288 = arith.constant 0 : i32
          %dma_wait3A_289 = tpu.memref_slice %arg16[%dma_wait3A, %dma_wait3A_288] : memref<6400x16xf32, #tpu.memory_space<vmem_shared>> -> memref<6400x16xf32, #tpu.memory_space<vmem_shared>>
          tpu.wait_indirect_dma semaphore(%arg18 : memref<!tpu.dma_semaphore, #tpu.memory_space<semaphore_mem>>) src(%dma_wait3A_289 : memref<6400x16xf32, #tpu.memory_space<vmem_shared>>) dst(%arg12 : memref<16x16xf32, #tpu.memory_space<vmem>>)
          %dma_wait3A_290 = arith.constant 0 : i32
          %dma_wait3A_291 = arith.constant 0 : i32
          %dma_wait3A_292 = tpu.memref_slice %arg2[%dma_wait3A_290, %dma_wait3A_291] : memref<51200x272xf32, #tpu.memory_space<hbm>> -> memref<51200x272xf32, #tpu.memory_space<hbm>>
          tpu.wait_indirect_dma semaphore(%arg17 : memref<!tpu.dma_semaphore, #tpu.memory_space<semaphore_mem>>) src(%dma_wait3A_292 : memref<51200x272xf32, #tpu.memory_space<hbm>>) dst(%arg11 : memref<16x272xf32, #tpu.memory_space<vmem>>)
          %add3A_293 = arith.constant 256 : i32
          %add3A_294 = vector.broadcast %add3A_293 : i32 to vector<16xi32>
          %add3A_295 = arith.addi %add3A_294, %select_n3A_150 : vector<16xi32>
          %gather3A_296 = tpu.vector_load_idx %arg11[%add3A_28, %add3A_295] : memref<16x272xf32, #tpu.memory_space<vmem>>[vector<16xi32>, vector<16xi32>], vector<16xf32>,
          %add3A_297 = arith.constant 8 : i32
          %add3A_298 = vector.broadcast %add3A_297 : i32 to vector<16xi32>
          %add3A_299 = arith.addi %add3A_298, %select_n3A_150 : vector<16xi32>
          %gather3A_300 = tpu.vector_load_idx %arg12[%add3A_28, %add3A_299] : memref<16x16xf32, #tpu.memory_space<vmem>>[vector<16xi32>, vector<16xi32>], vector<16xf32>,
          %add3A_301 = arith.addf %gather3A_296, %gather3A_300 : vector<16xf32>
          %gt3A_302 = arith.constant 0.000000e+00 : f32
          %gt3A_303 = vector.broadcast %gt3A_302 : f32 to vector<16xf32>
          %gt3A_304 = arith.cmpf ogt, %add3A_301, %gt3A_303 : vector<16xf32>
          %mul3A_305 = arith.constant 2.000000e-01 : f32
          %mul3A_306 = vector.broadcast %mul3A_305 : f32 to vector<16xf32>
          %mul3A_307 = arith.mulf %mul3A_306, %add3A_301 : vector<16xf32>
          %select_n3A_308 = arith.select %gt3A_304, %add3A_301, %mul3A_307 : vector<16xi1>, vector<16xf32>
          %exp3A = math.exp %select_n3A_308 : vector<16xf32>
          %mul3A_309 = arith.constant 16 : i32
          %mul3A_310 = arith.muli %while3A_270, %mul3A_309 : i32
          %add3A_311 = vector.broadcast %mul3A_310 : i32 to vector<16xi32>
          %add3A_312 = arith.addi %add3A_311, %add3A_28 : vector<16xi32>
          %gather3A_313 = tpu.vector_load_idx %arg10[%add3A_312] : memref<2064xi32, #tpu.memory_space<vmem>>[vector<16xi32>], vector<16xi32>,
          %ne3A_314 = arith.constant 2000 : i32
          %ne3A_315 = vector.broadcast %ne3A_314 : i32 to vector<16xi32>
          %ne3A_316 = arith.cmpi ne, %gather3A_313, %ne3A_315 : vector<16xi32>
          %jit3A_317 = arith.constant 0.000000e+00 : f32
          %broadcast_in_dim3A_318 = vector.broadcast %jit3A_317 : f32 to vector<16xf32>
          %select_n3A_319 = arith.select %ne3A_316, %exp3A, %broadcast_in_dim3A_318 : vector<16xi1>, vector<16xf32>
          %add3A_320 = arith.constant 256 : i32
          %add3A_321 = vector.broadcast %add3A_320 : i32 to vector<16xi32>
          %add3A_322 = arith.addi %add3A_321, %select_n3A_150 : vector<16xi32>
          tpu.vector_store_idx %arg11[%add3A_28, %add3A_322], %select_n3A_319 : memref<16x272xf32, #tpu.memory_space<vmem>>[vector<16xi32>, vector<16xi32>], vector<16xf32>,
          %add3A_323 = arith.constant 256 : i32
          %add3A_324 = vector.broadcast %add3A_323 : i32 to vector<16xi32>
          %add3A_325 = arith.addi %add3A_324, %select_n3A_150 : vector<16xi32>
          %gather3A_326 = tpu.vector_load_idx %arg11[%add3A_62, %add3A_325] : memref<16x272xf32, #tpu.memory_space<vmem>>[vector<16xi32>, vector<16xi32>], vector<16xf32>,
          %add3A_327 = arith.constant 8 : i32
          %add3A_328 = vector.broadcast %add3A_327 : i32 to vector<16xi32>
          %add3A_329 = arith.addi %add3A_328, %select_n3A_150 : vector<16xi32>
          %gather3A_330 = tpu.vector_load_idx %arg12[%add3A_62, %add3A_329] : memref<16x16xf32, #tpu.memory_space<vmem>>[vector<16xi32>, vector<16xi32>], vector<16xf32>,
          %add3A_331 = arith.addf %gather3A_326, %gather3A_330 : vector<16xf32>
          %gt3A_332 = arith.constant 0.000000e+00 : f32
          %gt3A_333 = vector.broadcast %gt3A_332 : f32 to vector<16xf32>
          %gt3A_334 = arith.cmpf ogt, %add3A_331, %gt3A_333 : vector<16xf32>
          %mul3A_335 = arith.constant 2.000000e-01 : f32
          %mul3A_336 = vector.broadcast %mul3A_335 : f32 to vector<16xf32>
          %mul3A_337 = arith.mulf %mul3A_336, %add3A_331 : vector<16xf32>
          %select_n3A_338 = arith.select %gt3A_334, %add3A_331, %mul3A_337 : vector<16xi1>, vector<16xf32>
          %exp3A_339 = math.exp %select_n3A_338 : vector<16xf32>
          %mul3A_340 = arith.constant 16 : i32
          %mul3A_341 = arith.muli %while3A_270, %mul3A_340 : i32
          %add3A_342 = vector.broadcast %mul3A_341 : i32 to vector<16xi32>
          %add3A_343 = arith.addi %add3A_342, %add3A_62 : vector<16xi32>
          %gather3A_344 = tpu.vector_load_idx %arg10[%add3A_343] : memref<2064xi32, #tpu.memory_space<vmem>>[vector<16xi32>], vector<16xi32>,
          %ne3A_345 = arith.constant 2000 : i32
          %ne3A_346 = vector.broadcast %ne3A_345 : i32 to vector<16xi32>
          %ne3A_347 = arith.cmpi ne, %gather3A_344, %ne3A_346 : vector<16xi32>
          %jit3A_348 = arith.constant 0.000000e+00 : f32
          %broadcast_in_dim3A_349 = vector.broadcast %jit3A_348 : f32 to vector<16xf32>
          %select_n3A_350 = arith.select %ne3A_347, %exp3A_339, %broadcast_in_dim3A_349 : vector<16xi1>, vector<16xf32>
          %add3A_351 = arith.constant 256 : i32
          %add3A_352 = vector.broadcast %add3A_351 : i32 to vector<16xi32>
          %add3A_353 = arith.addi %add3A_352, %select_n3A_150 : vector<16xi32>
          tpu.vector_store_idx %arg11[%add3A_62, %add3A_353], %select_n3A_350 : memref<16x272xf32, #tpu.memory_space<vmem>>[vector<16xi32>, vector<16xi32>], vector<16xf32>,
          %add3A_354 = arith.constant 256 : i32
          %add3A_355 = vector.broadcast %add3A_354 : i32 to vector<16xi32>
          %add3A_356 = arith.addi %add3A_355, %select_n3A_150 : vector<16xi32>
          %gather3A_357 = tpu.vector_load_idx %arg11[%add3A_96, %add3A_356] : memref<16x272xf32, #tpu.memory_space<vmem>>[vector<16xi32>, vector<16xi32>], vector<16xf32>,
          %add3A_358 = arith.constant 8 : i32
          %add3A_359 = vector.broadcast %add3A_358 : i32 to vector<16xi32>
          %add3A_360 = arith.addi %add3A_359, %select_n3A_150 : vector<16xi32>
          %gather3A_361 = tpu.vector_load_idx %arg12[%add3A_96, %add3A_360] : memref<16x16xf32, #tpu.memory_space<vmem>>[vector<16xi32>, vector<16xi32>], vector<16xf32>,
          %add3A_362 = arith.addf %gather3A_357, %gather3A_361 : vector<16xf32>
          %gt3A_363 = arith.constant 0.000000e+00 : f32
          %gt3A_364 = vector.broadcast %gt3A_363 : f32 to vector<16xf32>
          %gt3A_365 = arith.cmpf ogt, %add3A_362, %gt3A_364 : vector<16xf32>
          %mul3A_366 = arith.constant 2.000000e-01 : f32
          %mul3A_367 = vector.broadcast %mul3A_366 : f32 to vector<16xf32>
          %mul3A_368 = arith.mulf %mul3A_367, %add3A_362 : vector<16xf32>
          %select_n3A_369 = arith.select %gt3A_365, %add3A_362, %mul3A_368 : vector<16xi1>, vector<16xf32>
          %exp3A_370 = math.exp %select_n3A_369 : vector<16xf32>
          %mul3A_371 = arith.constant 16 : i32
          %mul3A_372 = arith.muli %while3A_270, %mul3A_371 : i32
          %add3A_373 = vector.broadcast %mul3A_372 : i32 to vector<16xi32>
          %add3A_374 = arith.addi %add3A_373, %add3A_96 : vector<16xi32>
          %gather3A_375 = tpu.vector_load_idx %arg10[%add3A_374] : memref<2064xi32, #tpu.memory_space<vmem>>[vector<16xi32>], vector<16xi32>,
          %ne3A_376 = arith.constant 2000 : i32
          %ne3A_377 = vector.broadcast %ne3A_376 : i32 to vector<16xi32>
          %ne3A_378 = arith.cmpi ne, %gather3A_375, %ne3A_377 : vector<16xi32>
          %jit3A_379 = arith.constant 0.000000e+00 : f32
          %broadcast_in_dim3A_380 = vector.broadcast %jit3A_379 : f32 to vector<16xf32>
          %select_n3A_381 = arith.select %ne3A_378, %exp3A_370, %broadcast_in_dim3A_380 : vector<16xi1>, vector<16xf32>
          %add3A_382 = arith.constant 256 : i32
          %add3A_383 = vector.broadcast %add3A_382 : i32 to vector<16xi32>
          %add3A_384 = arith.addi %add3A_383, %select_n3A_150 : vector<16xi32>
          tpu.vector_store_idx %arg11[%add3A_96, %add3A_384], %select_n3A_381 : memref<16x272xf32, #tpu.memory_space<vmem>>[vector<16xi32>, vector<16xi32>], vector<16xf32>,
          %add3A_385 = arith.constant 256 : i32
          %add3A_386 = vector.broadcast %add3A_385 : i32 to vector<16xi32>
          %add3A_387 = arith.addi %add3A_386, %select_n3A_150 : vector<16xi32>
          %gather3A_388 = tpu.vector_load_idx %arg11[%add3A_130, %add3A_387] : memref<16x272xf32, #tpu.memory_space<vmem>>[vector<16xi32>, vector<16xi32>], vector<16xf32>,
          %add3A_389 = arith.constant 8 : i32
          %add3A_390 = vector.broadcast %add3A_389 : i32 to vector<16xi32>
          %add3A_391 = arith.addi %add3A_390, %select_n3A_150 : vector<16xi32>
          %gather3A_392 = tpu.vector_load_idx %arg12[%add3A_130, %add3A_391] : memref<16x16xf32, #tpu.memory_space<vmem>>[vector<16xi32>, vector<16xi32>], vector<16xf32>,
          %add3A_393 = arith.addf %gather3A_388, %gather3A_392 : vector<16xf32>
          %gt3A_394 = arith.constant 0.000000e+00 : f32
          %gt3A_395 = vector.broadcast %gt3A_394 : f32 to vector<16xf32>
          %gt3A_396 = arith.cmpf ogt, %add3A_393, %gt3A_395 : vector<16xf32>
          %mul3A_397 = arith.constant 2.000000e-01 : f32
          %mul3A_398 = vector.broadcast %mul3A_397 : f32 to vector<16xf32>
          %mul3A_399 = arith.mulf %mul3A_398, %add3A_393 : vector<16xf32>
          %select_n3A_400 = arith.select %gt3A_396, %add3A_393, %mul3A_399 : vector<16xi1>, vector<16xf32>
          %exp3A_401 = math.exp %select_n3A_400 : vector<16xf32>
          %mul3A_402 = arith.constant 16 : i32
          %mul3A_403 = arith.muli %while3A_270, %mul3A_402 : i32
          %add3A_404 = vector.broadcast %mul3A_403 : i32 to vector<16xi32>
          %add3A_405 = arith.addi %add3A_404, %add3A_130 : vector<16xi32>
          %gather3A_406 = tpu.vector_load_idx %arg10[%add3A_405] : memref<2064xi32, #tpu.memory_space<vmem>>[vector<16xi32>], vector<16xi32>,
          %ne3A_407 = arith.constant 2000 : i32
          %ne3A_408 = vector.broadcast %ne3A_407 : i32 to vector<16xi32>
          %ne3A_409 = arith.cmpi ne, %gather3A_406, %ne3A_408 : vector<16xi32>
          %jit3A_410 = arith.constant 0.000000e+00 : f32
          %broadcast_in_dim3A_411 = vector.broadcast %jit3A_410 : f32 to vector<16xf32>
          %select_n3A_412 = arith.select %ne3A_409, %exp3A_401, %broadcast_in_dim3A_411 : vector<16xi1>, vector<16xf32>
          %add3A_413 = arith.constant 256 : i32
          %add3A_414 = vector.broadcast %add3A_413 : i32 to vector<16xi32>
          %add3A_415 = arith.addi %add3A_414, %select_n3A_150 : vector<16xi32>
          tpu.vector_store_idx %arg11[%add3A_130, %add3A_415], %select_n3A_412 : memref<16x272xf32, #tpu.memory_space<vmem>>[vector<16xi32>, vector<16xi32>], vector<16xf32>,
          %scan3A_416 = arith.constant 0 : i32
          %scan3A_417 = arith.constant 0 : i32
          %scan3A_418 = arith.constant 16 : i32
          %scan3A_419 = arith.addi %scan3A_417, %scan3A_418 : i32
          %scan3A_420 = arith.constant 1 : i32
          %scan3A_421 = scf.for %scan3A_427 = %scan3A_417 to %scan3A_419 step %scan3A_420 iter_args(%scan3A_428 = %scan3A_416) -> (i32)  : i32 {
            %get3A_429 = arith.index_cast %scan3A_427 : i32 to index
            %get3A_430 = arith.constant 256 : index
            %get3A_431 = tpu.vector_load %arg11[%get3A_429, %get3A_430] {strides = array<i32>} : memref<16x272xf32, #tpu.memory_space<vmem>>, vector<16xf32>,
            %slice3A = vector.extract_strided_slice %get3A_431 {offsets = [0], sizes = [1], strides = [1]} : vector<16xf32> to vector<1xf32>
            %squeeze3A = vector.extract %slice3A[0] : f32 from vector<1xf32>
            %get3A_432 = arith.index_cast %scan3A_427 : i32 to index
            %get3A_433 = arith.constant 0 : index
            %get3A_434 = tpu.vector_load %arg11[%get3A_432, %get3A_433] {strides = array<i32>} : memref<16x272xf32, #tpu.memory_space<vmem>>, vector<16xf32>,
            %mul3A_435 = vector.broadcast %squeeze3A : f32 to vector<16xf32>
            %mul3A_436 = arith.mulf %get3A_434, %mul3A_435 : vector<16xf32>
            %swap3A_437 = arith.index_cast %scan3A_427 : i32 to index
            %swap3A_438 = arith.constant 0 : index
            %swap3A_439 = tpu.vector_load %arg11[%swap3A_437, %swap3A_438] {strides = array<i32>} : memref<16x272xf32, #tpu.memory_space<vmem>>, vector<16xf32>,
            tpu.vector_store %arg11[%swap3A_437, %swap3A_438], %mul3A_436 {strides = array<i32>} : memref<16x272xf32, #tpu.memory_space<vmem>>, vector<16xf32>,
            %get3A_440 = arith.index_cast %scan3A_427 : i32 to index
            %get3A_441 = arith.constant 16 : index
            %get3A_442 = tpu.vector_load %arg11[%get3A_440, %get3A_441] {strides = array<i32>} : memref<16x272xf32, #tpu.memory_space<vmem>>, vector<16xf32>,
            %mul3A_443 = vector.broadcast %squeeze3A : f32 to vector<16xf32>
            %mul3A_444 = arith.mulf %get3A_442, %mul3A_443 : vector<16xf32>
            %swap3A_445 = arith.index_cast %scan3A_427 : i32 to index
            %swap3A_446 = arith.constant 16 : index
            %swap3A_447 = tpu.vector_load %arg11[%swap3A_445, %swap3A_446] {strides = array<i32>} : memref<16x272xf32, #tpu.memory_space<vmem>>, vector<16xf32>,
            tpu.vector_store %arg11[%swap3A_445, %swap3A_446], %mul3A_444 {strides = array<i32>} : memref<16x272xf32, #tpu.memory_space<vmem>>, vector<16xf32>,
            %get3A_448 = arith.index_cast %scan3A_427 : i32 to index
            %get3A_449 = arith.constant 32 : index
            %get3A_450 = tpu.vector_load %arg11[%get3A_448, %get3A_449] {strides = array<i32>} : memref<16x272xf32, #tpu.memory_space<vmem>>, vector<16xf32>,
            %mul3A_451 = vector.broadcast %squeeze3A : f32 to vector<16xf32>
            %mul3A_452 = arith.mulf %get3A_450, %mul3A_451 : vector<16xf32>
            %swap3A_453 = arith.index_cast %scan3A_427 : i32 to index
            %swap3A_454 = arith.constant 32 : index
            %swap3A_455 = tpu.vector_load %arg11[%swap3A_453, %swap3A_454] {strides = array<i32>} : memref<16x272xf32, #tpu.memory_space<vmem>>, vector<16xf32>,
            tpu.vector_store %arg11[%swap3A_453, %swap3A_454], %mul3A_452 {strides = array<i32>} : memref<16x272xf32, #tpu.memory_space<vmem>>, vector<16xf32>,
            %get3A_456 = arith.index_cast %scan3A_427 : i32 to index
            %get3A_457 = arith.constant 48 : index
            %get3A_458 = tpu.vector_load %arg11[%get3A_456, %get3A_457] {strides = array<i32>} : memref<16x272xf32, #tpu.memory_space<vmem>>, vector<16xf32>,
            %mul3A_459 = vector.broadcast %squeeze3A : f32 to vector<16xf32>
            %mul3A_460 = arith.mulf %get3A_458, %mul3A_459 : vector<16xf32>
            %swap3A_461 = arith.index_cast %scan3A_427 : i32 to index
            %swap3A_462 = arith.constant 48 : index
            %swap3A_463 = tpu.vector_load %arg11[%swap3A_461, %swap3A_462] {strides = array<i32>} : memref<16x272xf32, #tpu.memory_space<vmem>>, vector<16xf32>,
            tpu.vector_store %arg11[%swap3A_461, %swap3A_462], %mul3A_460 {strides = array<i32>} : memref<16x272xf32, #tpu.memory_space<vmem>>, vector<16xf32>,
            %slice3A_464 = vector.extract_strided_slice %get3A_431 {offsets = [1], sizes = [1], strides = [1]} : vector<16xf32> to vector<1xf32>
            %squeeze3A_465 = vector.extract %slice3A_464[0] : f32 from vector<1xf32>
            %get3A_466 = arith.index_cast %scan3A_427 : i32 to index
            %get3A_467 = arith.constant 64 : index
            %get3A_468 = tpu.vector_load %arg11[%get3A_466, %get3A_467] {strides = array<i32>} : memref<16x272xf32, #tpu.memory_space<vmem>>, vector<16xf32>,
            %mul3A_469 = vector.broadcast %squeeze3A_465 : f32 to vector<16xf32>
            %mul3A_470 = arith.mulf %get3A_468, %mul3A_469 : vector<16xf32>
            %swap3A_471 = arith.index_cast %scan3A_427 : i32 to index
            %swap3A_472 = arith.constant 64 : index
            %swap3A_473 = tpu.vector_load %arg11[%swap3A_471, %swap3A_472] {strides = array<i32>} : memref<16x272xf32, #tpu.memory_space<vmem>>, vector<16xf32>,
            tpu.vector_store %arg11[%swap3A_471, %swap3A_472], %mul3A_470 {strides = array<i32>} : memref<16x272xf32, #tpu.memory_space<vmem>>, vector<16xf32>,
            %get3A_474 = arith.index_cast %scan3A_427 : i32 to index
            %get3A_475 = arith.constant 80 : index
            %get3A_476 = tpu.vector_load %arg11[%get3A_474, %get3A_475] {strides = array<i32>} : memref<16x272xf32, #tpu.memory_space<vmem>>, vector<16xf32>,
            %mul3A_477 = vector.broadcast %squeeze3A_465 : f32 to vector<16xf32>
            %mul3A_478 = arith.mulf %get3A_476, %mul3A_477 : vector<16xf32>
            %swap3A_479 = arith.index_cast %scan3A_427 : i32 to index
            %swap3A_480 = arith.constant 80 : index
            %swap3A_481 = tpu.vector_load %arg11[%swap3A_479, %swap3A_480] {strides = array<i32>} : memref<16x272xf32, #tpu.memory_space<vmem>>, vector<16xf32>,
            tpu.vector_store %arg11[%swap3A_479, %swap3A_480], %mul3A_478 {strides = array<i32>} : memref<16x272xf32, #tpu.memory_space<vmem>>, vector<16xf32>,
            %get3A_482 = arith.index_cast %scan3A_427 : i32 to index
            %get3A_483 = arith.constant 96 : index
            %get3A_484 = tpu.vector_load %arg11[%get3A_482, %get3A_483] {strides = array<i32>} : memref<16x272xf32, #tpu.memory_space<vmem>>, vector<16xf32>,
            %mul3A_485 = vector.broadcast %squeeze3A_465 : f32 to vector<16xf32>
            %mul3A_486 = arith.mulf %get3A_484, %mul3A_485 : vector<16xf32>
            %swap3A_487 = arith.index_cast %scan3A_427 : i32 to index
            %swap3A_488 = arith.constant 96 : index
            %swap3A_489 = tpu.vector_load %arg11[%swap3A_487, %swap3A_488] {strides = array<i32>} : memref<16x272xf32, #tpu.memory_space<vmem>>, vector<16xf32>,
            tpu.vector_store %arg11[%swap3A_487, %swap3A_488], %mul3A_486 {strides = array<i32>} : memref<16x272xf32, #tpu.memory_space<vmem>>, vector<16xf32>,
            %get3A_490 = arith.index_cast %scan3A_427 : i32 to index
            %get3A_491 = arith.constant 112 : index
            %get3A_492 = tpu.vector_load %arg11[%get3A_490, %get3A_491] {strides = array<i32>} : memref<16x272xf32, #tpu.memory_space<vmem>>, vector<16xf32>,
            %mul3A_493 = vector.broadcast %squeeze3A_465 : f32 to vector<16xf32>
            %mul3A_494 = arith.mulf %get3A_492, %mul3A_493 : vector<16xf32>
            %swap3A_495 = arith.index_cast %scan3A_427 : i32 to index
            %swap3A_496 = arith.constant 112 : index
            %swap3A_497 = tpu.vector_load %arg11[%swap3A_495, %swap3A_496] {strides = array<i32>} : memref<16x272xf32, #tpu.memory_space<vmem>>, vector<16xf32>,
            tpu.vector_store %arg11[%swap3A_495, %swap3A_496], %mul3A_494 {strides = array<i32>} : memref<16x272xf32, #tpu.memory_space<vmem>>, vector<16xf32>,
            %slice3A_498 = vector.extract_strided_slice %get3A_431 {offsets = [2], sizes = [1], strides = [1]} : vector<16xf32> to vector<1xf32>
            %squeeze3A_499 = vector.extract %slice3A_498[0] : f32 from vector<1xf32>
            %get3A_500 = arith.index_cast %scan3A_427 : i32 to index
            %get3A_501 = arith.constant 128 : index
            %get3A_502 = tpu.vector_load %arg11[%get3A_500, %get3A_501] {strides = array<i32>} : memref<16x272xf32, #tpu.memory_space<vmem>>, vector<16xf32>,
            %mul3A_503 = vector.broadcast %squeeze3A_499 : f32 to vector<16xf32>
            %mul3A_504 = arith.mulf %get3A_502, %mul3A_503 : vector<16xf32>
            %swap3A_505 = arith.index_cast %scan3A_427 : i32 to index
            %swap3A_506 = arith.constant 128 : index
            %swap3A_507 = tpu.vector_load %arg11[%swap3A_505, %swap3A_506] {strides = array<i32>} : memref<16x272xf32, #tpu.memory_space<vmem>>, vector<16xf32>,
            tpu.vector_store %arg11[%swap3A_505, %swap3A_506], %mul3A_504 {strides = array<i32>} : memref<16x272xf32, #tpu.memory_space<vmem>>, vector<16xf32>,
            %get3A_508 = arith.index_cast %scan3A_427 : i32 to index
            %get3A_509 = arith.constant 144 : index
            %get3A_510 = tpu.vector_load %arg11[%get3A_508, %get3A_509] {strides = array<i32>} : memref<16x272xf32, #tpu.memory_space<vmem>>, vector<16xf32>,
            %mul3A_511 = vector.broadcast %squeeze3A_499 : f32 to vector<16xf32>
            %mul3A_512 = arith.mulf %get3A_510, %mul3A_511 : vector<16xf32>
            %swap3A_513 = arith.index_cast %scan3A_427 : i32 to index
            %swap3A_514 = arith.constant 144 : index
            %swap3A_515 = tpu.vector_load %arg11[%swap3A_513, %swap3A_514] {strides = array<i32>} : memref<16x272xf32, #tpu.memory_space<vmem>>, vector<16xf32>,
            tpu.vector_store %arg11[%swap3A_513, %swap3A_514], %mul3A_512 {strides = array<i32>} : memref<16x272xf32, #tpu.memory_space<vmem>>, vector<16xf32>,
            %get3A_516 = arith.index_cast %scan3A_427 : i32 to index
            %get3A_517 = arith.constant 160 : index
            %get3A_518 = tpu.vector_load %arg11[%get3A_516, %get3A_517] {strides = array<i32>} : memref<16x272xf32, #tpu.memory_space<vmem>>, vector<16xf32>,
            %mul3A_519 = vector.broadcast %squeeze3A_499 : f32 to vector<16xf32>
            %mul3A_520 = arith.mulf %get3A_518, %mul3A_519 : vector<16xf32>
            %swap3A_521 = arith.index_cast %scan3A_427 : i32 to index
            %swap3A_522 = arith.constant 160 : index
            %swap3A_523 = tpu.vector_load %arg11[%swap3A_521, %swap3A_522] {strides = array<i32>} : memref<16x272xf32, #tpu.memory_space<vmem>>, vector<16xf32>,
            tpu.vector_store %arg11[%swap3A_521, %swap3A_522], %mul3A_520 {strides = array<i32>} : memref<16x272xf32, #tpu.memory_space<vmem>>, vector<16xf32>,
            %get3A_524 = arith.index_cast %scan3A_427 : i32 to index
            %get3A_525 = arith.constant 176 : index
            %get3A_526 = tpu.vector_load %arg11[%get3A_524, %get3A_525] {strides = array<i32>} : memref<16x272xf32, #tpu.memory_space<vmem>>, vector<16xf32>,
            %mul3A_527 = vector.broadcast %squeeze3A_499 : f32 to vector<16xf32>
            %mul3A_528 = arith.mulf %get3A_526, %mul3A_527 : vector<16xf32>
            %swap3A_529 = arith.index_cast %scan3A_427 : i32 to index
            %swap3A_530 = arith.constant 176 : index
            %swap3A_531 = tpu.vector_load %arg11[%swap3A_529, %swap3A_530] {strides = array<i32>} : memref<16x272xf32, #tpu.memory_space<vmem>>, vector<16xf32>,
            tpu.vector_store %arg11[%swap3A_529, %swap3A_530], %mul3A_528 {strides = array<i32>} : memref<16x272xf32, #tpu.memory_space<vmem>>, vector<16xf32>,
            %slice3A_532 = vector.extract_strided_slice %get3A_431 {offsets = [3], sizes = [1], strides = [1]} : vector<16xf32> to vector<1xf32>
            %squeeze3A_533 = vector.extract %slice3A_532[0] : f32 from vector<1xf32>
            %get3A_534 = arith.index_cast %scan3A_427 : i32 to index
            %get3A_535 = arith.constant 192 : index
            %get3A_536 = tpu.vector_load %arg11[%get3A_534, %get3A_535] {strides = array<i32>} : memref<16x272xf32, #tpu.memory_space<vmem>>, vector<16xf32>,
            %mul3A_537 = vector.broadcast %squeeze3A_533 : f32 to vector<16xf32>
            %mul3A_538 = arith.mulf %get3A_536, %mul3A_537 : vector<16xf32>
            %swap3A_539 = arith.index_cast %scan3A_427 : i32 to index
            %swap3A_540 = arith.constant 192 : index
            %swap3A_541 = tpu.vector_load %arg11[%swap3A_539, %swap3A_540] {strides = array<i32>} : memref<16x272xf32, #tpu.memory_space<vmem>>, vector<16xf32>,
            tpu.vector_store %arg11[%swap3A_539, %swap3A_540], %mul3A_538 {strides = array<i32>} : memref<16x272xf32, #tpu.memory_space<vmem>>, vector<16xf32>,
            %get3A_542 = arith.index_cast %scan3A_427 : i32 to index
            %get3A_543 = arith.constant 208 : index
            %get3A_544 = tpu.vector_load %arg11[%get3A_542, %get3A_543] {strides = array<i32>} : memref<16x272xf32, #tpu.memory_space<vmem>>, vector<16xf32>,
            %mul3A_545 = vector.broadcast %squeeze3A_533 : f32 to vector<16xf32>
            %mul3A_546 = arith.mulf %get3A_544, %mul3A_545 : vector<16xf32>
            %swap3A_547 = arith.index_cast %scan3A_427 : i32 to index
            %swap3A_548 = arith.constant 208 : index
            %swap3A_549 = tpu.vector_load %arg11[%swap3A_547, %swap3A_548] {strides = array<i32>} : memref<16x272xf32, #tpu.memory_space<vmem>>, vector<16xf32>,
            tpu.vector_store %arg11[%swap3A_547, %swap3A_548], %mul3A_546 {strides = array<i32>} : memref<16x272xf32, #tpu.memory_space<vmem>>, vector<16xf32>,
            %get3A_550 = arith.index_cast %scan3A_427 : i32 to index
            %get3A_551 = arith.constant 224 : index
            %get3A_552 = tpu.vector_load %arg11[%get3A_550, %get3A_551] {strides = array<i32>} : memref<16x272xf32, #tpu.memory_space<vmem>>, vector<16xf32>,
            %mul3A_553 = vector.broadcast %squeeze3A_533 : f32 to vector<16xf32>
            %mul3A_554 = arith.mulf %get3A_552, %mul3A_553 : vector<16xf32>
            %swap3A_555 = arith.index_cast %scan3A_427 : i32 to index
            %swap3A_556 = arith.constant 224 : index
            %swap3A_557 = tpu.vector_load %arg11[%swap3A_555, %swap3A_556] {strides = array<i32>} : memref<16x272xf32, #tpu.memory_space<vmem>>, vector<16xf32>,
            tpu.vector_store %arg11[%swap3A_555, %swap3A_556], %mul3A_554 {strides = array<i32>} : memref<16x272xf32, #tpu.memory_space<vmem>>, vector<16xf32>,
            %get3A_558 = arith.index_cast %scan3A_427 : i32 to index
            %get3A_559 = arith.constant 240 : index
            %get3A_560 = tpu.vector_load %arg11[%get3A_558, %get3A_559] {strides = array<i32>} : memref<16x272xf32, #tpu.memory_space<vmem>>, vector<16xf32>,
            %mul3A_561 = vector.broadcast %squeeze3A_533 : f32 to vector<16xf32>
            %mul3A_562 = arith.mulf %get3A_560, %mul3A_561 : vector<16xf32>
            %swap3A_563 = arith.index_cast %scan3A_427 : i32 to index
            %swap3A_564 = arith.constant 240 : index
            %swap3A_565 = tpu.vector_load %arg11[%swap3A_563, %swap3A_564] {strides = array<i32>} : memref<16x272xf32, #tpu.memory_space<vmem>>, vector<16xf32>,
            tpu.vector_store %arg11[%swap3A_563, %swap3A_564], %mul3A_562 {strides = array<i32>} : memref<16x272xf32, #tpu.memory_space<vmem>>, vector<16xf32>,
            %scan3A_566 = arith.constant 0 : i32
            scf.yield %scan3A_566 : i32
          }
          %scan3A_422 = arith.constant 16 : i32
          %dma_start3A_423 = arith.constant 0 : i32
          %dma_start3A_424 = arith.constant 0 : i32
          %dma_start3A_425 = tpu.memref_slice %arg15[%dma_start3A_423, %dma_start3A_424] : memref<6400x272xf32, #tpu.memory_space<vmem_shared>> -> memref<6400x272xf32, #tpu.memory_space<vmem_shared>>
          tpu.enqueue_indirect_dma source(%arg11 : memref<16x272xf32, #tpu.memory_space<vmem>>) target(%dma_start3A_425 : memref<6400x272xf32, #tpu.memory_space<vmem_shared>>) offsets(%sub3A_277 : vector<16xi32>) semaphore(%arg19 : memref<!tpu.dma_semaphore, #tpu.memory_space<semaphore_mem>>) {add = true}
          %while3A_426 = arith.constant 0 : i32
          scf.yield %while3A_426 : i32
        }
        %while3A_262 = arith.constant 1 : i32
        %while3A_263 = scf.for %while3A_270 = %while3A_259 to %while3A_255 step %while3A_262 iter_args(%while3A_271 = %while3A_261) -> (i32)  : i32 {
          %mul3A_272 = arith.constant 16 : i32
          %mul3A_273 = arith.muli %while3A_270, %mul3A_272 : i32
          %get3A = arith.index_cast %mul3A_273 : i32 to index
          %get3A_274 = tpu.vector_load %arg10[%get3A] {strides = array<i32>} : memref<2064xi32, #tpu.memory_space<vmem>>, vector<16xi32>,
          %gather3A = tpu.vector_load_idx %arg8[%get3A_274] : memref<2016xi32, #tpu.memory_space<vmem>>[vector<16xi32>], vector<16xi32>,
          %gather3A_275 = tpu.vector_load_idx %arg9[%get3A_274] : memref<2016xi32, #tpu.memory_space<vmem>>[vector<16xi32>], vector<16xi32>,
          %sub3A_276 = vector.broadcast %mul3A_170 : i32 to vector<16xi32>
          %sub3A_277 = arith.subi %gather3A_275, %sub3A_276 : vector<16xi32>
          %gt3A_278 = arith.constant 0 : i32
          %gt3A_279 = arith.cmpi sgt, %while3A_270, %gt3A_278 : i32
          %convert_element_type3A_280 = arith.extui %gt3A_279 : i1 to i32
          %cond3A_281 = arith.constant 0 : i32
          %cond3A_282 = arith.cmpi ne, %convert_element_type3A_280, %cond3A_281 : i32
          scf.if %cond3A_282 {
            %dma_wait3A_427 = arith.constant 0 : i32
            %dma_wait3A_428 = arith.constant 0 : i32
            %dma_wait3A_429 = tpu.memref_slice %arg15[%dma_wait3A_427, %dma_wait3A_428] : memref<6400x272xf32, #tpu.memory_space<vmem_shared>> -> memref<16x272xf32, #tpu.memory_space<vmem_shared>>
            %dma_wait3A_430 = arith.constant 0 : i32
            %dma_wait3A_431 = arith.constant 0 : i32
            %dma_wait3A_432 = tpu.memref_slice %arg15[%dma_wait3A_430, %dma_wait3A_431] : memref<6400x272xf32, #tpu.memory_space<vmem_shared>> -> memref<16x272xf32, #tpu.memory_space<vmem_shared>>
            tpu.wait_dma2 semaphore(%arg19 : memref<!tpu.dma_semaphore, #tpu.memory_space<semaphore_mem>>) src(%arg11 : memref<16x272xf32, #tpu.memory_space<vmem>>) dst(%dma_wait3A_432 : memref<16x272xf32, #tpu.memory_space<vmem_shared>>)
          } else {
          }
          %dma_start3A = arith.constant 0 : i32
          %dma_start3A_283 = arith.constant 0 : i32
          %dma_start3A_284 = tpu.memref_slice %arg2[%dma_start3A, %dma_start3A_283] : memref<51200x272xf32, #tpu.memory_space<hbm>> -> memref<51200x272xf32, #tpu.memory_space<hbm>>
          tpu.enqueue_indirect_dma source(%dma_start3A_284 : memref<51200x272xf32, #tpu.memory_space<hbm>>) target(%arg11 : memref<16x272xf32, #tpu.memory_space<vmem>>) offsets(%gather3A : vector<16xi32>) semaphore(%arg17 : memref<!tpu.dma_semaphore, #tpu.memory_space<semaphore_mem>>)
          %dma_start3A_285 = arith.constant 0 : i32
          %dma_start3A_286 = arith.constant 0 : i32
          %dma_start3A_287 = tpu.memref_slice %arg16[%dma_start3A_285, %dma_start3A_286] : memref<6400x16xf32, #tpu.memory_space<vmem_shared>> -> memref<6400x16xf32, #tpu.memory_space<vmem_shared>>
          tpu.enqueue_indirect_dma source(%dma_start3A_287 : memref<6400x16xf32, #tpu.memory_space<vmem_shared>>) target(%arg12 : memref<16x16xf32, #tpu.memory_space<vmem>>) offsets(%sub3A_277 : vector<16xi32>) semaphore(%arg18 : memref<!tpu.dma_semaphore, #tpu.memory_space<semaphore_mem>>)
          %dma_wait3A = arith.constant 0 : i32
          %dma_wait3A_288 = arith.constant 0 : i32
          %dma_wait3A_289 = tpu.memref_slice %arg16[%dma_wait3A, %dma_wait3A_288] : memref<6400x16xf32, #tpu.memory_space<vmem_shared>> -> memref<6400x16xf32, #tpu.memory_space<vmem_shared>>
          tpu.wait_indirect_dma semaphore(%arg18 : memref<!tpu.dma_semaphore, #tpu.memory_space<semaphore_mem>>) src(%dma_wait3A_289 : memref<6400x16xf32, #tpu.memory_space<vmem_shared>>) dst(%arg12 : memref<16x16xf32, #tpu.memory_space<vmem>>)
          %dma_wait3A_290 = arith.constant 0 : i32
          %dma_wait3A_291 = arith.constant 0 : i32
          %dma_wait3A_292 = tpu.memref_slice %arg2[%dma_wait3A_290, %dma_wait3A_291] : memref<51200x272xf32, #tpu.memory_space<hbm>> -> memref<51200x272xf32, #tpu.memory_space<hbm>>
          tpu.wait_indirect_dma semaphore(%arg17 : memref<!tpu.dma_semaphore, #tpu.memory_space<semaphore_mem>>) src(%dma_wait3A_292 : memref<51200x272xf32, #tpu.memory_space<hbm>>) dst(%arg11 : memref<16x272xf32, #tpu.memory_space<vmem>>)
          %add3A_293 = arith.constant 256 : i32
          %add3A_294 = vector.broadcast %add3A_293 : i32 to vector<16xi32>
          %add3A_295 = arith.addi %add3A_294, %select_n3A_150 : vector<16xi32>
          %gather3A_296 = tpu.vector_load_idx %arg11[%add3A_28, %add3A_295] : memref<16x272xf32, #tpu.memory_space<vmem>>[vector<16xi32>, vector<16xi32>], vector<16xf32>,
          %add3A_297 = arith.constant 8 : i32
          %add3A_298 = vector.broadcast %add3A_297 : i32 to vector<16xi32>
          %add3A_299 = arith.addi %add3A_298, %select_n3A_150 : vector<16xi32>
          %gather3A_300 = tpu.vector_load_idx %arg12[%add3A_28, %add3A_299] : memref<16x16xf32, #tpu.memory_space<vmem>>[vector<16xi32>, vector<16xi32>], vector<16xf32>,
          %add3A_301 = arith.addf %gather3A_296, %gather3A_300 : vector<16xf32>
          %gt3A_302 = arith.constant 0.000000e+00 : f32
          %gt3A_303 = vector.broadcast %gt3A_302 : f32 to vector<16xf32>
          %gt3A_304 = arith.cmpf ogt, %add3A_301, %gt3A_303 : vector<16xf32>
          %mul3A_305 = arith.constant 2.000000e-01 : f32
          %mul3A_306 = vector.broadcast %mul3A_305 : f32 to vector<16xf32>
          %mul3A_307 = arith.mulf %mul3A_306, %add3A_301 : vector<16xf32>
          %select_n3A_308 = arith.select %gt3A_304, %add3A_301, %mul3A_307 : vector<16xi1>, vector<16xf32>
          %exp3A = math.exp %select_n3A_308 : vector<16xf32>
          %mul3A_309 = arith.constant 16 : i32
          %mul3A_310 = arith.muli %while3A_270, %mul3A_309 : i32
          %add3A_311 = vector.broadcast %mul3A_310 : i32 to vector<16xi32>
          %add3A_312 = arith.addi %add3A_311, %add3A_28 : vector<16xi32>
          %gather3A_313 = tpu.vector_load_idx %arg10[%add3A_312] : memref<2064xi32, #tpu.memory_space<vmem>>[vector<16xi32>], vector<16xi32>,
          %ne3A_314 = arith.constant 2000 : i32
          %ne3A_315 = vector.broadcast %ne3A_314 : i32 to vector<16xi32>
          %ne3A_316 = arith.cmpi ne, %gather3A_313, %ne3A_315 : vector<16xi32>
          %jit3A_317 = arith.constant 0.000000e+00 : f32
          %broadcast_in_dim3A_318 = vector.broadcast %jit3A_317 : f32 to vector<16xf32>
          %select_n3A_319 = arith.select %ne3A_316, %exp3A, %broadcast_in_dim3A_318 : vector<16xi1>, vector<16xf32>
          %add3A_320 = arith.constant 256 : i32
          %add3A_321 = vector.broadcast %add3A_320 : i32 to vector<16xi32>
          %add3A_322 = arith.addi %add3A_321, %select_n3A_150 : vector<16xi32>
          tpu.vector_store_idx %arg11[%add3A_28, %add3A_322], %select_n3A_319 : memref<16x272xf32, #tpu.memory_space<vmem>>[vector<16xi32>, vector<16xi32>], vector<16xf32>,
          %add3A_323 = arith.constant 256 : i32
          %add3A_324 = vector.broadcast %add3A_323 : i32 to vector<16xi32>
          %add3A_325 = arith.addi %add3A_324, %select_n3A_150 : vector<16xi32>
          %gather3A_326 = tpu.vector_load_idx %arg11[%add3A_62, %add3A_325] : memref<16x272xf32, #tpu.memory_space<vmem>>[vector<16xi32>, vector<16xi32>], vector<16xf32>,
          %add3A_327 = arith.constant 8 : i32
          %add3A_328 = vector.broadcast %add3A_327 : i32 to vector<16xi32>
          %add3A_329 = arith.addi %add3A_328, %select_n3A_150 : vector<16xi32>
          %gather3A_330 = tpu.vector_load_idx %arg12[%add3A_62, %add3A_329] : memref<16x16xf32, #tpu.memory_space<vmem>>[vector<16xi32>, vector<16xi32>], vector<16xf32>,
          %add3A_331 = arith.addf %gather3A_326, %gather3A_330 : vector<16xf32>
          %gt3A_332 = arith.constant 0.000000e+00 : f32
          %gt3A_333 = vector.broadcast %gt3A_332 : f32 to vector<16xf32>
          %gt3A_334 = arith.cmpf ogt, %add3A_331, %gt3A_333 : vector<16xf32>
          %mul3A_335 = arith.constant 2.000000e-01 : f32
          %mul3A_336 = vector.broadcast %mul3A_335 : f32 to vector<16xf32>
          %mul3A_337 = arith.mulf %mul3A_336, %add3A_331 : vector<16xf32>
          %select_n3A_338 = arith.select %gt3A_334, %add3A_331, %mul3A_337 : vector<16xi1>, vector<16xf32>
          %exp3A_339 = math.exp %select_n3A_338 : vector<16xf32>
          %mul3A_340 = arith.constant 16 : i32
          %mul3A_341 = arith.muli %while3A_270, %mul3A_340 : i32
          %add3A_342 = vector.broadcast %mul3A_341 : i32 to vector<16xi32>
          %add3A_343 = arith.addi %add3A_342, %add3A_62 : vector<16xi32>
          %gather3A_344 = tpu.vector_load_idx %arg10[%add3A_343] : memref<2064xi32, #tpu.memory_space<vmem>>[vector<16xi32>], vector<16xi32>,
          %ne3A_345 = arith.constant 2000 : i32
          %ne3A_346 = vector.broadcast %ne3A_345 : i32 to vector<16xi32>
          %ne3A_347 = arith.cmpi ne, %gather3A_344, %ne3A_346 : vector<16xi32>
          %jit3A_348 = arith.constant 0.000000e+00 : f32
          %broadcast_in_dim3A_349 = vector.broadcast %jit3A_348 : f32 to vector<16xf32>
          %select_n3A_350 = arith.select %ne3A_347, %exp3A_339, %broadcast_in_dim3A_349 : vector<16xi1>, vector<16xf32>
          %add3A_351 = arith.constant 256 : i32
          %add3A_352 = vector.broadcast %add3A_351 : i32 to vector<16xi32>
          %add3A_353 = arith.addi %add3A_352, %select_n3A_150 : vector<16xi32>
          tpu.vector_store_idx %arg11[%add3A_62, %add3A_353], %select_n3A_350 : memref<16x272xf32, #tpu.memory_space<vmem>>[vector<16xi32>, vector<16xi32>], vector<16xf32>,
          %add3A_354 = arith.constant 256 : i32
          %add3A_355 = vector.broadcast %add3A_354 : i32 to vector<16xi32>
          %add3A_356 = arith.addi %add3A_355, %select_n3A_150 : vector<16xi32>
          %gather3A_357 = tpu.vector_load_idx %arg11[%add3A_96, %add3A_356] : memref<16x272xf32, #tpu.memory_space<vmem>>[vector<16xi32>, vector<16xi32>], vector<16xf32>,
          %add3A_358 = arith.constant 8 : i32
          %add3A_359 = vector.broadcast %add3A_358 : i32 to vector<16xi32>
          %add3A_360 = arith.addi %add3A_359, %select_n3A_150 : vector<16xi32>
          %gather3A_361 = tpu.vector_load_idx %arg12[%add3A_96, %add3A_360] : memref<16x16xf32, #tpu.memory_space<vmem>>[vector<16xi32>, vector<16xi32>], vector<16xf32>,
          %add3A_362 = arith.addf %gather3A_357, %gather3A_361 : vector<16xf32>
          %gt3A_363 = arith.constant 0.000000e+00 : f32
          %gt3A_364 = vector.broadcast %gt3A_363 : f32 to vector<16xf32>
          %gt3A_365 = arith.cmpf ogt, %add3A_362, %gt3A_364 : vector<16xf32>
          %mul3A_366 = arith.constant 2.000000e-01 : f32
          %mul3A_367 = vector.broadcast %mul3A_366 : f32 to vector<16xf32>
          %mul3A_368 = arith.mulf %mul3A_367, %add3A_362 : vector<16xf32>
          %select_n3A_369 = arith.select %gt3A_365, %add3A_362, %mul3A_368 : vector<16xi1>, vector<16xf32>
          %exp3A_370 = math.exp %select_n3A_369 : vector<16xf32>
          %mul3A_371 = arith.constant 16 : i32
          %mul3A_372 = arith.muli %while3A_270, %mul3A_371 : i32
          %add3A_373 = vector.broadcast %mul3A_372 : i32 to vector<16xi32>
          %add3A_374 = arith.addi %add3A_373, %add3A_96 : vector<16xi32>
          %gather3A_375 = tpu.vector_load_idx %arg10[%add3A_374] : memref<2064xi32, #tpu.memory_space<vmem>>[vector<16xi32>], vector<16xi32>,
          %ne3A_376 = arith.constant 2000 : i32
          %ne3A_377 = vector.broadcast %ne3A_376 : i32 to vector<16xi32>
          %ne3A_378 = arith.cmpi ne, %gather3A_375, %ne3A_377 : vector<16xi32>
          %jit3A_379 = arith.constant 0.000000e+00 : f32
          %broadcast_in_dim3A_380 = vector.broadcast %jit3A_379 : f32 to vector<16xf32>
          %select_n3A_381 = arith.select %ne3A_378, %exp3A_370, %broadcast_in_dim3A_380 : vector<16xi1>, vector<16xf32>
          %add3A_382 = arith.constant 256 : i32
          %add3A_383 = vector.broadcast %add3A_382 : i32 to vector<16xi32>
          %add3A_384 = arith.addi %add3A_383, %select_n3A_150 : vector<16xi32>
          tpu.vector_store_idx %arg11[%add3A_96, %add3A_384], %select_n3A_381 : memref<16x272xf32, #tpu.memory_space<vmem>>[vector<16xi32>, vector<16xi32>], vector<16xf32>,
          %add3A_385 = arith.constant 256 : i32
          %add3A_386 = vector.broadcast %add3A_385 : i32 to vector<16xi32>
          %add3A_387 = arith.addi %add3A_386, %select_n3A_150 : vector<16xi32>
          %gather3A_388 = tpu.vector_load_idx %arg11[%add3A_130, %add3A_387] : memref<16x272xf32, #tpu.memory_space<vmem>>[vector<16xi32>, vector<16xi32>], vector<16xf32>,
          %add3A_389 = arith.constant 8 : i32
          %add3A_390 = vector.broadcast %add3A_389 : i32 to vector<16xi32>
          %add3A_391 = arith.addi %add3A_390, %select_n3A_150 : vector<16xi32>
          %gather3A_392 = tpu.vector_load_idx %arg12[%add3A_130, %add3A_391] : memref<16x16xf32, #tpu.memory_space<vmem>>[vector<16xi32>, vector<16xi32>], vector<16xf32>,
          %add3A_393 = arith.addf %gather3A_388, %gather3A_392 : vector<16xf32>
          %gt3A_394 = arith.constant 0.000000e+00 : f32
          %gt3A_395 = vector.broadcast %gt3A_394 : f32 to vector<16xf32>
          %gt3A_396 = arith.cmpf ogt, %add3A_393, %gt3A_395 : vector<16xf32>
          %mul3A_397 = arith.constant 2.000000e-01 : f32
          %mul3A_398 = vector.broadcast %mul3A_397 : f32 to vector<16xf32>
          %mul3A_399 = arith.mulf %mul3A_398, %add3A_393 : vector<16xf32>
          %select_n3A_400 = arith.select %gt3A_396, %add3A_393, %mul3A_399 : vector<16xi1>, vector<16xf32>
          %exp3A_401 = math.exp %select_n3A_400 : vector<16xf32>
          %mul3A_402 = arith.constant 16 : i32
          %mul3A_403 = arith.muli %while3A_270, %mul3A_402 : i32
          %add3A_404 = vector.broadcast %mul3A_403 : i32 to vector<16xi32>
          %add3A_405 = arith.addi %add3A_404, %add3A_130 : vector<16xi32>
          %gather3A_406 = tpu.vector_load_idx %arg10[%add3A_405] : memref<2064xi32, #tpu.memory_space<vmem>>[vector<16xi32>], vector<16xi32>,
          %ne3A_407 = arith.constant 2000 : i32
          %ne3A_408 = vector.broadcast %ne3A_407 : i32 to vector<16xi32>
          %ne3A_409 = arith.cmpi ne, %gather3A_406, %ne3A_408 : vector<16xi32>
          %jit3A_410 = arith.constant 0.000000e+00 : f32
          %broadcast_in_dim3A_411 = vector.broadcast %jit3A_410 : f32 to vector<16xf32>
          %select_n3A_412 = arith.select %ne3A_409, %exp3A_401, %broadcast_in_dim3A_411 : vector<16xi1>, vector<16xf32>
          %add3A_413 = arith.constant 256 : i32
          %add3A_414 = vector.broadcast %add3A_413 : i32 to vector<16xi32>
          %add3A_415 = arith.addi %add3A_414, %select_n3A_150 : vector<16xi32>
          tpu.vector_store_idx %arg11[%add3A_130, %add3A_415], %select_n3A_412 : memref<16x272xf32, #tpu.memory_space<vmem>>[vector<16xi32>, vector<16xi32>], vector<16xf32>,
          %scan3A_416 = arith.constant 0 : i32
          %scan3A_417 = arith.constant 0 : i32
          %scan3A_418 = arith.constant 16 : i32
          %scan3A_419 = arith.addi %scan3A_417, %scan3A_418 : i32
          %scan3A_420 = arith.constant 1 : i32
          %scan3A_421 = scf.for %scan3A_427 = %scan3A_417 to %scan3A_419 step %scan3A_420 iter_args(%scan3A_428 = %scan3A_416) -> (i32)  : i32 {
            %get3A_429 = arith.index_cast %scan3A_427 : i32 to index
            %get3A_430 = arith.constant 256 : index
            %get3A_431 = tpu.vector_load %arg11[%get3A_429, %get3A_430] {strides = array<i32>} : memref<16x272xf32, #tpu.memory_space<vmem>>, vector<16xf32>,
            %slice3A = vector.extract_strided_slice %get3A_431 {offsets = [0], sizes = [1], strides = [1]} : vector<16xf32> to vector<1xf32>
            %squeeze3A = vector.extract %slice3A[0] : f32 from vector<1xf32>
            %get3A_432 = arith.index_cast %scan3A_427 : i32 to index
            %get3A_433 = arith.constant 0 : index
            %get3A_434 = tpu.vector_load %arg11[%get3A_432, %get3A_433] {strides = array<i32>} : memref<16x272xf32, #tpu.memory_space<vmem>>, vector<16xf32>,
            %mul3A_435 = vector.broadcast %squeeze3A : f32 to vector<16xf32>
            %mul3A_436 = arith.mulf %get3A_434, %mul3A_435 : vector<16xf32>
            %swap3A_437 = arith.index_cast %scan3A_427 : i32 to index
            %swap3A_438 = arith.constant 0 : index
            %swap3A_439 = tpu.vector_load %arg11[%swap3A_437, %swap3A_438] {strides = array<i32>} : memref<16x272xf32, #tpu.memory_space<vmem>>, vector<16xf32>,
            tpu.vector_store %arg11[%swap3A_437, %swap3A_438], %mul3A_436 {strides = array<i32>} : memref<16x272xf32, #tpu.memory_space<vmem>>, vector<16xf32>,
            %get3A_440 = arith.index_cast %scan3A_427 : i32 to index
            %get3A_441 = arith.constant 16 : index
            %get3A_442 = tpu.vector_load %arg11[%get3A_440, %get3A_441] {strides = array<i32>} : memref<16x272xf32, #tpu.memory_space<vmem>>, vector<16xf32>,
            %mul3A_443 = vector.broadcast %squeeze3A : f32 to vector<16xf32>
            %mul3A_444 = arith.mulf %get3A_442, %mul3A_443 : vector<16xf32>
            %swap3A_445 = arith.index_cast %scan3A_427 : i32 to index
            %swap3A_446 = arith.constant 16 : index
            %swap3A_447 = tpu.vector_load %arg11[%swap3A_445, %swap3A_446] {strides = array<i32>} : memref<16x272xf32, #tpu.memory_space<vmem>>, vector<16xf32>,
            tpu.vector_store %arg11[%swap3A_445, %swap3A_446], %mul3A_444 {strides = array<i32>} : memref<16x272xf32, #tpu.memory_space<vmem>>, vector<16xf32>,
            %get3A_448 = arith.index_cast %scan3A_427 : i32 to index
            %get3A_449 = arith.constant 32 : index
            %get3A_450 = tpu.vector_load %arg11[%get3A_448, %get3A_449] {strides = array<i32>} : memref<16x272xf32, #tpu.memory_space<vmem>>, vector<16xf32>,
            %mul3A_451 = vector.broadcast %squeeze3A : f32 to vector<16xf32>
            %mul3A_452 = arith.mulf %get3A_450, %mul3A_451 : vector<16xf32>
            %swap3A_453 = arith.index_cast %scan3A_427 : i32 to index
            %swap3A_454 = arith.constant 32 : index
            %swap3A_455 = tpu.vector_load %arg11[%swap3A_453, %swap3A_454] {strides = array<i32>} : memref<16x272xf32, #tpu.memory_space<vmem>>, vector<16xf32>,
            tpu.vector_store %arg11[%swap3A_453, %swap3A_454], %mul3A_452 {strides = array<i32>} : memref<16x272xf32, #tpu.memory_space<vmem>>, vector<16xf32>,
            %get3A_456 = arith.index_cast %scan3A_427 : i32 to index
            %get3A_457 = arith.constant 48 : index
            %get3A_458 = tpu.vector_load %arg11[%get3A_456, %get3A_457] {strides = array<i32>} : memref<16x272xf32, #tpu.memory_space<vmem>>, vector<16xf32>,
            %mul3A_459 = vector.broadcast %squeeze3A : f32 to vector<16xf32>
            %mul3A_460 = arith.mulf %get3A_458, %mul3A_459 : vector<16xf32>
            %swap3A_461 = arith.index_cast %scan3A_427 : i32 to index
            %swap3A_462 = arith.constant 48 : index
            %swap3A_463 = tpu.vector_load %arg11[%swap3A_461, %swap3A_462] {strides = array<i32>} : memref<16x272xf32, #tpu.memory_space<vmem>>, vector<16xf32>,
            tpu.vector_store %arg11[%swap3A_461, %swap3A_462], %mul3A_460 {strides = array<i32>} : memref<16x272xf32, #tpu.memory_space<vmem>>, vector<16xf32>,
            %slice3A_464 = vector.extract_strided_slice %get3A_431 {offsets = [1], sizes = [1], strides = [1]} : vector<16xf32> to vector<1xf32>
            %squeeze3A_465 = vector.extract %slice3A_464[0] : f32 from vector<1xf32>
            %get3A_466 = arith.index_cast %scan3A_427 : i32 to index
            %get3A_467 = arith.constant 64 : index
            %get3A_468 = tpu.vector_load %arg11[%get3A_466, %get3A_467] {strides = array<i32>} : memref<16x272xf32, #tpu.memory_space<vmem>>, vector<16xf32>,
            %mul3A_469 = vector.broadcast %squeeze3A_465 : f32 to vector<16xf32>
            %mul3A_470 = arith.mulf %get3A_468, %mul3A_469 : vector<16xf32>
            %swap3A_471 = arith.index_cast %scan3A_427 : i32 to index
            %swap3A_472 = arith.constant 64 : index
            %swap3A_473 = tpu.vector_load %arg11[%swap3A_471, %swap3A_472] {strides = array<i32>} : memref<16x272xf32, #tpu.memory_space<vmem>>, vector<16xf32>,
            tpu.vector_store %arg11[%swap3A_471, %swap3A_472], %mul3A_470 {strides = array<i32>} : memref<16x272xf32, #tpu.memory_space<vmem>>, vector<16xf32>,
            %get3A_474 = arith.index_cast %scan3A_427 : i32 to index
            %get3A_475 = arith.constant 80 : index
            %get3A_476 = tpu.vector_load %arg11[%get3A_474, %get3A_475] {strides = array<i32>} : memref<16x272xf32, #tpu.memory_space<vmem>>, vector<16xf32>,
            %mul3A_477 = vector.broadcast %squeeze3A_465 : f32 to vector<16xf32>
            %mul3A_478 = arith.mulf %get3A_476, %mul3A_477 : vector<16xf32>
            %swap3A_479 = arith.index_cast %scan3A_427 : i32 to index
            %swap3A_480 = arith.constant 80 : index
            %swap3A_481 = tpu.vector_load %arg11[%swap3A_479, %swap3A_480] {strides = array<i32>} : memref<16x272xf32, #tpu.memory_space<vmem>>, vector<16xf32>,
            tpu.vector_store %arg11[%swap3A_479, %swap3A_480], %mul3A_478 {strides = array<i32>} : memref<16x272xf32, #tpu.memory_space<vmem>>, vector<16xf32>,
            %get3A_482 = arith.index_cast %scan3A_427 : i32 to index
            %get3A_483 = arith.constant 96 : index
            %get3A_484 = tpu.vector_load %arg11[%get3A_482, %get3A_483] {strides = array<i32>} : memref<16x272xf32, #tpu.memory_space<vmem>>, vector<16xf32>,
            %mul3A_485 = vector.broadcast %squeeze3A_465 : f32 to vector<16xf32>
            %mul3A_486 = arith.mulf %get3A_484, %mul3A_485 : vector<16xf32>
            %swap3A_487 = arith.index_cast %scan3A_427 : i32 to index
            %swap3A_488 = arith.constant 96 : index
            %swap3A_489 = tpu.vector_load %arg11[%swap3A_487, %swap3A_488] {strides = array<i32>} : memref<16x272xf32, #tpu.memory_space<vmem>>, vector<16xf32>,
            tpu.vector_store %arg11[%swap3A_487, %swap3A_488], %mul3A_486 {strides = array<i32>} : memref<16x272xf32, #tpu.memory_space<vmem>>, vector<16xf32>,
            %get3A_490 = arith.index_cast %scan3A_427 : i32 to index
            %get3A_491 = arith.constant 112 : index
            %get3A_492 = tpu.vector_load %arg11[%get3A_490, %get3A_491] {strides = array<i32>} : memref<16x272xf32, #tpu.memory_space<vmem>>, vector<16xf32>,
            %mul3A_493 = vector.broadcast %squeeze3A_465 : f32 to vector<16xf32>
            %mul3A_494 = arith.mulf %get3A_492, %mul3A_493 : vector<16xf32>
            %swap3A_495 = arith.index_cast %scan3A_427 : i32 to index
            %swap3A_496 = arith.constant 112 : index
            %swap3A_497 = tpu.vector_load %arg11[%swap3A_495, %swap3A_496] {strides = array<i32>} : memref<16x272xf32, #tpu.memory_space<vmem>>, vector<16xf32>,
            tpu.vector_store %arg11[%swap3A_495, %swap3A_496], %mul3A_494 {strides = array<i32>} : memref<16x272xf32, #tpu.memory_space<vmem>>, vector<16xf32>,
            %slice3A_498 = vector.extract_strided_slice %get3A_431 {offsets = [2], sizes = [1], strides = [1]} : vector<16xf32> to vector<1xf32>
            %squeeze3A_499 = vector.extract %slice3A_498[0] : f32 from vector<1xf32>
            %get3A_500 = arith.index_cast %scan3A_427 : i32 to index
            %get3A_501 = arith.constant 128 : index
            %get3A_502 = tpu.vector_load %arg11[%get3A_500, %get3A_501] {strides = array<i32>} : memref<16x272xf32, #tpu.memory_space<vmem>>, vector<16xf32>,
            %mul3A_503 = vector.broadcast %squeeze3A_499 : f32 to vector<16xf32>
            %mul3A_504 = arith.mulf %get3A_502, %mul3A_503 : vector<16xf32>
            %swap3A_505 = arith.index_cast %scan3A_427 : i32 to index
            %swap3A_506 = arith.constant 128 : index
            %swap3A_507 = tpu.vector_load %arg11[%swap3A_505, %swap3A_506] {strides = array<i32>} : memref<16x272xf32, #tpu.memory_space<vmem>>, vector<16xf32>,
            tpu.vector_store %arg11[%swap3A_505, %swap3A_506], %mul3A_504 {strides = array<i32>} : memref<16x272xf32, #tpu.memory_space<vmem>>, vector<16xf32>,
            %get3A_508 = arith.index_cast %scan3A_427 : i32 to index
            %get3A_509 = arith.constant 144 : index
            %get3A_510 = tpu.vector_load %arg11[%get3A_508, %get3A_509] {strides = array<i32>} : memref<16x272xf32, #tpu.memory_space<vmem>>, vector<16xf32>,
            %mul3A_511 = vector.broadcast %squeeze3A_499 : f32 to vector<16xf32>
            %mul3A_512 = arith.mulf %get3A_510, %mul3A_511 : vector<16xf32>
            %swap3A_513 = arith.index_cast %scan3A_427 : i32 to index
            %swap3A_514 = arith.constant 144 : index
            %swap3A_515 = tpu.vector_load %arg11[%swap3A_513, %swap3A_514] {strides = array<i32>} : memref<16x272xf32, #tpu.memory_space<vmem>>, vector<16xf32>,
            tpu.vector_store %arg11[%swap3A_513, %swap3A_514], %mul3A_512 {strides = array<i32>} : memref<16x272xf32, #tpu.memory_space<vmem>>, vector<16xf32>,
            %get3A_516 = arith.index_cast %scan3A_427 : i32 to index
            %get3A_517 = arith.constant 160 : index
            %get3A_518 = tpu.vector_load %arg11[%get3A_516, %get3A_517] {strides = array<i32>} : memref<16x272xf32, #tpu.memory_space<vmem>>, vector<16xf32>,
            %mul3A_519 = vector.broadcast %squeeze3A_499 : f32 to vector<16xf32>
            %mul3A_520 = arith.mulf %get3A_518, %mul3A_519 : vector<16xf32>
            %swap3A_521 = arith.index_cast %scan3A_427 : i32 to index
            %swap3A_522 = arith.constant 160 : index
            %swap3A_523 = tpu.vector_load %arg11[%swap3A_521, %swap3A_522] {strides = array<i32>} : memref<16x272xf32, #tpu.memory_space<vmem>>, vector<16xf32>,
            tpu.vector_store %arg11[%swap3A_521, %swap3A_522], %mul3A_520 {strides = array<i32>} : memref<16x272xf32, #tpu.memory_space<vmem>>, vector<16xf32>,
            %get3A_524 = arith.index_cast %scan3A_427 : i32 to index
            %get3A_525 = arith.constant 176 : index
            %get3A_526 = tpu.vector_load %arg11[%get3A_524, %get3A_525] {strides = array<i32>} : memref<16x272xf32, #tpu.memory_space<vmem>>, vector<16xf32>,
            %mul3A_527 = vector.broadcast %squeeze3A_499 : f32 to vector<16xf32>
            %mul3A_528 = arith.mulf %get3A_526, %mul3A_527 : vector<16xf32>
            %swap3A_529 = arith.index_cast %scan3A_427 : i32 to index
            %swap3A_530 = arith.constant 176 : index
            %swap3A_531 = tpu.vector_load %arg11[%swap3A_529, %swap3A_530] {strides = array<i32>} : memref<16x272xf32, #tpu.memory_space<vmem>>, vector<16xf32>,
            tpu.vector_store %arg11[%swap3A_529, %swap3A_530], %mul3A_528 {strides = array<i32>} : memref<16x272xf32, #tpu.memory_space<vmem>>, vector<16xf32>,
            %slice3A_532 = vector.extract_strided_slice %get3A_431 {offsets = [3], sizes = [1], strides = [1]} : vector<16xf32> to vector<1xf32>
            %squeeze3A_533 = vector.extract %slice3A_532[0] : f32 from vector<1xf32>
            %get3A_534 = arith.index_cast %scan3A_427 : i32 to index
            %get3A_535 = arith.constant 192 : index
            %get3A_536 = tpu.vector_load %arg11[%get3A_534, %get3A_535] {strides = array<i32>} : memref<16x272xf32, #tpu.memory_space<vmem>>, vector<16xf32>,
            %mul3A_537 = vector.broadcast %squeeze3A_533 : f32 to vector<16xf32>
            %mul3A_538 = arith.mulf %get3A_536, %mul3A_537 : vector<16xf32>
            %swap3A_539 = arith.index_cast %scan3A_427 : i32 to index
            %swap3A_540 = arith.constant 192 : index
            %swap3A_541 = tpu.vector_load %arg11[%swap3A_539, %swap3A_540] {strides = array<i32>} : memref<16x272xf32, #tpu.memory_space<vmem>>, vector<16xf32>,
            tpu.vector_store %arg11[%swap3A_539, %swap3A_540], %mul3A_538 {strides = array<i32>} : memref<16x272xf32, #tpu.memory_space<vmem>>, vector<16xf32>,
            %get3A_542 = arith.index_cast %scan3A_427 : i32 to index
            %get3A_543 = arith.constant 208 : index
            %get3A_544 = tpu.vector_load %arg11[%get3A_542, %get3A_543] {strides = array<i32>} : memref<16x272xf32, #tpu.memory_space<vmem>>, vector<16xf32>,
            %mul3A_545 = vector.broadcast %squeeze3A_533 : f32 to vector<16xf32>
            %mul3A_546 = arith.mulf %get3A_544, %mul3A_545 : vector<16xf32>
            %swap3A_547 = arith.index_cast %scan3A_427 : i32 to index
            %swap3A_548 = arith.constant 208 : index
            %swap3A_549 = tpu.vector_load %arg11[%swap3A_547, %swap3A_548] {strides = array<i32>} : memref<16x272xf32, #tpu.memory_space<vmem>>, vector<16xf32>,
            tpu.vector_store %arg11[%swap3A_547, %swap3A_548], %mul3A_546 {strides = array<i32>} : memref<16x272xf32, #tpu.memory_space<vmem>>, vector<16xf32>,
            %get3A_550 = arith.index_cast %scan3A_427 : i32 to index
            %get3A_551 = arith.constant 224 : index
            %get3A_552 = tpu.vector_load %arg11[%get3A_550, %get3A_551] {strides = array<i32>} : memref<16x272xf32, #tpu.memory_space<vmem>>, vector<16xf32>,
            %mul3A_553 = vector.broadcast %squeeze3A_533 : f32 to vector<16xf32>
            %mul3A_554 = arith.mulf %get3A_552, %mul3A_553 : vector<16xf32>
            %swap3A_555 = arith.index_cast %scan3A_427 : i32 to index
            %swap3A_556 = arith.constant 224 : index
            %swap3A_557 = tpu.vector_load %arg11[%swap3A_555, %swap3A_556] {strides = array<i32>} : memref<16x272xf32, #tpu.memory_space<vmem>>, vector<16xf32>,
            tpu.vector_store %arg11[%swap3A_555, %swap3A_556], %mul3A_554 {strides = array<i32>} : memref<16x272xf32, #tpu.memory_space<vmem>>, vector<16xf32>,
            %get3A_558 = arith.index_cast %scan3A_427 : i32 to index
            %get3A_559 = arith.constant 240 : index
            %get3A_560 = tpu.vector_load %arg11[%get3A_558, %get3A_559] {strides = array<i32>} : memref<16x272xf32, #tpu.memory_space<vmem>>, vector<16xf32>,
            %mul3A_561 = vector.broadcast %squeeze3A_533 : f32 to vector<16xf32>
            %mul3A_562 = arith.mulf %get3A_560, %mul3A_561 : vector<16xf32>
            %swap3A_563 = arith.index_cast %scan3A_427 : i32 to index
            %swap3A_564 = arith.constant 240 : index
            %swap3A_565 = tpu.vector_load %arg11[%swap3A_563, %swap3A_564] {strides = array<i32>} : memref<16x272xf32, #tpu.memory_space<vmem>>, vector<16xf32>,
            tpu.vector_store %arg11[%swap3A_563, %swap3A_564], %mul3A_562 {strides = array<i32>} : memref<16x272xf32, #tpu.memory_space<vmem>>, vector<16xf32>,
            %scan3A_566 = arith.constant 0 : i32
            scf.yield %scan3A_566 : i32
          }
          %scan3A_422 = arith.constant 16 : i32
          %dma_start3A_423 = arith.constant 0 : i32
          %dma_start3A_424 = arith.constant 0 : i32
          %dma_start3A_425 = tpu.memref_slice %arg15[%dma_start3A_423, %dma_start3A_424] : memref<6400x272xf32, #tpu.memory_space<vmem_shared>> -> memref<6400x272xf32, #tpu.memory_space<vmem_shared>>
          tpu.enqueue_indirect_dma source(%arg11 : memref<16x272xf32, #tpu.memory_space<vmem>>) target(%dma_start3A_425 : memref<6400x272xf32, #tpu.memory_space<vmem_shared>>) offsets(%sub3A_277 : vector<16xi32>) semaphore(%arg19 : memref<!tpu.dma_semaphore, #tpu.memory_space<semaphore_mem>>) {add = true}
          %while3A_426 = arith.constant 0 : i32
          scf.yield %while3A_426 : i32
        }
        %gt3A_264 = arith.constant 0 : i32
        %gt3A_265 = arith.cmpi sgt, %select_n3A_250, %gt3A_264 : i32
        %convert_element_type3A_266 = arith.extui %gt3A_265 : i1 to i32
        %cond3A_267 = arith.constant 0 : i32
        %cond3A_268 = arith.cmpi ne, %convert_element_type3A_266, %cond3A_267 : i32
        scf.if %cond3A_268 {
          %dma_wait3A = arith.constant 0 : i32
          %dma_wait3A_270 = arith.constant 0 : i32
          %dma_wait3A_271 = tpu.memref_slice %arg15[%dma_wait3A, %dma_wait3A_270] : memref<6400x272xf32, #tpu.memory_space<vmem_shared>> -> memref<16x272xf32, #tpu.memory_space<vmem_shared>>
          %dma_wait3A_272 = arith.constant 0 : i32
          %dma_wait3A_273 = arith.constant 0 : i32
          %dma_wait3A_274 = tpu.memref_slice %arg15[%dma_wait3A_272, %dma_wait3A_273] : memref<6400x272xf32, #tpu.memory_space<vmem_shared>> -> memref<16x272xf32, #tpu.memory_space<vmem_shared>>
          tpu.wait_dma2 semaphore(%arg19 : memref<!tpu.dma_semaphore, #tpu.memory_space<semaphore_mem>>) src(%arg11 : memref<16x272xf32, #tpu.memory_space<vmem>>) dst(%dma_wait3A_274 : memref<16x272xf32, #tpu.memory_space<vmem_shared>>)
        } else {
        }
        %scan3A_269 = arith.constant 0 : i32
        scf.yield %scan3A_269 : i32
      }
      %scan3A_196 = arith.constant 25 : i32
      %barrier3A_197 = arith.constant 0 : index
      tpu.barrier barrier_id(%barrier3A_197)
      %scan3A_198 = arith.constant 0 : i32
      %scan3A_199 = arith.constant 0 : i32
      %scan3A_200 = arith.constant 25 : i32
      %scan3A_201 = arith.addi %scan3A_199, %scan3A_200 : i32
      %scan3A_202 = arith.constant 1 : i32
      %scan3A_203 = scf.for %scan3A_207 = %scan3A_199 to %scan3A_201 step %scan3A_202 iter_args(%scan3A_208 = %scan3A_198) -> (i32)  : i32 {
        %mul3A_209 = arith.constant 400 : i32
        %mul3A_210 = arith.muli %arg1, %mul3A_209 : i32
        %mul3A_211 = arith.constant 16 : i32
        %mul3A_212 = arith.muli %scan3A_207, %mul3A_211 : i32
        %add3A_213 = arith.addi %mul3A_210, %mul3A_212 : i32
        "tpu.region"() ({
          %run_scoped3A = tpu.sem_alloc : memref<!tpu.dma_semaphore, #tpu.memory_space<semaphore_mem>>
          %dma_start3A = arith.constant 0 : i32
          %dma_start3A_223 = tpu.memref_slice %arg15[%add3A_213, %dma_start3A] : memref<6400x272xf32, #tpu.memory_space<vmem_shared>> -> memref<16x272xf32, #tpu.memory_space<vmem_shared>>
          %dma_start3A_224 = arith.constant 0 : i32
          %dma_start3A_225 = tpu.memref_slice %arg15[%add3A_213, %dma_start3A_224] : memref<6400x272xf32, #tpu.memory_space<vmem_shared>> -> memref<16x272xf32, #tpu.memory_space<vmem_shared>>
          tpu.enqueue_dma source(%dma_start3A_225 : memref<16x272xf32, #tpu.memory_space<vmem_shared>>) target(%arg13 : memref<16x272xf32, #tpu.memory_space<vmem>>) target_semaphore(%run_scoped3A : memref<!tpu.dma_semaphore, #tpu.memory_space<semaphore_mem>>)
          %dma_wait3A = arith.constant 0 : i32
          %dma_wait3A_226 = tpu.memref_slice %arg15[%add3A_213, %dma_wait3A] : memref<6400x272xf32, #tpu.memory_space<vmem_shared>> -> memref<16x272xf32, #tpu.memory_space<vmem_shared>>
          %dma_wait3A_227 = arith.constant 0 : i32
          %dma_wait3A_228 = tpu.memref_slice %arg15[%add3A_213, %dma_wait3A_227] : memref<6400x272xf32, #tpu.memory_space<vmem_shared>> -> memref<16x272xf32, #tpu.memory_space<vmem_shared>>
          tpu.wait_dma2 semaphore(%run_scoped3A : memref<!tpu.dma_semaphore, #tpu.memory_space<semaphore_mem>>) src(%dma_wait3A_228 : memref<16x272xf32, #tpu.memory_space<vmem_shared>>) dst(%arg13 : memref<16x272xf32, #tpu.memory_space<vmem>>)
          tpu.yield
        }) : () -> ()
        %scan3A_214 = arith.constant 0 : i32
        %scan3A_215 = arith.constant 0 : i32
        %scan3A_216 = arith.constant 16 : i32
        %scan3A_217 = arith.addi %scan3A_215, %scan3A_216 : i32
        %scan3A_218 = arith.constant 1 : i32
        %scan3A_219 = scf.for %scan3A_223 = %scan3A_215 to %scan3A_217 step %scan3A_218 iter_args(%scan3A_224 = %scan3A_214) -> (i32)  : i32 {
          %get3A = arith.index_cast %scan3A_223 : i32 to index
          %get3A_225 = arith.constant 256 : index
          %get3A_226 = tpu.vector_load %arg13[%get3A, %get3A_225] {strides = array<i32>} : memref<16x272xf32, #tpu.memory_space<vmem>>, vector<16xf32>,
          %slice3A = vector.extract_strided_slice %get3A_226 {offsets = [0], sizes = [1], strides = [1]} : vector<16xf32> to vector<1xf32>
          %squeeze3A = vector.extract %slice3A[0] : f32 from vector<1xf32>
          %add3A_227 = arith.constant 1.000000e-16 : f32
          %add3A_228 = arith.addf %squeeze3A, %add3A_227 : f32
          %get3A_229 = arith.index_cast %scan3A_223 : i32 to index
          %get3A_230 = arith.constant 0 : index
          %get3A_231 = tpu.vector_load %arg13[%get3A_229, %get3A_230] {strides = array<i32>} : memref<16x272xf32, #tpu.memory_space<vmem>>, vector<16xf32>,
          %div3A_232 = vector.broadcast %add3A_228 : f32 to vector<16xf32>
          %div3A_233 = arith.divf %get3A_231, %div3A_232 : vector<16xf32>
          %get3A_234 = arith.constant 0 : index
          %get3A_235 = tpu.vector_load %arg14[%get3A_234] {strides = array<i32>} : memref<256xf32, #tpu.memory_space<vmem>>, vector<16xf32>,
          %add3A_236 = arith.addf %div3A_233, %get3A_235 : vector<16xf32>
          %gt3A = arith.constant 0.000000e+00 : f32
          %gt3A_237 = vector.broadcast %gt3A : f32 to vector<16xf32>
          %gt3A_238 = arith.cmpf ogt, %add3A_236, %gt3A_237 : vector<16xf32>
          %exp3A = math.exp %add3A_236 : vector<16xf32>
          %sub3A_239 = arith.constant 1.000000e+00 : f32
          %sub3A_240 = vector.broadcast %sub3A_239 : f32 to vector<16xf32>
          %sub3A_241 = arith.subf %exp3A, %sub3A_240 : vector<16xf32>
          %select_n3A_242 = arith.select %gt3A_238, %add3A_236, %sub3A_241 : vector<16xi1>, vector<16xf32>
          %swap3A = arith.index_cast %scan3A_223 : i32 to index
          %swap3A_243 = arith.constant 0 : index
          %swap3A_244 = tpu.vector_load %arg13[%swap3A, %swap3A_243] {strides = array<i32>} : memref<16x272xf32, #tpu.memory_space<vmem>>, vector<16xf32>,
          tpu.vector_store %arg13[%swap3A, %swap3A_243], %select_n3A_242 {strides = array<i32>} : memref<16x272xf32, #tpu.memory_space<vmem>>, vector<16xf32>,
          %get3A_245 = arith.index_cast %scan3A_223 : i32 to index
          %get3A_246 = arith.constant 16 : index
          %get3A_247 = tpu.vector_load %arg13[%get3A_245, %get3A_246] {strides = array<i32>} : memref<16x272xf32, #tpu.memory_space<vmem>>, vector<16xf32>,
          %div3A_248 = vector.broadcast %add3A_228 : f32 to vector<16xf32>
          %div3A_249 = arith.divf %get3A_247, %div3A_248 : vector<16xf32>
          %get3A_250 = arith.constant 16 : index
          %get3A_251 = tpu.vector_load %arg14[%get3A_250] {strides = array<i32>} : memref<256xf32, #tpu.memory_space<vmem>>, vector<16xf32>,
          %add3A_252 = arith.addf %div3A_249, %get3A_251 : vector<16xf32>
          %gt3A_253 = arith.constant 0.000000e+00 : f32
          %gt3A_254 = vector.broadcast %gt3A_253 : f32 to vector<16xf32>
          %gt3A_255 = arith.cmpf ogt, %add3A_252, %gt3A_254 : vector<16xf32>
          %exp3A_256 = math.exp %add3A_252 : vector<16xf32>
          %sub3A_257 = arith.constant 1.000000e+00 : f32
          %sub3A_258 = vector.broadcast %sub3A_257 : f32 to vector<16xf32>
          %sub3A_259 = arith.subf %exp3A_256, %sub3A_258 : vector<16xf32>
          %select_n3A_260 = arith.select %gt3A_255, %add3A_252, %sub3A_259 : vector<16xi1>, vector<16xf32>
          %swap3A_261 = arith.index_cast %scan3A_223 : i32 to index
          %swap3A_262 = arith.constant 16 : index
          %swap3A_263 = tpu.vector_load %arg13[%swap3A_261, %swap3A_262] {strides = array<i32>} : memref<16x272xf32, #tpu.memory_space<vmem>>, vector<16xf32>,
          tpu.vector_store %arg13[%swap3A_261, %swap3A_262], %select_n3A_260 {strides = array<i32>} : memref<16x272xf32, #tpu.memory_space<vmem>>, vector<16xf32>,
          %get3A_264 = arith.index_cast %scan3A_223 : i32 to index
          %get3A_265 = arith.constant 32 : index
          %get3A_266 = tpu.vector_load %arg13[%get3A_264, %get3A_265] {strides = array<i32>} : memref<16x272xf32, #tpu.memory_space<vmem>>, vector<16xf32>,
          %div3A_267 = vector.broadcast %add3A_228 : f32 to vector<16xf32>
          %div3A_268 = arith.divf %get3A_266, %div3A_267 : vector<16xf32>
          %get3A_269 = arith.constant 32 : index
          %get3A_270 = tpu.vector_load %arg14[%get3A_269] {strides = array<i32>} : memref<256xf32, #tpu.memory_space<vmem>>, vector<16xf32>,
          %add3A_271 = arith.addf %div3A_268, %get3A_270 : vector<16xf32>
          %gt3A_272 = arith.constant 0.000000e+00 : f32
          %gt3A_273 = vector.broadcast %gt3A_272 : f32 to vector<16xf32>
          %gt3A_274 = arith.cmpf ogt, %add3A_271, %gt3A_273 : vector<16xf32>
          %exp3A_275 = math.exp %add3A_271 : vector<16xf32>
          %sub3A_276 = arith.constant 1.000000e+00 : f32
          %sub3A_277 = vector.broadcast %sub3A_276 : f32 to vector<16xf32>
          %sub3A_278 = arith.subf %exp3A_275, %sub3A_277 : vector<16xf32>
          %select_n3A_279 = arith.select %gt3A_274, %add3A_271, %sub3A_278 : vector<16xi1>, vector<16xf32>
          %swap3A_280 = arith.index_cast %scan3A_223 : i32 to index
          %swap3A_281 = arith.constant 32 : index
          %swap3A_282 = tpu.vector_load %arg13[%swap3A_280, %swap3A_281] {strides = array<i32>} : memref<16x272xf32, #tpu.memory_space<vmem>>, vector<16xf32>,
          tpu.vector_store %arg13[%swap3A_280, %swap3A_281], %select_n3A_279 {strides = array<i32>} : memref<16x272xf32, #tpu.memory_space<vmem>>, vector<16xf32>,
          %get3A_283 = arith.index_cast %scan3A_223 : i32 to index
          %get3A_284 = arith.constant 48 : index
          %get3A_285 = tpu.vector_load %arg13[%get3A_283, %get3A_284] {strides = array<i32>} : memref<16x272xf32, #tpu.memory_space<vmem>>, vector<16xf32>,
          %div3A_286 = vector.broadcast %add3A_228 : f32 to vector<16xf32>
          %div3A_287 = arith.divf %get3A_285, %div3A_286 : vector<16xf32>
          %get3A_288 = arith.constant 48 : index
          %get3A_289 = tpu.vector_load %arg14[%get3A_288] {strides = array<i32>} : memref<256xf32, #tpu.memory_space<vmem>>, vector<16xf32>,
          %add3A_290 = arith.addf %div3A_287, %get3A_289 : vector<16xf32>
          %gt3A_291 = arith.constant 0.000000e+00 : f32
          %gt3A_292 = vector.broadcast %gt3A_291 : f32 to vector<16xf32>
          %gt3A_293 = arith.cmpf ogt, %add3A_290, %gt3A_292 : vector<16xf32>
          %exp3A_294 = math.exp %add3A_290 : vector<16xf32>
          %sub3A_295 = arith.constant 1.000000e+00 : f32
          %sub3A_296 = vector.broadcast %sub3A_295 : f32 to vector<16xf32>
          %sub3A_297 = arith.subf %exp3A_294, %sub3A_296 : vector<16xf32>
          %select_n3A_298 = arith.select %gt3A_293, %add3A_290, %sub3A_297 : vector<16xi1>, vector<16xf32>
          %swap3A_299 = arith.index_cast %scan3A_223 : i32 to index
          %swap3A_300 = arith.constant 48 : index
          %swap3A_301 = tpu.vector_load %arg13[%swap3A_299, %swap3A_300] {strides = array<i32>} : memref<16x272xf32, #tpu.memory_space<vmem>>, vector<16xf32>,
          tpu.vector_store %arg13[%swap3A_299, %swap3A_300], %select_n3A_298 {strides = array<i32>} : memref<16x272xf32, #tpu.memory_space<vmem>>, vector<16xf32>,
          %slice3A_302 = vector.extract_strided_slice %get3A_226 {offsets = [1], sizes = [1], strides = [1]} : vector<16xf32> to vector<1xf32>
          %squeeze3A_303 = vector.extract %slice3A_302[0] : f32 from vector<1xf32>
          %add3A_304 = arith.constant 1.000000e-16 : f32
          %add3A_305 = arith.addf %squeeze3A_303, %add3A_304 : f32
          %get3A_306 = arith.index_cast %scan3A_223 : i32 to index
          %get3A_307 = arith.constant 64 : index
          %get3A_308 = tpu.vector_load %arg13[%get3A_306, %get3A_307] {strides = array<i32>} : memref<16x272xf32, #tpu.memory_space<vmem>>, vector<16xf32>,
          %div3A_309 = vector.broadcast %add3A_305 : f32 to vector<16xf32>
          %div3A_310 = arith.divf %get3A_308, %div3A_309 : vector<16xf32>
          %get3A_311 = arith.constant 64 : index
          %get3A_312 = tpu.vector_load %arg14[%get3A_311] {strides = array<i32>} : memref<256xf32, #tpu.memory_space<vmem>>, vector<16xf32>,
          %add3A_313 = arith.addf %div3A_310, %get3A_312 : vector<16xf32>
          %gt3A_314 = arith.constant 0.000000e+00 : f32
          %gt3A_315 = vector.broadcast %gt3A_314 : f32 to vector<16xf32>
          %gt3A_316 = arith.cmpf ogt, %add3A_313, %gt3A_315 : vector<16xf32>
          %exp3A_317 = math.exp %add3A_313 : vector<16xf32>
          %sub3A_318 = arith.constant 1.000000e+00 : f32
          %sub3A_319 = vector.broadcast %sub3A_318 : f32 to vector<16xf32>
          %sub3A_320 = arith.subf %exp3A_317, %sub3A_319 : vector<16xf32>
          %select_n3A_321 = arith.select %gt3A_316, %add3A_313, %sub3A_320 : vector<16xi1>, vector<16xf32>
          %swap3A_322 = arith.index_cast %scan3A_223 : i32 to index
          %swap3A_323 = arith.constant 64 : index
          %swap3A_324 = tpu.vector_load %arg13[%swap3A_322, %swap3A_323] {strides = array<i32>} : memref<16x272xf32, #tpu.memory_space<vmem>>, vector<16xf32>,
          tpu.vector_store %arg13[%swap3A_322, %swap3A_323], %select_n3A_321 {strides = array<i32>} : memref<16x272xf32, #tpu.memory_space<vmem>>, vector<16xf32>,
          %get3A_325 = arith.index_cast %scan3A_223 : i32 to index
          %get3A_326 = arith.constant 80 : index
          %get3A_327 = tpu.vector_load %arg13[%get3A_325, %get3A_326] {strides = array<i32>} : memref<16x272xf32, #tpu.memory_space<vmem>>, vector<16xf32>,
          %div3A_328 = vector.broadcast %add3A_305 : f32 to vector<16xf32>
          %div3A_329 = arith.divf %get3A_327, %div3A_328 : vector<16xf32>
          %get3A_330 = arith.constant 80 : index
          %get3A_331 = tpu.vector_load %arg14[%get3A_330] {strides = array<i32>} : memref<256xf32, #tpu.memory_space<vmem>>, vector<16xf32>,
          %add3A_332 = arith.addf %div3A_329, %get3A_331 : vector<16xf32>
          %gt3A_333 = arith.constant 0.000000e+00 : f32
          %gt3A_334 = vector.broadcast %gt3A_333 : f32 to vector<16xf32>
          %gt3A_335 = arith.cmpf ogt, %add3A_332, %gt3A_334 : vector<16xf32>
          %exp3A_336 = math.exp %add3A_332 : vector<16xf32>
          %sub3A_337 = arith.constant 1.000000e+00 : f32
          %sub3A_338 = vector.broadcast %sub3A_337 : f32 to vector<16xf32>
          %sub3A_339 = arith.subf %exp3A_336, %sub3A_338 : vector<16xf32>
          %select_n3A_340 = arith.select %gt3A_335, %add3A_332, %sub3A_339 : vector<16xi1>, vector<16xf32>
          %swap3A_341 = arith.index_cast %scan3A_223 : i32 to index
          %swap3A_342 = arith.constant 80 : index
          %swap3A_343 = tpu.vector_load %arg13[%swap3A_341, %swap3A_342] {strides = array<i32>} : memref<16x272xf32, #tpu.memory_space<vmem>>, vector<16xf32>,
          tpu.vector_store %arg13[%swap3A_341, %swap3A_342], %select_n3A_340 {strides = array<i32>} : memref<16x272xf32, #tpu.memory_space<vmem>>, vector<16xf32>,
          %get3A_344 = arith.index_cast %scan3A_223 : i32 to index
          %get3A_345 = arith.constant 96 : index
          %get3A_346 = tpu.vector_load %arg13[%get3A_344, %get3A_345] {strides = array<i32>} : memref<16x272xf32, #tpu.memory_space<vmem>>, vector<16xf32>,
          %div3A_347 = vector.broadcast %add3A_305 : f32 to vector<16xf32>
          %div3A_348 = arith.divf %get3A_346, %div3A_347 : vector<16xf32>
          %get3A_349 = arith.constant 96 : index
          %get3A_350 = tpu.vector_load %arg14[%get3A_349] {strides = array<i32>} : memref<256xf32, #tpu.memory_space<vmem>>, vector<16xf32>,
          %add3A_351 = arith.addf %div3A_348, %get3A_350 : vector<16xf32>
          %gt3A_352 = arith.constant 0.000000e+00 : f32
          %gt3A_353 = vector.broadcast %gt3A_352 : f32 to vector<16xf32>
          %gt3A_354 = arith.cmpf ogt, %add3A_351, %gt3A_353 : vector<16xf32>
          %exp3A_355 = math.exp %add3A_351 : vector<16xf32>
          %sub3A_356 = arith.constant 1.000000e+00 : f32
          %sub3A_357 = vector.broadcast %sub3A_356 : f32 to vector<16xf32>
          %sub3A_358 = arith.subf %exp3A_355, %sub3A_357 : vector<16xf32>
          %select_n3A_359 = arith.select %gt3A_354, %add3A_351, %sub3A_358 : vector<16xi1>, vector<16xf32>
          %swap3A_360 = arith.index_cast %scan3A_223 : i32 to index
          %swap3A_361 = arith.constant 96 : index
          %swap3A_362 = tpu.vector_load %arg13[%swap3A_360, %swap3A_361] {strides = array<i32>} : memref<16x272xf32, #tpu.memory_space<vmem>>, vector<16xf32>,
          tpu.vector_store %arg13[%swap3A_360, %swap3A_361], %select_n3A_359 {strides = array<i32>} : memref<16x272xf32, #tpu.memory_space<vmem>>, vector<16xf32>,
          %get3A_363 = arith.index_cast %scan3A_223 : i32 to index
          %get3A_364 = arith.constant 112 : index
          %get3A_365 = tpu.vector_load %arg13[%get3A_363, %get3A_364] {strides = array<i32>} : memref<16x272xf32, #tpu.memory_space<vmem>>, vector<16xf32>,
          %div3A_366 = vector.broadcast %add3A_305 : f32 to vector<16xf32>
          %div3A_367 = arith.divf %get3A_365, %div3A_366 : vector<16xf32>
          %get3A_368 = arith.constant 112 : index
          %get3A_369 = tpu.vector_load %arg14[%get3A_368] {strides = array<i32>} : memref<256xf32, #tpu.memory_space<vmem>>, vector<16xf32>,
          %add3A_370 = arith.addf %div3A_367, %get3A_369 : vector<16xf32>
          %gt3A_371 = arith.constant 0.000000e+00 : f32
          %gt3A_372 = vector.broadcast %gt3A_371 : f32 to vector<16xf32>
          %gt3A_373 = arith.cmpf ogt, %add3A_370, %gt3A_372 : vector<16xf32>
          %exp3A_374 = math.exp %add3A_370 : vector<16xf32>
          %sub3A_375 = arith.constant 1.000000e+00 : f32
          %sub3A_376 = vector.broadcast %sub3A_375 : f32 to vector<16xf32>
          %sub3A_377 = arith.subf %exp3A_374, %sub3A_376 : vector<16xf32>
          %select_n3A_378 = arith.select %gt3A_373, %add3A_370, %sub3A_377 : vector<16xi1>, vector<16xf32>
          %swap3A_379 = arith.index_cast %scan3A_223 : i32 to index
          %swap3A_380 = arith.constant 112 : index
          %swap3A_381 = tpu.vector_load %arg13[%swap3A_379, %swap3A_380] {strides = array<i32>} : memref<16x272xf32, #tpu.memory_space<vmem>>, vector<16xf32>,
          tpu.vector_store %arg13[%swap3A_379, %swap3A_380], %select_n3A_378 {strides = array<i32>} : memref<16x272xf32, #tpu.memory_space<vmem>>, vector<16xf32>,
          %slice3A_382 = vector.extract_strided_slice %get3A_226 {offsets = [2], sizes = [1], strides = [1]} : vector<16xf32> to vector<1xf32>
          %squeeze3A_383 = vector.extract %slice3A_382[0] : f32 from vector<1xf32>
          %add3A_384 = arith.constant 1.000000e-16 : f32
          %add3A_385 = arith.addf %squeeze3A_383, %add3A_384 : f32
          %get3A_386 = arith.index_cast %scan3A_223 : i32 to index
          %get3A_387 = arith.constant 128 : index
          %get3A_388 = tpu.vector_load %arg13[%get3A_386, %get3A_387] {strides = array<i32>} : memref<16x272xf32, #tpu.memory_space<vmem>>, vector<16xf32>,
          %div3A_389 = vector.broadcast %add3A_385 : f32 to vector<16xf32>
          %div3A_390 = arith.divf %get3A_388, %div3A_389 : vector<16xf32>
          %get3A_391 = arith.constant 128 : index
          %get3A_392 = tpu.vector_load %arg14[%get3A_391] {strides = array<i32>} : memref<256xf32, #tpu.memory_space<vmem>>, vector<16xf32>,
          %add3A_393 = arith.addf %div3A_390, %get3A_392 : vector<16xf32>
          %gt3A_394 = arith.constant 0.000000e+00 : f32
          %gt3A_395 = vector.broadcast %gt3A_394 : f32 to vector<16xf32>
          %gt3A_396 = arith.cmpf ogt, %add3A_393, %gt3A_395 : vector<16xf32>
          %exp3A_397 = math.exp %add3A_393 : vector<16xf32>
          %sub3A_398 = arith.constant 1.000000e+00 : f32
          %sub3A_399 = vector.broadcast %sub3A_398 : f32 to vector<16xf32>
          %sub3A_400 = arith.subf %exp3A_397, %sub3A_399 : vector<16xf32>
          %select_n3A_401 = arith.select %gt3A_396, %add3A_393, %sub3A_400 : vector<16xi1>, vector<16xf32>
          %swap3A_402 = arith.index_cast %scan3A_223 : i32 to index
          %swap3A_403 = arith.constant 128 : index
          %swap3A_404 = tpu.vector_load %arg13[%swap3A_402, %swap3A_403] {strides = array<i32>} : memref<16x272xf32, #tpu.memory_space<vmem>>, vector<16xf32>,
          tpu.vector_store %arg13[%swap3A_402, %swap3A_403], %select_n3A_401 {strides = array<i32>} : memref<16x272xf32, #tpu.memory_space<vmem>>, vector<16xf32>,
          %get3A_405 = arith.index_cast %scan3A_223 : i32 to index
          %get3A_406 = arith.constant 144 : index
          %get3A_407 = tpu.vector_load %arg13[%get3A_405, %get3A_406] {strides = array<i32>} : memref<16x272xf32, #tpu.memory_space<vmem>>, vector<16xf32>,
          %div3A_408 = vector.broadcast %add3A_385 : f32 to vector<16xf32>
          %div3A_409 = arith.divf %get3A_407, %div3A_408 : vector<16xf32>
          %get3A_410 = arith.constant 144 : index
          %get3A_411 = tpu.vector_load %arg14[%get3A_410] {strides = array<i32>} : memref<256xf32, #tpu.memory_space<vmem>>, vector<16xf32>,
          %add3A_412 = arith.addf %div3A_409, %get3A_411 : vector<16xf32>
          %gt3A_413 = arith.constant 0.000000e+00 : f32
          %gt3A_414 = vector.broadcast %gt3A_413 : f32 to vector<16xf32>
          %gt3A_415 = arith.cmpf ogt, %add3A_412, %gt3A_414 : vector<16xf32>
          %exp3A_416 = math.exp %add3A_412 : vector<16xf32>
          %sub3A_417 = arith.constant 1.000000e+00 : f32
          %sub3A_418 = vector.broadcast %sub3A_417 : f32 to vector<16xf32>
          %sub3A_419 = arith.subf %exp3A_416, %sub3A_418 : vector<16xf32>
          %select_n3A_420 = arith.select %gt3A_415, %add3A_412, %sub3A_419 : vector<16xi1>, vector<16xf32>
          %swap3A_421 = arith.index_cast %scan3A_223 : i32 to index
          %swap3A_422 = arith.constant 144 : index
          %swap3A_423 = tpu.vector_load %arg13[%swap3A_421, %swap3A_422] {strides = array<i32>} : memref<16x272xf32, #tpu.memory_space<vmem>>, vector<16xf32>,
          tpu.vector_store %arg13[%swap3A_421, %swap3A_422], %select_n3A_420 {strides = array<i32>} : memref<16x272xf32, #tpu.memory_space<vmem>>, vector<16xf32>,
          %get3A_424 = arith.index_cast %scan3A_223 : i32 to index
          %get3A_425 = arith.constant 160 : index
          %get3A_426 = tpu.vector_load %arg13[%get3A_424, %get3A_425] {strides = array<i32>} : memref<16x272xf32, #tpu.memory_space<vmem>>, vector<16xf32>,
          %div3A_427 = vector.broadcast %add3A_385 : f32 to vector<16xf32>
          %div3A_428 = arith.divf %get3A_426, %div3A_427 : vector<16xf32>
          %get3A_429 = arith.constant 160 : index
          %get3A_430 = tpu.vector_load %arg14[%get3A_429] {strides = array<i32>} : memref<256xf32, #tpu.memory_space<vmem>>, vector<16xf32>,
          %add3A_431 = arith.addf %div3A_428, %get3A_430 : vector<16xf32>
          %gt3A_432 = arith.constant 0.000000e+00 : f32
          %gt3A_433 = vector.broadcast %gt3A_432 : f32 to vector<16xf32>
          %gt3A_434 = arith.cmpf ogt, %add3A_431, %gt3A_433 : vector<16xf32>
          %exp3A_435 = math.exp %add3A_431 : vector<16xf32>
          %sub3A_436 = arith.constant 1.000000e+00 : f32
          %sub3A_437 = vector.broadcast %sub3A_436 : f32 to vector<16xf32>
          %sub3A_438 = arith.subf %exp3A_435, %sub3A_437 : vector<16xf32>
          %select_n3A_439 = arith.select %gt3A_434, %add3A_431, %sub3A_438 : vector<16xi1>, vector<16xf32>
          %swap3A_440 = arith.index_cast %scan3A_223 : i32 to index
          %swap3A_441 = arith.constant 160 : index
          %swap3A_442 = tpu.vector_load %arg13[%swap3A_440, %swap3A_441] {strides = array<i32>} : memref<16x272xf32, #tpu.memory_space<vmem>>, vector<16xf32>,
          tpu.vector_store %arg13[%swap3A_440, %swap3A_441], %select_n3A_439 {strides = array<i32>} : memref<16x272xf32, #tpu.memory_space<vmem>>, vector<16xf32>,
          %get3A_443 = arith.index_cast %scan3A_223 : i32 to index
          %get3A_444 = arith.constant 176 : index
          %get3A_445 = tpu.vector_load %arg13[%get3A_443, %get3A_444] {strides = array<i32>} : memref<16x272xf32, #tpu.memory_space<vmem>>, vector<16xf32>,
          %div3A_446 = vector.broadcast %add3A_385 : f32 to vector<16xf32>
          %div3A_447 = arith.divf %get3A_445, %div3A_446 : vector<16xf32>
          %get3A_448 = arith.constant 176 : index
          %get3A_449 = tpu.vector_load %arg14[%get3A_448] {strides = array<i32>} : memref<256xf32, #tpu.memory_space<vmem>>, vector<16xf32>,
          %add3A_450 = arith.addf %div3A_447, %get3A_449 : vector<16xf32>
          %gt3A_451 = arith.constant 0.000000e+00 : f32
          %gt3A_452 = vector.broadcast %gt3A_451 : f32 to vector<16xf32>
          %gt3A_453 = arith.cmpf ogt, %add3A_450, %gt3A_452 : vector<16xf32>
          %exp3A_454 = math.exp %add3A_450 : vector<16xf32>
          %sub3A_455 = arith.constant 1.000000e+00 : f32
          %sub3A_456 = vector.broadcast %sub3A_455 : f32 to vector<16xf32>
          %sub3A_457 = arith.subf %exp3A_454, %sub3A_456 : vector<16xf32>
          %select_n3A_458 = arith.select %gt3A_453, %add3A_450, %sub3A_457 : vector<16xi1>, vector<16xf32>
          %swap3A_459 = arith.index_cast %scan3A_223 : i32 to index
          %swap3A_460 = arith.constant 176 : index
          %swap3A_461 = tpu.vector_load %arg13[%swap3A_459, %swap3A_460] {strides = array<i32>} : memref<16x272xf32, #tpu.memory_space<vmem>>, vector<16xf32>,
          tpu.vector_store %arg13[%swap3A_459, %swap3A_460], %select_n3A_458 {strides = array<i32>} : memref<16x272xf32, #tpu.memory_space<vmem>>, vector<16xf32>,
          %slice3A_462 = vector.extract_strided_slice %get3A_226 {offsets = [3], sizes = [1], strides = [1]} : vector<16xf32> to vector<1xf32>
          %squeeze3A_463 = vector.extract %slice3A_462[0] : f32 from vector<1xf32>
          %add3A_464 = arith.constant 1.000000e-16 : f32
          %add3A_465 = arith.addf %squeeze3A_463, %add3A_464 : f32
          %get3A_466 = arith.index_cast %scan3A_223 : i32 to index
          %get3A_467 = arith.constant 192 : index
          %get3A_468 = tpu.vector_load %arg13[%get3A_466, %get3A_467] {strides = array<i32>} : memref<16x272xf32, #tpu.memory_space<vmem>>, vector<16xf32>,
          %div3A_469 = vector.broadcast %add3A_465 : f32 to vector<16xf32>
          %div3A_470 = arith.divf %get3A_468, %div3A_469 : vector<16xf32>
          %get3A_471 = arith.constant 192 : index
          %get3A_472 = tpu.vector_load %arg14[%get3A_471] {strides = array<i32>} : memref<256xf32, #tpu.memory_space<vmem>>, vector<16xf32>,
          %add3A_473 = arith.addf %div3A_470, %get3A_472 : vector<16xf32>
          %gt3A_474 = arith.constant 0.000000e+00 : f32
          %gt3A_475 = vector.broadcast %gt3A_474 : f32 to vector<16xf32>
          %gt3A_476 = arith.cmpf ogt, %add3A_473, %gt3A_475 : vector<16xf32>
          %exp3A_477 = math.exp %add3A_473 : vector<16xf32>
          %sub3A_478 = arith.constant 1.000000e+00 : f32
          %sub3A_479 = vector.broadcast %sub3A_478 : f32 to vector<16xf32>
          %sub3A_480 = arith.subf %exp3A_477, %sub3A_479 : vector<16xf32>
          %select_n3A_481 = arith.select %gt3A_476, %add3A_473, %sub3A_480 : vector<16xi1>, vector<16xf32>
          %swap3A_482 = arith.index_cast %scan3A_223 : i32 to index
          %swap3A_483 = arith.constant 192 : index
          %swap3A_484 = tpu.vector_load %arg13[%swap3A_482, %swap3A_483] {strides = array<i32>} : memref<16x272xf32, #tpu.memory_space<vmem>>, vector<16xf32>,
          tpu.vector_store %arg13[%swap3A_482, %swap3A_483], %select_n3A_481 {strides = array<i32>} : memref<16x272xf32, #tpu.memory_space<vmem>>, vector<16xf32>,
          %get3A_485 = arith.index_cast %scan3A_223 : i32 to index
          %get3A_486 = arith.constant 208 : index
          %get3A_487 = tpu.vector_load %arg13[%get3A_485, %get3A_486] {strides = array<i32>} : memref<16x272xf32, #tpu.memory_space<vmem>>, vector<16xf32>,
          %div3A_488 = vector.broadcast %add3A_465 : f32 to vector<16xf32>
          %div3A_489 = arith.divf %get3A_487, %div3A_488 : vector<16xf32>
          %get3A_490 = arith.constant 208 : index
          %get3A_491 = tpu.vector_load %arg14[%get3A_490] {strides = array<i32>} : memref<256xf32, #tpu.memory_space<vmem>>, vector<16xf32>,
          %add3A_492 = arith.addf %div3A_489, %get3A_491 : vector<16xf32>
          %gt3A_493 = arith.constant 0.000000e+00 : f32
          %gt3A_494 = vector.broadcast %gt3A_493 : f32 to vector<16xf32>
          %gt3A_495 = arith.cmpf ogt, %add3A_492, %gt3A_494 : vector<16xf32>
          %exp3A_496 = math.exp %add3A_492 : vector<16xf32>
          %sub3A_497 = arith.constant 1.000000e+00 : f32
          %sub3A_498 = vector.broadcast %sub3A_497 : f32 to vector<16xf32>
          %sub3A_499 = arith.subf %exp3A_496, %sub3A_498 : vector<16xf32>
          %select_n3A_500 = arith.select %gt3A_495, %add3A_492, %sub3A_499 : vector<16xi1>, vector<16xf32>
          %swap3A_501 = arith.index_cast %scan3A_223 : i32 to index
          %swap3A_502 = arith.constant 208 : index
          %swap3A_503 = tpu.vector_load %arg13[%swap3A_501, %swap3A_502] {strides = array<i32>} : memref<16x272xf32, #tpu.memory_space<vmem>>, vector<16xf32>,
          tpu.vector_store %arg13[%swap3A_501, %swap3A_502], %select_n3A_500 {strides = array<i32>} : memref<16x272xf32, #tpu.memory_space<vmem>>, vector<16xf32>,
          %get3A_504 = arith.index_cast %scan3A_223 : i32 to index
          %get3A_505 = arith.constant 224 : index
          %get3A_506 = tpu.vector_load %arg13[%get3A_504, %get3A_505] {strides = array<i32>} : memref<16x272xf32, #tpu.memory_space<vmem>>, vector<16xf32>,
          %div3A_507 = vector.broadcast %add3A_465 : f32 to vector<16xf32>
          %div3A_508 = arith.divf %get3A_506, %div3A_507 : vector<16xf32>
          %get3A_509 = arith.constant 224 : index
          %get3A_510 = tpu.vector_load %arg14[%get3A_509] {strides = array<i32>} : memref<256xf32, #tpu.memory_space<vmem>>, vector<16xf32>,
          %add3A_511 = arith.addf %div3A_508, %get3A_510 : vector<16xf32>
          %gt3A_512 = arith.constant 0.000000e+00 : f32
          %gt3A_513 = vector.broadcast %gt3A_512 : f32 to vector<16xf32>
          %gt3A_514 = arith.cmpf ogt, %add3A_511, %gt3A_513 : vector<16xf32>
          %exp3A_515 = math.exp %add3A_511 : vector<16xf32>
          %sub3A_516 = arith.constant 1.000000e+00 : f32
          %sub3A_517 = vector.broadcast %sub3A_516 : f32 to vector<16xf32>
          %sub3A_518 = arith.subf %exp3A_515, %sub3A_517 : vector<16xf32>
          %select_n3A_519 = arith.select %gt3A_514, %add3A_511, %sub3A_518 : vector<16xi1>, vector<16xf32>
          %swap3A_520 = arith.index_cast %scan3A_223 : i32 to index
          %swap3A_521 = arith.constant 224 : index
          %swap3A_522 = tpu.vector_load %arg13[%swap3A_520, %swap3A_521] {strides = array<i32>} : memref<16x272xf32, #tpu.memory_space<vmem>>, vector<16xf32>,
          tpu.vector_store %arg13[%swap3A_520, %swap3A_521], %select_n3A_519 {strides = array<i32>} : memref<16x272xf32, #tpu.memory_space<vmem>>, vector<16xf32>,
          %get3A_523 = arith.index_cast %scan3A_223 : i32 to index
          %get3A_524 = arith.constant 240 : index
          %get3A_525 = tpu.vector_load %arg13[%get3A_523, %get3A_524] {strides = array<i32>} : memref<16x272xf32, #tpu.memory_space<vmem>>, vector<16xf32>,
          %div3A_526 = vector.broadcast %add3A_465 : f32 to vector<16xf32>
          %div3A_527 = arith.divf %get3A_525, %div3A_526 : vector<16xf32>
          %get3A_528 = arith.constant 240 : index
          %get3A_529 = tpu.vector_load %arg14[%get3A_528] {strides = array<i32>} : memref<256xf32, #tpu.memory_space<vmem>>, vector<16xf32>,
          %add3A_530 = arith.addf %div3A_527, %get3A_529 : vector<16xf32>
          %gt3A_531 = arith.constant 0.000000e+00 : f32
          %gt3A_532 = vector.broadcast %gt3A_531 : f32 to vector<16xf32>
          %gt3A_533 = arith.cmpf ogt, %add3A_530, %gt3A_532 : vector<16xf32>
          %exp3A_534 = math.exp %add3A_530 : vector<16xf32>
          %sub3A_535 = arith.constant 1.000000e+00 : f32
          %sub3A_536 = vector.broadcast %sub3A_535 : f32 to vector<16xf32>
          %sub3A_537 = arith.subf %exp3A_534, %sub3A_536 : vector<16xf32>
          %select_n3A_538 = arith.select %gt3A_533, %add3A_530, %sub3A_537 : vector<16xi1>, vector<16xf32>
          %swap3A_539 = arith.index_cast %scan3A_223 : i32 to index
          %swap3A_540 = arith.constant 240 : index
          %swap3A_541 = tpu.vector_load %arg13[%swap3A_539, %swap3A_540] {strides = array<i32>} : memref<16x272xf32, #tpu.memory_space<vmem>>, vector<16xf32>,
          tpu.vector_store %arg13[%swap3A_539, %swap3A_540], %select_n3A_538 {strides = array<i32>} : memref<16x272xf32, #tpu.memory_space<vmem>>, vector<16xf32>,
          %scan3A_542 = arith.constant 0 : i32
          scf.yield %scan3A_542 : i32
        }
        %scan3A_220 = arith.constant 16 : i32
        %add3A_221 = arith.addi %mul3A_170, %add3A_213 : i32
        "tpu.region"() ({
          %run_scoped3A = tpu.sem_alloc : memref<!tpu.dma_semaphore, #tpu.memory_space<semaphore_mem>>
          %dma_start3A = arith.constant 0 : i32
          %dma_start3A_223 = tpu.memref_slice %arg7[%add3A_221, %dma_start3A] : memref<51200x272xf32, #tpu.memory_space<hbm>> -> memref<16x272xf32, #tpu.memory_space<hbm>>
          %dma_start3A_224 = arith.constant 0 : i32
          %dma_start3A_225 = tpu.memref_slice %arg7[%add3A_221, %dma_start3A_224] : memref<51200x272xf32, #tpu.memory_space<hbm>> -> memref<16x272xf32, #tpu.memory_space<hbm>>
          tpu.enqueue_dma source(%arg13 : memref<16x272xf32, #tpu.memory_space<vmem>>) target(%dma_start3A_225 : memref<16x272xf32, #tpu.memory_space<hbm>>) target_semaphore(%run_scoped3A : memref<!tpu.dma_semaphore, #tpu.memory_space<semaphore_mem>>)
          %dma_wait3A = arith.constant 0 : i32
          %dma_wait3A_226 = tpu.memref_slice %arg7[%add3A_221, %dma_wait3A] : memref<51200x272xf32, #tpu.memory_space<hbm>> -> memref<16x272xf32, #tpu.memory_space<hbm>>
          %dma_wait3A_227 = arith.constant 0 : i32
          %dma_wait3A_228 = tpu.memref_slice %arg7[%add3A_221, %dma_wait3A_227] : memref<51200x272xf32, #tpu.memory_space<hbm>> -> memref<16x272xf32, #tpu.memory_space<hbm>>
          tpu.wait_dma2 semaphore(%run_scoped3A : memref<!tpu.dma_semaphore, #tpu.memory_space<semaphore_mem>>) src(%arg13 : memref<16x272xf32, #tpu.memory_space<vmem>>) dst(%dma_wait3A_228 : memref<16x272xf32, #tpu.memory_space<hbm>>)
          tpu.yield
        }) : () -> ()
        %scan3A_222 = arith.constant 0 : i32
        scf.yield %scan3A_222 : i32
      }
      %scan3A_204 = arith.constant 25 : i32
      %barrier3A_205 = arith.constant 0 : index
      tpu.barrier barrier_id(%barrier3A_205)
      %scan3A_206 = arith.constant 0 : i32
      scf.yield %scan3A_206 : i32
    }
    %scan3A_163 = arith.constant 4 : i32
    return
  }
}

module attributes {stable_mosaic.version = 14 : i64} {
  func.func @body(%arg0: i32, %arg1: memref<512x64xf32, #tpu.memory_space<vmem>>, %arg2: memref<64x272xf32, #tpu.memory_space<vmem>>, %arg3: memref<64x16xf32, #tpu.memory_space<vmem>>, %arg4: memref<512x272xf32, #tpu.memory_space<vmem>>, %arg5: memref<512x16xf32, #tpu.memory_space<vmem>>) attributes {dimension_semantics = [#tpu.dimension_semantics<arbitrary>], iteration_bounds = array<i64: 100>, scalar_prefetch = 0 : i64, scratch_operands = 0 : i64, tpu.core_type = #tpu.core_type<tc>, window_params = [{transform_indices = @transform_0, window_bounds = array<i64: 512, 64>}, {pipeline_mode = #tpu.pipeline_mode<synchronous>, transform_indices = @transform_1, window_bounds = array<i64: 64, 272>}, {pipeline_mode = #tpu.pipeline_mode<synchronous>, transform_indices = @transform_2, window_bounds = array<i64: 64, 16>}, {transform_indices = @transform_3, window_bounds = array<i64: 512, 272>}, {transform_indices = @transform_4, window_bounds = array<i64: 512, 16>}]} {
    %get3A = arith.constant 0 : index
    %get3A_0 = arith.constant 0 : index
    %get3A_1 = vector.load %arg1[%get3A, %get3A_0] : memref<512x64xf32, #tpu.memory_space<vmem>>, vector<512x64xf32>
    %get3A_2 = arith.constant 0 : index
    %get3A_3 = arith.constant 0 : index
    %get3A_4 = vector.load %arg2[%get3A_2, %get3A_3] : memref<64x272xf32, #tpu.memory_space<vmem>>, vector<64x272xf32>
    %dot_general3A = arith.constant dense<0.000000e+00> : vector<512x272xf32>
    %dot_general3A_5 = tpu.matmul %get3A_1, %get3A_4, %dot_general3A {dimension_numbers = #tpu.dot_dimension_numbers<[1], [0], [0], [1], [0, 0, 1, 1], [], []>, transpose_lhs_hint = false} : vector<512x64xf32>, vector<64x272xf32>, vector<512x272xf32> -> vector<512x272xf32>
    %swap3A = arith.constant 0 : index
    %swap3A_6 = arith.constant 0 : index
    %swap3A_7 = vector.load %arg4[%swap3A, %swap3A_6] : memref<512x272xf32, #tpu.memory_space<vmem>>, vector<512x272xf32>
    tpu.vector_store %arg4[%swap3A, %swap3A_6], %dot_general3A_5 {strides = array<i32>} : memref<512x272xf32, #tpu.memory_space<vmem>>, vector<512x272xf32>,
    %get3A_8 = arith.constant 0 : index
    %get3A_9 = arith.constant 0 : index
    %get3A_10 = vector.load %arg3[%get3A_8, %get3A_9] : memref<64x16xf32, #tpu.memory_space<vmem>>, vector<64x16xf32>
    %dot_general3A_11 = arith.constant dense<0.000000e+00> : vector<512x16xf32>
    %dot_general3A_12 = tpu.matmul %get3A_1, %get3A_10, %dot_general3A_11 {dimension_numbers = #tpu.dot_dimension_numbers<[1], [0], [0], [1], [0, 0, 1, 1], [], []>, transpose_lhs_hint = false} : vector<512x64xf32>, vector<64x16xf32>, vector<512x16xf32> -> vector<512x16xf32>
    %swap3A_13 = arith.constant 0 : index
    %swap3A_14 = arith.constant 0 : index
    %swap3A_15 = vector.load %arg5[%swap3A_13, %swap3A_14] : memref<512x16xf32, #tpu.memory_space<vmem>>, vector<512x16xf32>
    tpu.vector_store %arg5[%swap3A_13, %swap3A_14], %dot_general3A_12 {strides = array<i32>} : memref<512x16xf32, #tpu.memory_space<vmem>>, vector<512x16xf32>,
    return
  }
  func.func @transform_0(%arg0: i32) -> (i32, i32) {
    %c0_i32 = arith.constant 0 : i32
    %c0_i32_0 = arith.constant 0 : i32
    return %arg0, %c0_i32 : i32, i32
  }
  func.func @transform_1(%arg0: i32) -> (i32, i32) {
    %c0_i32 = arith.constant 0 : i32
    %c0_i32_0 = arith.constant 0 : i32
    %c0_i32_1 = arith.constant 0 : i32
    return %c0_i32, %c0_i32_0 : i32, i32
  }
  func.func @transform_2(%arg0: i32) -> (i32, i32) {
    %c0_i32 = arith.constant 0 : i32
    %c0_i32_0 = arith.constant 0 : i32
    %c0_i32_1 = arith.constant 0 : i32
    return %c0_i32, %c0_i32_0 : i32, i32
  }
  func.func @transform_3(%arg0: i32) -> (i32, i32) {
    %c0_i32 = arith.constant 0 : i32
    %c0_i32_0 = arith.constant 0 : i32
    return %arg0, %c0_i32 : i32, i32
  }
  func.func @transform_4(%arg0: i32) -> (i32, i32) {
    %c0_i32 = arith.constant 0 : i32
    %c0_i32_0 = arith.constant 0 : i32
    return %arg0, %c0_i32 : i32, i32
  }
}

module attributes {stable_mosaic.version = 14 : i64} {
  func.func @body(%arg0: i32, %arg1: memref<512x272xf32, #tpu.memory_space<vmem>>, %arg2: memref<272x272xf32, #tpu.memory_space<vmem>>, %arg3: memref<272x16xf32, #tpu.memory_space<vmem>>, %arg4: memref<512x272xf32, #tpu.memory_space<vmem>>, %arg5: memref<512x16xf32, #tpu.memory_space<vmem>>) attributes {dimension_semantics = [#tpu.dimension_semantics<arbitrary>], iteration_bounds = array<i64: 100>, scalar_prefetch = 0 : i64, scratch_operands = 0 : i64, tpu.core_type = #tpu.core_type<tc>, window_params = [{transform_indices = @transform_0, window_bounds = array<i64: 512, 272>}, {pipeline_mode = #tpu.pipeline_mode<synchronous>, transform_indices = @transform_1, window_bounds = array<i64: 272, 272>}, {pipeline_mode = #tpu.pipeline_mode<synchronous>, transform_indices = @transform_2, window_bounds = array<i64: 272, 16>}, {transform_indices = @transform_3, window_bounds = array<i64: 512, 272>}, {transform_indices = @transform_4, window_bounds = array<i64: 512, 16>}]} {
    %get3A = arith.constant 0 : index
    %get3A_0 = arith.constant 0 : index
    %get3A_1 = vector.load %arg1[%get3A, %get3A_0] : memref<512x272xf32, #tpu.memory_space<vmem>>, vector<512x272xf32>
    %get3A_2 = arith.constant 0 : index
    %get3A_3 = arith.constant 0 : index
    %get3A_4 = vector.load %arg2[%get3A_2, %get3A_3] : memref<272x272xf32, #tpu.memory_space<vmem>>, vector<272x272xf32>
    %dot_general3A = arith.constant dense<0.000000e+00> : vector<512x272xf32>
    %dot_general3A_5 = tpu.matmul %get3A_1, %get3A_4, %dot_general3A {dimension_numbers = #tpu.dot_dimension_numbers<[1], [0], [0], [1], [0, 0, 1, 1], [], []>, transpose_lhs_hint = false} : vector<512x272xf32>, vector<272x272xf32>, vector<512x272xf32> -> vector<512x272xf32>
    %swap3A = arith.constant 0 : index
    %swap3A_6 = arith.constant 0 : index
    %swap3A_7 = vector.load %arg4[%swap3A, %swap3A_6] : memref<512x272xf32, #tpu.memory_space<vmem>>, vector<512x272xf32>
    tpu.vector_store %arg4[%swap3A, %swap3A_6], %dot_general3A_5 {strides = array<i32>} : memref<512x272xf32, #tpu.memory_space<vmem>>, vector<512x272xf32>,
    %get3A_8 = arith.constant 0 : index
    %get3A_9 = arith.constant 0 : index
    %get3A_10 = vector.load %arg3[%get3A_8, %get3A_9] : memref<272x16xf32, #tpu.memory_space<vmem>>, vector<272x16xf32>
    %dot_general3A_11 = arith.constant dense<0.000000e+00> : vector<512x16xf32>
    %dot_general3A_12 = tpu.matmul %get3A_1, %get3A_10, %dot_general3A_11 {dimension_numbers = #tpu.dot_dimension_numbers<[1], [0], [0], [1], [0, 0, 1, 1], [], []>, transpose_lhs_hint = false} : vector<512x272xf32>, vector<272x16xf32>, vector<512x16xf32> -> vector<512x16xf32>
    %swap3A_13 = arith.constant 0 : index
    %swap3A_14 = arith.constant 0 : index
    %swap3A_15 = vector.load %arg5[%swap3A_13, %swap3A_14] : memref<512x16xf32, #tpu.memory_space<vmem>>, vector<512x16xf32>
    tpu.vector_store %arg5[%swap3A_13, %swap3A_14], %dot_general3A_12 {strides = array<i32>} : memref<512x16xf32, #tpu.memory_space<vmem>>, vector<512x16xf32>,
    return
  }
  func.func @transform_0(%arg0: i32) -> (i32, i32) {
    %c0_i32 = arith.constant 0 : i32
    %c0_i32_0 = arith.constant 0 : i32
    return %arg0, %c0_i32 : i32, i32
  }
  func.func @transform_1(%arg0: i32) -> (i32, i32) {
    %c0_i32 = arith.constant 0 : i32
    %c0_i32_0 = arith.constant 0 : i32
    %c0_i32_1 = arith.constant 0 : i32
    return %c0_i32, %c0_i32_0 : i32, i32
  }
  func.func @transform_2(%arg0: i32) -> (i32, i32) {
    %c0_i32 = arith.constant 0 : i32
    %c0_i32_0 = arith.constant 0 : i32
    %c0_i32_1 = arith.constant 0 : i32
    return %c0_i32, %c0_i32_0 : i32, i32
  }
  func.func @transform_3(%arg0: i32) -> (i32, i32) {
    %c0_i32 = arith.constant 0 : i32
    %c0_i32_0 = arith.constant 0 : i32
    return %arg0, %c0_i32 : i32, i32
  }
  func.func @transform_4(%arg0: i32) -> (i32, i32) {
    %c0_i32 = arith.constant 0 : i32
    %c0_i32_0 = arith.constant 0 : i32
    return %arg0, %c0_i32 : i32, i32
  }
}

module attributes {stable_mosaic.version = 14 : i64} {
  func.func @body(%arg0: i32, %arg1: memref<512x272xf32, #tpu.memory_space<vmem>>, %arg2: memref<272x80xf32, #tpu.memory_space<vmem>>, %arg3: memref<272x16xf32, #tpu.memory_space<vmem>>, %arg4: memref<512x80xf32, #tpu.memory_space<vmem>>, %arg5: memref<512x16xf32, #tpu.memory_space<vmem>>) attributes {dimension_semantics = [#tpu.dimension_semantics<arbitrary>], iteration_bounds = array<i64: 100>, scalar_prefetch = 0 : i64, scratch_operands = 0 : i64, tpu.core_type = #tpu.core_type<tc>, window_params = [{transform_indices = @transform_0, window_bounds = array<i64: 512, 272>}, {pipeline_mode = #tpu.pipeline_mode<synchronous>, transform_indices = @transform_1, window_bounds = array<i64: 272, 80>}, {pipeline_mode = #tpu.pipeline_mode<synchronous>, transform_indices = @transform_2, window_bounds = array<i64: 272, 16>}, {transform_indices = @transform_3, window_bounds = array<i64: 512, 80>}, {transform_indices = @transform_4, window_bounds = array<i64: 512, 16>}]} {
    %get3A = arith.constant 0 : index
    %get3A_0 = arith.constant 0 : index
    %get3A_1 = vector.load %arg1[%get3A, %get3A_0] : memref<512x272xf32, #tpu.memory_space<vmem>>, vector<512x272xf32>
    %get3A_2 = arith.constant 0 : index
    %get3A_3 = arith.constant 0 : index
    %get3A_4 = vector.load %arg2[%get3A_2, %get3A_3] : memref<272x80xf32, #tpu.memory_space<vmem>>, vector<272x80xf32>
    %dot_general3A = arith.constant dense<0.000000e+00> : vector<512x80xf32>
    %dot_general3A_5 = tpu.matmul %get3A_1, %get3A_4, %dot_general3A {dimension_numbers = #tpu.dot_dimension_numbers<[1], [0], [0], [1], [0, 0, 1, 1], [], []>, transpose_lhs_hint = false} : vector<512x272xf32>, vector<272x80xf32>, vector<512x80xf32> -> vector<512x80xf32>
    %swap3A = arith.constant 0 : index
    %swap3A_6 = arith.constant 0 : index
    %swap3A_7 = vector.load %arg4[%swap3A, %swap3A_6] : memref<512x80xf32, #tpu.memory_space<vmem>>, vector<512x80xf32>
    tpu.vector_store %arg4[%swap3A, %swap3A_6], %dot_general3A_5 {strides = array<i32>} : memref<512x80xf32, #tpu.memory_space<vmem>>, vector<512x80xf32>,
    %get3A_8 = arith.constant 0 : index
    %get3A_9 = arith.constant 0 : index
    %get3A_10 = vector.load %arg3[%get3A_8, %get3A_9] : memref<272x16xf32, #tpu.memory_space<vmem>>, vector<272x16xf32>
    %dot_general3A_11 = arith.constant dense<0.000000e+00> : vector<512x16xf32>
    %dot_general3A_12 = tpu.matmul %get3A_1, %get3A_10, %dot_general3A_11 {dimension_numbers = #tpu.dot_dimension_numbers<[1], [0], [0], [1], [0, 0, 1, 1], [], []>, transpose_lhs_hint = false} : vector<512x272xf32>, vector<272x16xf32>, vector<512x16xf32> -> vector<512x16xf32>
    %swap3A_13 = arith.constant 0 : index
    %swap3A_14 = arith.constant 0 : index
    %swap3A_15 = vector.load %arg5[%swap3A_13, %swap3A_14] : memref<512x16xf32, #tpu.memory_space<vmem>>, vector<512x16xf32>
    tpu.vector_store %arg5[%swap3A_13, %swap3A_14], %dot_general3A_12 {strides = array<i32>} : memref<512x16xf32, #tpu.memory_space<vmem>>, vector<512x16xf32>,
    return
  }
  func.func @transform_0(%arg0: i32) -> (i32, i32) {
    %c0_i32 = arith.constant 0 : i32
    %c0_i32_0 = arith.constant 0 : i32
    return %arg0, %c0_i32 : i32, i32
  }
  func.func @transform_1(%arg0: i32) -> (i32, i32) {
    %c0_i32 = arith.constant 0 : i32
    %c0_i32_0 = arith.constant 0 : i32
    %c0_i32_1 = arith.constant 0 : i32
    return %c0_i32, %c0_i32_0 : i32, i32
  }
  func.func @transform_2(%arg0: i32) -> (i32, i32) {
    %c0_i32 = arith.constant 0 : i32
    %c0_i32_0 = arith.constant 0 : i32
    %c0_i32_1 = arith.constant 0 : i32
    return %c0_i32, %c0_i32_0 : i32, i32
  }
  func.func @transform_3(%arg0: i32) -> (i32, i32) {
    %c0_i32 = arith.constant 0 : i32
    %c0_i32_0 = arith.constant 0 : i32
    return %arg0, %c0_i32 : i32, i32
  }
  func.func @transform_4(%arg0: i32) -> (i32, i32) {
    %c0_i32 = arith.constant 0 : i32
    %c0_i32_0 = arith.constant 0 : i32
    return %arg0, %c0_i32 : i32, i32
  }
}

</mosaic_0001>

<sc_bundles>
// kernel: kernel.11.cloned.1.call-start
scs
__scs_entry_jumppad:
0x0: {  	(pc) =	sbr.rel $0x88, $3  }
0x1: {  	(tag) =	ssettag $0x0;
	lr =	simm.s32 $0x1  }
0x2: {  	[smem:$0x3F93] =	sst lr;
	_ =	strace $0xD0000000  }
0x3: {  	_ = 	snop  }
0x4: {  	_ = 	snop  }
0x5: {  	_ = 	snop  }
0x6: {  	_ = 	snop  }
0x7: {  	_ = 	snop  }
__scs_overlays_trampoline_lowered:
0x8: {  	[smem:$0x3FA2] =	sst s0  }
0x9: {  	[smem:$0x3FA3] =	sst s1  }
0xa: {  	[smem:$0x3FA4] =	sst s2  }
0xb: {  	[smem:$0x3FA5] =	sst s3  }
0xc: {  	[smem:$0x3FA6] =	sst s4  }
0xd: {  	[smem:$0x3FA7] =	sst s5  }
0xe: {  	[smem:$0x3FA8] =	sst s6  }
0xf: {  	[smem:$0x3FA9] =	sst s7  }
0x10: {  	[smem:$0x3FAA] =	sst s8  }
0x11: {  	[smem:$0x3FAB] =	sst s9;
	s0 =	simm.s32 @!p0 $0x0  }
0x12: {  	s1 =	sld [smem:$0x3F91];
	s0 =	simm.s32 @p0 $0x1  }
0x13: {  	[smem:$0x3FAC] =	sst s0;
	s0 =	simm.s32 @!p1 $0x0  }
0x14: {  	s2 =	sld [smem:$0x3F90];
	s0 =	simm.s32 @p1 $0x1  }
0x15: {  	[smem:$0x3FAD] =	sst s0;
	s0 =	simm.s32 @!p2 $0x0  }
0x16: {  	s3 =	sld [smem:$0x3FDB];
	s0 =	simm.s32 @p2 $0x1  }
0x17: {  	s4 =	simm.s32 $0x1BF5;
	[smem:$0x3FAF] =	sst s0  }
0x18: {  	s0 =	sld [smem:$0x3F92];
	_ =	swait.ge [sflag:s4], $0x0  }
0x19: {  	s7 =	sld [smem:$0x3F93]  }
0x1a: {  	s8 =	sadd.s32 $0xFFFFE003, lr  }
0x1b: {  	s9 =	sadd.s32 $0xFFFFFEF7, lr;
	s5 =	simm.s32 $0xFFFFFFFF;
	p2 =	slt.u32 s8, $0xFFFFF086  }
0x1c: {  	p1 =	slt.u32 s9, $0xF7A;
	s5 =	simm.s32 @!p2 $0x0  }
0x1d: {  	s5 =	simm.s32 @p1 $0x1;
	p0 =	seq.s32 s7, s2  }
0x1e: {  	s7 =	smul.u32 @!p0 $0xF7A, s2;
	p2 =	seq.s32 @!p0 s5, $0x0  }
0x1f: {  	s9 =	smul.u32 $0xF7A, s1;
	s8 =	simm.s32 @!p0 $0x1BF5;
	p2 =	por !p2, p0  }
0x20: {  	[sflag:s8] =	ssyncset.s32 @!p0 $0xFFFFF086;
	s6 =	sadd.s32 @!p0 s3, s7;
	s7 =	simm.s32 @!p0 $0x108  }
0x21: {  	s3 =	sadd.s32 s3, s9;
	s6 =	sadd.s32 @!p0 $0x88, s6;
	s7 =	simm.s32 @p2 $0x1082  }
0x22: {  	[simem:s7], [sflag:s8] =	dma.local @!p0 [hbm:s6], $0xF7A  }
0x23: {  	s9 =	sor.u32 $0xD0000000, s2;
	s6 =	simm.s32 $0x108;
	_ =	swait.ge @!p0 [sflag:s8], $0x0  }
0x24: {  	s3 =	sadd.s32 $0x88, s3;
	s6 =	simm.s32 @!p1 $0x1082;
	[sflag:s4] =	ssyncset.s32 $0xFFFFF086  }
0x25: {  	[simem:s6], [sflag:s4] =	dma.local [hbm:s3], $0xF7A  }
0x26: {  	[smem:$0x3F93] =	sst s1;
	(tag) =	ssettag s2;
	_ =	strace s9  }
0x27: {  	s1 =	sld [smem:$0x3FA3]  }
0x28: {  	s2 =	sld [smem:$0x3FA4]  }
0x29: {  	s4 =	sld [smem:$0x3FA6]  }
0x2a: {  	p0 =	seq.s32 s5, $0x0;
	s5 =	sld [smem:$0x3FA7]  }
0x2b: {  	s6 =	sld [smem:$0x3FA8]  }
0x2c: {  	s7 =	sld [smem:$0x3FA9]  }
0x2d: {  	s3 =	simm.s32 $0x108;
	s8 =	sld [smem:$0x3FAA]  }
0x2e: {  	s3 =	simm.s32 @!p0 $0x1082;
	s9 =	sld [smem:$0x3FAB]  }
0x2f: {  	lr =	sadd.s32 s0, s3;
	s0 =	sld [smem:$0x3FA2]  }
0x30: {  	s3 =	sld [smem:$0x3FA5]  }
0x31: {  	[smem:$0x3FAE] =	sst s10  }
0x32: {  	s10 =	sld [smem:$0x3FAC];
	_ =	sdelay $0x3  }
0x33: {  	p0 =	seq.s32 s10, $0x1;
	s10 =	sld [smem:$0x3FAE];
	_ =	sdelay $0x3  }
0x34: {  	[smem:$0x3FAE] =	sst s10  }
0x35: {  	s10 =	sld [smem:$0x3FAD];
	_ =	sdelay $0x3  }
0x36: {  	p1 =	seq.s32 s10, $0x1;
	s10 =	sld [smem:$0x3FAE];
	_ =	sdelay $0x3  }
0x37: {  	[smem:$0x3FAE] =	sst s10  }
0x38: {  	s10 =	sld [smem:$0x3FAF]  }
0x39: {  	_ = 	snop;
	(pc) =	sbr.ind lr, $3  }
0x3a: {  	_ = 	snop  }
0x3b: {  	_ = 	snop  }
0x3c: {  	p2 =	seq.s32 s10, $0x1;
	s10 =	sld [smem:$0x3FAE]  }
0x3d: {  	_ =	shalt  }
0x3e: {  	_ =	shalt  }
0x3f: {  	_ =	shalt  }
0x40: {  	_ =	shalt  }
0x41: {  	_ =	shalt  }
0x42: {  	_ =	shalt  }
0x43: {  	_ =	shalt  }
0x44: {  	_ =	shalt  }
0x45: {  	_ =	shalt  }
0x46: {  	_ =	shalt  }
0x47: {  	_ =	shalt  }
0x48: {  	_ =	shalt  }
0x49: {  	_ =	shalt  }
0x4a: {  	_ =	shalt  }
0x4b: {  	_ =	shalt  }
0x4c: {  	_ =	shalt  }
0x4d: {  	_ =	shalt  }
0x4e: {  	_ =	shalt  }
0x4f: {  	_ =	shalt  }
0x50: {  	_ =	shalt  }
0x51: {  	_ =	shalt  }
0x52: {  	_ =	shalt  }
0x53: {  	_ =	shalt  }
0x54: {  	_ =	shalt  }
0x55: {  	_ =	shalt  }
0x56: {  	_ =	shalt  }
0x57: {  	_ =	shalt  }
0x58: {  	_ =	shalt  }
0x59: {  	_ =	shalt  }
0x5a: {  	_ =	shalt  }
0x5b: {  	_ =	shalt  }
0x5c: {  	_ =	shalt  }
0x5d: {  	_ =	shalt  }
0x5e: {  	_ =	shalt  }
0x5f: {  	_ =	shalt  }
0x60: {  	_ =	shalt  }
0x61: {  	_ =	shalt  }
0x62: {  	_ =	shalt  }
0x63: {  	_ =	shalt  }
0x64: {  	_ =	shalt  }
0x65: {  	_ =	shalt  }
0x66: {  	_ =	shalt  }
0x67: {  	_ =	shalt  }
0x68: {  	_ =	shalt  }
0x69: {  	_ =	shalt  }
0x6a: {  	_ =	shalt  }
0x6b: {  	_ =	shalt  }
0x6c: {  	_ =	shalt  }
0x6d: {  	_ =	shalt  }
0x6e: {  	_ =	shalt  }
0x6f: {  	_ =	shalt  }
0x70: {  	_ =	shalt  }
0x71: {  	_ =	shalt  }
0x72: {  	_ =	shalt  }
0x73: {  	_ =	shalt  }
0x74: {  	_ =	shalt  }
0x75: {  	_ =	shalt  }
0x76: {  	_ =	shalt  }
0x77: {  	_ =	shalt  }
0x78: {  	_ =	shalt  }
0x79: {  	_ =	shalt  }
0x7a: {  	_ =	shalt  }
0x7b: {  	_ =	shalt  }
0x7c: {  	_ =	shalt  }
0x7d: {  	_ =	shalt  }
0x7e: {  	_ =	shalt  }
0x7f: {  	_ =	shalt  }
0x80: {  	_ =	shalt  }
0x81: {  	_ =	shalt  }
0x82: {  	_ =	shalt  }
0x83: {  	_ =	shalt  }
0x84: {  	_ =	shalt  }
0x85: {  	_ =	shalt  }
0x86: {  	_ =	shalt  }
0x87: {  	_ =	shalt  }
.Lfunc_end0:
.L_simem_size_0:
called_computation.1_lowered:
.L_overlay_start_0:
0x88: {  	s2 =	sld [smem:$0x3FD9]  }
0x89: {  	s3 =	sld [smem:$0x3FFE];
	_ =	sdelay $0x1  }
0x8a: {  	s1 =	srdreg.scid  }
0x8b: {  	s0 =	sand.u32 $0x1, s1  }
0x8c: {  	s17 =	sshll.u32 s0, $0xA;
	s2 =	sadd.s32 s3, s2  }
0x8d: {  	s2 =	sadd.s32 s2, s17  }
0x8e: {  	[smem:$0x3FBA] =	sst s2  }
0x8f: {  	_ = 	snop  }
0x90: {  	s2 =	sld [smem:$0x3FC0]  }
0x91: {  	s18 =	sld [smem:$0x3FD0];
	(tm) =	ssettm $0x1  }
0x92: {  	s4 =	sld [smem:$0x3FFB];
	_ =	sdelay $0x3  }
0x93: {  	_ =	strace s4  }
0x94: {  	s4 =	sld [smem:$0x3FFC];
	_ =	sdelay $0x3  }
0x95: {  	_ =	strace s4  }
0x96: {  	s4 =	sld [smem:$0x3FFD];
	_ =	sdelay $0x3  }
0x97: {  	_ =	strace s4  }
0x98: {  	_ =	strace $0x8FFFFFFF  }
0x99: {  	s19 =	sld [smem:$0x3FDB];
	_ =	sdelay $0x1  }
0x9a: {  	s5 =	simm.s32 $_scs_section_size  }
0x9b: {  	s6 =	simm.s32 $_size__tile_overlayer_lowered;
	s7 =	simm.s32 $_tile_overlayer_lowered  }
0x9c: {  	s22 =	simm.s32 $0x1BFF;
	s21 =	sshll.u32 s7, $0x1;
	s4 =	sadd.s32 s5, s19  }
0x9d: {  	s8 =	simm.s32 $0x0;
	s20 =	sshll.u32 s6, $0x1;
	s6 =	sadd.s32 s21, s4  }
0x9e: {  	[timem:s8], [sflag:s22] =	dma.local [hbm:s6], s20  }
0x9f: {  	_ =	swait.ge [sflag:s22], s20  }
0xa0: {  	s5 =	ssub.s32 $0x0, s20;
	[sflag:s22] =	ssyncset.done $0x0  }
0xa1: {  	[sflag:s22] =	ssyncadd.s32 s5;
	_ =	sdelay $0x1  }
0xa2: {  	s23 =	simm.s32 $0x1B8B  }
0xa3: {  	_ =	swait.ge [sflag:s23], $0x1  }
0xa4: {  	[sflag:s23] =	ssyncset.done $0x0  }
0xa5: {  	s25 =	simm.s32 $0x1B8E;
	s24 =	sld [smem:$0x3FFE];
	[sflag:s23] =	ssyncadd.s32 $0xFFFFFFFF  }
0xa6: {  	s26 =	simm.s32 $execute0_lowered;
	[smem:$0x3FD2] =	sst s25  }
0xa7: {  	s6 =	sshll.u32 s26, $0x1;
	_ =	strace $0x80000049;
	[dreg:$0x1] =	wrdreg $0xFFFFFFFF  }
0xa8: {  	s28 =	simm.s32 $_size_execute0_lowered;
	s4 =	sadd.s32 s4, s6;
	[dreg:$0x0] =	wrdreg $0x0  }
0xa9: {  	s6 =	sshll.u32 s28, $0x1;
	[dreg:$0x2] =	wrdreg s4  }
0xaa: {  	[dreg:$0x3] =	wrdreg s6  }
0xab: {  	[dreg:$0x4] =	wrdreg $0xC0  }
0xac: {  	_ =	task [dreg:s8], $0x5FFFF  }
0xad: {  	[dreg:$0x1] =	wrdreg $0xFFFFFFFF  }
0xae: {  	[dreg:$0x0] =	wrdreg $0x60  }
0xaf: {  	[dreg:$0x2] =	wrdreg s24  }
0xb0: {  	[dreg:$0x3] =	wrdreg s18  }
0xb1: {  	[dreg:$0x4] =	wrdreg s2  }
0xb2: {  	[dreg:$0x5] =	wrdreg $0x3BD00  }
0xb3: {  	[dreg:$0x6] =	wrdreg $0x1E4D00  }
0xb4: {  	[dreg:$0x7] =	wrdreg $0x9  }
0xb5: {  	_ =	task.clear_ibuf [dreg:s8], $0x8FFFF;
	_ =	strace $0x90000049  }
0xb6: {  	s29 =	simm.s32 $0x9;
	_ =	strace $0x8000004B  }
0xb7: {  	_ =	swait.ge [sflag:s29], $0x1  }
0xb8: {  	[sflag:s29] =	ssyncadd.s32 $0xFFFFFFFF  }
0xb9: {  	_ =	strace $0x9000004B  }
0xba: {  	_ =	sfence  }
0xbb: {  	s30 =	sld [smem:$0x0];
	_ =	sdelay $0x2  }
0xbc: {  	s31 =	sshll.u32 s1, $0xD;
	s1 =	sshrl.u32 s1, $0x2  }
0xbd: {  	s3 =	sand.u32 $0x4000, s31;
	s1 =	sadd.s32 s1, s30  }
0xbe: {  	s0 =	sor.u32 s3, s0;
	s1 =	sshll.u32 s1, $0x11  }
0xbf: {  	s0 =	sor.u32 s1, s0  }
0xc0: {  	s0 =	sadd.s32 $0x8F2B, s0  }
0xc1: {  	[sflag:s0] =	ssyncadd.remote.s32 $0x1  }
0xc2: {  	_ =	sfence.sel $0xFFFF  }
0xc3: {  	[dreg:$0x0] =	wrdreg $0xFFFFFFFF;
	(pc) =	sbr.abs _section_cstart, $3  }
0xc4: {  	[dreg:$0x1] =	wrdreg $0xFFFFFFFF  }
0xc5: {  	_ =	task.clear_ibuf [dreg:s8], $0x2FFFF;
	_ =	strace $0x9FFFFFFF  }
0xc6: {  	(tm) =	ssettm $0x7FFFFFFF  }
0xc7: {  	_ =	shalt  }
tec
execute0_lowered:
.L_overlay_start_1:
0x0: {  	(tag) =	ssettag $0x1  }
0x1: {  	v0 =	vimm.s32 $0x433;
	vm0 =	vcmask $0x300;
	vm1 =	vcmask $0x704  }
0x2: {  	vm2 =	vcmask $0xB08;
	vm3 =	vcmask $0xF0C;
	vm4 =	vcmask $0x1310  }
0x3: {  	v1 =	vimm.s32 $0x873;
	v2 =	vimm.s32 $0xCB3;
	v3 =	vimm.s32 $0x10F3  }
0x4: {  	v10 =	vimm.s32 $0xB0A0908;
	v11 =	vimm.s32 $0x1B1A1918;
	v12 =	vimm.s32 $0x4B4A4948  }
0x5: {  	v13 =	vimm.s32 $0x5B5A5958;
	v14 =	vimm.s32 $0xABAAA9A8;
	v15 =	vimm.s32 $0xBBBAB9B8  }
0x6: {  	v16 =	vimm.s32 $0xDBDAD9D8;
	v0 =	vsel vm0, $0x100, v0;
	v1 =	vsel vm0, $0x540, v1  }
0x7: {  	v2 =	vsel vm0, $0x980, v2;
	v3 =	vsel vm0, $0xDC0, v3;
	vm0 =	vcmask $0x1714  }
0x8: {  	v12 =	vunpack.c.0.s8.s32 v12;
	v13 =	vunpack.c.0.s8.s32 v13;
	v14 =	vunpack.c.0.s8.s32 v14  }
0x9: {  	v15 =	vunpack.c.0.s8.s32 v15;
	v16 =	vunpack.c.0.s8.s32 v16;
	v0 =	vsel vm1, $0x101, v0  }
0xa: {  	v1 =	vsel vm1, $0x541, v1;
	v2 =	vsel vm1, $0x981, v2;
	v3 =	vsel vm1, $0xDC1, v3  }
0xb: {  	vm1 =	vcmask $0x1B18;
	v0 =	vsel vm2, $0x102, v0;
	v1 =	vsel vm2, $0x542, v1  }
0xc: {  	v2 =	vsel vm2, $0x982, v2;
	v3 =	vsel vm2, $0xDC2, v3;
	vm2 =	vcmask $0x1F1C  }
0xd: {  	v0 =	vsel vm3, $0x103, v0;
	v1 =	vsel vm3, $0x543, v1;
	v2 =	vsel vm3, $0x983, v2  }
0xe: {  	v3 =	vsel vm3, $0xDC3, v3;
	v0 =	vsel vm4, $0x210, v0;
	v1 =	vsel vm4, $0x650, v1  }
0xf: {  	v2 =	vsel vm4, $0xA90, v2;
	v3 =	vsel vm4, $0xED0, v3;
	v0 =	vsel vm0, $0x211, v0  }
0x10: {  	v1 =	vsel vm0, $0x651, v1;
	v2 =	vsel vm0, $0xA91, v2;
	v3 =	vsel vm0, $0xED1, v3  }
0x11: {  	vm0 =	vcmask $0x2320;
	v0 =	vsel vm1, $0x212, v0;
	v1 =	vsel vm1, $0x652, v1  }
0x12: {  	v2 =	vsel vm1, $0xA92, v2;
	v3 =	vsel vm1, $0xED2, v3;
	vm1 =	vcmask $0x2724  }
0x13: {  	v0 =	vsel vm2, $0x213, v0;
	v1 =	vsel vm2, $0x653, v1;
	v2 =	vsel vm2, $0xA93, v2  }
0x14: {  	v3 =	vsel vm2, $0xED3, v3;
	v0 =	vsel vm0, $0x320, v0;
	v1 =	vsel vm0, $0x760, v1  }
0x15: {  	v2 =	vsel vm0, $0xBA0, v2;
	v3 =	vsel vm0, $0xFE0, v3;
	vm0 =	vcmask $0x2B28  }
0x16: {  	v0 =	vsel vm1, $0x321, v0;
	v1 =	vsel vm1, $0x761, v1;
	v2 =	vsel vm1, $0xBA1, v2  }
0x17: {  	v3 =	vsel vm1, $0xFE1, v3;
	v4 =	vsel vm0, $0x322, v0;
	v1 =	vsel vm0, $0x762, v1  }
0x18: {  	v2 =	vsel vm0, $0xBA2, v2;
	v3 =	vsel vm0, $0xFE2, v3;
	vm0 =	vcmask $0x2F2C  }
0x19: {  	v0 =	vimm.s32 $0x7D0;
	v4 =	vsel vm0, $0x323, v4;
	v5 =	vsel vm0, $0x763, v1  }
0x1a: {  	v2 =	vsel vm0, $0xBA3, v2;
	v3 =	vsel vm0, $0xFE3, v3;
	vm0 =	vcmask $0x3330  }
0x1b: {  	v1 =	vimm.f32 $0.0e+00;
	v4 =	vsel vm0, $0x430, v4;
	v5 =	vsel vm0, $0x870, v5  }
0x1c: {  	v2 =	vsel vm0, $0xCB0, v2;
	v3 =	vsel vm0, $0x10F0, v3;
	vm0 =	vcmask $0x3734  }
0x1d: {  	v4 =	vsel vm0, $0x431, v4;
	v5 =	vsel vm0, $0x871, v5;
	v6 =	vsel vm0, $0xCB1, v2  }
0x1e: {  	v7 =	vsel vm0, $0x10F1, v3;
	vm0 =	vcmask $0x3B38;
	v3 =	vimm.s32 $0x2B2A2928  }
0x1f: {  	v2 =	vsel vm0, $0x432, v4;
	v8 =	vunpack.c.0.s8.s32 v3;
	v3 =	vimm.s32 $0x3B3A3938  }
0x20: {  	s0 =	rddreg [dreg:$0x0];
	v4 =	vsel vm0, $0xCB2, v6;
	v6 =	vunpack.c.0.s8.s32 v10;
	v10 =	vimm.s32 $0x6B6A6968  }
0x21: {  	s2 =	rddreg [dreg:$0x3];
	v9 =	vunpack.c.0.s8.s32 v3;
	v3 =	vsel vm0, $0x872, v5;
	v5 =	vsel vm0, $0x10F2, v7  }
0x22: {  	s4 =	rddreg [dreg:$0x4];
	s5 =	simm.s32 $0x0;
	s1 =	srdreg.scid;
	vm0 =	vcmask $0x1F10;
	v7 =	vunpack.c.0.s8.s32 v11;
	v11 =	vimm.s32 $0x7B7A7978  }
0x23: {  	s13 =	stileid.u32;
	s17 =	simm.s32 $0x4;
	s18 =	simm.s32 $0x29D0;
	v10 =	vunpack.c.0.s8.s32 v10;
	v11 =	vunpack.c.0.s8.s32 v11;
	v8 =	vsel vm0, v9, v8  }
0x24: {  	s20 =	simm.s32 $0x1;
	s21 =	simm.s32 $0x7E0;
	s22 =	simm.s32 $0x17D0;
	v9 =	vsel vm0, v7, v6;
	v6 =	vimm.s32 $0x8B8A8988;
	v7 =	vimm.s32 $0x9B9A9998  }
0x25: {  	s23 =	simm.s32 $0x28D0;
	s24 =	simm.s32 $0x2;
	s25 =	simm.s32 $0xFC0;
	v10 =	vsel vm0, v11, v10;
	v11 =	vsel vm0, v13, v12;
	v12 =	vsel vm0, v15, v14  }
0x26: {  	s26 =	simm.s32 $0x3;
	s31 =	simm.s32 $0x0;
	s7 =	sadd.s32 $0x1DBA00, s0;
	v6 =	vunpack.c.0.s8.s32 v6;
	v13 =	vimm.s32 $0xEBEAE9E8;
	v7 =	vunpack.c.0.s8.s32 v7  }
0x27: {  	[smem:$0x7FF] =	sst s5;
	s8 =	sand.u32 $0x1, s1;
	s3 =	smul.u32 $0x6400, s13;
	v14 =	vimm.s32 $0xFBFAF9F8;
	v15 =	vimm.s32 $0xCBCAC9C8;
	v8 =	vcombine.low v9, v8  }
0x28: {  	s9 =	sadd.s32 $0x19200, s0;
	s10 =	sadd.s32 $0xA00, s0;
	s14 =	smul.u32 $0x6A400, s13;
	v13 =	vunpack.c.0.s8.s32 v13;
	v14 =	vunpack.c.0.s8.s32 v14;
	v15 =	vunpack.c.0.s8.s32 v15  }
0x29: {  	s11 =	sadd.s32 $0x31A00, s0;
	s12 =	smul.u32 $0xC350, s13;
	s1 =	ssub.s32 $0x2, s8;
	v10 =	vcombine.low v11, v10;
	v17 =	vsel vm0, v7, v6;
	v6 =	vimm.s32 $0x0  }
0x2a: {  	s13 =	smul.u32 $0x190, s13;
	_ =	strace $0x8000004A;
	s6 =	sshrl.u32 s1, $0x1;
	v7 =	vlaneseq.u32;
	v13 =	vsel vm0, v14, v13;
	v14 =	vsel vm0, v16, v15  }
0x2b: {  	s29 =	sshrl.u32 s3, $0x2;
	s30 =	sshrl.u32 s14, $0x2;
	s28 =	ssub.s32 s1, s6;
	v12 =	vcombine.low v17, v12;
	v9 =	vshrl.u32 v7, $0x2;
	v14 =	vcombine.low v14, v13  }
0x2c: {  	s1 =	sadd.s32 s29, s4;
	s15 =	sadd.s32 s30, s2;
	s0 =	smax.u32 s28, $0x1;
	vm0 =	vmmov $0xffff;
	v11 =	vor.u32 $0x4, v9;
	v13 =	vor.u32 $0x8, v9  }
0x2d: {  	s19 =	sshrl.u32 s1, $0x3;
	s1 =	simm.s32 $0x0;
	[dreg:$0x6] =	wrdreg s0;
	v15 =	vor.u32 $0xC, v9;
	v12 =	vand.u32 $0xFF, v12;
	v14 =	vand.u32 $0xFF, v14  }
.LBB2_1:
0x2e: {  	[dreg:$0x7] =	wrdreg s1  }
0x2f: {  	s0 =	rddreg [dreg:$0x2];
	s30 =	simm.s32 $0x3AD0  }
0x30: {  	[tilespmem:s30], [sflag:$0x4] =	stream.linear.gather [hbm4b:s0+s5], $0x100, $0x38;
	[tilespmem:$0x1FDD0] =	vst v63  }
0x31: {  	_ =	swait.ge [sflag:s17], $0x100  }
0x32: {  	[sflag:s17] =	ssyncset.done $0x0  }
0x33: {  	s1 =	simm.s32 $0x0;
	s0 =	simm.s32 $0x40;
	[sflag:s17] =	ssyncadd.s32 $0xFFFFFF00  }
.LBB2_2:
0x34: {  	p0 =	sne.s32 s0, $0x2000;
	[tilespmem:s1+$0xFC0] =	vst v0;
	s1 =	smov.u32 s0;
	s0 =	sadd.s32 $0x40, s0  }
.Ltmp0:
0x35: {  	(pc) =	sbr.rel @p0 .LBB2_2-.Ltmp0, $2  }
0x36: {  	_ =	sdelay $0x2  }
0x37: {  	s1 =	sshra.s32 s1, $0x2  }
0x38: {  	[tilespmem:s1+$0xFC0] =	vst v0;
	s29 =	simm.s32 $0x0  }
.LBB2_4:
0x39: {  	s0 =	simm.s32 $0x0;
	s1 =	simm.s32 $0x440  }
.LBB2_5:
0x3a: {  	p0 =	sne.s32 s1, $0x3FC0;
	[tilespmem:s0+$0x2AD0] =	vst v1  }
0x3b: {  	[tilespmem:s0+$0x29D0] =	vst v1  }
0x3c: {  	[tilespmem:s0+$0x29E0] =	vst v1  }
0x3d: {  	[tilespmem:s0+$0x29F0] =	vst v1  }
0x3e: {  	[tilespmem:s0+$0x2A00] =	vst v1  }
0x3f: {  	[tilespmem:s0+$0x2A10] =	vst v1  }
0x40: {  	[tilespmem:s0+$0x2A20] =	vst v1  }
0x41: {  	[tilespmem:s0+$0x2A30] =	vst v1  }
0x42: {  	[tilespmem:s0+$0x2A40] =	vst v1  }
0x43: {  	[tilespmem:s0+$0x2A50] =	vst v1  }
0x44: {  	[tilespmem:s0+$0x2A60] =	vst v1  }
0x45: {  	[tilespmem:s0+$0x2A70] =	vst v1  }
.Ltmp1:
0x46: {  	[tilespmem:s0+$0x2A80] =	vst v1;
	(pc) =	sbr.rel @p0 .LBB2_5-.Ltmp1, $4  }
0x47: {  	[tilespmem:s0+$0x2A90] =	vst v1  }
0x48: {  	[tilespmem:s0+$0x2AA0] =	vst v1  }
0x49: {  	[tilespmem:s0+$0x2AB0] =	vst v1  }
0x4a: {  	[tilespmem:s0+$0x2AC0] =	vst v1;
	s0 =	sshra.s32 s1, $0x2;
	s1 =	sadd.s32 $0x440, s1  }
0x4b: {  	[tilespmem:s0+$0x2AD0] =	vst v1  }
0x4c: {  	[tilespmem:s0+$0x29D0] =	vst v1  }
0x4d: {  	[tilespmem:s0+$0x29E0] =	vst v1  }
0x4e: {  	[tilespmem:s0+$0x29F0] =	vst v1  }
0x4f: {  	[tilespmem:s0+$0x2A00] =	vst v1  }
0x50: {  	[tilespmem:s0+$0x2A10] =	vst v1  }
0x51: {  	[tilespmem:s0+$0x2A20] =	vst v1  }
0x52: {  	[tilespmem:s0+$0x2A30] =	vst v1  }
0x53: {  	[tilespmem:s0+$0x2A40] =	vst v1  }
0x54: {  	[tilespmem:s0+$0x2A50] =	vst v1  }
0x55: {  	[tilespmem:s0+$0x2A60] =	vst v1  }
0x56: {  	[tilespmem:s0+$0x2A70] =	vst v1  }
0x57: {  	[tilespmem:s0+$0x2A80] =	vst v1  }
0x58: {  	[tilespmem:s0+$0x2A90] =	vst v1  }
0x59: {  	[tilespmem:s0+$0x2AA0] =	vst v1  }
0x5a: {  	[tilespmem:s0+$0x2AB0] =	vst v1  }
0x5b: {  	[tilespmem:s0+$0x2AC0] =	vst v1;
	s30 =	sadd.s32 $0x0, s15  }
0x5c: {  	[spmem:s30] =	stream.linear.scatter [tilespmem:s18], [sflag:$0x4], $0x1100, $0x38;
	[tilespmem:$0x1FDD0] =	vst v63  }
0x5d: {  	s0 =	simm.s32 $0x4400;
	_ =	swait.ge [sflag:s17], $0x1100  }
.LBB2_7:
0x5e: {  	s1 =	sshra.s32 s0, $0x2;
	[sflag:s17] =	ssyncset.done $0x0;
	p0 =	sne.s32 s0, $0x66000  }
.Ltmp2:
0x5f: {  	s1 =	sadd.s32 s1, s15;
	[sflag:s17] =	ssyncadd.s32 $0xFFFFEF00;
	(pc) =	sbr.rel @p0 .LBB2_7-.Ltmp2, $3  }
0x60: {  	[spmem:s1] =	stream.linear.scatter [tilespmem:s18], [sflag:$0x4], $0x1100, $0x38;
	[tilespmem:$0x1FDD0] =	vst v63  }
0x61: {  	s0 =	sadd.s32 $0x4400, s0;
	_ =	sdelay $0x1  }
0x62: {  	_ =	swait.ge [sflag:s17], $0x1100  }
0x63: {  	s0 =	sshll.u32 s29, $0x1  }
0x64: {  	s0 =	sor.u32 s8, s0  }
0x65: {  	s30 =	smul.u32 $0x1900, s0  }
0x66: {  	[sflag:s17] =	ssyncset.done $0x0  }
0x67: {  	s1 =	stileid.u32;
	[sflag:s17] =	ssyncadd.s32 $0xFFFFEF00;
	s0 =	sadd.s32 s13, s30  }
0x68: {  	s1 =	sshll.u32 s1, $0x6;
	s3 =	rddreg [dreg:$0x1];
	s0 =	sshll.u32 s0, $0x1  }
0x69: {  	s1 =	sor.u32 $0x1C04, s1;
	s0 =	sadd.s32 s3, s0  }
0x6a: {  	[spmem:s19], [sflag:s1] =	dma.local [hbm:s0], $0x320  }
.Ltmp3:
0x6b: {  	_ =	swait.ge [sflag:s17], $0x320;
	(pc) =	sbr.rel .LBB2_9-.Ltmp3, $4  }
0x6c: {  	[sflag:s17] =	ssyncset.done $0x0  }
0x6d: {  	[sflag:s17] =	ssyncadd.s32 $0xFFFFFCE0  }
0x6e: {  	s28 =	sadd.s32 $0x1900, s30;
	[bflag:$0x0] =	sbarrier.arrive $0xFFFF  }
0x6f: {  	v16 =	vmov s30;
	v17 =	vmov s28;
	s3 =	simm.s32 $0x0  }
.LBB2_16:
0x70: {  	s3 =	sadd.s32 $0x1, s3  }
0x71: {  	p0 =	sne.s32 s3, $0x19  }
.Ltmp4:
0x72: {  	_ = 	snop;
	(pc) =	sbr.rel @!p0 .LBB2_17-.Ltmp4, $1  }
0x73: {  	_ =	sdelay $0x3  }
.LBB2_9:
0x74: {  	s0 =	smul.u32 $0x7D0, s3;
	_ =	sdelay $0x1  }
0x75: {  	s0 =	sadd.s32 s12, s0  }
0x76: {  	s0 =	sshrl.u32 s0, $0x3  }
0x77: {  	s1 =	sadd.s32 s9, s0  }
0x78: {  	[tilespmem:s31], [sflag:$0x4] =	stream.linear.gather [hbm4b:s1+s31], $0x7D0, $0x38;
	[tilespmem:$0x1FDD0] =	vst v63  }
0x79: {  	_ =	swait.ge [sflag:s17], $0x7D0  }
0x7a: {  	[sflag:s17] =	ssyncset.done $0x0  }
0x7b: {  	s28 =	simm.s32 $0x7E0;
	s0 =	sadd.s32 s10, s0;
	[sflag:s17] =	ssyncadd.s32 $0xFFFFF830  }
0x7c: {  	[tilespmem:s28], [sflag:$0x4] =	stream.linear.gather [hbm4b:s0+s31], $0x7D0, $0x38;
	[tilespmem:$0x1FDD0] =	vst v63  }
0x7d: {  	_ =	swait.ge [sflag:s17], $0x7D0  }
0x7e: {  	[sflag:s17] =	ssyncset.done $0x0  }
0x7f: {  	[sflag:s17] =	ssyncadd.s32 $0xFFFFF830  }
0x80: {  	[tilespmem:$0x7D0] =	vst v6  }
0x81: {  	[tilespmem:$0xFB0] =	vst v16  }
0x82: {  	v18 =	vld [tilespmem:s28+$0x0];
	_ =	sdelay $0x4  }
0x83: {  	vm1 =	vge.s32 v18, v16;
	vm2 =	vlt.s32 v18, v17  }
0x84: {  	vm1 =	vmand vm1, vm2  }
0x85: {  	v18 =	vsel vm1, $0x1, v6  }
0x86: {  	v19 =	vor.u32 s31, v7;
	v20 =	vxor.u32 $0x80000001, v18;
	(xrf0) =	vadd.scan.msk.s32 $0xffff, v18  }
0x87: {  	(xrf1) =	vsort.ascd.msk.u32 $0xffff, v20, v19;
	_ =	sdelay $0x4  }
0x88: {  	v18, _, _ =	vpop (xrf0)  }
0x89: {  	(v2sf) =	vpush v18, $0xF;
	_ =	sdelay $0x7  }
0x8a: {  	_, v18, _ =	vpop (xrf1)  }
0x8b: {  	s6 =	simm.s32 $0x7F0;
	[tilespmem:s31+$0xFC0] =	vst v18  }
0x8c: {  	v18 =	vld [tilespmem:s6+$0x0];
	_ =	sdelay $0x3  }
0x8d: {  	s14 =	simm.s32 $0x20  }
0x8e: {  	s1 =	simm.s32 $0x10;
	s0 =	simm.s32 $0x0;
	vm1 =	vge.s32 v18, v16;
	vm2 =	vlt.s32 v18, v17;
	s16 =	spop (v2sf)  }
.LBB2_10:
0x8f: {  	p0 =	sne.s32 s14, $0x7C0  }
0x90: {  	vm1 =	vmand vm1, vm2;
	s0 =	sadd.s32 s0, s16;
	s16 =	smov.u32 s14;
	s14 =	sadd.s32 $0x10, s14  }
0x91: {  	v18 =	vsel vm1, $0x1, v6  }
0x92: {  	v19 =	vor.u32 s1, v7;
	s1 =	smov.u32 s16;
	v20 =	vxor.u32 $0x80000001, v18;
	(xrf0) =	vadd.scan.msk.s32 $0xffff, v18  }
0x93: {  	(xrf1) =	vsort.ascd.msk.u32 $0xffff, v20, v19;
	_ =	sdelay $0x4  }
0x94: {  	v18, _, _ =	vpop (xrf0)  }
0x95: {  	(v2sf) =	vpush v18, $0xF;
	_ =	sdelay $0x7  }
0x96: {  	_, v18, _ =	vpop (xrf1)  }
0x97: {  	s6 =	sadd.s32 $0x10, s6;
	[tilespmem:s0+$0xFC0] =	vst v18  }
0x98: {  	v18 =	vld [tilespmem:s6+$0x0]  }
.Ltmp5:
0x99: {  	(pc) =	sbr.rel @p0 .LBB2_10-.Ltmp5, $2  }
0x9a: {  	_ =	sdelay $0x2  }
0x9b: {  	vm1 =	vge.s32 v18, v16;
	vm2 =	vlt.s32 v18, v17;
	s16 =	spop (v2sf)  }
0x9c: {  	vm1 =	vmand vm1, vm2  }
0x9d: {  	v18 =	vsel vm1, $0x1, v6  }
0x9e: {  	(xrf0) =	vadd.scan.msk.s32 $0xffff, v18;
	_ =	sdelay $0x5  }
0x9f: {  	v19, _, _ =	vpop (xrf0)  }
0xa0: {  	(v2sf) =	vpush v19, $0xF;
	_ =	sdelay $0x7  }
0xa1: {  	v18 =	vxor.u32 $0x80000001, v18;
	v19 =	vor.u32 s1, v7  }
0xa2: {  	(xrf1) =	vsort.ascd.msk.u32 $0xffff, v18, v19;
	_ =	sdelay $0x5  }
0xa3: {  	s0 =	sadd.s32 s0, s16;
	s16 =	spop (v2sf)  }
0xa4: {  	s6 =	sadd.s32 s0, s16  }
0xa5: {  	s1 =	sadd.s32 $0xF, s6  }
0xa6: {  	s14 =	sand.u32 $0xF, s1  }
0xa7: {  	s28 =	sshra.s32 s1, $0x1F;
	p1 =	slt.s32 s1, $0x1;
	p0 =	sne.s32 s14, $0x0  }
0xa8: {  	s14 =	sshrl.u32 s28, $0x1C;
	p0 =	por !p1, !p0  }
0xa9: {  	s1 =	sadd.s32 s14, s1;
	s14 =	simm.s32 $0x1;
	p0 =	por !p0, !p0  }
0xaa: {  	s1 =	sshra.s32 s1, $0x4;
	s14 =	simm.s32 @!p0 $0x0  }
0xab: {  	_, v18, _ =	vpop (xrf1);
	p0 =	slt.s32 s6, $0x1;
	s1 =	ssub.s32 s1, s14  }
0xac: {  	[tilespmem:s0+$0xFC0] =	vst v18;
	s0 =	sshll.u32 @!p0 s1, $0x4  }
0xad: {  	v18 =	vld @!p0 [tilespmem:s0+$0xFB0]  }
0xae: {  	p1 =	slt.s32 s1, $0x1;
	s6 =	ssub.s32 @!p0 s6, s0  }
.Ltmp6:
0xaf: {  	s6 =	sadd.s32 @!p0 $0x10, s6;
	(pc) =	sbr.rel @p1 .LBB2_16-.Ltmp6, $4  }
0xb0: {  	v20 =	vlaneseq.u32 @!p0;
	v19 =	vmov @!p0 s6  }
0xb1: {  	vm1 =	vgt.s32 @!p0 v19, v20  }
0xb2: {  	v18 =	vnsel @!p0 vm1, $0x7D0, v18  }
0xb3: {  	s16 =	simm.s32 $0x0;
	s14 =	simm.s32 $0x0;
	[tilespmem:s0+$0xFB0] =	vst @!p0 v18  }
.LBB2_12:
0xb4: {  	s0 =	sshll.u32 s14, $0x4  }
0xb5: {  	v18 =	vld [tilespmem:s0+$0xFC0];
	_ =	sdelay $0x7  }
0xb6: {  	v19 =	vld.idx.msk [tilespmem:v18+s5+$0x0], $0xffff  }
0xb7: {  	v18 =	vld.idx.msk [tilespmem:v18+s21+$0x0], $0xffff;
	_ =	sdelay $0x2  }
0xb8: {  	p0 =	seq.s32 s14, $0x0  }
0xb9: {  	s6 =	simm.s32 @!p0 $0x3  }
0xba: {  	_ =	swait.ge @!p0 [sflag:s6], $0x1100;
	v18 =	vsub.s32 v18, v16  }
0xbb: {  	[sflag:s6] =	ssyncset.done @!p0 $0x0  }
0xbc: {  	[sflag:s6] =	ssyncadd.s32 @!p0 $0xFFFFEF00  }
0xbd: {  	[tilespmem:s22], [sflag:$0x1] =	stream.indirect_vreg.gather [hbm4b:s7+s16], $0x110, v19, vm0, $0xb8;
	[tilespmem:$0x1FDD0] =	vst v63  }
0xbe: {  	_ = 	snop  }
0xbf: {  	[tilespmem:s23], [sflag:$0x2] =	stream.indirect_vreg.gather [spmem:s4], $0x10, v18, vm0, $0xb8;
	[tilespmem:$0x1FDD0] =	vst v63  }
0xc0: {  	_ =	swait.ge [sflag:s24], $0x100  }
0xc1: {  	[sflag:s24] =	ssyncset.done $0x0  }
0xc2: {  	[sflag:s24] =	ssyncadd.s32 $0xFFFFFF00  }
0xc3: {  	_ =	swait.ge [sflag:s20], $0x1100  }
0xc4: {  	[sflag:s20] =	ssyncset.done $0x0  }
0xc5: {  	[sflag:s20] =	ssyncadd.s32 $0xFFFFEF00  }
0xc6: {  	v19 =	vld.idx.msk [tilespmem:v2+s22+$0x0], $0xffff  }
0xc7: {  	v20 =	vld.idx.msk [tilespmem:v8+s23+$0x0], $0xffff;
	_ =	sdelay $0x4  }
0xc8: {  	v19 =	vadd.f32 v20, v19;
	_ =	sdelay $0x1  }
0xc9: {  	v20 =	vmul.f32 $2.000000030e-01, v19  }
0xca: {  	vm1 =	vgt.f32 v19, $0.0e+00  }
0xcb: {  	v19 =	vsel vm1, v19, v20  }
0xcc: {  	v19 =	vmul.f32 $1.442695020e+00, v19  }
0xcd: {  	v20 =	vor.u32 s0, v9  }
0xce: {  	(erf) = vpow2.f32 v19;
	_ =	sdelay $0x3  }
0xcf: {  	v19 =	vld.idx.msk [tilespmem:v20+s25+$0x0], $0xffff;
	_ =	sdelay $0x4  }
0xd0: {  	vm1 =	veq.s32 v19, $0x7D0;
	v20 =	vpop (erf)  }
0xd1: {  	v19 =	vsel vm1, $0x0, v20  }
0xd2: {  	[tilespmem:v2+s22+$0x0] =	vst.idx.msk $0xffff, v19  }
0xd3: {  	v19 =	vld.idx.msk [tilespmem:v3+s22+$0x0], $0xffff  }
0xd4: {  	v20 =	vld.idx.msk [tilespmem:v10+s23+$0x0], $0xffff;
	_ =	sdelay $0x4  }
0xd5: {  	v19 =	vadd.f32 v20, v19;
	_ =	sdelay $0x1  }
0xd6: {  	v20 =	vmul.f32 $2.000000030e-01, v19  }
0xd7: {  	vm1 =	vgt.f32 v19, $0.0e+00  }
0xd8: {  	v19 =	vsel vm1, v19, v20  }
0xd9: {  	v19 =	vmul.f32 $1.442695020e+00, v19  }
0xda: {  	v20 =	vor.u32 s0, v11  }
0xdb: {  	(erf) = vpow2.f32 v19;
	_ =	sdelay $0x3  }
0xdc: {  	v19 =	vld.idx.msk [tilespmem:v20+s25+$0x0], $0xffff;
	_ =	sdelay $0x4  }
0xdd: {  	vm1 =	veq.s32 v19, $0x7D0;
	v20 =	vpop (erf)  }
0xde: {  	v19 =	vsel vm1, $0x0, v20  }
0xdf: {  	[tilespmem:v3+s22+$0x0] =	vst.idx.msk $0xffff, v19  }
0xe0: {  	v19 =	vld.idx.msk [tilespmem:v4+s22+$0x0], $0xffff  }
0xe1: {  	v20 =	vld.idx.msk [tilespmem:v12+s23+$0x0], $0xffff;
	_ =	sdelay $0x4  }
0xe2: {  	v19 =	vadd.f32 v20, v19;
	_ =	sdelay $0x1  }
0xe3: {  	v20 =	vmul.f32 $2.000000030e-01, v19  }
0xe4: {  	vm1 =	vgt.f32 v19, $0.0e+00  }
0xe5: {  	v19 =	vsel vm1, v19, v20  }
0xe6: {  	v19 =	vmul.f32 $1.442695020e+00, v19  }
0xe7: {  	v20 =	vor.u32 s0, v13  }
0xe8: {  	(erf) = vpow2.f32 v19;
	_ =	sdelay $0x3  }
0xe9: {  	v19 =	vld.idx.msk [tilespmem:v20+s25+$0x0], $0xffff;
	_ =	sdelay $0x4  }
0xea: {  	vm1 =	veq.s32 v19, $0x7D0;
	v20 =	vpop (erf)  }
0xeb: {  	v19 =	vsel vm1, $0x0, v20  }
0xec: {  	[tilespmem:v4+s22+$0x0] =	vst.idx.msk $0xffff, v19  }
0xed: {  	v19 =	vld.idx.msk [tilespmem:v5+s22+$0x0], $0xffff  }
0xee: {  	v20 =	vld.idx.msk [tilespmem:v14+s23+$0x0], $0xffff;
	_ =	sdelay $0x4  }
0xef: {  	v19 =	vadd.f32 v20, v19;
	_ =	sdelay $0x1  }
0xf0: {  	v20 =	vmul.f32 $2.000000030e-01, v19  }
0xf1: {  	vm1 =	vgt.f32 v19, $0.0e+00  }
0xf2: {  	v19 =	vsel vm1, v19, v20  }
0xf3: {  	v19 =	vmul.f32 $1.442695020e+00, v19  }
0xf4: {  	v20 =	vor.u32 s0, v15  }
0xf5: {  	(erf) = vpow2.f32 v19;
	_ =	sdelay $0x3  }
0xf6: {  	v19 =	vld.idx.msk [tilespmem:v20+s25+$0x0], $0xffff;
	_ =	sdelay $0x4  }
0xf7: {  	vm1 =	veq.s32 v19, $0x7D0;
	v20 =	vpop (erf)  }
0xf8: {  	v19 =	vsel vm1, $0x0, v20  }
0xf9: {  	s28 =	simm.s32 $0x0;
	[tilespmem:v5+s22+$0x0] =	vst.idx.msk $0xffff, v19  }
0xfa: {  	v28 =	vld [tilespmem:s28+$0x1850]  }
0xfb: {  	v29 =	vld [tilespmem:s28+$0x1860]  }
0xfc: {  	v30 =	vld [tilespmem:s28+$0x18A0]  }
0xfd: {  	v33 =	vld [tilespmem:s28+$0x1880]  }
0xfe: {  	v21 =	vld [tilespmem:s28+$0x1830]  }
0xff: {  	v37 =	vld [tilespmem:s28+$0x18C0]  }
0x100: {  	v38 =	vld [tilespmem:s28+$0x18D0]  }
0x101: {  	v25 =	vld [tilespmem:s28+$0x1890]  }
0x102: {  	v27 =	vld [tilespmem:s28+$0x17F0]  }
0x103: {  	v22 =	vld [tilespmem:s28+$0x18B0]  }
0x104: {  	v24 =	vld [tilespmem:s28+$0x1810]  }
0x105: {  	v19 =	vld [tilespmem:s28+$0x17D0];
	v23 =	vbroadcast v38, $0x2  }
0x106: {  	v32 =	vld [tilespmem:s28+$0x1840];
	v26 =	vbroadcast v38, $0x3;
	v20 =	vbroadcast v38, $0x0  }
0x107: {  	v31 =	vld [tilespmem:s28+$0x1800];
	v39 =	vmul.f32 v28, v23;
	v36 =	vmul.f32 v29, v23  }
0x108: {  	v29 =	vld [tilespmem:s28+$0x1870];
	v35 =	vmul.f32 v33, v23;
	v34 =	vmul.f32 v30, v26  }
0x109: {  	s0 =	simm.s32 $0x440;
	v30 =	vld [tilespmem:s28+$0x17E0];
	v28 =	vbroadcast v38, $0x1;
	v33 =	vmul.f32 v37, v26;
	[tilespmem:s28+$0x1850] =	vst v39  }
.LBB2_13:
0x10a: {  	s6 =	sshra.s32 s0, $0x2;
	p0 =	sne.s32 s0, $0x3FC0;
	s0 =	sadd.s32 $0x440, s0;
	v27 =	vmul.f32 v27, v20;
	v37 =	vld [tilespmem:s28+$0x1820];
	[tilespmem:s28+$0x1860] =	vst v36;
	v25 =	vmul.f32 v25, v26  }
0x10b: {  	v36 =	vld [tilespmem:s6+$0x1850];
	v21 =	vmul.f32 v21, v28;
	v32 =	vmul.f32 v32, v28;
	[tilespmem:s28+$0x1880] =	vst v35  }
0x10c: {  	v24 =	vmul.f32 v24, v28;
	v35 =	vld [tilespmem:s6+$0x1860];
	v31 =	vmul.f32 v31, v20;
	[tilespmem:s28+$0x18A0] =	vst v34  }
0x10d: {  	v22 =	vmul.f32 v22, v26;
	v34 =	vld [tilespmem:s6+$0x18A0];
	[tilespmem:s28+$0x1840] =	vst v32;
	v29 =	vmul.f32 v29, v23  }
0x10e: {  	v38 =	vld [tilespmem:s6+$0x1880];
	v30 =	vmul.f32 v30, v20;
	[tilespmem:s28+$0x1830] =	vst v21  }
0x10f: {  	v21 =	vld [tilespmem:s6+$0x1830];
	v28 =	vmul.f32 v37, v28;
	[tilespmem:s28+$0x18C0] =	vst v33  }
0x110: {  	v33 =	vld [tilespmem:s6+$0x18C0];
	[tilespmem:s28+$0x17F0] =	vst v27  }
0x111: {  	v37 =	vld [tilespmem:s6+$0x18D0];
	[tilespmem:s28+$0x1890] =	vst v25  }
0x112: {  	v19 =	vmul.f32 v20, v19;
	v25 =	vld [tilespmem:s6+$0x1890];
	[tilespmem:s28+$0x1800] =	vst v31  }
0x113: {  	v27 =	vld [tilespmem:s6+$0x17F0];
	[tilespmem:s28+$0x18B0] =	vst v22  }
0x114: {  	v22 =	vld [tilespmem:s6+$0x18B0];
	[tilespmem:s28+$0x1810] =	vst v24  }
0x115: {  	v24 =	vld [tilespmem:s6+$0x1810];
	[tilespmem:s28+$0x17D0] =	vst v19  }
.Ltmp7:
0x116: {  	v19 =	vld [tilespmem:s6+$0x17D0];
	v23 =	vbroadcast v37, $0x2;
	v26 =	vbroadcast v37, $0x3;
	[tilespmem:s28+$0x17E0] =	vst v30;
	(pc) =	sbr.rel @p0 .LBB2_13-.Ltmp7, $4  }
0x117: {  	v20 =	vbroadcast v37, $0x0;
	v32 =	vld [tilespmem:s6+$0x1840];
	[tilespmem:s28+$0x1870] =	vst v29  }
0x118: {  	v31 =	vld [tilespmem:s6+$0x1800];
	v39 =	vmul.f32 v36, v23;
	v36 =	vmul.f32 v35, v23;
	[tilespmem:s28+$0x1820] =	vst v28;
	s28 =	smov.u32 s6  }
0x119: {  	v35 =	vmul.f32 v38, v23;
	v34 =	vmul.f32 v34, v26;
	v29 =	vld [tilespmem:s28+$0x1870]  }
0x11a: {  	v28 =	vbroadcast v37, $0x1;
	v33 =	vmul.f32 v33, v26;
	v30 =	vld [tilespmem:s28+$0x17E0];
	[tilespmem:s28+$0x1850] =	vst v39  }
0x11b: {  	[tilespmem:s28+$0x1860] =	vst v36  }
0x11c: {  	[tilespmem:s28+$0x1880] =	vst v35  }
0x11d: {  	[tilespmem:s28+$0x18A0] =	vst v34;
	v27 =	vmul.f32 v27, v20  }
0x11e: {  	v59 =	vmul.f32 v25, v26;
	[tilespmem:s28+$0x18C0] =	vst v33  }
0x11f: {  	v22 =	vmul.f32 v22, v26;
	[tilespmem:s28+$0x17F0] =	vst v27  }
0x120: {  	v19 =	vmul.f32 v20, v19;
	[tilespmem:s28+$0x1890] =	vst v59  }
0x121: {  	v32 =	vmul.f32 v32, v28;
	[tilespmem:s28+$0x18B0] =	vst v22  }
0x122: {  	v37 =	vld [tilespmem:s28+$0x1820];
	v21 =	vmul.f32 v21, v28;
	[tilespmem:s28+$0x17D0] =	vst v19  }
0x123: {  	v61 =	vmul.f32 v24, v28;
	[tilespmem:s28+$0x1840] =	vst v32  }
0x124: {  	s14 =	sadd.s32 $0x1, s14;
	v60 =	vmul.f32 v31, v20;
	[tilespmem:s28+$0x1830] =	vst v21  }
0x125: {  	p0 =	sne.s32 s14, s1;
	[tilespmem:s28+$0x1810] =	vst v61;
	v63 =	vmul.f32 v29, v23  }
.Ltmp8:
0x126: {  	[tilespmem:s28+$0x1800] =	vst v60;
	v62 =	vmul.f32 v30, v20;
	(pc) =	sbr.rel @p0 .LBB2_12-.Ltmp8, $4  }
0x127: {  	v19 =	vmul.f32 v37, v28;
	[tilespmem:s28+$0x1870] =	vst v63  }
0x128: {  	[tilespmem:s28+$0x17E0] =	vst v62  }
0x129: {  	[tilespmem:s28+$0x1820] =	vst v19  }
0x12a: {  	[spmem:s2] =	stream.indirect_vreg.scatter.add.f32 [tilespmem:s22], [sflag:$0x3], $0x110, v18, vm0, $0xb8;
	[tilespmem:$0x1FDD0] =	vst v63  }
.Ltmp9:
0x12b: {  	(pc) =	sbr.rel .LBB2_16-.Ltmp9, $4  }
0x12c: {  	_ = 	snop  }
0x12d: {  	_ =	swait.ge [sflag:s26], $0x1100  }
0x12e: {  	[sflag:s26] =	ssyncset.done $0x0  }
0x12f: {  	[sflag:s26] =	ssyncadd.s32 $0xFFFFEF00  }
.LBB2_17:
0x130: {  	[bflag:$0x0] =	sbarrier.arrive $0xFFFF;
	s1 =	simm.s32 $0x0  }
.LBB2_18:
0x131: {  	s0 =	sshll.u32 s1, $0x4  }
0x132: {  	s3 =	sadd.s32 s13, s0  }
0x133: {  	s0 =	smul.u32 $0x440, s3;
	_ =	sdelay $0x1  }
0x134: {  	s0 =	sshra.s32 s0, $0x2  }
0x135: {  	s0 =	sadd.s32 s0, s2  }
0x136: {  	[tilespmem:s18], [sflag:$0x4] =	stream.linear.gather [spmem:s0], $0x1100, $0x38;
	[tilespmem:$0x1FDD0] =	vst v63  }
0x137: {  	_ =	swait.ge [sflag:s17], $0x1100  }
0x138: {  	[sflag:s17] =	ssyncset.done $0x0  }
0x139: {  	s14 =	simm.s32 $0x0;
	[sflag:s17] =	ssyncadd.s32 $0xFFFFEF00  }
.LBB2_19:
0x13a: {  	s16 =	sshra.s32 s14, $0x2  }
0x13b: {  	v16 =	vld [tilespmem:s16+$0x2AD0];
	_ =	sdelay $0x4  }
0x13c: {  	(v2sf) =	vpush v16, $0x0;
	_ =	sdelay $0xe  }
0x13d: {  	s0 =	spop (v2sf)  }
0x13e: {  	s0 =	sadd.f32 $1.000000020e-16, s0;
	_ =	sdelay $0x1  }
0x13f: {  	v17 =	vmov s0  }
0x140: {  	(erf) = vrcp.f32 v17;
	_ =	sdelay $0x4  }
0x141: {  	v17 =	vld [tilespmem:s16+$0x29D0];
	_ =	sdelay $0x1  }
0x142: {  	v18 =	vld [tilespmem:$0x3AD0];
	_ =	sdelay $0x1  }
0x143: {  	v19 =	vpop (erf)  }
0x144: {  	v17 =	vmul.f32 v19, v17;
	_ =	sdelay $0x1  }
0x145: {  	v17 =	vadd.f32 v17, v18;
	_ =	sdelay $0x1  }
0x146: {  	v18 =	vmul.f32 $1.442695020e+00, v17;
	_ =	sdelay $0x1  }
0x147: {  	(erf) = vpow2.f32 v18;
	_ =	sdelay $0x8  }
0x148: {  	v18 =	vpop (erf)  }
0x149: {  	v18 =	vadd.f32 $-1.000000000e+00, v18  }
0x14a: {  	vm1 =	vgt.f32 v17, $0.0e+00  }
0x14b: {  	v47 =	vld [tilespmem:s16+$0x29E0];
	v17 =	vsel vm1, v17, v18  }
0x14c: {  	[tilespmem:s16+$0x29D0] =	vst v17  }
0x14d: {  	v17 =	vld [tilespmem:$0x3AE0];
	_ =	sdelay $0x2  }
0x14e: {  	v18 =	vmul.f32 v19, v47;
	_ =	sdelay $0x1  }
0x14f: {  	v17 =	vadd.f32 v18, v17;
	_ =	sdelay $0x1  }
0x150: {  	v18 =	vmul.f32 $1.442695020e+00, v17;
	_ =	sdelay $0x1  }
0x151: {  	(erf) = vpow2.f32 v18;
	_ =	sdelay $0x8  }
0x152: {  	v18 =	vpop (erf)  }
0x153: {  	v18 =	vadd.f32 $-1.000000000e+00, v18  }
0x154: {  	vm1 =	vgt.f32 v17, $0.0e+00  }
0x155: {  	v48 =	vld [tilespmem:s16+$0x29F0];
	v17 =	vsel vm1, v17, v18  }
0x156: {  	[tilespmem:s16+$0x29E0] =	vst v17  }
0x157: {  	v17 =	vld [tilespmem:$0x3AF0];
	_ =	sdelay $0x2  }
0x158: {  	v18 =	vmul.f32 v48, v19;
	_ =	sdelay $0x1  }
0x159: {  	v17 =	vadd.f32 v17, v18;
	_ =	sdelay $0x1  }
0x15a: {  	v18 =	vmul.f32 $1.442695020e+00, v17;
	_ =	sdelay $0x1  }
0x15b: {  	(erf) = vpow2.f32 v18;
	_ =	sdelay $0x8  }
0x15c: {  	v18 =	vpop (erf)  }
0x15d: {  	v18 =	vadd.f32 $-1.000000000e+00, v18  }
0x15e: {  	(v2sf) =	vpush v16, $0x1;
	vm1 =	vgt.f32 v17, $0.0e+00  }
0x15f: {  	v49 =	vld [tilespmem:s16+$0x2A00];
	v17 =	vsel vm1, v17, v18  }
0x160: {  	[tilespmem:s16+$0x29F0] =	vst v17  }
0x161: {  	v17 =	vld [tilespmem:$0x3B00];
	_ =	sdelay $0x2  }
0x162: {  	v18 =	vmul.f32 v49, v19;
	_ =	sdelay $0x1  }
0x163: {  	v17 =	vadd.f32 v17, v18;
	_ =	sdelay $0x1  }
0x164: {  	v18 =	vmul.f32 $1.442695020e+00, v17;
	_ =	sdelay $0x1  }
0x165: {  	(erf) = vpow2.f32 v18;
	_ =	sdelay $0x2  }
0x166: {  	s28 =	spop (v2sf)  }
0x167: {  	s0 =	sadd.f32 $1.000000020e-16, s28;
	_ =	sdelay $0x1  }
0x168: {  	v50 =	vmov s0  }
0x169: {  	(erf) = vrcp.f32 v50;
	_ =	sdelay $0x1  }
0x16a: {  	v51 =	vpop (erf)  }
0x16b: {  	v18 =	vadd.f32 $-1.000000000e+00, v51  }
0x16c: {  	vm1 =	vgt.f32 v17, $0.0e+00  }
0x16d: {  	v52 =	vld [tilespmem:s16+$0x2A10];
	v17 =	vsel vm1, v17, v18  }
0x16e: {  	[tilespmem:s16+$0x2A00] =	vst v17  }
0x16f: {  	v17 =	vld [tilespmem:$0x3B10];
	_ =	sdelay $0x1  }
0x170: {  	v53 =	vpop (erf)  }
0x171: {  	v18 =	vmul.f32 v52, v53;
	_ =	sdelay $0x1  }
0x172: {  	v17 =	vadd.f32 v17, v18;
	_ =	sdelay $0x1  }
0x173: {  	v18 =	vmul.f32 $1.442695020e+00, v17;
	_ =	sdelay $0x1  }
0x174: {  	(erf) = vpow2.f32 v18;
	_ =	sdelay $0x8  }
0x175: {  	v18 =	vpop (erf)  }
0x176: {  	v18 =	vadd.f32 $-1.000000000e+00, v18  }
0x177: {  	vm1 =	vgt.f32 v17, $0.0e+00  }
0x178: {  	v54 =	vld [tilespmem:s16+$0x2A20];
	v17 =	vsel vm1, v17, v18  }
0x179: {  	[tilespmem:s16+$0x2A10] =	vst v17  }
0x17a: {  	v17 =	vld [tilespmem:$0x3B20];
	_ =	sdelay $0x2  }
0x17b: {  	v18 =	vmul.f32 v54, v53;
	_ =	sdelay $0x1  }
0x17c: {  	v17 =	vadd.f32 v17, v18;
	_ =	sdelay $0x1  }
0x17d: {  	v18 =	vmul.f32 $1.442695020e+00, v17;
	_ =	sdelay $0x1  }
0x17e: {  	(erf) = vpow2.f32 v18;
	_ =	sdelay $0x8  }
0x17f: {  	v18 =	vpop (erf)  }
0x180: {  	v18 =	vadd.f32 $-1.000000000e+00, v18  }
0x181: {  	vm1 =	vgt.f32 v17, $0.0e+00  }
0x182: {  	v55 =	vld [tilespmem:s16+$0x2A30];
	v17 =	vsel vm1, v17, v18  }
0x183: {  	[tilespmem:s16+$0x2A20] =	vst v17  }
0x184: {  	v17 =	vld [tilespmem:$0x3B30];
	_ =	sdelay $0x2  }
0x185: {  	v18 =	vmul.f32 v55, v53;
	_ =	sdelay $0x1  }
0x186: {  	v17 =	vadd.f32 v17, v18;
	_ =	sdelay $0x1  }
0x187: {  	v18 =	vmul.f32 $1.442695020e+00, v17;
	_ =	sdelay $0x1  }
0x188: {  	(erf) = vpow2.f32 v18;
	_ =	sdelay $0x8  }
0x189: {  	v18 =	vpop (erf)  }
0x18a: {  	v18 =	vadd.f32 $-1.000000000e+00, v18  }
0x18b: {  	(v2sf) =	vpush v16, $0x2;
	vm1 =	vgt.f32 v17, $0.0e+00  }
0x18c: {  	v56 =	vld [tilespmem:s16+$0x2A40];
	v17 =	vsel vm1, v17, v18  }
0x18d: {  	[tilespmem:s16+$0x2A30] =	vst v17  }
0x18e: {  	v17 =	vld [tilespmem:$0x3B40];
	_ =	sdelay $0x2  }
0x18f: {  	v18 =	vmul.f32 v56, v53;
	_ =	sdelay $0x1  }
0x190: {  	v17 =	vadd.f32 v17, v18;
	_ =	sdelay $0x1  }
0x191: {  	v18 =	vmul.f32 $1.442695020e+00, v17;
	_ =	sdelay $0x1  }
0x192: {  	(erf) = vpow2.f32 v18;
	_ =	sdelay $0x2  }
0x193: {  	s6 =	spop (v2sf)  }
0x194: {  	s0 =	sadd.f32 $1.000000020e-16, s6;
	_ =	sdelay $0x1  }
0x195: {  	v57 =	vmov s0  }
0x196: {  	(erf) = vrcp.f32 v57;
	_ =	sdelay $0x1  }
0x197: {  	v58 =	vpop (erf)  }
0x198: {  	v18 =	vadd.f32 $-1.000000000e+00, v58  }
0x199: {  	vm1 =	vgt.f32 v17, $0.0e+00  }
0x19a: {  	v59 =	vld [tilespmem:s16+$0x2A50];
	v17 =	vsel vm1, v17, v18  }
0x19b: {  	[tilespmem:s16+$0x2A40] =	vst v17  }
0x19c: {  	v17 =	vld [tilespmem:$0x3B50];
	_ =	sdelay $0x1  }
0x19d: {  	v60 =	vpop (erf)  }
0x19e: {  	v18 =	vmul.f32 v59, v60;
	_ =	sdelay $0x1  }
0x19f: {  	v17 =	vadd.f32 v17, v18;
	_ =	sdelay $0x1  }
0x1a0: {  	v18 =	vmul.f32 $1.442695020e+00, v17;
	_ =	sdelay $0x1  }
0x1a1: {  	(erf) = vpow2.f32 v18;
	_ =	sdelay $0x8  }
0x1a2: {  	v18 =	vpop (erf)  }
0x1a3: {  	v18 =	vadd.f32 $-1.000000000e+00, v18  }
0x1a4: {  	vm1 =	vgt.f32 v17, $0.0e+00  }
0x1a5: {  	v61 =	vld [tilespmem:s16+$0x2A60];
	v17 =	vsel vm1, v17, v18  }
0x1a6: {  	[tilespmem:s16+$0x2A50] =	vst v17  }
0x1a7: {  	v17 =	vld [tilespmem:$0x3B60];
	_ =	sdelay $0x2  }
0x1a8: {  	v18 =	vmul.f32 v61, v60;
	_ =	sdelay $0x1  }
0x1a9: {  	v17 =	vadd.f32 v17, v18;
	_ =	sdelay $0x1  }
0x1aa: {  	v18 =	vmul.f32 $1.442695020e+00, v17;
	_ =	sdelay $0x1  }
0x1ab: {  	(erf) = vpow2.f32 v18;
	_ =	sdelay $0x8  }
0x1ac: {  	v18 =	vpop (erf)  }
0x1ad: {  	v18 =	vadd.f32 $-1.000000000e+00, v18  }
0x1ae: {  	vm1 =	vgt.f32 v17, $0.0e+00  }
0x1af: {  	v62 =	vld [tilespmem:s16+$0x2A70];
	v17 =	vsel vm1, v17, v18  }
0x1b0: {  	[tilespmem:s16+$0x2A60] =	vst v17  }
0x1b1: {  	v17 =	vld [tilespmem:$0x3B70];
	_ =	sdelay $0x2  }
0x1b2: {  	v18 =	vmul.f32 v62, v60;
	_ =	sdelay $0x1  }
0x1b3: {  	v17 =	vadd.f32 v17, v18;
	_ =	sdelay $0x1  }
0x1b4: {  	v18 =	vmul.f32 $1.442695020e+00, v17;
	_ =	sdelay $0x1  }
0x1b5: {  	(erf) = vpow2.f32 v18;
	_ =	sdelay $0x8  }
0x1b6: {  	v18 =	vpop (erf)  }
0x1b7: {  	v18 =	vadd.f32 $-1.000000000e+00, v18  }
0x1b8: {  	(v2sf) =	vpush v16, $0x3;
	vm1 =	vgt.f32 v17, $0.0e+00  }
0x1b9: {  	v16 =	vsel vm1, v17, v18;
	v17 =	vld [tilespmem:s16+$0x2A80]  }
0x1ba: {  	[tilespmem:s16+$0x2A70] =	vst v16  }
0x1bb: {  	v16 =	vld [tilespmem:$0x3B80];
	_ =	sdelay $0x2  }
0x1bc: {  	v17 =	vmul.f32 v17, v60;
	_ =	sdelay $0x1  }
0x1bd: {  	v16 =	vadd.f32 v16, v17;
	_ =	sdelay $0x1  }
0x1be: {  	v17 =	vmul.f32 $1.442695020e+00, v16;
	_ =	sdelay $0x1  }
0x1bf: {  	(erf) = vpow2.f32 v17;
	_ =	sdelay $0x2  }
0x1c0: {  	s28 =	spop (v2sf)  }
0x1c1: {  	s0 =	sadd.f32 $1.000000020e-16, s28;
	_ =	sdelay $0x1  }
0x1c2: {  	v17 =	vmov s0  }
0x1c3: {  	(erf) = vrcp.f32 v17;
	_ =	sdelay $0x1  }
0x1c4: {  	v17 =	vpop (erf)  }
0x1c5: {  	v17 =	vadd.f32 $-1.000000000e+00, v17  }
0x1c6: {  	vm1 =	vgt.f32 v16, $0.0e+00  }
0x1c7: {  	v16 =	vsel vm1, v16, v17;
	v17 =	vld [tilespmem:s16+$0x2A90]  }
0x1c8: {  	[tilespmem:s16+$0x2A80] =	vst v16  }
0x1c9: {  	v16 =	vld [tilespmem:$0x3B90];
	_ =	sdelay $0x1  }
0x1ca: {  	v63 =	vpop (erf)  }
0x1cb: {  	v17 =	vmul.f32 v17, v63;
	_ =	sdelay $0x1  }
0x1cc: {  	v16 =	vadd.f32 v16, v17;
	_ =	sdelay $0x1  }
0x1cd: {  	v17 =	vmul.f32 $1.442695020e+00, v16;
	_ =	sdelay $0x1  }
0x1ce: {  	(erf) = vpow2.f32 v17;
	_ =	sdelay $0x8  }
0x1cf: {  	v17 =	vpop (erf)  }
0x1d0: {  	v17 =	vadd.f32 $-1.000000000e+00, v17  }
0x1d1: {  	vm1 =	vgt.f32 v16, $0.0e+00  }
0x1d2: {  	v16 =	vsel vm1, v16, v17;
	v17 =	vld [tilespmem:s16+$0x2AA0]  }
0x1d3: {  	[tilespmem:s16+$0x2A90] =	vst v16  }
0x1d4: {  	v16 =	vld [tilespmem:$0x3BA0];
	_ =	sdelay $0x2  }
0x1d5: {  	v17 =	vmul.f32 v17, v63;
	_ =	sdelay $0x1  }
0x1d6: {  	v16 =	vadd.f32 v16, v17;
	_ =	sdelay $0x1  }
0x1d7: {  	v17 =	vmul.f32 $1.442695020e+00, v16;
	_ =	sdelay $0x1  }
0x1d8: {  	(erf) = vpow2.f32 v17;
	_ =	sdelay $0x8  }
0x1d9: {  	v17 =	vpop (erf)  }
0x1da: {  	v17 =	vadd.f32 $-1.000000000e+00, v17  }
0x1db: {  	vm1 =	vgt.f32 v16, $0.0e+00  }
0x1dc: {  	v16 =	vsel vm1, v16, v17;
	v17 =	vld [tilespmem:s16+$0x2AB0]  }
0x1dd: {  	[tilespmem:s16+$0x2AA0] =	vst v16  }
0x1de: {  	v16 =	vld [tilespmem:$0x3BB0];
	_ =	sdelay $0x2  }
0x1df: {  	v17 =	vmul.f32 v17, v63;
	_ =	sdelay $0x1  }
0x1e0: {  	v16 =	vadd.f32 v16, v17;
	_ =	sdelay $0x1  }
0x1e1: {  	v17 =	vmul.f32 $1.442695020e+00, v16;
	_ =	sdelay $0x1  }
0x1e2: {  	(erf) = vpow2.f32 v17;
	_ =	sdelay $0x8  }
0x1e3: {  	v17 =	vpop (erf)  }
0x1e4: {  	v17 =	vadd.f32 $-1.000000000e+00, v17  }
0x1e5: {  	vm1 =	vgt.f32 v16, $0.0e+00  }
0x1e6: {  	v16 =	vsel vm1, v16, v17;
	v17 =	vld [tilespmem:s16+$0x2AC0]  }
0x1e7: {  	[tilespmem:s16+$0x2AB0] =	vst v16  }
0x1e8: {  	v16 =	vld [tilespmem:$0x3BC0];
	_ =	sdelay $0x2  }
0x1e9: {  	v17 =	vmul.f32 v17, v63;
	_ =	sdelay $0x1  }
0x1ea: {  	v16 =	vadd.f32 v16, v17;
	_ =	sdelay $0x1  }
0x1eb: {  	v17 =	vmul.f32 $1.442695020e+00, v16;
	_ =	sdelay $0x1  }
0x1ec: {  	(erf) = vpow2.f32 v17;
	_ =	sdelay $0x7  }
0x1ed: {  	p0 =	sne.s32 s14, $0x3FC0  }
.Ltmp10:
0x1ee: {  	v17 =	vpop (erf);
	(pc) =	sbr.rel @p0 .LBB2_19-.Ltmp10, $4  }
0x1ef: {  	v17 =	vadd.f32 $-1.000000000e+00, v17  }
0x1f0: {  	vm1 =	vgt.f32 v16, $0.0e+00  }
0x1f1: {  	v16 =	vsel vm1, v16, v17  }
0x1f2: {  	s14 =	sadd.s32 $0x440, s14;
	[tilespmem:s16+$0x2AC0] =	vst v16  }
0x1f3: {  	s0 =	sadd.s32 s30, s3  }
0x1f4: {  	s1 =	sadd.s32 $0x1, s1;
	s0 =	smul.u32 $0x22, s0  }
0x1f5: {  	p0 =	sne.s32 s1, $0x19  }
.Ltmp11:
0x1f6: {  	s0 =	sadd.s32 s11, s0;
	(pc) =	sbr.rel @p0 .LBB2_18-.Ltmp11, $4  }
0x1f7: {  	[hbm4b:s0+s5] =	stream.linear.scatter [tilespmem:s18], [sflag:$0x4], $0x1100, $0x38;
	[tilespmem:$0x1FDD0] =	vst v63  }
0x1f8: {  	_ =	swait.ge [sflag:s17], $0x1100  }
0x1f9: {  	[sflag:s17] =	ssyncset.done $0x0  }
0x1fa: {  	[sflag:s17] =	ssyncadd.s32 $0xFFFFEF00  }
0x1fb: {  	s29 =	sadd.s32 $0x1, s29  }
0x1fc: {  	p0 =	sne.s32 s29, $0x4  }
.Ltmp12:
0x1fd: {  	_ = 	snop;
	(pc) =	sbr.rel @p0 .LBB2_4-.Ltmp12, $2  }
0x1fe: {  	_ =	sdelay $0x1  }
0x1ff: {  	[bflag:$0x0] =	sbarrier.arrive $0xFFFF;
	_ =	sdelay $0x1  }
0x200: {  	s1 =	rddreg [dreg:$0x7]  }
0x201: {  	s0 =	rddreg [dreg:$0x6];
	s1 =	sadd.s32 $0x1, s1  }
0x202: {  	p0 =	sne.s32 s1, s0  }
.Ltmp13:
0x203: {  	_ = 	snop;
	(pc) =	sbr.rel @p0 .LBB2_1-.Ltmp13, $1  }
0x204: {  	_ =	sdelay $0x3  }
0x205: {  	_ =	sfence.sel $0x180000  }
0x206: {  	[bflag:$0x0] =	sbarrier.arrive $0xFFFF  }
0x207: {  	_ =	strace $0x9000004A  }
0x208: {  	s0 =	stileid.u32;
	[bflag:$0x2] =	sbarrier.arrive $0xFFFF  }
0x209: {  	p0 =	sne.s32 s0, $0x0;
	s0 =	rddreg [dreg:$0x5]  }
0x20a: {  	s0 =	sadd.s32 @!p0 $0x100000, s0  }
0x20b: {  	[sflag:s0] =	ssyncadd.tile.s32 @!p0 $0x1;
	_ =	shalt  }
.Lfunc_end2:
_tile_overlayer_lowered:
.L_overlay_start_2:
0x20c: {  	(tag) =	ssettag $0x2  }
0x20d: {  	s0 =	rddreg [dreg:$0x0];
	s2 =	stileid.u32  }
0x20e: {  	s1 =	rddreg [dreg:$0x1];
	p0 =	sne.s32 s2, $0x0  }
0x20f: {  	s3 =	rddreg [dreg:$0x2];
	[bflag:$0x3] =	sbarrier.arrive $0xFFFF;
	s2 =	simm.s32 @!p0 $0x1C04  }
0x210: {  	[timem:s3], [sflag:s2] =	dma.local @!p0 [hbm:s0], s1  }
0x211: {  	s0 =	simm.s32 @!p0 $0x4  }
0x212: {  	_ =	swait.ge @!p0 [sflag:s0], s1  }
0x213: {  	s1 =	ssub.s32 @!p0 $0x0, s1;
	[sflag:s0] =	ssyncset.done @!p0 $0x0  }
0x214: {  	[sflag:s0] =	ssyncadd.s32 @!p0 s1  }
0x215: {  	[bflag:$0x3] =	sbarrier.arrive $0xFFFF  }
0x216: {  	_ =	shalt  }

// kernel: kernel.14.cloned.1.call-start
scs
__scs_entry_jumppad:
0x0: {  	(pc) =	sbr.rel $0x88, $3  }
0x1: {  	(tag) =	ssettag $0x0;
	lr =	simm.s32 $0x1  }
0x2: {  	[smem:$0x3F93] =	sst lr;
	_ =	strace $0xD0000000  }
0x3: {  	_ = 	snop  }
0x4: {  	_ = 	snop  }
0x5: {  	_ = 	snop  }
0x6: {  	_ = 	snop  }
0x7: {  	_ = 	snop  }
__scs_overlays_trampoline_lowered:
0x8: {  	[smem:$0x3FA2] =	sst s0  }
0x9: {  	[smem:$0x3FA3] =	sst s1  }
0xa: {  	[smem:$0x3FA4] =	sst s2  }
0xb: {  	[smem:$0x3FA5] =	sst s3  }
0xc: {  	[smem:$0x3FA6] =	sst s4  }
0xd: {  	[smem:$0x3FA7] =	sst s5  }
0xe: {  	[smem:$0x3FA8] =	sst s6  }
0xf: {  	[smem:$0x3FA9] =	sst s7  }
0x10: {  	[smem:$0x3FAA] =	sst s8  }
0x11: {  	[smem:$0x3FAB] =	sst s9;
	s0 =	simm.s32 @!p0 $0x0  }
0x12: {  	s1 =	sld [smem:$0x3F91];
	s0 =	simm.s32 @p0 $0x1  }
0x13: {  	[smem:$0x3FAC] =	sst s0;
	s0 =	simm.s32 @!p1 $0x0  }
0x14: {  	s2 =	sld [smem:$0x3F90];
	s0 =	simm.s32 @p1 $0x1  }
0x15: {  	[smem:$0x3FAD] =	sst s0;
	s0 =	simm.s32 @!p2 $0x0  }
0x16: {  	s3 =	sld [smem:$0x3FDB];
	s0 =	simm.s32 @p2 $0x1  }
0x17: {  	s4 =	simm.s32 $0x1BF5;
	[smem:$0x3FAF] =	sst s0  }
0x18: {  	s0 =	sld [smem:$0x3F92];
	_ =	swait.ge [sflag:s4], $0x0  }
0x19: {  	s7 =	sld [smem:$0x3F93]  }
0x1a: {  	s8 =	sadd.s32 $0xFFFFE003, lr  }
0x1b: {  	s9 =	sadd.s32 $0xFFFFFEF7, lr;
	s5 =	simm.s32 $0xFFFFFFFF;
	p2 =	slt.u32 s8, $0xFFFFF086  }
0x1c: {  	p1 =	slt.u32 s9, $0xF7A;
	s5 =	simm.s32 @!p2 $0x0  }
0x1d: {  	s5 =	simm.s32 @p1 $0x1;
	p0 =	seq.s32 s7, s2  }
0x1e: {  	s7 =	smul.u32 @!p0 $0xF7A, s2;
	p2 =	seq.s32 @!p0 s5, $0x0  }
0x1f: {  	s9 =	smul.u32 $0xF7A, s1;
	s8 =	simm.s32 @!p0 $0x1BF5;
	p2 =	por !p2, p0  }
0x20: {  	[sflag:s8] =	ssyncset.s32 @!p0 $0xFFFFF086;
	s6 =	sadd.s32 @!p0 s3, s7;
	s7 =	simm.s32 @!p0 $0x108  }
0x21: {  	s3 =	sadd.s32 s3, s9;
	s6 =	sadd.s32 @!p0 $0x88, s6;
	s7 =	simm.s32 @p2 $0x1082  }
0x22: {  	[simem:s7], [sflag:s8] =	dma.local @!p0 [hbm:s6], $0xF7A  }
0x23: {  	s9 =	sor.u32 $0xD0000000, s2;
	s6 =	simm.s32 $0x108;
	_ =	swait.ge @!p0 [sflag:s8], $0x0  }
0x24: {  	s3 =	sadd.s32 $0x88, s3;
	s6 =	simm.s32 @!p1 $0x1082;
	[sflag:s4] =	ssyncset.s32 $0xFFFFF086  }
0x25: {  	[simem:s6], [sflag:s4] =	dma.local [hbm:s3], $0xF7A  }
0x26: {  	[smem:$0x3F93] =	sst s1;
	(tag) =	ssettag s2;
	_ =	strace s9  }
0x27: {  	s1 =	sld [smem:$0x3FA3]  }
0x28: {  	s2 =	sld [smem:$0x3FA4]  }
0x29: {  	s4 =	sld [smem:$0x3FA6]  }
0x2a: {  	p0 =	seq.s32 s5, $0x0;
	s5 =	sld [smem:$0x3FA7]  }
0x2b: {  	s6 =	sld [smem:$0x3FA8]  }
0x2c: {  	s7 =	sld [smem:$0x3FA9]  }
0x2d: {  	s3 =	simm.s32 $0x108;
	s8 =	sld [smem:$0x3FAA]  }
0x2e: {  	s3 =	simm.s32 @!p0 $0x1082;
	s9 =	sld [smem:$0x3FAB]  }
0x2f: {  	lr =	sadd.s32 s0, s3;
	s0 =	sld [smem:$0x3FA2]  }
0x30: {  	s3 =	sld [smem:$0x3FA5]  }
0x31: {  	[smem:$0x3FAE] =	sst s10  }
0x32: {  	s10 =	sld [smem:$0x3FAC];
	_ =	sdelay $0x3  }
0x33: {  	p0 =	seq.s32 s10, $0x1;
	s10 =	sld [smem:$0x3FAE];
	_ =	sdelay $0x3  }
0x34: {  	[smem:$0x3FAE] =	sst s10  }
0x35: {  	s10 =	sld [smem:$0x3FAD];
	_ =	sdelay $0x3  }
0x36: {  	p1 =	seq.s32 s10, $0x1;
	s10 =	sld [smem:$0x3FAE];
	_ =	sdelay $0x3  }
0x37: {  	[smem:$0x3FAE] =	sst s10  }
0x38: {  	s10 =	sld [smem:$0x3FAF]  }
0x39: {  	_ = 	snop;
	(pc) =	sbr.ind lr, $3  }
0x3a: {  	_ = 	snop  }
0x3b: {  	_ = 	snop  }
0x3c: {  	p2 =	seq.s32 s10, $0x1;
	s10 =	sld [smem:$0x3FAE]  }
0x3d: {  	_ =	shalt  }
0x3e: {  	_ =	shalt  }
0x3f: {  	_ =	shalt  }
0x40: {  	_ =	shalt  }
0x41: {  	_ =	shalt  }
0x42: {  	_ =	shalt  }
0x43: {  	_ =	shalt  }
0x44: {  	_ =	shalt  }
0x45: {  	_ =	shalt  }
0x46: {  	_ =	shalt  }
0x47: {  	_ =	shalt  }
0x48: {  	_ =	shalt  }
0x49: {  	_ =	shalt  }
0x4a: {  	_ =	shalt  }
0x4b: {  	_ =	shalt  }
0x4c: {  	_ =	shalt  }
0x4d: {  	_ =	shalt  }
0x4e: {  	_ =	shalt  }
0x4f: {  	_ =	shalt  }
0x50: {  	_ =	shalt  }
0x51: {  	_ =	shalt  }
0x52: {  	_ =	shalt  }
0x53: {  	_ =	shalt  }
0x54: {  	_ =	shalt  }
0x55: {  	_ =	shalt  }
0x56: {  	_ =	shalt  }
0x57: {  	_ =	shalt  }
0x58: {  	_ =	shalt  }
0x59: {  	_ =	shalt  }
0x5a: {  	_ =	shalt  }
0x5b: {  	_ =	shalt  }
0x5c: {  	_ =	shalt  }
0x5d: {  	_ =	shalt  }
0x5e: {  	_ =	shalt  }
0x5f: {  	_ =	shalt  }
0x60: {  	_ =	shalt  }
0x61: {  	_ =	shalt  }
0x62: {  	_ =	shalt  }
0x63: {  	_ =	shalt  }
0x64: {  	_ =	shalt  }
0x65: {  	_ =	shalt  }
0x66: {  	_ =	shalt  }
0x67: {  	_ =	shalt  }
0x68: {  	_ =	shalt  }
0x69: {  	_ =	shalt  }
0x6a: {  	_ =	shalt  }
0x6b: {  	_ =	shalt  }
0x6c: {  	_ =	shalt  }
0x6d: {  	_ =	shalt  }
0x6e: {  	_ =	shalt  }
0x6f: {  	_ =	shalt  }
0x70: {  	_ =	shalt  }
0x71: {  	_ =	shalt  }
0x72: {  	_ =	shalt  }
0x73: {  	_ =	shalt  }
0x74: {  	_ =	shalt  }
0x75: {  	_ =	shalt  }
0x76: {  	_ =	shalt  }
0x77: {  	_ =	shalt  }
0x78: {  	_ =	shalt  }
0x79: {  	_ =	shalt  }
0x7a: {  	_ =	shalt  }
0x7b: {  	_ =	shalt  }
0x7c: {  	_ =	shalt  }
0x7d: {  	_ =	shalt  }
0x7e: {  	_ =	shalt  }
0x7f: {  	_ =	shalt  }
0x80: {  	_ =	shalt  }
0x81: {  	_ =	shalt  }
0x82: {  	_ =	shalt  }
0x83: {  	_ =	shalt  }
0x84: {  	_ =	shalt  }
0x85: {  	_ =	shalt  }
0x86: {  	_ =	shalt  }
0x87: {  	_ =	shalt  }
.Lfunc_end0:
.L_simem_size_0:
called_computation.2_lowered:
.L_overlay_start_0:
0x88: {  	s2 =	sld [smem:$0x3FD9]  }
0x89: {  	s3 =	sld [smem:$0x3FFE];
	_ =	sdelay $0x1  }
0x8a: {  	s1 =	srdreg.scid  }
0x8b: {  	s0 =	sand.u32 $0x1, s1  }
0x8c: {  	s17 =	sshll.u32 s0, $0xA;
	s2 =	sadd.s32 s3, s2  }
0x8d: {  	s2 =	sadd.s32 s2, s17  }
0x8e: {  	[smem:$0x3FBA] =	sst s2  }
0x8f: {  	_ = 	snop  }
0x90: {  	s2 =	sld [smem:$0x3FBC]  }
0x91: {  	s18 =	sld [smem:$0x3FD0];
	(tm) =	ssettm $0x1  }
0x92: {  	s4 =	sld [smem:$0x3FFB];
	_ =	sdelay $0x3  }
0x93: {  	_ =	strace s4  }
0x94: {  	s4 =	sld [smem:$0x3FFC];
	_ =	sdelay $0x3  }
0x95: {  	_ =	strace s4  }
0x96: {  	s4 =	sld [smem:$0x3FFD];
	_ =	sdelay $0x3  }
0x97: {  	_ =	strace s4  }
0x98: {  	_ =	strace $0x8FFFFFFF  }
0x99: {  	s19 =	sld [smem:$0x3FDB];
	_ =	sdelay $0x1  }
0x9a: {  	s5 =	simm.s32 $_scs_section_size  }
0x9b: {  	s6 =	simm.s32 $_size__tile_overlayer_lowered;
	s7 =	simm.s32 $_tile_overlayer_lowered  }
0x9c: {  	s22 =	simm.s32 $0x1BFF;
	s21 =	sshll.u32 s7, $0x1;
	s4 =	sadd.s32 s5, s19  }
0x9d: {  	s8 =	simm.s32 $0x0;
	s20 =	sshll.u32 s6, $0x1;
	s6 =	sadd.s32 s21, s4  }
0x9e: {  	[timem:s8], [sflag:s22] =	dma.local [hbm:s6], s20  }
0x9f: {  	_ =	swait.ge [sflag:s22], s20  }
0xa0: {  	s5 =	ssub.s32 $0x0, s20;
	[sflag:s22] =	ssyncset.done $0x0  }
0xa1: {  	[sflag:s22] =	ssyncadd.s32 s5;
	_ =	sdelay $0x1  }
0xa2: {  	s23 =	simm.s32 $0x1B8B  }
0xa3: {  	_ =	swait.ge [sflag:s23], $0x1  }
0xa4: {  	[sflag:s23] =	ssyncset.done $0x0  }
0xa5: {  	s25 =	simm.s32 $0x1B8E;
	s24 =	sld [smem:$0x3FFE];
	[sflag:s23] =	ssyncadd.s32 $0xFFFFFFFF  }
0xa6: {  	s26 =	simm.s32 $execute0_lowered;
	[smem:$0x3FD2] =	sst s25  }
0xa7: {  	s6 =	sshll.u32 s26, $0x1;
	_ =	strace $0x8000004C;
	[dreg:$0x1] =	wrdreg $0xFFFFFFFF  }
0xa8: {  	s28 =	simm.s32 $_size_execute0_lowered;
	s4 =	sadd.s32 s4, s6;
	[dreg:$0x0] =	wrdreg $0x0  }
0xa9: {  	s6 =	sshll.u32 s28, $0x1;
	[dreg:$0x2] =	wrdreg s4  }
0xaa: {  	[dreg:$0x3] =	wrdreg s6  }
0xab: {  	[dreg:$0x4] =	wrdreg $0xC0  }
0xac: {  	_ =	task [dreg:s8], $0x5FFFF  }
0xad: {  	[dreg:$0x1] =	wrdreg $0xFFFFFFFF  }
0xae: {  	[dreg:$0x0] =	wrdreg $0x60  }
0xaf: {  	[dreg:$0x2] =	wrdreg s24  }
0xb0: {  	[dreg:$0x3] =	wrdreg s18  }
0xb1: {  	[dreg:$0x4] =	wrdreg s2  }
0xb2: {  	[dreg:$0x5] =	wrdreg $0x23100  }
0xb3: {  	[dreg:$0x6] =	wrdreg $0xA0100  }
0xb4: {  	[dreg:$0x7] =	wrdreg $0x9  }
0xb5: {  	_ =	task.clear_ibuf [dreg:s8], $0x8FFFF;
	_ =	strace $0x9000004C  }
0xb6: {  	s29 =	simm.s32 $0x9;
	_ =	strace $0x8000004E  }
0xb7: {  	_ =	swait.ge [sflag:s29], $0x1  }
0xb8: {  	[sflag:s29] =	ssyncadd.s32 $0xFFFFFFFF  }
0xb9: {  	_ =	strace $0x9000004E  }
0xba: {  	_ =	sfence  }
0xbb: {  	s30 =	sld [smem:$0x0];
	_ =	sdelay $0x2  }
0xbc: {  	s31 =	sshll.u32 s1, $0xD;
	s1 =	sshrl.u32 s1, $0x2  }
0xbd: {  	s3 =	sand.u32 $0x4000, s31;
	s1 =	sadd.s32 s1, s30  }
0xbe: {  	s0 =	sor.u32 s3, s0;
	s1 =	sshll.u32 s1, $0x11  }
0xbf: {  	s0 =	sor.u32 s1, s0  }
0xc0: {  	s0 =	sadd.s32 $0x8F2B, s0  }
0xc1: {  	[sflag:s0] =	ssyncadd.remote.s32 $0x1  }
0xc2: {  	_ =	sfence.sel $0xFFFF  }
0xc3: {  	[dreg:$0x0] =	wrdreg $0xFFFFFFFF;
	(pc) =	sbr.abs _section_cstart, $3  }
0xc4: {  	[dreg:$0x1] =	wrdreg $0xFFFFFFFF  }
0xc5: {  	_ =	task.clear_ibuf [dreg:s8], $0x2FFFF;
	_ =	strace $0x9FFFFFFF  }
0xc6: {  	(tm) =	ssettm $0x7FFFFFFF  }
0xc7: {  	_ =	shalt  }
tec
execute0_lowered:
.L_overlay_start_1:
0x0: {  	(tag) =	ssettag $0x1  }
0x1: {  	s0 =	rddreg [dreg:$0x0]  }
0x2: {  	s3 =	rddreg [dreg:$0x3]  }
0x3: {  	s4 =	rddreg [dreg:$0x4];
	s5 =	simm.s32 $0x0  }
0x4: {  	s1 =	srdreg.scid;
	s9 =	stileid.u32;
	s17 =	simm.s32 $0x4  }
0x5: {  	s18 =	simm.s32 $0x1DD0;
	s21 =	simm.s32 $0x1;
	s22 =	simm.s32 $0x7E0  }
0x6: {  	s23 =	simm.s32 $0x17D0;
	s24 =	simm.s32 $0x1CD0;
	s25 =	simm.s32 $0x2  }
0x7: {  	s28 =	simm.s32 $0x3;
	[smem:$0x7FF] =	sst s5;
	s10 =	smul.u32 $0xC350, s9  }
0x8: {  	s7 =	sadd.s32 $0x1C1A00, s0;
	s8 =	sadd.s32 $0x19200, s0;
	s2 =	smul.u32 $0x6400, s9  }
0x9: {  	s1 =	sand.u32 $0x1, s1;
	s11 =	sadd.s32 $0xA00, s0;
	s6 =	smul.u32 $0x1F400, s9  }
0xa: {  	s12 =	sadd.s32 $0x31A00, s0;
	s13 =	smul.u32 $0x190, s9;
	s31 =	sshll.u32 s9, $0x6  }
0xb: {  	_ =	strace $0x8000004D;
	[dreg:$0x6] =	wrdreg s1;
	s1 =	ssub.s32 $0x2, s1  }
0xc: {  	v0 =	vlaneseq.u32;
	s19 =	sor.u32 $0x1C04, s31;
	s26 =	sshrl.u32 s1, $0x1;
	s29 =	sshrl.u32 s2, $0x2  }
0xd: {  	v4 =	vmul.u32 $0x50, v0;
	v5 =	vmul.u32 $0x10, v0;
	s30 =	sshrl.u32 s6, $0x2;
	s0 =	ssub.s32 s1, s26;
	s1 =	sadd.s32 s29, s4  }
0xe: {  	v1 =	vimm.s32 $0x7D0;
	v2 =	vimm.f32 $0.0e+00;
	v3 =	vimm.s32 $0x0;
	s15 =	sadd.s32 s30, s3;
	s26 =	simm.s32 $0xFC0;
	s0 =	smax.u32 s0, $0x1  }
0xf: {  	vm0 =	vmmov $0xffff;
	v4 =	vadd.s32 $0x40, v4;
	v5 =	vor.u32 $0x8, v5;
	s20 =	sshrl.u32 s1, $0x3;
	s1 =	simm.s32 $0x0;
	[dreg:$0x7] =	wrdreg s0  }
.LBB2_1:
0x10: {  	[dreg:$0x8] =	wrdreg s1  }
0x11: {  	s0 =	rddreg [dreg:$0x2];
	s31 =	simm.s32 $0x22D0  }
0x12: {  	[tilespmem:s31], [sflag:$0x4] =	stream.linear.gather [hbm4b:s0+s5], $0x40, $0x38;
	[tilespmem:$0xB910] =	vst v63  }
0x13: {  	_ =	swait.ge [sflag:s17], $0x40  }
0x14: {  	[sflag:s17] =	ssyncset.done $0x0  }
0x15: {  	s1 =	simm.s32 $0x0;
	s0 =	simm.s32 $0x40;
	[sflag:s17] =	ssyncadd.s32 $0xFFFFFFC0  }
.LBB2_2:
0x16: {  	p0 =	sne.s32 s0, $0x2000;
	[tilespmem:s1+$0xFC0] =	vst v1;
	s1 =	smov.u32 s0;
	s0 =	sadd.s32 $0x40, s0  }
.Ltmp0:
0x17: {  	(pc) =	sbr.rel @p0 .LBB2_2-.Ltmp0, $2  }
0x18: {  	_ =	sdelay $0x2  }
0x19: {  	s1 =	sshra.s32 s1, $0x2  }
0x1a: {  	[tilespmem:s1+$0xFC0] =	vst v1;
	s30 =	simm.s32 $0x0  }
.LBB2_4:
0x1b: {  	[tilespmem:$0x1DD0] =	vst v2  }
0x1c: {  	[tilespmem:$0x1DE0] =	vst v2  }
0x1d: {  	[tilespmem:$0x1DF0] =	vst v2  }
0x1e: {  	[tilespmem:$0x1E00] =	vst v2  }
0x1f: {  	[tilespmem:$0x1E10] =	vst v2  }
0x20: {  	[tilespmem:$0x1E20] =	vst v2  }
0x21: {  	[tilespmem:$0x1E30] =	vst v2  }
0x22: {  	[tilespmem:$0x1E40] =	vst v2  }
0x23: {  	[tilespmem:$0x1E50] =	vst v2  }
0x24: {  	[tilespmem:$0x1E60] =	vst v2  }
0x25: {  	[tilespmem:$0x1E70] =	vst v2  }
0x26: {  	[tilespmem:$0x1E80] =	vst v2  }
0x27: {  	[tilespmem:$0x1E90] =	vst v2  }
0x28: {  	[tilespmem:$0x1EA0] =	vst v2  }
0x29: {  	[tilespmem:$0x1EB0] =	vst v2  }
0x2a: {  	[tilespmem:$0x1EC0] =	vst v2  }
0x2b: {  	[tilespmem:$0x1ED0] =	vst v2  }
0x2c: {  	[tilespmem:$0x1EE0] =	vst v2  }
0x2d: {  	[tilespmem:$0x1EF0] =	vst v2  }
0x2e: {  	[tilespmem:$0x1F00] =	vst v2  }
0x2f: {  	[tilespmem:$0x1F10] =	vst v2  }
0x30: {  	[tilespmem:$0x1F20] =	vst v2  }
0x31: {  	[tilespmem:$0x1F30] =	vst v2  }
0x32: {  	[tilespmem:$0x1F40] =	vst v2  }
0x33: {  	[tilespmem:$0x1F50] =	vst v2  }
0x34: {  	[tilespmem:$0x1F60] =	vst v2  }
0x35: {  	[tilespmem:$0x1F70] =	vst v2  }
0x36: {  	[tilespmem:$0x1F80] =	vst v2  }
0x37: {  	[tilespmem:$0x1F90] =	vst v2  }
0x38: {  	[tilespmem:$0x1FA0] =	vst v2  }
0x39: {  	[tilespmem:$0x1FB0] =	vst v2  }
0x3a: {  	[tilespmem:$0x1FC0] =	vst v2  }
0x3b: {  	[tilespmem:$0x1FD0] =	vst v2  }
0x3c: {  	[tilespmem:$0x1FE0] =	vst v2  }
0x3d: {  	[tilespmem:$0x1FF0] =	vst v2  }
0x3e: {  	[tilespmem:$0x2000] =	vst v2  }
0x3f: {  	[tilespmem:$0x2010] =	vst v2  }
0x40: {  	[tilespmem:$0x2020] =	vst v2  }
0x41: {  	[tilespmem:$0x2030] =	vst v2  }
0x42: {  	[tilespmem:$0x2040] =	vst v2  }
0x43: {  	[tilespmem:$0x2050] =	vst v2  }
0x44: {  	[tilespmem:$0x2060] =	vst v2  }
0x45: {  	[tilespmem:$0x2070] =	vst v2  }
0x46: {  	[tilespmem:$0x2080] =	vst v2  }
0x47: {  	[tilespmem:$0x2090] =	vst v2  }
0x48: {  	[tilespmem:$0x20A0] =	vst v2  }
0x49: {  	[tilespmem:$0x20B0] =	vst v2  }
0x4a: {  	[tilespmem:$0x20C0] =	vst v2  }
0x4b: {  	[tilespmem:$0x20D0] =	vst v2  }
0x4c: {  	[tilespmem:$0x20E0] =	vst v2  }
0x4d: {  	[tilespmem:$0x20F0] =	vst v2  }
0x4e: {  	[tilespmem:$0x2100] =	vst v2  }
0x4f: {  	[tilespmem:$0x2110] =	vst v2  }
0x50: {  	[tilespmem:$0x2120] =	vst v2  }
0x51: {  	[tilespmem:$0x2130] =	vst v2  }
0x52: {  	[tilespmem:$0x2140] =	vst v2  }
0x53: {  	[tilespmem:$0x2150] =	vst v2  }
0x54: {  	[tilespmem:$0x2160] =	vst v2  }
0x55: {  	[tilespmem:$0x2170] =	vst v2  }
0x56: {  	[tilespmem:$0x2180] =	vst v2  }
0x57: {  	[tilespmem:$0x2190] =	vst v2  }
0x58: {  	[tilespmem:$0x21A0] =	vst v2  }
0x59: {  	[tilespmem:$0x21B0] =	vst v2  }
0x5a: {  	[tilespmem:$0x21C0] =	vst v2  }
0x5b: {  	[tilespmem:$0x21D0] =	vst v2  }
0x5c: {  	[tilespmem:$0x21E0] =	vst v2  }
0x5d: {  	[tilespmem:$0x21F0] =	vst v2  }
0x5e: {  	[tilespmem:$0x2200] =	vst v2  }
0x5f: {  	[tilespmem:$0x2210] =	vst v2  }
0x60: {  	[tilespmem:$0x2220] =	vst v2  }
0x61: {  	[tilespmem:$0x2230] =	vst v2  }
0x62: {  	[tilespmem:$0x2240] =	vst v2  }
0x63: {  	[tilespmem:$0x2250] =	vst v2  }
0x64: {  	[tilespmem:$0x2260] =	vst v2  }
0x65: {  	[tilespmem:$0x2270] =	vst v2  }
0x66: {  	[tilespmem:$0x2280] =	vst v2  }
0x67: {  	[tilespmem:$0x2290] =	vst v2  }
0x68: {  	[tilespmem:$0x22A0] =	vst v2  }
0x69: {  	[tilespmem:$0x22B0] =	vst v2  }
0x6a: {  	[tilespmem:$0x22C0] =	vst v2;
	s0 =	sadd.s32 $0x0, s15  }
0x6b: {  	[spmem:s0] =	stream.linear.scatter [tilespmem:s18], [sflag:$0x4], $0x500, $0x38;
	[tilespmem:$0xB910] =	vst v63  }
0x6c: {  	s0 =	simm.s32 $0x1400;
	_ =	swait.ge [sflag:s17], $0x500  }
.LBB2_5:
0x6d: {  	s1 =	sshra.s32 s0, $0x2;
	[sflag:s17] =	ssyncset.done $0x0;
	p0 =	sne.s32 s0, $0x1E000  }
.Ltmp1:
0x6e: {  	s1 =	sadd.s32 s1, s15;
	[sflag:s17] =	ssyncadd.s32 $0xFFFFFB00;
	(pc) =	sbr.rel @p0 .LBB2_5-.Ltmp1, $3  }
0x6f: {  	[spmem:s1] =	stream.linear.scatter [tilespmem:s18], [sflag:$0x4], $0x500, $0x38;
	[tilespmem:$0xB910] =	vst v63  }
0x70: {  	s0 =	sadd.s32 $0x1400, s0;
	_ =	sdelay $0x1  }
0x71: {  	_ =	swait.ge [sflag:s17], $0x500  }
0x72: {  	s0 =	sshll.u32 s30, $0x1;
	s1 =	rddreg [dreg:$0x6]  }
0x73: {  	s0 =	sor.u32 s1, s0  }
0x74: {  	s31 =	smul.u32 $0x1900, s0  }
0x75: {  	[sflag:s17] =	ssyncset.done $0x0  }
0x76: {  	[sflag:s17] =	ssyncadd.s32 $0xFFFFFB00;
	s0 =	sadd.s32 s13, s31  }
0x77: {  	s16 =	rddreg [dreg:$0x1];
	s0 =	sshll.u32 s0, $0x1  }
0x78: {  	s0 =	sadd.s32 s16, s0  }
0x79: {  	[spmem:s20], [sflag:s19] =	dma.local [hbm:s0], $0x320  }
.Ltmp2:
0x7a: {  	_ =	swait.ge [sflag:s17], $0x320;
	(pc) =	sbr.rel .LBB2_7-.Ltmp2, $4  }
0x7b: {  	[sflag:s17] =	ssyncset.done $0x0  }
0x7c: {  	[sflag:s17] =	ssyncadd.s32 $0xFFFFFCE0  }
0x7d: {  	s29 =	sadd.s32 $0x1900, s31;
	[bflag:$0x0] =	sbarrier.arrive $0xFFFF  }
0x7e: {  	s6 =	simm.s32 $0x0;
	v6 =	vmov s31;
	v7 =	vmov s29;
	s0 =	simm.s32 $0x0  }
.LBB2_14:
0x7f: {  	s6 =	sadd.s32 $0x1, s6  }
0x80: {  	p0 =	sne.s32 s6, $0x19  }
.Ltmp3:
0x81: {  	_ = 	snop;
	(pc) =	sbr.rel @!p0 .LBB2_15-.Ltmp3, $1  }
0x82: {  	_ =	sdelay $0x3  }
.LBB2_7:
0x83: {  	s1 =	smul.u32 $0x7D0, s6;
	_ =	sdelay $0x1  }
0x84: {  	s1 =	sadd.s32 s10, s1  }
0x85: {  	s1 =	sshrl.u32 s1, $0x3  }
0x86: {  	s2 =	sadd.s32 s8, s1  }
0x87: {  	[tilespmem:s0], [sflag:$0x4] =	stream.linear.gather [hbm4b:s2+s0], $0x7D0, $0x38;
	[tilespmem:$0xB910] =	vst v63  }
0x88: {  	_ =	swait.ge [sflag:s17], $0x7D0  }
0x89: {  	[sflag:s17] =	ssyncset.done $0x0  }
0x8a: {  	s16 =	simm.s32 $0x7E0;
	s1 =	sadd.s32 s11, s1;
	[sflag:s17] =	ssyncadd.s32 $0xFFFFF830  }
0x8b: {  	[tilespmem:s16], [sflag:$0x4] =	stream.linear.gather [hbm4b:s1+s0], $0x7D0, $0x38;
	[tilespmem:$0xB910] =	vst v63  }
0x8c: {  	_ =	swait.ge [sflag:s17], $0x7D0  }
0x8d: {  	[sflag:s17] =	ssyncset.done $0x0  }
0x8e: {  	[sflag:s17] =	ssyncadd.s32 $0xFFFFF830  }
0x8f: {  	[tilespmem:$0x7D0] =	vst v3  }
0x90: {  	[tilespmem:$0xFB0] =	vst v6  }
0x91: {  	v8 =	vld [tilespmem:s16+$0x0];
	_ =	sdelay $0x4  }
0x92: {  	vm1 =	vge.s32 v8, v6;
	vm2 =	vlt.s32 v8, v7  }
0x93: {  	vm1 =	vmand vm1, vm2  }
0x94: {  	v8 =	vsel vm1, $0x1, v3  }
0x95: {  	v9 =	vor.u32 s0, v0;
	v10 =	vxor.u32 $0x80000001, v8;
	(xrf0) =	vadd.scan.msk.s32 $0xffff, v8  }
0x96: {  	(xrf1) =	vsort.ascd.msk.u32 $0xffff, v10, v9;
	_ =	sdelay $0x4  }
0x97: {  	v8, _, _ =	vpop (xrf0)  }
0x98: {  	(v2sf) =	vpush v8, $0xF;
	_ =	sdelay $0x7  }
0x99: {  	_, v8, _ =	vpop (xrf1)  }
0x9a: {  	s16 =	simm.s32 $0x7F0;
	[tilespmem:s0+$0xFC0] =	vst v8  }
0x9b: {  	v8 =	vld [tilespmem:s16+$0x0];
	_ =	sdelay $0x3  }
0x9c: {  	s14 =	simm.s32 $0x10  }
0x9d: {  	s29 =	simm.s32 $0x20;
	s2 =	simm.s32 $0x0;
	vm1 =	vge.s32 v8, v6;
	vm2 =	vlt.s32 v8, v7;
	s1 =	spop (v2sf)  }
.LBB2_8:
0x9e: {  	p0 =	sne.s32 s29, $0x7C0  }
0x9f: {  	vm1 =	vmand vm1, vm2;
	s2 =	sadd.s32 s2, s1;
	s1 =	smov.u32 s29;
	s29 =	sadd.s32 $0x10, s29  }
0xa0: {  	v8 =	vsel vm1, $0x1, v3  }
0xa1: {  	v9 =	vor.u32 s14, v0;
	s14 =	smov.u32 s1;
	v10 =	vxor.u32 $0x80000001, v8;
	(xrf0) =	vadd.scan.msk.s32 $0xffff, v8  }
0xa2: {  	(xrf1) =	vsort.ascd.msk.u32 $0xffff, v10, v9;
	_ =	sdelay $0x4  }
0xa3: {  	v8, _, _ =	vpop (xrf0)  }
0xa4: {  	(v2sf) =	vpush v8, $0xF;
	_ =	sdelay $0x7  }
0xa5: {  	_, v8, _ =	vpop (xrf1)  }
0xa6: {  	s16 =	sadd.s32 $0x10, s16;
	[tilespmem:s2+$0xFC0] =	vst v8  }
0xa7: {  	v8 =	vld [tilespmem:s16+$0x0]  }
.Ltmp4:
0xa8: {  	(pc) =	sbr.rel @p0 .LBB2_8-.Ltmp4, $2  }
0xa9: {  	_ =	sdelay $0x2  }
0xaa: {  	vm1 =	vge.s32 v8, v6;
	vm2 =	vlt.s32 v8, v7;
	s1 =	spop (v2sf)  }
0xab: {  	vm1 =	vmand vm1, vm2  }
0xac: {  	v8 =	vsel vm1, $0x1, v3  }
0xad: {  	(xrf0) =	vadd.scan.msk.s32 $0xffff, v8;
	_ =	sdelay $0x5  }
0xae: {  	v9, _, _ =	vpop (xrf0)  }
0xaf: {  	(v2sf) =	vpush v9, $0xF;
	_ =	sdelay $0x7  }
0xb0: {  	v63 =	vor.u32 s14, v0;
	v8 =	vxor.u32 $0x80000001, v8  }
0xb1: {  	(xrf1) =	vsort.ascd.msk.u32 $0xffff, v8, v63;
	_ =	sdelay $0x5  }
0xb2: {  	s1 =	sadd.s32 s2, s1;
	s16 =	spop (v2sf)  }
0xb3: {  	s14 =	sadd.s32 s1, s16  }
0xb4: {  	s2 =	sadd.s32 $0xF, s14  }
0xb5: {  	s16 =	sand.u32 $0xF, s2  }
0xb6: {  	s29 =	sshra.s32 s2, $0x1F;
	p1 =	slt.s32 s2, $0x1;
	p0 =	sne.s32 s16, $0x0  }
0xb7: {  	s16 =	sshrl.u32 s29, $0x1C;
	p0 =	por !p1, !p0  }
0xb8: {  	s2 =	sadd.s32 s16, s2;
	s16 =	simm.s32 $0x1;
	p0 =	por !p0, !p0  }
0xb9: {  	s2 =	sshra.s32 s2, $0x4;
	s16 =	simm.s32 @!p0 $0x0  }
0xba: {  	_, v8, _ =	vpop (xrf1);
	p0 =	slt.s32 s14, $0x1;
	s2 =	ssub.s32 s2, s16  }
0xbb: {  	[tilespmem:s1+$0xFC0] =	vst v8;
	s1 =	sshll.u32 @!p0 s2, $0x4  }
0xbc: {  	v8 =	vld @!p0 [tilespmem:s1+$0xFB0]  }
0xbd: {  	p1 =	slt.s32 s2, $0x1;
	s14 =	ssub.s32 @!p0 s14, s1  }
.Ltmp5:
0xbe: {  	s14 =	sadd.s32 @!p0 $0x10, s14;
	(pc) =	sbr.rel @p1 .LBB2_14-.Ltmp5, $4  }
0xbf: {  	v10 =	vlaneseq.u32 @!p0;
	v9 =	vmov @!p0 s14  }
0xc0: {  	vm1 =	vgt.s32 @!p0 v9, v10  }
0xc1: {  	v8 =	vnsel @!p0 vm1, $0x7D0, v8  }
0xc2: {  	s16 =	simm.s32 $0x0;
	s14 =	simm.s32 $0x0;
	[tilespmem:s1+$0xFB0] =	vst @!p0 v8  }
.LBB2_10:
0xc3: {  	s1 =	sshll.u32 s16, $0x4  }
0xc4: {  	v8 =	vld [tilespmem:s1+$0xFC0];
	_ =	sdelay $0x7  }
0xc5: {  	v9 =	vld.idx.msk [tilespmem:v8+s5+$0x0], $0xffff  }
0xc6: {  	v8 =	vld.idx.msk [tilespmem:v8+s22+$0x0], $0xffff;
	_ =	sdelay $0x2  }
0xc7: {  	p0 =	seq.s32 s16, $0x0  }
0xc8: {  	s29 =	simm.s32 @!p0 $0x3  }
0xc9: {  	_ =	swait.ge @!p0 [sflag:s29], $0x500;
	v8 =	vsub.s32 v8, v6  }
0xca: {  	[sflag:s29] =	ssyncset.done @!p0 $0x0  }
0xcb: {  	[sflag:s29] =	ssyncadd.s32 @!p0 $0xFFFFFB00  }
0xcc: {  	[tilespmem:s23], [sflag:$0x1] =	stream.indirect_vreg.gather [hbm4b:s7+s14], $0x50, v9, vm0, $0xb8;
	[tilespmem:$0xB910] =	vst v63  }
0xcd: {  	_ = 	snop  }
0xce: {  	[tilespmem:s24], [sflag:$0x2] =	stream.indirect_vreg.gather [spmem:s4], $0x10, v8, vm0, $0xb8;
	[tilespmem:$0xB910] =	vst v63  }
0xcf: {  	_ =	swait.ge [sflag:s25], $0x100  }
0xd0: {  	[sflag:s25] =	ssyncset.done $0x0  }
0xd1: {  	[sflag:s25] =	ssyncadd.s32 $0xFFFFFF00  }
0xd2: {  	_ =	swait.ge [sflag:s21], $0x500  }
0xd3: {  	[sflag:s21] =	ssyncset.done $0x0  }
0xd4: {  	[sflag:s21] =	ssyncadd.s32 $0xFFFFFB00  }
0xd5: {  	v9 =	vld.idx.msk [tilespmem:v4+s23+$0x0], $0xffff  }
0xd6: {  	v10 =	vld.idx.msk [tilespmem:v5+s24+$0x0], $0xffff;
	_ =	sdelay $0x4  }
0xd7: {  	v9 =	vadd.f32 v10, v9;
	_ =	sdelay $0x1  }
0xd8: {  	v10 =	vmul.f32 $2.000000030e-01, v9  }
0xd9: {  	vm1 =	vgt.f32 v9, $0.0e+00  }
0xda: {  	v9 =	vsel vm1, v9, v10  }
0xdb: {  	v9 =	vmul.f32 $1.442695020e+00, v9  }
0xdc: {  	v10 =	vor.u32 s1, v0  }
0xdd: {  	(erf) = vpow2.f32 v9;
	_ =	sdelay $0x3  }
0xde: {  	v9 =	vld.idx.msk [tilespmem:v10+s26+$0x0], $0xffff;
	_ =	sdelay $0x4  }
0xdf: {  	vm1 =	veq.s32 v9, $0x7D0;
	v10 =	vpop (erf)  }
0xe0: {  	v9 =	vsel vm1, $0x0, v10  }
0xe1: {  	s29 =	simm.s32 $0x0;
	[tilespmem:v4+s23+$0x0] =	vst.idx.msk $0xffff, v9  }
0xe2: {  	v9 =	vld [tilespmem:s29+$0x17E0]  }
0xe3: {  	v10 =	vld [tilespmem:s29+$0x17D0]  }
0xe4: {  	v11 =	vld.msk [tilespmem:s29+$0x1810 ss:$0x0], $0xffff  }
0xe5: {  	v13 =	vld [tilespmem:s29+$0x1800]  }
0xe6: {  	s1 =	simm.s32 $0x140;
	v12 =	vld [tilespmem:s29+$0x17F0]  }
.LBB2_11:
0xe7: {  	_ =	sdelay $0x1  }
0xe8: {  	p0 =	sne.s32 s1, $0x12C0;
	s9 =	smov.u32 s1;
	s1 =	sadd.s32 $0x140, s1  }
0xe9: {  	v9 =	vmul.f32 v9, v11;
	v13 =	vmul.f32 v13, v11  }
0xea: {  	v10 =	vmul.f32 v11, v10;
	v11 =	vmul.f32 v12, v11  }
0xeb: {  	s9 =	sshra.s32 s9, $0x2;
	[tilespmem:s29+$0x17E0] =	vst v9  }
0xec: {  	v9 =	vld [tilespmem:s9+$0x17E0];
	[tilespmem:s29+$0x1800] =	vst v13  }
.Ltmp6:
0xed: {  	[tilespmem:s29+$0x17D0] =	vst v10;
	(pc) =	sbr.rel @p0 .LBB2_11-.Ltmp6, $4  }
0xee: {  	v10 =	vld [tilespmem:s9+$0x17D0];
	[tilespmem:s29+$0x17F0] =	vst v11;
	s29 =	smov.u32 s9  }
0xef: {  	v11 =	vld.msk [tilespmem:s29+$0x1810 ss:$0x0], $0xffff  }
0xf0: {  	v13 =	vld [tilespmem:s29+$0x1800]  }
0xf1: {  	v12 =	vld [tilespmem:s29+$0x17F0]  }
0xf2: {  	_ =	sdelay $0x1  }
0xf3: {  	s16 =	sadd.s32 $0x1, s16;
	v9 =	vmul.f32 v9, v11  }
0xf4: {  	p0 =	sne.s32 s16, s2;
	v10 =	vmul.f32 v11, v10  }
.Ltmp7:
0xf5: {  	v13 =	vmul.f32 v13, v11;
	[tilespmem:s29+$0x17E0] =	vst v9;
	(pc) =	sbr.rel @p0 .LBB2_10-.Ltmp7, $4  }
0xf6: {  	v63 =	vmul.f32 v12, v11;
	[tilespmem:s29+$0x17D0] =	vst v10  }
0xf7: {  	[tilespmem:s29+$0x1800] =	vst v13  }
0xf8: {  	[tilespmem:s29+$0x17F0] =	vst v63  }
0xf9: {  	[spmem:s3] =	stream.indirect_vreg.scatter.add.f32 [tilespmem:s23], [sflag:$0x3], $0x50, v8, vm0, $0xb8;
	[tilespmem:$0xB910] =	vst v63  }
.Ltmp8:
0xfa: {  	(pc) =	sbr.rel .LBB2_14-.Ltmp8, $4  }
0xfb: {  	_ = 	snop  }
0xfc: {  	_ =	swait.ge [sflag:s28], $0x500  }
0xfd: {  	[sflag:s28] =	ssyncset.done $0x0  }
0xfe: {  	[sflag:s28] =	ssyncadd.s32 $0xFFFFFB00  }
.LBB2_15:
0xff: {  	[bflag:$0x0] =	sbarrier.arrive $0xFFFF;
	s0 =	simm.s32 $0x0  }
.LBB2_16:
0x100: {  	s1 =	sshll.u32 s0, $0x4  }
0x101: {  	s6 =	sadd.s32 s13, s1  }
0x102: {  	s1 =	smul.u32 $0x140, s6;
	_ =	sdelay $0x1  }
0x103: {  	s1 =	sshra.s32 s1, $0x2  }
0x104: {  	s1 =	sadd.s32 s1, s3  }
0x105: {  	[tilespmem:s18], [sflag:$0x4] =	stream.linear.gather [spmem:s1], $0x500, $0x38;
	[tilespmem:$0xB910] =	vst v63  }
0x106: {  	_ =	swait.ge [sflag:s17], $0x500  }
0x107: {  	[sflag:s17] =	ssyncset.done $0x0  }
0x108: {  	s2 =	simm.s32 $0x0;
	[sflag:s17] =	ssyncadd.s32 $0xFFFFFB00  }
0x109: {  	v6 =	vld [tilespmem:s2+$0x1E10];
	_ =	sdelay $0x4  }
0x10a: {  	(v2sf) =	vpush v6, $0x0;
	_ =	sdelay $0xe  }
0x10b: {  	s29 =	spop (v2sf)  }
0x10c: {  	s1 =	sadd.f32 $1.000000020e-16, s29;
	_ =	sdelay $0x1  }
0x10d: {  	v6 =	vmov s1  }
0x10e: {  	(erf) = vrcp.f32 v6;
	_ =	sdelay $0x4  }
0x10f: {  	v7 =	vld [tilespmem:s2+$0x1DD0];
	_ =	sdelay $0x1  }
0x110: {  	v8 =	vld [tilespmem:$0x22D0];
	_ =	sdelay $0x1  }
0x111: {  	v6 =	vpop (erf)  }
0x112: {  	v7 =	vmul.f32 v6, v7;
	_ =	sdelay $0x1  }
0x113: {  	v7 =	vadd.f32 v7, v8;
	_ =	sdelay $0x1  }
0x114: {  	v8 =	vmul.f32 $1.442695020e+00, v7;
	_ =	sdelay $0x1  }
0x115: {  	(erf) = vpow2.f32 v8;
	_ =	sdelay $0x8  }
0x116: {  	v8 =	vpop (erf)  }
0x117: {  	v8 =	vadd.f32 $-1.000000000e+00, v8  }
0x118: {  	vm1 =	vgt.f32 v7, $0.0e+00  }
0x119: {  	v7 =	vsel vm1, v7, v8;
	v8 =	vld [tilespmem:s2+$0x1DE0]  }
0x11a: {  	[tilespmem:s2+$0x1DD0] =	vst v7  }
0x11b: {  	v7 =	vld [tilespmem:$0x22E0];
	_ =	sdelay $0x2  }
0x11c: {  	v8 =	vmul.f32 v6, v8;
	_ =	sdelay $0x1  }
0x11d: {  	v7 =	vadd.f32 v8, v7;
	_ =	sdelay $0x1  }
0x11e: {  	v8 =	vmul.f32 $1.442695020e+00, v7;
	_ =	sdelay $0x1  }
0x11f: {  	(erf) = vpow2.f32 v8;
	_ =	sdelay $0x8  }
0x120: {  	v8 =	vpop (erf)  }
0x121: {  	v8 =	vadd.f32 $-1.000000000e+00, v8  }
0x122: {  	vm1 =	vgt.f32 v7, $0.0e+00  }
0x123: {  	v7 =	vsel vm1, v7, v8;
	v8 =	vld [tilespmem:s2+$0x1DF0]  }
0x124: {  	[tilespmem:s2+$0x1DE0] =	vst v7  }
0x125: {  	v7 =	vld [tilespmem:$0x22F0];
	_ =	sdelay $0x2  }
0x126: {  	v8 =	vmul.f32 v8, v6;
	_ =	sdelay $0x1  }
0x127: {  	v7 =	vadd.f32 v7, v8;
	_ =	sdelay $0x1  }
0x128: {  	v8 =	vmul.f32 $1.442695020e+00, v7;
	_ =	sdelay $0x1  }
0x129: {  	(erf) = vpow2.f32 v8;
	_ =	sdelay $0x4  }
0x12a: {  	s14 =	simm.s32 $0x50;
	s16 =	simm.s32 $0x280  }
.LBB2_17:
0x12b: {  	p0 =	sne.s32 s16, $0x12C0;
	v8 =	vld [tilespmem:s14+$0x1E10];
	_ =	sdelay $0x2  }
0x12c: {  	v9 =	vpop (erf)  }
0x12d: {  	v9 =	vadd.f32 $-1.000000000e+00, v9  }
0x12e: {  	vm1 =	vgt.f32 v7, $0.0e+00;
	(v2sf) =	vpush v8, $0x0  }
0x12f: {  	v7 =	vsel vm1, v7, v9;
	v8 =	vld [tilespmem:s2+$0x1E00]  }
0x130: {  	[tilespmem:s2+$0x1DF0] =	vst v7  }
0x131: {  	v7 =	vld [tilespmem:$0x2300];
	_ =	sdelay $0x2  }
0x132: {  	v6 =	vmul.f32 v8, v6;
	_ =	sdelay $0x1  }
0x133: {  	v6 =	vadd.f32 v7, v6;
	_ =	sdelay $0x1  }
0x134: {  	v7 =	vmul.f32 $1.442695020e+00, v6;
	_ =	sdelay $0x1  }
0x135: {  	(erf) = vpow2.f32 v7;
	_ =	sdelay $0x2  }
0x136: {  	s1 =	spop (v2sf)  }
0x137: {  	s1 =	sadd.f32 $1.000000020e-16, s1;
	_ =	sdelay $0x1  }
0x138: {  	v7 =	vmov s1  }
0x139: {  	(erf) = vrcp.f32 v7;
	_ =	sdelay $0x1  }
0x13a: {  	v7 =	vpop (erf)  }
0x13b: {  	v7 =	vadd.f32 $-1.000000000e+00, v7  }
0x13c: {  	vm1 =	vgt.f32 v6, $0.0e+00  }
0x13d: {  	v8 =	vld [tilespmem:s14+$0x1DD0];
	v6 =	vsel vm1, v6, v7  }
0x13e: {  	[tilespmem:s2+$0x1E00] =	vst v6;
	s2 =	smov.u32 s14  }
0x13f: {  	v7 =	vld [tilespmem:$0x22D0];
	_ =	sdelay $0x1  }
0x140: {  	v6 =	vpop (erf)  }
0x141: {  	v8 =	vmul.f32 v6, v8;
	_ =	sdelay $0x1  }
0x142: {  	v7 =	vadd.f32 v8, v7;
	_ =	sdelay $0x1  }
0x143: {  	v8 =	vmul.f32 $1.442695020e+00, v7;
	_ =	sdelay $0x1  }
0x144: {  	(erf) = vpow2.f32 v8;
	_ =	sdelay $0x8  }
0x145: {  	v8 =	vpop (erf)  }
0x146: {  	v8 =	vadd.f32 $-1.000000000e+00, v8  }
0x147: {  	vm1 =	vgt.f32 v7, $0.0e+00  }
0x148: {  	v7 =	vsel vm1, v7, v8;
	v8 =	vld [tilespmem:s2+$0x1DE0]  }
0x149: {  	[tilespmem:s2+$0x1DD0] =	vst v7  }
0x14a: {  	v7 =	vld [tilespmem:$0x22E0];
	_ =	sdelay $0x2  }
0x14b: {  	v8 =	vmul.f32 v6, v8;
	_ =	sdelay $0x1  }
0x14c: {  	v7 =	vadd.f32 v8, v7;
	_ =	sdelay $0x1  }
0x14d: {  	v8 =	vmul.f32 $1.442695020e+00, v7;
	_ =	sdelay $0x1  }
0x14e: {  	(erf) = vpow2.f32 v8;
	_ =	sdelay $0x8  }
0x14f: {  	v8 =	vpop (erf)  }
0x150: {  	v8 =	vadd.f32 $-1.000000000e+00, v8  }
0x151: {  	vm1 =	vgt.f32 v7, $0.0e+00  }
0x152: {  	v7 =	vsel vm1, v7, v8;
	v8 =	vld [tilespmem:s2+$0x1DF0]  }
0x153: {  	[tilespmem:s2+$0x1DE0] =	vst v7  }
0x154: {  	v7 =	vld [tilespmem:$0x22F0];
	_ =	sdelay $0x2  }
0x155: {  	v8 =	vmul.f32 v8, v6;
	_ =	sdelay $0x1  }
0x156: {  	v7 =	vadd.f32 v7, v8;
	_ =	sdelay $0x1  }
0x157: {  	v8 =	vmul.f32 $1.442695020e+00, v7;
	_ =	sdelay $0x1  }
0x158: {  	(erf) = vpow2.f32 v8  }
.Ltmp9:
0x159: {  	(pc) =	sbr.rel @p0 .LBB2_17-.Ltmp9, $2  }
0x15a: {  	_ =	sdelay $0x2  }
0x15b: {  	s14 =	sshra.s32 s16, $0x2;
	s16 =	sadd.s32 $0x140, s16  }
0x15c: {  	v8 =	vld [tilespmem:s14+$0x1E10];
	_ =	sdelay $0x2  }
0x15d: {  	v9 =	vpop (erf)  }
0x15e: {  	v9 =	vadd.f32 $-1.000000000e+00, v9  }
0x15f: {  	vm1 =	vgt.f32 v7, $0.0e+00;
	(v2sf) =	vpush v8, $0x0  }
0x160: {  	v59 =	vld [tilespmem:s2+$0x1E00];
	v7 =	vsel vm1, v7, v9  }
0x161: {  	[tilespmem:s2+$0x1DF0] =	vst v7  }
0x162: {  	v7 =	vld [tilespmem:$0x2300];
	_ =	sdelay $0x2  }
0x163: {  	v6 =	vmul.f32 v59, v6;
	_ =	sdelay $0x1  }
0x164: {  	v6 =	vadd.f32 v7, v6;
	_ =	sdelay $0x1  }
0x165: {  	v7 =	vmul.f32 $1.442695020e+00, v6;
	_ =	sdelay $0x1  }
0x166: {  	(erf) = vpow2.f32 v7;
	_ =	sdelay $0x2  }
0x167: {  	s1 =	spop (v2sf)  }
0x168: {  	s1 =	sadd.f32 $1.000000020e-16, s1;
	_ =	sdelay $0x1  }
0x169: {  	v7 =	vmov s1  }
0x16a: {  	(erf) = vrcp.f32 v7;
	_ =	sdelay $0x1  }
0x16b: {  	v7 =	vpop (erf)  }
0x16c: {  	v7 =	vadd.f32 $-1.000000000e+00, v7  }
0x16d: {  	vm1 =	vgt.f32 v6, $0.0e+00  }
0x16e: {  	v60 =	vld [tilespmem:s14+$0x1DD0];
	v6 =	vsel vm1, v6, v7  }
0x16f: {  	[tilespmem:s2+$0x1E00] =	vst v6  }
0x170: {  	v6 =	vld [tilespmem:$0x22D0];
	_ =	sdelay $0x1  }
0x171: {  	v7 =	vpop (erf)  }
0x172: {  	v8 =	vmul.f32 v7, v60;
	_ =	sdelay $0x1  }
0x173: {  	v6 =	vadd.f32 v8, v6;
	_ =	sdelay $0x1  }
0x174: {  	v8 =	vmul.f32 $1.442695020e+00, v6;
	_ =	sdelay $0x1  }
0x175: {  	(erf) = vpow2.f32 v8;
	_ =	sdelay $0x8  }
0x176: {  	v8 =	vpop (erf)  }
0x177: {  	v8 =	vadd.f32 $-1.000000000e+00, v8  }
0x178: {  	vm1 =	vgt.f32 v6, $0.0e+00  }
0x179: {  	v61 =	vld [tilespmem:s14+$0x1DE0];
	v6 =	vsel vm1, v6, v8  }
0x17a: {  	[tilespmem:s14+$0x1DD0] =	vst v6  }
0x17b: {  	v6 =	vld [tilespmem:$0x22E0];
	_ =	sdelay $0x2  }
0x17c: {  	v8 =	vmul.f32 v7, v61;
	_ =	sdelay $0x1  }
0x17d: {  	v6 =	vadd.f32 v8, v6;
	_ =	sdelay $0x1  }
0x17e: {  	v8 =	vmul.f32 $1.442695020e+00, v6;
	_ =	sdelay $0x1  }
0x17f: {  	(erf) = vpow2.f32 v8;
	_ =	sdelay $0x8  }
0x180: {  	v8 =	vpop (erf)  }
0x181: {  	v8 =	vadd.f32 $-1.000000000e+00, v8  }
0x182: {  	vm1 =	vgt.f32 v6, $0.0e+00  }
0x183: {  	v62 =	vld [tilespmem:s14+$0x1DF0];
	v6 =	vsel vm1, v6, v8  }
0x184: {  	[tilespmem:s14+$0x1DE0] =	vst v6  }
0x185: {  	v6 =	vld [tilespmem:$0x22F0];
	_ =	sdelay $0x2  }
0x186: {  	v8 =	vmul.f32 v62, v7;
	_ =	sdelay $0x1  }
0x187: {  	v6 =	vadd.f32 v6, v8;
	_ =	sdelay $0x1  }
0x188: {  	v8 =	vmul.f32 $1.442695020e+00, v6;
	_ =	sdelay $0x1  }
0x189: {  	(erf) = vpow2.f32 v8;
	_ =	sdelay $0x8  }
0x18a: {  	v8 =	vpop (erf)  }
0x18b: {  	v8 =	vadd.f32 $-1.000000000e+00, v8  }
0x18c: {  	vm1 =	vgt.f32 v6, $0.0e+00  }
0x18d: {  	v63 =	vld [tilespmem:s14+$0x1E00];
	v6 =	vsel vm1, v6, v8  }
0x18e: {  	[tilespmem:s14+$0x1DF0] =	vst v6  }
0x18f: {  	v6 =	vld [tilespmem:$0x2300];
	_ =	sdelay $0x2  }
0x190: {  	v7 =	vmul.f32 v63, v7;
	_ =	sdelay $0x1  }
0x191: {  	v6 =	vadd.f32 v6, v7;
	_ =	sdelay $0x1  }
0x192: {  	v7 =	vmul.f32 $1.442695020e+00, v6;
	_ =	sdelay $0x1  }
0x193: {  	(erf) = vpow2.f32 v7;
	_ =	sdelay $0x8  }
0x194: {  	v7 =	vpop (erf)  }
0x195: {  	s29 =	sadd.s32 s31, s6;
	v7 =	vadd.f32 $-1.000000000e+00, v7  }
0x196: {  	s0 =	sadd.s32 $0x1, s0;
	s1 =	smul.u32 $0xA, s29;
	vm1 =	vgt.f32 v6, $0.0e+00  }
0x197: {  	p0 =	sne.s32 s0, $0x19;
	v6 =	vsel vm1, v6, v7  }
.Ltmp10:
0x198: {  	s1 =	sadd.s32 s12, s1;
	[tilespmem:s14+$0x1E00] =	vst v6;
	(pc) =	sbr.rel @p0 .LBB2_16-.Ltmp10, $4  }
0x199: {  	[hbm4b:s1+s5] =	stream.linear.scatter [tilespmem:s18], [sflag:$0x4], $0x500, $0x38;
	[tilespmem:$0xB910] =	vst v63  }
0x19a: {  	_ =	swait.ge [sflag:s17], $0x500  }
0x19b: {  	[sflag:s17] =	ssyncset.done $0x0  }
0x19c: {  	[sflag:s17] =	ssyncadd.s32 $0xFFFFFB00  }
0x19d: {  	s30 =	sadd.s32 $0x1, s30  }
0x19e: {  	p0 =	sne.s32 s30, $0x4  }
.Ltmp11:
0x19f: {  	_ = 	snop;
	(pc) =	sbr.rel @p0 .LBB2_4-.Ltmp11, $2  }
0x1a0: {  	_ =	sdelay $0x1  }
0x1a1: {  	[bflag:$0x0] =	sbarrier.arrive $0xFFFF;
	_ =	sdelay $0x1  }
0x1a2: {  	s1 =	rddreg [dreg:$0x8]  }
0x1a3: {  	s0 =	rddreg [dreg:$0x7];
	s1 =	sadd.s32 $0x1, s1  }
0x1a4: {  	p0 =	sne.s32 s1, s0  }
.Ltmp12:
0x1a5: {  	_ = 	snop;
	(pc) =	sbr.rel @p0 .LBB2_1-.Ltmp12, $1  }
0x1a6: {  	_ =	sdelay $0x3  }
0x1a7: {  	_ =	sfence.sel $0x180000  }
0x1a8: {  	[bflag:$0x0] =	sbarrier.arrive $0xFFFF  }
0x1a9: {  	_ =	strace $0x9000004D  }
0x1aa: {  	s0 =	stileid.u32;
	[bflag:$0x2] =	sbarrier.arrive $0xFFFF  }
0x1ab: {  	p0 =	sne.s32 s0, $0x0;
	s0 =	rddreg [dreg:$0x5]  }
0x1ac: {  	s0 =	sadd.s32 @!p0 $0x100000, s0  }
0x1ad: {  	[sflag:s0] =	ssyncadd.tile.s32 @!p0 $0x1;
	_ =	shalt  }
.Lfunc_end2:
_tile_overlayer_lowered:
.L_overlay_start_2:
0x1ae: {  	(tag) =	ssettag $0x2  }
0x1af: {  	s0 =	rddreg [dreg:$0x0];
	s2 =	stileid.u32  }
0x1b0: {  	s1 =	rddreg [dreg:$0x1];
	p0 =	sne.s32 s2, $0x0  }
0x1b1: {  	s3 =	rddreg [dreg:$0x2];
	[bflag:$0x3] =	sbarrier.arrive $0xFFFF;
	s2 =	simm.s32 @!p0 $0x1C04  }
0x1b2: {  	[timem:s3], [sflag:s2] =	dma.local @!p0 [hbm:s0], s1  }
0x1b3: {  	s0 =	simm.s32 @!p0 $0x4  }
0x1b4: {  	_ =	swait.ge @!p0 [sflag:s0], s1  }
0x1b5: {  	s1 =	ssub.s32 @!p0 $0x0, s1;
	[sflag:s0] =	ssyncset.done @!p0 $0x0  }
0x1b6: {  	[sflag:s0] =	ssyncadd.s32 @!p0 s1  }
0x1b7: {  	[bflag:$0x3] =	sbarrier.arrive $0xFFFF  }
0x1b8: {  	_ =	shalt  }

// kernel: kernel.8.cloned.1.call-start
scs
__scs_entry_jumppad:
0x0: {  	(pc) =	sbr.rel $0x88, $3  }
0x1: {  	(tag) =	ssettag $0x0;
	lr =	simm.s32 $0x1  }
0x2: {  	[smem:$0x3F93] =	sst lr;
	_ =	strace $0xD0000000  }
0x3: {  	_ = 	snop  }
0x4: {  	_ = 	snop  }
0x5: {  	_ = 	snop  }
0x6: {  	_ = 	snop  }
0x7: {  	_ = 	snop  }
__scs_overlays_trampoline_lowered:
0x8: {  	[smem:$0x3FA2] =	sst s0  }
0x9: {  	[smem:$0x3FA3] =	sst s1  }
0xa: {  	[smem:$0x3FA4] =	sst s2  }
0xb: {  	[smem:$0x3FA5] =	sst s3  }
0xc: {  	[smem:$0x3FA6] =	sst s4  }
0xd: {  	[smem:$0x3FA7] =	sst s5  }
0xe: {  	[smem:$0x3FA8] =	sst s6  }
0xf: {  	[smem:$0x3FA9] =	sst s7  }
0x10: {  	[smem:$0x3FAA] =	sst s8  }
0x11: {  	[smem:$0x3FAB] =	sst s9;
	s0 =	simm.s32 @!p0 $0x0  }
0x12: {  	s1 =	sld [smem:$0x3F91];
	s0 =	simm.s32 @p0 $0x1  }
0x13: {  	[smem:$0x3FAC] =	sst s0;
	s0 =	simm.s32 @!p1 $0x0  }
0x14: {  	s2 =	sld [smem:$0x3F90];
	s0 =	simm.s32 @p1 $0x1  }
0x15: {  	[smem:$0x3FAD] =	sst s0;
	s0 =	simm.s32 @!p2 $0x0  }
0x16: {  	s3 =	sld [smem:$0x3FDB];
	s0 =	simm.s32 @p2 $0x1  }
0x17: {  	s4 =	simm.s32 $0x1BF5;
	[smem:$0x3FAF] =	sst s0  }
0x18: {  	s0 =	sld [smem:$0x3F92];
	_ =	swait.ge [sflag:s4], $0x0  }
0x19: {  	s7 =	sld [smem:$0x3F93]  }
0x1a: {  	s8 =	sadd.s32 $0xFFFFE003, lr  }
0x1b: {  	s9 =	sadd.s32 $0xFFFFFEF7, lr;
	s5 =	simm.s32 $0xFFFFFFFF;
	p2 =	slt.u32 s8, $0xFFFFF086  }
0x1c: {  	p1 =	slt.u32 s9, $0xF7A;
	s5 =	simm.s32 @!p2 $0x0  }
0x1d: {  	s5 =	simm.s32 @p1 $0x1;
	p0 =	seq.s32 s7, s2  }
0x1e: {  	s7 =	smul.u32 @!p0 $0xF7A, s2;
	p2 =	seq.s32 @!p0 s5, $0x0  }
0x1f: {  	s9 =	smul.u32 $0xF7A, s1;
	s8 =	simm.s32 @!p0 $0x1BF5;
	p2 =	por !p2, p0  }
0x20: {  	[sflag:s8] =	ssyncset.s32 @!p0 $0xFFFFF086;
	s6 =	sadd.s32 @!p0 s3, s7;
	s7 =	simm.s32 @!p0 $0x108  }
0x21: {  	s3 =	sadd.s32 s3, s9;
	s6 =	sadd.s32 @!p0 $0x88, s6;
	s7 =	simm.s32 @p2 $0x1082  }
0x22: {  	[simem:s7], [sflag:s8] =	dma.local @!p0 [hbm:s6], $0xF7A  }
0x23: {  	s9 =	sor.u32 $0xD0000000, s2;
	s6 =	simm.s32 $0x108;
	_ =	swait.ge @!p0 [sflag:s8], $0x0  }
0x24: {  	s3 =	sadd.s32 $0x88, s3;
	s6 =	simm.s32 @!p1 $0x1082;
	[sflag:s4] =	ssyncset.s32 $0xFFFFF086  }
0x25: {  	[simem:s6], [sflag:s4] =	dma.local [hbm:s3], $0xF7A  }
0x26: {  	[smem:$0x3F93] =	sst s1;
	(tag) =	ssettag s2;
	_ =	strace s9  }
0x27: {  	s1 =	sld [smem:$0x3FA3]  }
0x28: {  	s2 =	sld [smem:$0x3FA4]  }
0x29: {  	s4 =	sld [smem:$0x3FA6]  }
0x2a: {  	p0 =	seq.s32 s5, $0x0;
	s5 =	sld [smem:$0x3FA7]  }
0x2b: {  	s6 =	sld [smem:$0x3FA8]  }
0x2c: {  	s7 =	sld [smem:$0x3FA9]  }
0x2d: {  	s3 =	simm.s32 $0x108;
	s8 =	sld [smem:$0x3FAA]  }
0x2e: {  	s3 =	simm.s32 @!p0 $0x1082;
	s9 =	sld [smem:$0x3FAB]  }
0x2f: {  	lr =	sadd.s32 s0, s3;
	s0 =	sld [smem:$0x3FA2]  }
0x30: {  	s3 =	sld [smem:$0x3FA5]  }
0x31: {  	[smem:$0x3FAE] =	sst s10  }
0x32: {  	s10 =	sld [smem:$0x3FAC];
	_ =	sdelay $0x3  }
0x33: {  	p0 =	seq.s32 s10, $0x1;
	s10 =	sld [smem:$0x3FAE];
	_ =	sdelay $0x3  }
0x34: {  	[smem:$0x3FAE] =	sst s10  }
0x35: {  	s10 =	sld [smem:$0x3FAD];
	_ =	sdelay $0x3  }
0x36: {  	p1 =	seq.s32 s10, $0x1;
	s10 =	sld [smem:$0x3FAE];
	_ =	sdelay $0x3  }
0x37: {  	[smem:$0x3FAE] =	sst s10  }
0x38: {  	s10 =	sld [smem:$0x3FAF]  }
0x39: {  	_ = 	snop;
	(pc) =	sbr.ind lr, $3  }
0x3a: {  	_ = 	snop  }
0x3b: {  	_ = 	snop  }
0x3c: {  	p2 =	seq.s32 s10, $0x1;
	s10 =	sld [smem:$0x3FAE]  }
0x3d: {  	_ =	shalt  }
0x3e: {  	_ =	shalt  }
0x3f: {  	_ =	shalt  }
0x40: {  	_ =	shalt  }
0x41: {  	_ =	shalt  }
0x42: {  	_ =	shalt  }
0x43: {  	_ =	shalt  }
0x44: {  	_ =	shalt  }
0x45: {  	_ =	shalt  }
0x46: {  	_ =	shalt  }
0x47: {  	_ =	shalt  }
0x48: {  	_ =	shalt  }
0x49: {  	_ =	shalt  }
0x4a: {  	_ =	shalt  }
0x4b: {  	_ =	shalt  }
0x4c: {  	_ =	shalt  }
0x4d: {  	_ =	shalt  }
0x4e: {  	_ =	shalt  }
0x4f: {  	_ =	shalt  }
0x50: {  	_ =	shalt  }
0x51: {  	_ =	shalt  }
0x52: {  	_ =	shalt  }
0x53: {  	_ =	shalt  }
0x54: {  	_ =	shalt  }
0x55: {  	_ =	shalt  }
0x56: {  	_ =	shalt  }
0x57: {  	_ =	shalt  }
0x58: {  	_ =	shalt  }
0x59: {  	_ =	shalt  }
0x5a: {  	_ =	shalt  }
0x5b: {  	_ =	shalt  }
0x5c: {  	_ =	shalt  }
0x5d: {  	_ =	shalt  }
0x5e: {  	_ =	shalt  }
0x5f: {  	_ =	shalt  }
0x60: {  	_ =	shalt  }
0x61: {  	_ =	shalt  }
0x62: {  	_ =	shalt  }
0x63: {  	_ =	shalt  }
0x64: {  	_ =	shalt  }
0x65: {  	_ =	shalt  }
0x66: {  	_ =	shalt  }
0x67: {  	_ =	shalt  }
0x68: {  	_ =	shalt  }
0x69: {  	_ =	shalt  }
0x6a: {  	_ =	shalt  }
0x6b: {  	_ =	shalt  }
0x6c: {  	_ =	shalt  }
0x6d: {  	_ =	shalt  }
0x6e: {  	_ =	shalt  }
0x6f: {  	_ =	shalt  }
0x70: {  	_ =	shalt  }
0x71: {  	_ =	shalt  }
0x72: {  	_ =	shalt  }
0x73: {  	_ =	shalt  }
0x74: {  	_ =	shalt  }
0x75: {  	_ =	shalt  }
0x76: {  	_ =	shalt  }
0x77: {  	_ =	shalt  }
0x78: {  	_ =	shalt  }
0x79: {  	_ =	shalt  }
0x7a: {  	_ =	shalt  }
0x7b: {  	_ =	shalt  }
0x7c: {  	_ =	shalt  }
0x7d: {  	_ =	shalt  }
0x7e: {  	_ =	shalt  }
0x7f: {  	_ =	shalt  }
0x80: {  	_ =	shalt  }
0x81: {  	_ =	shalt  }
0x82: {  	_ =	shalt  }
0x83: {  	_ =	shalt  }
0x84: {  	_ =	shalt  }
0x85: {  	_ =	shalt  }
0x86: {  	_ =	shalt  }
0x87: {  	_ =	shalt  }
.Lfunc_end0:
.L_simem_size_0:
called_computation_lowered:
.L_overlay_start_0:
0x88: {  	s2 =	sld [smem:$0x3FD9]  }
0x89: {  	s3 =	sld [smem:$0x3FFE];
	_ =	sdelay $0x1  }
0x8a: {  	s1 =	srdreg.scid  }
0x8b: {  	s0 =	sand.u32 $0x1, s1  }
0x8c: {  	s17 =	sshll.u32 s0, $0xA;
	s2 =	sadd.s32 s3, s2  }
0x8d: {  	s2 =	sadd.s32 s2, s17  }
0x8e: {  	[smem:$0x3FBA] =	sst s2  }
0x8f: {  	_ = 	snop  }
0x90: {  	s2 =	sld [smem:$0x3FC4]  }
0x91: {  	s18 =	sld [smem:$0x3FD0];
	(tm) =	ssettm $0x1  }
0x92: {  	s4 =	sld [smem:$0x3FFB];
	_ =	sdelay $0x3  }
0x93: {  	_ =	strace s4  }
0x94: {  	s4 =	sld [smem:$0x3FFC];
	_ =	sdelay $0x3  }
0x95: {  	_ =	strace s4  }
0x96: {  	s4 =	sld [smem:$0x3FFD];
	_ =	sdelay $0x3  }
0x97: {  	_ =	strace s4  }
0x98: {  	_ =	strace $0x8FFFFFFF  }
0x99: {  	s19 =	sld [smem:$0x3FDB];
	_ =	sdelay $0x1  }
0x9a: {  	s5 =	simm.s32 $_scs_section_size  }
0x9b: {  	s6 =	simm.s32 $_size__tile_overlayer_lowered;
	s7 =	simm.s32 $_tile_overlayer_lowered  }
0x9c: {  	s22 =	simm.s32 $0x1BFF;
	s21 =	sshll.u32 s7, $0x1;
	s4 =	sadd.s32 s5, s19  }
0x9d: {  	s8 =	simm.s32 $0x0;
	s20 =	sshll.u32 s6, $0x1;
	s6 =	sadd.s32 s21, s4  }
0x9e: {  	[timem:s8], [sflag:s22] =	dma.local [hbm:s6], s20  }
0x9f: {  	_ =	swait.ge [sflag:s22], s20  }
0xa0: {  	s5 =	ssub.s32 $0x0, s20;
	[sflag:s22] =	ssyncset.done $0x0  }
0xa1: {  	[sflag:s22] =	ssyncadd.s32 s5;
	_ =	sdelay $0x1  }
0xa2: {  	s23 =	simm.s32 $0x1B8B  }
0xa3: {  	_ =	swait.ge [sflag:s23], $0x1  }
0xa4: {  	[sflag:s23] =	ssyncset.done $0x0  }
0xa5: {  	s25 =	simm.s32 $0x1B8E;
	s24 =	sld [smem:$0x3FFE];
	[sflag:s23] =	ssyncadd.s32 $0xFFFFFFFF  }
0xa6: {  	s26 =	simm.s32 $execute0_lowered;
	[smem:$0x3FD2] =	sst s25  }
0xa7: {  	s6 =	sshll.u32 s26, $0x1;
	_ =	strace $0x80000046;
	[dreg:$0x1] =	wrdreg $0xFFFFFFFF  }
0xa8: {  	s28 =	simm.s32 $_size_execute0_lowered;
	s4 =	sadd.s32 s4, s6;
	[dreg:$0x0] =	wrdreg $0x0  }
0xa9: {  	s6 =	sshll.u32 s28, $0x1;
	[dreg:$0x2] =	wrdreg s4  }
0xaa: {  	[dreg:$0x3] =	wrdreg s6  }
0xab: {  	[dreg:$0x4] =	wrdreg $0xC0  }
0xac: {  	_ =	task [dreg:s8], $0x5FFFF  }
0xad: {  	[dreg:$0x1] =	wrdreg $0xFFFFFFFF  }
0xae: {  	[dreg:$0x0] =	wrdreg $0x60  }
0xaf: {  	[dreg:$0x2] =	wrdreg s24  }
0xb0: {  	[dreg:$0x3] =	wrdreg s18  }
0xb1: {  	[dreg:$0x4] =	wrdreg s2  }
0xb2: {  	[dreg:$0x5] =	wrdreg $0x3BD00  }
0xb3: {  	[dreg:$0x6] =	wrdreg $0x1E4D00  }
0xb4: {  	[dreg:$0x7] =	wrdreg $0x9  }
0xb5: {  	_ =	task.clear_ibuf [dreg:s8], $0x8FFFF;
	_ =	strace $0x90000046  }
0xb6: {  	s29 =	simm.s32 $0x9;
	_ =	strace $0x80000048  }
0xb7: {  	_ =	swait.ge [sflag:s29], $0x1  }
0xb8: {  	[sflag:s29] =	ssyncadd.s32 $0xFFFFFFFF  }
0xb9: {  	_ =	strace $0x90000048  }
0xba: {  	_ =	sfence  }
0xbb: {  	s30 =	sld [smem:$0x0];
	_ =	sdelay $0x2  }
0xbc: {  	s31 =	sshll.u32 s1, $0xD;
	s1 =	sshrl.u32 s1, $0x2  }
0xbd: {  	s3 =	sand.u32 $0x4000, s31;
	s1 =	sadd.s32 s1, s30  }
0xbe: {  	s0 =	sor.u32 s3, s0;
	s1 =	sshll.u32 s1, $0x11  }
0xbf: {  	s0 =	sor.u32 s1, s0  }
0xc0: {  	s0 =	sadd.s32 $0x8F2B, s0  }
0xc1: {  	[sflag:s0] =	ssyncadd.remote.s32 $0x1  }
0xc2: {  	_ =	sfence.sel $0xFFFF  }
0xc3: {  	[dreg:$0x0] =	wrdreg $0xFFFFFFFF;
	(pc) =	sbr.abs _section_cstart, $3  }
0xc4: {  	[dreg:$0x1] =	wrdreg $0xFFFFFFFF  }
0xc5: {  	_ =	task.clear_ibuf [dreg:s8], $0x2FFFF;
	_ =	strace $0x9FFFFFFF  }
0xc6: {  	(tm) =	ssettm $0x7FFFFFFF  }
0xc7: {  	_ =	shalt  }
tec
execute0_lowered:
.L_overlay_start_1:
0x0: {  	(tag) =	ssettag $0x1  }
0x1: {  	v0 =	vimm.s32 $0x433;
	vm0 =	vcmask $0x300;
	vm1 =	vcmask $0x704  }
0x2: {  	vm2 =	vcmask $0xB08;
	vm3 =	vcmask $0xF0C;
	vm4 =	vcmask $0x1310  }
0x3: {  	v1 =	vimm.s32 $0x873;
	v2 =	vimm.s32 $0xCB3;
	v3 =	vimm.s32 $0x10F3  }
0x4: {  	v10 =	vimm.s32 $0xB0A0908;
	v11 =	vimm.s32 $0x1B1A1918;
	v12 =	vimm.s32 $0x4B4A4948  }
0x5: {  	v13 =	vimm.s32 $0x5B5A5958;
	v14 =	vimm.s32 $0xABAAA9A8;
	v15 =	vimm.s32 $0xBBBAB9B8  }
0x6: {  	v16 =	vimm.s32 $0xDBDAD9D8;
	v0 =	vsel vm0, $0x100, v0;
	v1 =	vsel vm0, $0x540, v1  }
0x7: {  	v2 =	vsel vm0, $0x980, v2;
	v3 =	vsel vm0, $0xDC0, v3;
	vm0 =	vcmask $0x1714  }
0x8: {  	v12 =	vunpack.c.0.s8.s32 v12;
	v13 =	vunpack.c.0.s8.s32 v13;
	v14 =	vunpack.c.0.s8.s32 v14  }
0x9: {  	v15 =	vunpack.c.0.s8.s32 v15;
	v16 =	vunpack.c.0.s8.s32 v16;
	v0 =	vsel vm1, $0x101, v0  }
0xa: {  	v1 =	vsel vm1, $0x541, v1;
	v2 =	vsel vm1, $0x981, v2;
	v3 =	vsel vm1, $0xDC1, v3  }
0xb: {  	vm1 =	vcmask $0x1B18;
	v0 =	vsel vm2, $0x102, v0;
	v1 =	vsel vm2, $0x542, v1  }
0xc: {  	v2 =	vsel vm2, $0x982, v2;
	v3 =	vsel vm2, $0xDC2, v3;
	vm2 =	vcmask $0x1F1C  }
0xd: {  	v0 =	vsel vm3, $0x103, v0;
	v1 =	vsel vm3, $0x543, v1;
	v2 =	vsel vm3, $0x983, v2  }
0xe: {  	v3 =	vsel vm3, $0xDC3, v3;
	v0 =	vsel vm4, $0x210, v0;
	v1 =	vsel vm4, $0x650, v1  }
0xf: {  	v2 =	vsel vm4, $0xA90, v2;
	v3 =	vsel vm4, $0xED0, v3;
	v0 =	vsel vm0, $0x211, v0  }
0x10: {  	v1 =	vsel vm0, $0x651, v1;
	v2 =	vsel vm0, $0xA91, v2;
	v3 =	vsel vm0, $0xED1, v3  }
0x11: {  	vm0 =	vcmask $0x2320;
	v0 =	vsel vm1, $0x212, v0;
	v1 =	vsel vm1, $0x652, v1  }
0x12: {  	v2 =	vsel vm1, $0xA92, v2;
	v3 =	vsel vm1, $0xED2, v3;
	vm1 =	vcmask $0x2724  }
0x13: {  	v0 =	vsel vm2, $0x213, v0;
	v1 =	vsel vm2, $0x653, v1;
	v2 =	vsel vm2, $0xA93, v2  }
0x14: {  	v3 =	vsel vm2, $0xED3, v3;
	v0 =	vsel vm0, $0x320, v0;
	v1 =	vsel vm0, $0x760, v1  }
0x15: {  	v2 =	vsel vm0, $0xBA0, v2;
	v3 =	vsel vm0, $0xFE0, v3;
	vm0 =	vcmask $0x2B28  }
0x16: {  	v0 =	vsel vm1, $0x321, v0;
	v1 =	vsel vm1, $0x761, v1;
	v2 =	vsel vm1, $0xBA1, v2  }
0x17: {  	v3 =	vsel vm1, $0xFE1, v3;
	v4 =	vsel vm0, $0x322, v0;
	v1 =	vsel vm0, $0x762, v1  }
0x18: {  	v2 =	vsel vm0, $0xBA2, v2;
	v3 =	vsel vm0, $0xFE2, v3;
	vm0 =	vcmask $0x2F2C  }
0x19: {  	v0 =	vimm.s32 $0x7D0;
	v4 =	vsel vm0, $0x323, v4;
	v5 =	vsel vm0, $0x763, v1  }
0x1a: {  	v2 =	vsel vm0, $0xBA3, v2;
	v3 =	vsel vm0, $0xFE3, v3;
	vm0 =	vcmask $0x3330  }
0x1b: {  	v1 =	vimm.f32 $0.0e+00;
	v4 =	vsel vm0, $0x430, v4;
	v5 =	vsel vm0, $0x870, v5  }
0x1c: {  	v2 =	vsel vm0, $0xCB0, v2;
	v3 =	vsel vm0, $0x10F0, v3;
	vm0 =	vcmask $0x3734  }
0x1d: {  	v4 =	vsel vm0, $0x431, v4;
	v5 =	vsel vm0, $0x871, v5;
	v6 =	vsel vm0, $0xCB1, v2  }
0x1e: {  	v7 =	vsel vm0, $0x10F1, v3;
	vm0 =	vcmask $0x3B38;
	v3 =	vimm.s32 $0x2B2A2928  }
0x1f: {  	v2 =	vsel vm0, $0x432, v4;
	v8 =	vunpack.c.0.s8.s32 v3;
	v3 =	vimm.s32 $0x3B3A3938  }
0x20: {  	s0 =	rddreg [dreg:$0x0];
	v4 =	vsel vm0, $0xCB2, v6;
	v6 =	vunpack.c.0.s8.s32 v10;
	v10 =	vimm.s32 $0x6B6A6968  }
0x21: {  	s2 =	rddreg [dreg:$0x3];
	v9 =	vunpack.c.0.s8.s32 v3;
	v3 =	vsel vm0, $0x872, v5;
	v5 =	vsel vm0, $0x10F2, v7  }
0x22: {  	s4 =	rddreg [dreg:$0x4];
	s5 =	simm.s32 $0x0;
	s1 =	srdreg.scid;
	vm0 =	vcmask $0x1F10;
	v7 =	vunpack.c.0.s8.s32 v11;
	v11 =	vimm.s32 $0x7B7A7978  }
0x23: {  	s13 =	stileid.u32;
	s17 =	simm.s32 $0x4;
	s18 =	simm.s32 $0x29D0;
	v10 =	vunpack.c.0.s8.s32 v10;
	v11 =	vunpack.c.0.s8.s32 v11;
	v8 =	vsel vm0, v9, v8  }
0x24: {  	s20 =	simm.s32 $0x1;
	s21 =	simm.s32 $0x7E0;
	s22 =	simm.s32 $0x17D0;
	v9 =	vsel vm0, v7, v6;
	v6 =	vimm.s32 $0x8B8A8988;
	v7 =	vimm.s32 $0x9B9A9998  }
0x25: {  	s23 =	simm.s32 $0x28D0;
	s24 =	simm.s32 $0x2;
	s25 =	simm.s32 $0xFC0;
	v10 =	vsel vm0, v11, v10;
	v11 =	vsel vm0, v13, v12;
	v12 =	vsel vm0, v15, v14  }
0x26: {  	s26 =	simm.s32 $0x3;
	s31 =	simm.s32 $0x0;
	s7 =	sadd.s32 $0x3E8A00, s0;
	v6 =	vunpack.c.0.s8.s32 v6;
	v13 =	vimm.s32 $0xEBEAE9E8;
	v7 =	vunpack.c.0.s8.s32 v7  }
0x27: {  	[smem:$0x7FF] =	sst s5;
	s8 =	sand.u32 $0x1, s1;
	s3 =	smul.u32 $0x6400, s13;
	v14 =	vimm.s32 $0xFBFAF9F8;
	v15 =	vimm.s32 $0xCBCAC9C8;
	v8 =	vcombine.low v9, v8  }
0x28: {  	s9 =	sadd.s32 $0x19200, s0;
	s10 =	sadd.s32 $0xA00, s0;
	s14 =	smul.u32 $0x6A400, s13;
	v13 =	vunpack.c.0.s8.s32 v13;
	v14 =	vunpack.c.0.s8.s32 v14;
	v15 =	vunpack.c.0.s8.s32 v15  }
0x29: {  	s11 =	sadd.s32 $0x31A00, s0;
	s12 =	smul.u32 $0xC350, s13;
	s1 =	ssub.s32 $0x2, s8;
	v10 =	vcombine.low v11, v10;
	v17 =	vsel vm0, v7, v6;
	v6 =	vimm.s32 $0x0  }
0x2a: {  	s13 =	smul.u32 $0x190, s13;
	_ =	strace $0x80000047;
	s6 =	sshrl.u32 s1, $0x1;
	v7 =	vlaneseq.u32;
	v13 =	vsel vm0, v14, v13;
	v14 =	vsel vm0, v16, v15  }
0x2b: {  	s29 =	sshrl.u32 s3, $0x2;
	s30 =	sshrl.u32 s14, $0x2;
	s28 =	ssub.s32 s1, s6;
	v12 =	vcombine.low v17, v12;
	v9 =	vshrl.u32 v7, $0x2;
	v14 =	vcombine.low v14, v13  }
0x2c: {  	s1 =	sadd.s32 s29, s4;
	s15 =	sadd.s32 s30, s2;
	s0 =	smax.u32 s28, $0x1;
	vm0 =	vmmov $0xffff;
	v11 =	vor.u32 $0x4, v9;
	v13 =	vor.u32 $0x8, v9  }
0x2d: {  	s19 =	sshrl.u32 s1, $0x3;
	s1 =	simm.s32 $0x0;
	[dreg:$0x6] =	wrdreg s0;
	v15 =	vor.u32 $0xC, v9;
	v12 =	vand.u32 $0xFF, v12;
	v14 =	vand.u32 $0xFF, v14  }
.LBB2_1:
0x2e: {  	[dreg:$0x7] =	wrdreg s1  }
0x2f: {  	s0 =	rddreg [dreg:$0x2];
	s30 =	simm.s32 $0x3AD0  }
0x30: {  	[tilespmem:s30], [sflag:$0x4] =	stream.linear.gather [hbm4b:s0+s5], $0x100, $0x38;
	[tilespmem:$0x1FDD0] =	vst v63  }
0x31: {  	_ =	swait.ge [sflag:s17], $0x100  }
0x32: {  	[sflag:s17] =	ssyncset.done $0x0  }
0x33: {  	s1 =	simm.s32 $0x0;
	s0 =	simm.s32 $0x40;
	[sflag:s17] =	ssyncadd.s32 $0xFFFFFF00  }
.LBB2_2:
0x34: {  	p0 =	sne.s32 s0, $0x2000;
	[tilespmem:s1+$0xFC0] =	vst v0;
	s1 =	smov.u32 s0;
	s0 =	sadd.s32 $0x40, s0  }
.Ltmp0:
0x35: {  	(pc) =	sbr.rel @p0 .LBB2_2-.Ltmp0, $2  }
0x36: {  	_ =	sdelay $0x2  }
0x37: {  	s1 =	sshra.s32 s1, $0x2  }
0x38: {  	[tilespmem:s1+$0xFC0] =	vst v0;
	s29 =	simm.s32 $0x0  }
.LBB2_4:
0x39: {  	s0 =	simm.s32 $0x0;
	s1 =	simm.s32 $0x440  }
.LBB2_5:
0x3a: {  	p0 =	sne.s32 s1, $0x3FC0;
	[tilespmem:s0+$0x2AD0] =	vst v1  }
0x3b: {  	[tilespmem:s0+$0x29D0] =	vst v1  }
0x3c: {  	[tilespmem:s0+$0x29E0] =	vst v1  }
0x3d: {  	[tilespmem:s0+$0x29F0] =	vst v1  }
0x3e: {  	[tilespmem:s0+$0x2A00] =	vst v1  }
0x3f: {  	[tilespmem:s0+$0x2A10] =	vst v1  }
0x40: {  	[tilespmem:s0+$0x2A20] =	vst v1  }
0x41: {  	[tilespmem:s0+$0x2A30] =	vst v1  }
0x42: {  	[tilespmem:s0+$0x2A40] =	vst v1  }
0x43: {  	[tilespmem:s0+$0x2A50] =	vst v1  }
0x44: {  	[tilespmem:s0+$0x2A60] =	vst v1  }
0x45: {  	[tilespmem:s0+$0x2A70] =	vst v1  }
.Ltmp1:
0x46: {  	[tilespmem:s0+$0x2A80] =	vst v1;
	(pc) =	sbr.rel @p0 .LBB2_5-.Ltmp1, $4  }
0x47: {  	[tilespmem:s0+$0x2A90] =	vst v1  }
0x48: {  	[tilespmem:s0+$0x2AA0] =	vst v1  }
0x49: {  	[tilespmem:s0+$0x2AB0] =	vst v1  }
0x4a: {  	[tilespmem:s0+$0x2AC0] =	vst v1;
	s0 =	sshra.s32 s1, $0x2;
	s1 =	sadd.s32 $0x440, s1  }
0x4b: {  	[tilespmem:s0+$0x2AD0] =	vst v1  }
0x4c: {  	[tilespmem:s0+$0x29D0] =	vst v1  }
0x4d: {  	[tilespmem:s0+$0x29E0] =	vst v1  }
0x4e: {  	[tilespmem:s0+$0x29F0] =	vst v1  }
0x4f: {  	[tilespmem:s0+$0x2A00] =	vst v1  }
0x50: {  	[tilespmem:s0+$0x2A10] =	vst v1  }
0x51: {  	[tilespmem:s0+$0x2A20] =	vst v1  }
0x52: {  	[tilespmem:s0+$0x2A30] =	vst v1  }
0x53: {  	[tilespmem:s0+$0x2A40] =	vst v1  }
0x54: {  	[tilespmem:s0+$0x2A50] =	vst v1  }
0x55: {  	[tilespmem:s0+$0x2A60] =	vst v1  }
0x56: {  	[tilespmem:s0+$0x2A70] =	vst v1  }
0x57: {  	[tilespmem:s0+$0x2A80] =	vst v1  }
0x58: {  	[tilespmem:s0+$0x2A90] =	vst v1  }
0x59: {  	[tilespmem:s0+$0x2AA0] =	vst v1  }
0x5a: {  	[tilespmem:s0+$0x2AB0] =	vst v1  }
0x5b: {  	[tilespmem:s0+$0x2AC0] =	vst v1;
	s30 =	sadd.s32 $0x0, s15  }
0x5c: {  	[spmem:s30] =	stream.linear.scatter [tilespmem:s18], [sflag:$0x4], $0x1100, $0x38;
	[tilespmem:$0x1FDD0] =	vst v63  }
0x5d: {  	s0 =	simm.s32 $0x4400;
	_ =	swait.ge [sflag:s17], $0x1100  }
.LBB2_7:
0x5e: {  	s1 =	sshra.s32 s0, $0x2;
	[sflag:s17] =	ssyncset.done $0x0;
	p0 =	sne.s32 s0, $0x66000  }
.Ltmp2:
0x5f: {  	s1 =	sadd.s32 s1, s15;
	[sflag:s17] =	ssyncadd.s32 $0xFFFFEF00;
	(pc) =	sbr.rel @p0 .LBB2_7-.Ltmp2, $3  }
0x60: {  	[spmem:s1] =	stream.linear.scatter [tilespmem:s18], [sflag:$0x4], $0x1100, $0x38;
	[tilespmem:$0x1FDD0] =	vst v63  }
0x61: {  	s0 =	sadd.s32 $0x4400, s0;
	_ =	sdelay $0x1  }
0x62: {  	_ =	swait.ge [sflag:s17], $0x1100  }
0x63: {  	s0 =	sshll.u32 s29, $0x1  }
0x64: {  	s0 =	sor.u32 s8, s0  }
0x65: {  	s30 =	smul.u32 $0x1900, s0  }
0x66: {  	[sflag:s17] =	ssyncset.done $0x0  }
0x67: {  	s1 =	stileid.u32;
	[sflag:s17] =	ssyncadd.s32 $0xFFFFEF00;
	s0 =	sadd.s32 s13, s30  }
0x68: {  	s1 =	sshll.u32 s1, $0x6;
	s3 =	rddreg [dreg:$0x1];
	s0 =	sshll.u32 s0, $0x1  }
0x69: {  	s1 =	sor.u32 $0x1C04, s1;
	s0 =	sadd.s32 s3, s0  }
0x6a: {  	[spmem:s19], [sflag:s1] =	dma.local [hbm:s0], $0x320  }
.Ltmp3:
0x6b: {  	_ =	swait.ge [sflag:s17], $0x320;
	(pc) =	sbr.rel .LBB2_9-.Ltmp3, $4  }
0x6c: {  	[sflag:s17] =	ssyncset.done $0x0  }
0x6d: {  	[sflag:s17] =	ssyncadd.s32 $0xFFFFFCE0  }
0x6e: {  	s28 =	sadd.s32 $0x1900, s30;
	[bflag:$0x0] =	sbarrier.arrive $0xFFFF  }
0x6f: {  	v16 =	vmov s30;
	v17 =	vmov s28;
	s3 =	simm.s32 $0x0  }
.LBB2_16:
0x70: {  	s3 =	sadd.s32 $0x1, s3  }
0x71: {  	p0 =	sne.s32 s3, $0x19  }
.Ltmp4:
0x72: {  	_ = 	snop;
	(pc) =	sbr.rel @!p0 .LBB2_17-.Ltmp4, $1  }
0x73: {  	_ =	sdelay $0x3  }
.LBB2_9:
0x74: {  	s0 =	smul.u32 $0x7D0, s3;
	_ =	sdelay $0x1  }
0x75: {  	s0 =	sadd.s32 s12, s0  }
0x76: {  	s0 =	sshrl.u32 s0, $0x3  }
0x77: {  	s1 =	sadd.s32 s9, s0  }
0x78: {  	[tilespmem:s31], [sflag:$0x4] =	stream.linear.gather [hbm4b:s1+s31], $0x7D0, $0x38;
	[tilespmem:$0x1FDD0] =	vst v63  }
0x79: {  	_ =	swait.ge [sflag:s17], $0x7D0  }
0x7a: {  	[sflag:s17] =	ssyncset.done $0x0  }
0x7b: {  	s28 =	simm.s32 $0x7E0;
	s0 =	sadd.s32 s10, s0;
	[sflag:s17] =	ssyncadd.s32 $0xFFFFF830  }
0x7c: {  	[tilespmem:s28], [sflag:$0x4] =	stream.linear.gather [hbm4b:s0+s31], $0x7D0, $0x38;
	[tilespmem:$0x1FDD0] =	vst v63  }
0x7d: {  	_ =	swait.ge [sflag:s17], $0x7D0  }
0x7e: {  	[sflag:s17] =	ssyncset.done $0x0  }
0x7f: {  	[sflag:s17] =	ssyncadd.s32 $0xFFFFF830  }
0x80: {  	[tilespmem:$0x7D0] =	vst v6  }
0x81: {  	[tilespmem:$0xFB0] =	vst v16  }
0x82: {  	v18 =	vld [tilespmem:s28+$0x0];
	_ =	sdelay $0x4  }
0x83: {  	vm1 =	vge.s32 v18, v16;
	vm2 =	vlt.s32 v18, v17  }
0x84: {  	vm1 =	vmand vm1, vm2  }
0x85: {  	v18 =	vsel vm1, $0x1, v6  }
0x86: {  	v19 =	vor.u32 s31, v7;
	v20 =	vxor.u32 $0x80000001, v18;
	(xrf0) =	vadd.scan.msk.s32 $0xffff, v18  }
0x87: {  	(xrf1) =	vsort.ascd.msk.u32 $0xffff, v20, v19;
	_ =	sdelay $0x4  }
0x88: {  	v18, _, _ =	vpop (xrf0)  }
0x89: {  	(v2sf) =	vpush v18, $0xF;
	_ =	sdelay $0x7  }
0x8a: {  	_, v18, _ =	vpop (xrf1)  }
0x8b: {  	s6 =	simm.s32 $0x7F0;
	[tilespmem:s31+$0xFC0] =	vst v18  }
0x8c: {  	v18 =	vld [tilespmem:s6+$0x0];
	_ =	sdelay $0x3  }
0x8d: {  	s14 =	simm.s32 $0x20  }
0x8e: {  	s1 =	simm.s32 $0x10;
	s0 =	simm.s32 $0x0;
	vm1 =	vge.s32 v18, v16;
	vm2 =	vlt.s32 v18, v17;
	s16 =	spop (v2sf)  }
.LBB2_10:
0x8f: {  	p0 =	sne.s32 s14, $0x7C0  }
0x90: {  	vm1 =	vmand vm1, vm2;
	s0 =	sadd.s32 s0, s16;
	s16 =	smov.u32 s14;
	s14 =	sadd.s32 $0x10, s14  }
0x91: {  	v18 =	vsel vm1, $0x1, v6  }
0x92: {  	v19 =	vor.u32 s1, v7;
	s1 =	smov.u32 s16;
	v20 =	vxor.u32 $0x80000001, v18;
	(xrf0) =	vadd.scan.msk.s32 $0xffff, v18  }
0x93: {  	(xrf1) =	vsort.ascd.msk.u32 $0xffff, v20, v19;
	_ =	sdelay $0x4  }
0x94: {  	v18, _, _ =	vpop (xrf0)  }
0x95: {  	(v2sf) =	vpush v18, $0xF;
	_ =	sdelay $0x7  }
0x96: {  	_, v18, _ =	vpop (xrf1)  }
0x97: {  	s6 =	sadd.s32 $0x10, s6;
	[tilespmem:s0+$0xFC0] =	vst v18  }
0x98: {  	v18 =	vld [tilespmem:s6+$0x0]  }
.Ltmp5:
0x99: {  	(pc) =	sbr.rel @p0 .LBB2_10-.Ltmp5, $2  }
0x9a: {  	_ =	sdelay $0x2  }
0x9b: {  	vm1 =	vge.s32 v18, v16;
	vm2 =	vlt.s32 v18, v17;
	s16 =	spop (v2sf)  }
0x9c: {  	vm1 =	vmand vm1, vm2  }
0x9d: {  	v18 =	vsel vm1, $0x1, v6  }
0x9e: {  	(xrf0) =	vadd.scan.msk.s32 $0xffff, v18;
	_ =	sdelay $0x5  }
0x9f: {  	v19, _, _ =	vpop (xrf0)  }
0xa0: {  	(v2sf) =	vpush v19, $0xF;
	_ =	sdelay $0x7  }
0xa1: {  	v18 =	vxor.u32 $0x80000001, v18;
	v19 =	vor.u32 s1, v7  }
0xa2: {  	(xrf1) =	vsort.ascd.msk.u32 $0xffff, v18, v19;
	_ =	sdelay $0x5  }
0xa3: {  	s0 =	sadd.s32 s0, s16;
	s16 =	spop (v2sf)  }
0xa4: {  	s6 =	sadd.s32 s0, s16  }
0xa5: {  	s1 =	sadd.s32 $0xF, s6  }
0xa6: {  	s14 =	sand.u32 $0xF, s1  }
0xa7: {  	s28 =	sshra.s32 s1, $0x1F;
	p1 =	slt.s32 s1, $0x1;
	p0 =	sne.s32 s14, $0x0  }
0xa8: {  	s14 =	sshrl.u32 s28, $0x1C;
	p0 =	por !p1, !p0  }
0xa9: {  	s1 =	sadd.s32 s14, s1;
	s14 =	simm.s32 $0x1;
	p0 =	por !p0, !p0  }
0xaa: {  	s1 =	sshra.s32 s1, $0x4;
	s14 =	simm.s32 @!p0 $0x0  }
0xab: {  	_, v18, _ =	vpop (xrf1);
	p0 =	slt.s32 s6, $0x1;
	s1 =	ssub.s32 s1, s14  }
0xac: {  	[tilespmem:s0+$0xFC0] =	vst v18;
	s0 =	sshll.u32 @!p0 s1, $0x4  }
0xad: {  	v18 =	vld @!p0 [tilespmem:s0+$0xFB0]  }
0xae: {  	p1 =	slt.s32 s1, $0x1;
	s6 =	ssub.s32 @!p0 s6, s0  }
.Ltmp6:
0xaf: {  	s6 =	sadd.s32 @!p0 $0x10, s6;
	(pc) =	sbr.rel @p1 .LBB2_16-.Ltmp6, $4  }
0xb0: {  	v20 =	vlaneseq.u32 @!p0;
	v19 =	vmov @!p0 s6  }
0xb1: {  	vm1 =	vgt.s32 @!p0 v19, v20  }
0xb2: {  	v18 =	vnsel @!p0 vm1, $0x7D0, v18  }
0xb3: {  	s16 =	simm.s32 $0x0;
	s14 =	simm.s32 $0x0;
	[tilespmem:s0+$0xFB0] =	vst @!p0 v18  }
.LBB2_12:
0xb4: {  	s0 =	sshll.u32 s14, $0x4  }
0xb5: {  	v18 =	vld [tilespmem:s0+$0xFC0];
	_ =	sdelay $0x7  }
0xb6: {  	v19 =	vld.idx.msk [tilespmem:v18+s5+$0x0], $0xffff  }
0xb7: {  	v18 =	vld.idx.msk [tilespmem:v18+s21+$0x0], $0xffff;
	_ =	sdelay $0x2  }
0xb8: {  	p0 =	seq.s32 s14, $0x0  }
0xb9: {  	s6 =	simm.s32 @!p0 $0x3  }
0xba: {  	_ =	swait.ge @!p0 [sflag:s6], $0x1100;
	v18 =	vsub.s32 v18, v16  }
0xbb: {  	[sflag:s6] =	ssyncset.done @!p0 $0x0  }
0xbc: {  	[sflag:s6] =	ssyncadd.s32 @!p0 $0xFFFFEF00  }
0xbd: {  	[tilespmem:s22], [sflag:$0x1] =	stream.indirect_vreg.gather [hbm4b:s7+s16], $0x110, v19, vm0, $0xb8;
	[tilespmem:$0x1FDD0] =	vst v63  }
0xbe: {  	_ = 	snop  }
0xbf: {  	[tilespmem:s23], [sflag:$0x2] =	stream.indirect_vreg.gather [spmem:s4], $0x10, v18, vm0, $0xb8;
	[tilespmem:$0x1FDD0] =	vst v63  }
0xc0: {  	_ =	swait.ge [sflag:s24], $0x100  }
0xc1: {  	[sflag:s24] =	ssyncset.done $0x0  }
0xc2: {  	[sflag:s24] =	ssyncadd.s32 $0xFFFFFF00  }
0xc3: {  	_ =	swait.ge [sflag:s20], $0x1100  }
0xc4: {  	[sflag:s20] =	ssyncset.done $0x0  }
0xc5: {  	[sflag:s20] =	ssyncadd.s32 $0xFFFFEF00  }
0xc6: {  	v19 =	vld.idx.msk [tilespmem:v2+s22+$0x0], $0xffff  }
0xc7: {  	v20 =	vld.idx.msk [tilespmem:v8+s23+$0x0], $0xffff;
	_ =	sdelay $0x4  }
0xc8: {  	v19 =	vadd.f32 v20, v19;
	_ =	sdelay $0x1  }
0xc9: {  	v20 =	vmul.f32 $2.000000030e-01, v19  }
0xca: {  	vm1 =	vgt.f32 v19, $0.0e+00  }
0xcb: {  	v19 =	vsel vm1, v19, v20  }
0xcc: {  	v19 =	vmul.f32 $1.442695020e+00, v19  }
0xcd: {  	v20 =	vor.u32 s0, v9  }
0xce: {  	(erf) = vpow2.f32 v19;
	_ =	sdelay $0x3  }
0xcf: {  	v19 =	vld.idx.msk [tilespmem:v20+s25+$0x0], $0xffff;
	_ =	sdelay $0x4  }
0xd0: {  	vm1 =	veq.s32 v19, $0x7D0;
	v20 =	vpop (erf)  }
0xd1: {  	v19 =	vsel vm1, $0x0, v20  }
0xd2: {  	[tilespmem:v2+s22+$0x0] =	vst.idx.msk $0xffff, v19  }
0xd3: {  	v19 =	vld.idx.msk [tilespmem:v3+s22+$0x0], $0xffff  }
0xd4: {  	v20 =	vld.idx.msk [tilespmem:v10+s23+$0x0], $0xffff;
	_ =	sdelay $0x4  }
0xd5: {  	v19 =	vadd.f32 v20, v19;
	_ =	sdelay $0x1  }
0xd6: {  	v20 =	vmul.f32 $2.000000030e-01, v19  }
0xd7: {  	vm1 =	vgt.f32 v19, $0.0e+00  }
0xd8: {  	v19 =	vsel vm1, v19, v20  }
0xd9: {  	v19 =	vmul.f32 $1.442695020e+00, v19  }
0xda: {  	v20 =	vor.u32 s0, v11  }
0xdb: {  	(erf) = vpow2.f32 v19;
	_ =	sdelay $0x3  }
0xdc: {  	v19 =	vld.idx.msk [tilespmem:v20+s25+$0x0], $0xffff;
	_ =	sdelay $0x4  }
0xdd: {  	vm1 =	veq.s32 v19, $0x7D0;
	v20 =	vpop (erf)  }
0xde: {  	v19 =	vsel vm1, $0x0, v20  }
0xdf: {  	[tilespmem:v3+s22+$0x0] =	vst.idx.msk $0xffff, v19  }
0xe0: {  	v19 =	vld.idx.msk [tilespmem:v4+s22+$0x0], $0xffff  }
0xe1: {  	v20 =	vld.idx.msk [tilespmem:v12+s23+$0x0], $0xffff;
	_ =	sdelay $0x4  }
0xe2: {  	v19 =	vadd.f32 v20, v19;
	_ =	sdelay $0x1  }
0xe3: {  	v20 =	vmul.f32 $2.000000030e-01, v19  }
0xe4: {  	vm1 =	vgt.f32 v19, $0.0e+00  }
0xe5: {  	v19 =	vsel vm1, v19, v20  }
0xe6: {  	v19 =	vmul.f32 $1.442695020e+00, v19  }
0xe7: {  	v20 =	vor.u32 s0, v13  }
0xe8: {  	(erf) = vpow2.f32 v19;
	_ =	sdelay $0x3  }
0xe9: {  	v19 =	vld.idx.msk [tilespmem:v20+s25+$0x0], $0xffff;
	_ =	sdelay $0x4  }
0xea: {  	vm1 =	veq.s32 v19, $0x7D0;
	v20 =	vpop (erf)  }
0xeb: {  	v19 =	vsel vm1, $0x0, v20  }
0xec: {  	[tilespmem:v4+s22+$0x0] =	vst.idx.msk $0xffff, v19  }
0xed: {  	v19 =	vld.idx.msk [tilespmem:v5+s22+$0x0], $0xffff  }
0xee: {  	v20 =	vld.idx.msk [tilespmem:v14+s23+$0x0], $0xffff;
	_ =	sdelay $0x4  }
0xef: {  	v19 =	vadd.f32 v20, v19;
	_ =	sdelay $0x1  }
0xf0: {  	v20 =	vmul.f32 $2.000000030e-01, v19  }
0xf1: {  	vm1 =	vgt.f32 v19, $0.0e+00  }
0xf2: {  	v19 =	vsel vm1, v19, v20  }
0xf3: {  	v19 =	vmul.f32 $1.442695020e+00, v19  }
0xf4: {  	v20 =	vor.u32 s0, v15  }
0xf5: {  	(erf) = vpow2.f32 v19;
	_ =	sdelay $0x3  }
0xf6: {  	v19 =	vld.idx.msk [tilespmem:v20+s25+$0x0], $0xffff;
	_ =	sdelay $0x4  }
0xf7: {  	vm1 =	veq.s32 v19, $0x7D0;
	v20 =	vpop (erf)  }
0xf8: {  	v19 =	vsel vm1, $0x0, v20  }
0xf9: {  	s28 =	simm.s32 $0x0;
	[tilespmem:v5+s22+$0x0] =	vst.idx.msk $0xffff, v19  }
0xfa: {  	v28 =	vld [tilespmem:s28+$0x1850]  }
0xfb: {  	v29 =	vld [tilespmem:s28+$0x1860]  }
0xfc: {  	v30 =	vld [tilespmem:s28+$0x18A0]  }
0xfd: {  	v33 =	vld [tilespmem:s28+$0x1880]  }
0xfe: {  	v21 =	vld [tilespmem:s28+$0x1830]  }
0xff: {  	v37 =	vld [tilespmem:s28+$0x18C0]  }
0x100: {  	v38 =	vld [tilespmem:s28+$0x18D0]  }
0x101: {  	v25 =	vld [tilespmem:s28+$0x1890]  }
0x102: {  	v27 =	vld [tilespmem:s28+$0x17F0]  }
0x103: {  	v22 =	vld [tilespmem:s28+$0x18B0]  }
0x104: {  	v24 =	vld [tilespmem:s28+$0x1810]  }
0x105: {  	v19 =	vld [tilespmem:s28+$0x17D0];
	v23 =	vbroadcast v38, $0x2  }
0x106: {  	v32 =	vld [tilespmem:s28+$0x1840];
	v26 =	vbroadcast v38, $0x3;
	v20 =	vbroadcast v38, $0x0  }
0x107: {  	v31 =	vld [tilespmem:s28+$0x1800];
	v39 =	vmul.f32 v28, v23;
	v36 =	vmul.f32 v29, v23  }
0x108: {  	v29 =	vld [tilespmem:s28+$0x1870];
	v35 =	vmul.f32 v33, v23;
	v34 =	vmul.f32 v30, v26  }
0x109: {  	s0 =	simm.s32 $0x440;
	v30 =	vld [tilespmem:s28+$0x17E0];
	v28 =	vbroadcast v38, $0x1;
	v33 =	vmul.f32 v37, v26;
	[tilespmem:s28+$0x1850] =	vst v39  }
.LBB2_13:
0x10a: {  	s6 =	sshra.s32 s0, $0x2;
	p0 =	sne.s32 s0, $0x3FC0;
	s0 =	sadd.s32 $0x440, s0;
	v27 =	vmul.f32 v27, v20;
	v37 =	vld [tilespmem:s28+$0x1820];
	[tilespmem:s28+$0x1860] =	vst v36;
	v25 =	vmul.f32 v25, v26  }
0x10b: {  	v36 =	vld [tilespmem:s6+$0x1850];
	v21 =	vmul.f32 v21, v28;
	v32 =	vmul.f32 v32, v28;
	[tilespmem:s28+$0x1880] =	vst v35  }
0x10c: {  	v24 =	vmul.f32 v24, v28;
	v35 =	vld [tilespmem:s6+$0x1860];
	v31 =	vmul.f32 v31, v20;
	[tilespmem:s28+$0x18A0] =	vst v34  }
0x10d: {  	v22 =	vmul.f32 v22, v26;
	v34 =	vld [tilespmem:s6+$0x18A0];
	[tilespmem:s28+$0x1840] =	vst v32;
	v29 =	vmul.f32 v29, v23  }
0x10e: {  	v38 =	vld [tilespmem:s6+$0x1880];
	v30 =	vmul.f32 v30, v20;
	[tilespmem:s28+$0x1830] =	vst v21  }
0x10f: {  	v21 =	vld [tilespmem:s6+$0x1830];
	v28 =	vmul.f32 v37, v28;
	[tilespmem:s28+$0x18C0] =	vst v33  }
0x110: {  	v33 =	vld [tilespmem:s6+$0x18C0];
	[tilespmem:s28+$0x17F0] =	vst v27  }
0x111: {  	v37 =	vld [tilespmem:s6+$0x18D0];
	[tilespmem:s28+$0x1890] =	vst v25  }
0x112: {  	v19 =	vmul.f32 v20, v19;
	v25 =	vld [tilespmem:s6+$0x1890];
	[tilespmem:s28+$0x1800] =	vst v31  }
0x113: {  	v27 =	vld [tilespmem:s6+$0x17F0];
	[tilespmem:s28+$0x18B0] =	vst v22  }
0x114: {  	v22 =	vld [tilespmem:s6+$0x18B0];
	[tilespmem:s28+$0x1810] =	vst v24  }
0x115: {  	v24 =	vld [tilespmem:s6+$0x1810];
	[tilespmem:s28+$0x17D0] =	vst v19  }
.Ltmp7:
0x116: {  	v19 =	vld [tilespmem:s6+$0x17D0];
	v23 =	vbroadcast v37, $0x2;
	v26 =	vbroadcast v37, $0x3;
	[tilespmem:s28+$0x17E0] =	vst v30;
	(pc) =	sbr.rel @p0 .LBB2_13-.Ltmp7, $4  }
0x117: {  	v20 =	vbroadcast v37, $0x0;
	v32 =	vld [tilespmem:s6+$0x1840];
	[tilespmem:s28+$0x1870] =	vst v29  }
0x118: {  	v31 =	vld [tilespmem:s6+$0x1800];
	v39 =	vmul.f32 v36, v23;
	v36 =	vmul.f32 v35, v23;
	[tilespmem:s28+$0x1820] =	vst v28;
	s28 =	smov.u32 s6  }
0x119: {  	v35 =	vmul.f32 v38, v23;
	v34 =	vmul.f32 v34, v26;
	v29 =	vld [tilespmem:s28+$0x1870]  }
0x11a: {  	v28 =	vbroadcast v37, $0x1;
	v33 =	vmul.f32 v33, v26;
	v30 =	vld [tilespmem:s28+$0x17E0];
	[tilespmem:s28+$0x1850] =	vst v39  }
0x11b: {  	[tilespmem:s28+$0x1860] =	vst v36  }
0x11c: {  	[tilespmem:s28+$0x1880] =	vst v35  }
0x11d: {  	[tilespmem:s28+$0x18A0] =	vst v34;
	v27 =	vmul.f32 v27, v20  }
0x11e: {  	v59 =	vmul.f32 v25, v26;
	[tilespmem:s28+$0x18C0] =	vst v33  }
0x11f: {  	v22 =	vmul.f32 v22, v26;
	[tilespmem:s28+$0x17F0] =	vst v27  }
0x120: {  	v19 =	vmul.f32 v20, v19;
	[tilespmem:s28+$0x1890] =	vst v59  }
0x121: {  	v32 =	vmul.f32 v32, v28;
	[tilespmem:s28+$0x18B0] =	vst v22  }
0x122: {  	v37 =	vld [tilespmem:s28+$0x1820];
	v21 =	vmul.f32 v21, v28;
	[tilespmem:s28+$0x17D0] =	vst v19  }
0x123: {  	v61 =	vmul.f32 v24, v28;
	[tilespmem:s28+$0x1840] =	vst v32  }
0x124: {  	s14 =	sadd.s32 $0x1, s14;
	v60 =	vmul.f32 v31, v20;
	[tilespmem:s28+$0x1830] =	vst v21  }
0x125: {  	p0 =	sne.s32 s14, s1;
	[tilespmem:s28+$0x1810] =	vst v61;
	v63 =	vmul.f32 v29, v23  }
.Ltmp8:
0x126: {  	[tilespmem:s28+$0x1800] =	vst v60;
	v62 =	vmul.f32 v30, v20;
	(pc) =	sbr.rel @p0 .LBB2_12-.Ltmp8, $4  }
0x127: {  	v19 =	vmul.f32 v37, v28;
	[tilespmem:s28+$0x1870] =	vst v63  }
0x128: {  	[tilespmem:s28+$0x17E0] =	vst v62  }
0x129: {  	[tilespmem:s28+$0x1820] =	vst v19  }
0x12a: {  	[spmem:s2] =	stream.indirect_vreg.scatter.add.f32 [tilespmem:s22], [sflag:$0x3], $0x110, v18, vm0, $0xb8;
	[tilespmem:$0x1FDD0] =	vst v63  }
.Ltmp9:
0x12b: {  	(pc) =	sbr.rel .LBB2_16-.Ltmp9, $4  }
0x12c: {  	_ = 	snop  }
0x12d: {  	_ =	swait.ge [sflag:s26], $0x1100  }
0x12e: {  	[sflag:s26] =	ssyncset.done $0x0  }
0x12f: {  	[sflag:s26] =	ssyncadd.s32 $0xFFFFEF00  }
.LBB2_17:
0x130: {  	[bflag:$0x0] =	sbarrier.arrive $0xFFFF;
	s1 =	simm.s32 $0x0  }
.LBB2_18:
0x131: {  	s0 =	sshll.u32 s1, $0x4  }
0x132: {  	s3 =	sadd.s32 s13, s0  }
0x133: {  	s0 =	smul.u32 $0x440, s3;
	_ =	sdelay $0x1  }
0x134: {  	s0 =	sshra.s32 s0, $0x2  }
0x135: {  	s0 =	sadd.s32 s0, s2  }
0x136: {  	[tilespmem:s18], [sflag:$0x4] =	stream.linear.gather [spmem:s0], $0x1100, $0x38;
	[tilespmem:$0x1FDD0] =	vst v63  }
0x137: {  	_ =	swait.ge [sflag:s17], $0x1100  }
0x138: {  	[sflag:s17] =	ssyncset.done $0x0  }
0x139: {  	s14 =	simm.s32 $0x0;
	[sflag:s17] =	ssyncadd.s32 $0xFFFFEF00  }
.LBB2_19:
0x13a: {  	s16 =	sshra.s32 s14, $0x2  }
0x13b: {  	v16 =	vld [tilespmem:s16+$0x2AD0];
	_ =	sdelay $0x4  }
0x13c: {  	(v2sf) =	vpush v16, $0x0;
	_ =	sdelay $0xe  }
0x13d: {  	s0 =	spop (v2sf)  }
0x13e: {  	s0 =	sadd.f32 $1.000000020e-16, s0;
	_ =	sdelay $0x1  }
0x13f: {  	v17 =	vmov s0  }
0x140: {  	(erf) = vrcp.f32 v17;
	_ =	sdelay $0x4  }
0x141: {  	v17 =	vld [tilespmem:s16+$0x29D0];
	_ =	sdelay $0x1  }
0x142: {  	v18 =	vld [tilespmem:$0x3AD0];
	_ =	sdelay $0x1  }
0x143: {  	v19 =	vpop (erf)  }
0x144: {  	v17 =	vmul.f32 v19, v17;
	_ =	sdelay $0x1  }
0x145: {  	v17 =	vadd.f32 v17, v18;
	_ =	sdelay $0x1  }
0x146: {  	v18 =	vmul.f32 $1.442695020e+00, v17;
	_ =	sdelay $0x1  }
0x147: {  	(erf) = vpow2.f32 v18;
	_ =	sdelay $0x8  }
0x148: {  	v18 =	vpop (erf)  }
0x149: {  	v18 =	vadd.f32 $-1.000000000e+00, v18  }
0x14a: {  	vm1 =	vgt.f32 v17, $0.0e+00  }
0x14b: {  	v47 =	vld [tilespmem:s16+$0x29E0];
	v17 =	vsel vm1, v17, v18  }
0x14c: {  	[tilespmem:s16+$0x29D0] =	vst v17  }
0x14d: {  	v17 =	vld [tilespmem:$0x3AE0];
	_ =	sdelay $0x2  }
0x14e: {  	v18 =	vmul.f32 v19, v47;
	_ =	sdelay $0x1  }
0x14f: {  	v17 =	vadd.f32 v18, v17;
	_ =	sdelay $0x1  }
0x150: {  	v18 =	vmul.f32 $1.442695020e+00, v17;
	_ =	sdelay $0x1  }
0x151: {  	(erf) = vpow2.f32 v18;
	_ =	sdelay $0x8  }
0x152: {  	v18 =	vpop (erf)  }
0x153: {  	v18 =	vadd.f32 $-1.000000000e+00, v18  }
0x154: {  	vm1 =	vgt.f32 v17, $0.0e+00  }
0x155: {  	v48 =	vld [tilespmem:s16+$0x29F0];
	v17 =	vsel vm1, v17, v18  }
0x156: {  	[tilespmem:s16+$0x29E0] =	vst v17  }
0x157: {  	v17 =	vld [tilespmem:$0x3AF0];
	_ =	sdelay $0x2  }
0x158: {  	v18 =	vmul.f32 v48, v19;
	_ =	sdelay $0x1  }
0x159: {  	v17 =	vadd.f32 v17, v18;
	_ =	sdelay $0x1  }
0x15a: {  	v18 =	vmul.f32 $1.442695020e+00, v17;
	_ =	sdelay $0x1  }
0x15b: {  	(erf) = vpow2.f32 v18;
	_ =	sdelay $0x8  }
0x15c: {  	v18 =	vpop (erf)  }
0x15d: {  	v18 =	vadd.f32 $-1.000000000e+00, v18  }
0x15e: {  	(v2sf) =	vpush v16, $0x1;
	vm1 =	vgt.f32 v17, $0.0e+00  }
0x15f: {  	v49 =	vld [tilespmem:s16+$0x2A00];
	v17 =	vsel vm1, v17, v18  }
0x160: {  	[tilespmem:s16+$0x29F0] =	vst v17  }
0x161: {  	v17 =	vld [tilespmem:$0x3B00];
	_ =	sdelay $0x2  }
0x162: {  	v18 =	vmul.f32 v49, v19;
	_ =	sdelay $0x1  }
0x163: {  	v17 =	vadd.f32 v17, v18;
	_ =	sdelay $0x1  }
0x164: {  	v18 =	vmul.f32 $1.442695020e+00, v17;
	_ =	sdelay $0x1  }
0x165: {  	(erf) = vpow2.f32 v18;
	_ =	sdelay $0x2  }
0x166: {  	s28 =	spop (v2sf)  }
0x167: {  	s0 =	sadd.f32 $1.000000020e-16, s28;
	_ =	sdelay $0x1  }
0x168: {  	v50 =	vmov s0  }
0x169: {  	(erf) = vrcp.f32 v50;
	_ =	sdelay $0x1  }
0x16a: {  	v51 =	vpop (erf)  }
0x16b: {  	v18 =	vadd.f32 $-1.000000000e+00, v51  }
0x16c: {  	vm1 =	vgt.f32 v17, $0.0e+00  }
0x16d: {  	v52 =	vld [tilespmem:s16+$0x2A10];
	v17 =	vsel vm1, v17, v18  }
0x16e: {  	[tilespmem:s16+$0x2A00] =	vst v17  }
0x16f: {  	v17 =	vld [tilespmem:$0x3B10];
	_ =	sdelay $0x1  }
0x170: {  	v53 =	vpop (erf)  }
0x171: {  	v18 =	vmul.f32 v52, v53;
	_ =	sdelay $0x1  }
0x172: {  	v17 =	vadd.f32 v17, v18;
	_ =	sdelay $0x1  }
0x173: {  	v18 =	vmul.f32 $1.442695020e+00, v17;
	_ =	sdelay $0x1  }
0x174: {  	(erf) = vpow2.f32 v18;
	_ =	sdelay $0x8  }
0x175: {  	v18 =	vpop (erf)  }
0x176: {  	v18 =	vadd.f32 $-1.000000000e+00, v18  }
0x177: {  	vm1 =	vgt.f32 v17, $0.0e+00  }
0x178: {  	v54 =	vld [tilespmem:s16+$0x2A20];
	v17 =	vsel vm1, v17, v18  }
0x179: {  	[tilespmem:s16+$0x2A10] =	vst v17  }
0x17a: {  	v17 =	vld [tilespmem:$0x3B20];
	_ =	sdelay $0x2  }
0x17b: {  	v18 =	vmul.f32 v54, v53;
	_ =	sdelay $0x1  }
0x17c: {  	v17 =	vadd.f32 v17, v18;
	_ =	sdelay $0x1  }
0x17d: {  	v18 =	vmul.f32 $1.442695020e+00, v17;
	_ =	sdelay $0x1  }
0x17e: {  	(erf) = vpow2.f32 v18;
	_ =	sdelay $0x8  }
0x17f: {  	v18 =	vpop (erf)  }
0x180: {  	v18 =	vadd.f32 $-1.000000000e+00, v18  }
0x181: {  	vm1 =	vgt.f32 v17, $0.0e+00  }
0x182: {  	v55 =	vld [tilespmem:s16+$0x2A30];
	v17 =	vsel vm1, v17, v18  }
0x183: {  	[tilespmem:s16+$0x2A20] =	vst v17  }
0x184: {  	v17 =	vld [tilespmem:$0x3B30];
	_ =	sdelay $0x2  }
0x185: {  	v18 =	vmul.f32 v55, v53;
	_ =	sdelay $0x1  }
0x186: {  	v17 =	vadd.f32 v17, v18;
	_ =	sdelay $0x1  }
0x187: {  	v18 =	vmul.f32 $1.442695020e+00, v17;
	_ =	sdelay $0x1  }
0x188: {  	(erf) = vpow2.f32 v18;
	_ =	sdelay $0x8  }
0x189: {  	v18 =	vpop (erf)  }
0x18a: {  	v18 =	vadd.f32 $-1.000000000e+00, v18  }
0x18b: {  	(v2sf) =	vpush v16, $0x2;
	vm1 =	vgt.f32 v17, $0.0e+00  }
0x18c: {  	v56 =	vld [tilespmem:s16+$0x2A40];
	v17 =	vsel vm1, v17, v18  }
0x18d: {  	[tilespmem:s16+$0x2A30] =	vst v17  }
0x18e: {  	v17 =	vld [tilespmem:$0x3B40];
	_ =	sdelay $0x2  }
0x18f: {  	v18 =	vmul.f32 v56, v53;
	_ =	sdelay $0x1  }
0x190: {  	v17 =	vadd.f32 v17, v18;
	_ =	sdelay $0x1  }
0x191: {  	v18 =	vmul.f32 $1.442695020e+00, v17;
	_ =	sdelay $0x1  }
0x192: {  	(erf) = vpow2.f32 v18;
	_ =	sdelay $0x2  }
0x193: {  	s6 =	spop (v2sf)  }
0x194: {  	s0 =	sadd.f32 $1.000000020e-16, s6;
	_ =	sdelay $0x1  }
0x195: {  	v57 =	vmov s0  }
0x196: {  	(erf) = vrcp.f32 v57;
	_ =	sdelay $0x1  }
0x197: {  	v58 =	vpop (erf)  }
0x198: {  	v18 =	vadd.f32 $-1.000000000e+00, v58  }
0x199: {  	vm1 =	vgt.f32 v17, $0.0e+00  }
0x19a: {  	v59 =	vld [tilespmem:s16+$0x2A50];
	v17 =	vsel vm1, v17, v18  }
0x19b: {  	[tilespmem:s16+$0x2A40] =	vst v17  }
0x19c: {  	v17 =	vld [tilespmem:$0x3B50];
	_ =	sdelay $0x1  }
0x19d: {  	v60 =	vpop (erf)  }
0x19e: {  	v18 =	vmul.f32 v59, v60;
	_ =	sdelay $0x1  }
0x19f: {  	v17 =	vadd.f32 v17, v18;
	_ =	sdelay $0x1  }
0x1a0: {  	v18 =	vmul.f32 $1.442695020e+00, v17;
	_ =	sdelay $0x1  }
0x1a1: {  	(erf) = vpow2.f32 v18;
	_ =	sdelay $0x8  }
0x1a2: {  	v18 =	vpop (erf)  }
0x1a3: {  	v18 =	vadd.f32 $-1.000000000e+00, v18  }
0x1a4: {  	vm1 =	vgt.f32 v17, $0.0e+00  }
0x1a5: {  	v61 =	vld [tilespmem:s16+$0x2A60];
	v17 =	vsel vm1, v17, v18  }
0x1a6: {  	[tilespmem:s16+$0x2A50] =	vst v17  }
0x1a7: {  	v17 =	vld [tilespmem:$0x3B60];
	_ =	sdelay $0x2  }
0x1a8: {  	v18 =	vmul.f32 v61, v60;
	_ =	sdelay $0x1  }
0x1a9: {  	v17 =	vadd.f32 v17, v18;
	_ =	sdelay $0x1  }
0x1aa: {  	v18 =	vmul.f32 $1.442695020e+00, v17;
	_ =	sdelay $0x1  }
0x1ab: {  	(erf) = vpow2.f32 v18;
	_ =	sdelay $0x8  }
0x1ac: {  	v18 =	vpop (erf)  }
0x1ad: {  	v18 =	vadd.f32 $-1.000000000e+00, v18  }
0x1ae: {  	vm1 =	vgt.f32 v17, $0.0e+00  }
0x1af: {  	v62 =	vld [tilespmem:s16+$0x2A70];
	v17 =	vsel vm1, v17, v18  }
0x1b0: {  	[tilespmem:s16+$0x2A60] =	vst v17  }
0x1b1: {  	v17 =	vld [tilespmem:$0x3B70];
	_ =	sdelay $0x2  }
0x1b2: {  	v18 =	vmul.f32 v62, v60;
	_ =	sdelay $0x1  }
0x1b3: {  	v17 =	vadd.f32 v17, v18;
	_ =	sdelay $0x1  }
0x1b4: {  	v18 =	vmul.f32 $1.442695020e+00, v17;
	_ =	sdelay $0x1  }
0x1b5: {  	(erf) = vpow2.f32 v18;
	_ =	sdelay $0x8  }
0x1b6: {  	v18 =	vpop (erf)  }
0x1b7: {  	v18 =	vadd.f32 $-1.000000000e+00, v18  }
0x1b8: {  	(v2sf) =	vpush v16, $0x3;
	vm1 =	vgt.f32 v17, $0.0e+00  }
0x1b9: {  	v16 =	vsel vm1, v17, v18;
	v17 =	vld [tilespmem:s16+$0x2A80]  }
0x1ba: {  	[tilespmem:s16+$0x2A70] =	vst v16  }
0x1bb: {  	v16 =	vld [tilespmem:$0x3B80];
	_ =	sdelay $0x2  }
0x1bc: {  	v17 =	vmul.f32 v17, v60;
	_ =	sdelay $0x1  }
0x1bd: {  	v16 =	vadd.f32 v16, v17;
	_ =	sdelay $0x1  }
0x1be: {  	v17 =	vmul.f32 $1.442695020e+00, v16;
	_ =	sdelay $0x1  }
0x1bf: {  	(erf) = vpow2.f32 v17;
	_ =	sdelay $0x2  }
0x1c0: {  	s28 =	spop (v2sf)  }
0x1c1: {  	s0 =	sadd.f32 $1.000000020e-16, s28;
	_ =	sdelay $0x1  }
0x1c2: {  	v17 =	vmov s0  }
0x1c3: {  	(erf) = vrcp.f32 v17;
	_ =	sdelay $0x1  }
0x1c4: {  	v17 =	vpop (erf)  }
0x1c5: {  	v17 =	vadd.f32 $-1.000000000e+00, v17  }
0x1c6: {  	vm1 =	vgt.f32 v16, $0.0e+00  }
0x1c7: {  	v16 =	vsel vm1, v16, v17;
	v17 =	vld [tilespmem:s16+$0x2A90]  }
0x1c8: {  	[tilespmem:s16+$0x2A80] =	vst v16  }
0x1c9: {  	v16 =	vld [tilespmem:$0x3B90];
	_ =	sdelay $0x1  }
0x1ca: {  	v63 =	vpop (erf)  }
0x1cb: {  	v17 =	vmul.f32 v17, v63;
	_ =	sdelay $0x1  }
0x1cc: {  	v16 =	vadd.f32 v16, v17;
	_ =	sdelay $0x1  }
0x1cd: {  	v17 =	vmul.f32 $1.442695020e+00, v16;
	_ =	sdelay $0x1  }
0x1ce: {  	(erf) = vpow2.f32 v17;
	_ =	sdelay $0x8  }
0x1cf: {  	v17 =	vpop (erf)  }
0x1d0: {  	v17 =	vadd.f32 $-1.000000000e+00, v17  }
0x1d1: {  	vm1 =	vgt.f32 v16, $0.0e+00  }
0x1d2: {  	v16 =	vsel vm1, v16, v17;
	v17 =	vld [tilespmem:s16+$0x2AA0]  }
0x1d3: {  	[tilespmem:s16+$0x2A90] =	vst v16  }
0x1d4: {  	v16 =	vld [tilespmem:$0x3BA0];
	_ =	sdelay $0x2  }
0x1d5: {  	v17 =	vmul.f32 v17, v63;
	_ =	sdelay $0x1  }
0x1d6: {  	v16 =	vadd.f32 v16, v17;
	_ =	sdelay $0x1  }
0x1d7: {  	v17 =	vmul.f32 $1.442695020e+00, v16;
	_ =	sdelay $0x1  }
0x1d8: {  	(erf) = vpow2.f32 v17;
	_ =	sdelay $0x8  }
0x1d9: {  	v17 =	vpop (erf)  }
0x1da: {  	v17 =	vadd.f32 $-1.000000000e+00, v17  }
0x1db: {  	vm1 =	vgt.f32 v16, $0.0e+00  }
0x1dc: {  	v16 =	vsel vm1, v16, v17;
	v17 =	vld [tilespmem:s16+$0x2AB0]  }
0x1dd: {  	[tilespmem:s16+$0x2AA0] =	vst v16  }
0x1de: {  	v16 =	vld [tilespmem:$0x3BB0];
	_ =	sdelay $0x2  }
0x1df: {  	v17 =	vmul.f32 v17, v63;
	_ =	sdelay $0x1  }
0x1e0: {  	v16 =	vadd.f32 v16, v17;
	_ =	sdelay $0x1  }
0x1e1: {  	v17 =	vmul.f32 $1.442695020e+00, v16;
	_ =	sdelay $0x1  }
0x1e2: {  	(erf) = vpow2.f32 v17;
	_ =	sdelay $0x8  }
0x1e3: {  	v17 =	vpop (erf)  }
0x1e4: {  	v17 =	vadd.f32 $-1.000000000e+00, v17  }
0x1e5: {  	vm1 =	vgt.f32 v16, $0.0e+00  }
0x1e6: {  	v16 =	vsel vm1, v16, v17;
	v17 =	vld [tilespmem:s16+$0x2AC0]  }
0x1e7: {  	[tilespmem:s16+$0x2AB0] =	vst v16  }
0x1e8: {  	v16 =	vld [tilespmem:$0x3BC0];
	_ =	sdelay $0x2  }
0x1e9: {  	v17 =	vmul.f32 v17, v63;
	_ =	sdelay $0x1  }
0x1ea: {  	v16 =	vadd.f32 v16, v17;
	_ =	sdelay $0x1  }
0x1eb: {  	v17 =	vmul.f32 $1.442695020e+00, v16;
	_ =	sdelay $0x1  }
0x1ec: {  	(erf) = vpow2.f32 v17;
	_ =	sdelay $0x7  }
0x1ed: {  	p0 =	sne.s32 s14, $0x3FC0  }
.Ltmp10:
0x1ee: {  	v17 =	vpop (erf);
	(pc) =	sbr.rel @p0 .LBB2_19-.Ltmp10, $4  }
0x1ef: {  	v17 =	vadd.f32 $-1.000000000e+00, v17  }
0x1f0: {  	vm1 =	vgt.f32 v16, $0.0e+00  }
0x1f1: {  	v16 =	vsel vm1, v16, v17  }
0x1f2: {  	s14 =	sadd.s32 $0x440, s14;
	[tilespmem:s16+$0x2AC0] =	vst v16  }
0x1f3: {  	s0 =	sadd.s32 s30, s3  }
0x1f4: {  	s1 =	sadd.s32 $0x1, s1;
	s0 =	smul.u32 $0x22, s0  }
0x1f5: {  	p0 =	sne.s32 s1, $0x19  }
.Ltmp11:
0x1f6: {  	s0 =	sadd.s32 s11, s0;
	(pc) =	sbr.rel @p0 .LBB2_18-.Ltmp11, $4  }
0x1f7: {  	[hbm4b:s0+s5] =	stream.linear.scatter [tilespmem:s18], [sflag:$0x4], $0x1100, $0x38;
	[tilespmem:$0x1FDD0] =	vst v63  }
0x1f8: {  	_ =	swait.ge [sflag:s17], $0x1100  }
0x1f9: {  	[sflag:s17] =	ssyncset.done $0x0  }
0x1fa: {  	[sflag:s17] =	ssyncadd.s32 $0xFFFFEF00  }
0x1fb: {  	s29 =	sadd.s32 $0x1, s29  }
0x1fc: {  	p0 =	sne.s32 s29, $0x4  }
.Ltmp12:
0x1fd: {  	_ = 	snop;
	(pc) =	sbr.rel @p0 .LBB2_4-.Ltmp12, $2  }
0x1fe: {  	_ =	sdelay $0x1  }
0x1ff: {  	[bflag:$0x0] =	sbarrier.arrive $0xFFFF;
	_ =	sdelay $0x1  }
0x200: {  	s1 =	rddreg [dreg:$0x7]  }
0x201: {  	s0 =	rddreg [dreg:$0x6];
	s1 =	sadd.s32 $0x1, s1  }
0x202: {  	p0 =	sne.s32 s1, s0  }
.Ltmp13:
0x203: {  	_ = 	snop;
	(pc) =	sbr.rel @p0 .LBB2_1-.Ltmp13, $1  }
0x204: {  	_ =	sdelay $0x3  }
0x205: {  	_ =	sfence.sel $0x180000  }
0x206: {  	[bflag:$0x0] =	sbarrier.arrive $0xFFFF  }
0x207: {  	_ =	strace $0x90000047  }
0x208: {  	s0 =	stileid.u32;
	[bflag:$0x2] =	sbarrier.arrive $0xFFFF  }
0x209: {  	p0 =	sne.s32 s0, $0x0;
	s0 =	rddreg [dreg:$0x5]  }
0x20a: {  	s0 =	sadd.s32 @!p0 $0x100000, s0  }
0x20b: {  	[sflag:s0] =	ssyncadd.tile.s32 @!p0 $0x1;
	_ =	shalt  }
.Lfunc_end2:
_tile_overlayer_lowered:
.L_overlay_start_2:
0x20c: {  	(tag) =	ssettag $0x2  }
0x20d: {  	s0 =	rddreg [dreg:$0x0];
	s2 =	stileid.u32  }
0x20e: {  	s1 =	rddreg [dreg:$0x1];
	p0 =	sne.s32 s2, $0x0  }
0x20f: {  	s3 =	rddreg [dreg:$0x2];
	[bflag:$0x3] =	sbarrier.arrive $0xFFFF;
	s2 =	simm.s32 @!p0 $0x1C04  }
0x210: {  	[timem:s3], [sflag:s2] =	dma.local @!p0 [hbm:s0], s1  }
0x211: {  	s0 =	simm.s32 @!p0 $0x4  }
0x212: {  	_ =	swait.ge @!p0 [sflag:s0], s1  }
0x213: {  	s1 =	ssub.s32 @!p0 $0x0, s1;
	[sflag:s0] =	ssyncset.done @!p0 $0x0  }
0x214: {  	[sflag:s0] =	ssyncadd.s32 @!p0 s1  }
0x215: {  	[bflag:$0x3] =	sbarrier.arrive $0xFFFF  }
0x216: {  	_ =	shalt  }

</sc_bundles>
